<compile_context>
chip_gen: v7x
topology: tpu7x:2x2x1
jax: 0.10.2.dev20260603
libtpu: 0.0.44.dev20260713+nightly
codegen_flags: <defaults>
</compile_context>

<pallas_src>
import functools

import jax
import jax.numpy as jnp
from jax import lax
from jax.experimental import pallas as pl
from jax.experimental.pallas import tpu as pltpu
from jax.experimental.pallas import tpu_sc as plsc

N = 10000
E = 320000
D_IN = 128
H = 256
L = 64

NC = 2
NS = 16
DUMP_ROWS = 624
LAST_ROWS = N - 15 * DUMP_ROWS
CHUNK = 125
NBUF = 2
KSLAB = 40
ZROWS = 16

_MESH = plsc.VectorSubcoreMesh(
    core_axis_name="c", subcore_axis_name="s", num_cores=NC, num_subcores=NS)


def _make_segsum(dh, feat_split):
  nch = E // CHUNK // NS // (1 if feat_split else NC)

  @functools.partial(
      pl.kernel,
      out_type=(jax.ShapeDtypeStruct((N, dh), jnp.float32),
                jax.ShapeDtypeStruct((N, dh), jnp.float32)),
      mesh=_MESH,
      scratch_types=[
          pltpu.VMEM((KSLAB, CHUNK), jnp.int32),
          pltpu.VMEM((KSLAB, CHUNK), jnp.int32),
          [pltpu.VMEM((CHUNK, dh), jnp.float32)] * NBUF,
          pltpu.VMEM((ZROWS, dh), jnp.float32),
          pltpu.VMEM_SHARED((N, dh), jnp.float32),
          [pltpu.SemaphoreType.DMA] * NBUF,
      ])
  def segsum(t0, t1, src2, dst2, o0, o1,
             src_all, dst_all, rows, zbuf, accum, sems):
    cid = lax.axis_index("c")
    sid = lax.axis_index("s")

    zeros = jnp.zeros((16,), jnp.float32)

    def zrow(r, carry):
      for j in range(dh // 16):
        zbuf[r, pl.ds(j * 16, 16)] = zeros
      return carry
    lax.fori_loop(0, ZROWS, zrow, 0)

    row0 = sid * DUMP_ROWS
    nzfill = jnp.where(sid == NS - 1, LAST_ROWS // ZROWS, DUMP_ROWS // ZROWS)

    def zfill(k, carry):
      pltpu.sync_copy(zbuf, accum.at[pl.ds(row0 + k * ZROWS, ZROWS)])
      return carry
    lax.fori_loop(0, nzfill, zfill, 0)

    ibase = (sid * nch) if feat_split else (cid * NS * nch + sid * nch)

    def load_slab(j0):
      pltpu.sync_copy(src2.at[pl.ds(ibase + j0, KSLAB)], src_all)
      pltpu.sync_copy(dst2.at[pl.ds(ibase + j0, KSLAB)], dst_all)

    plsc.subcore_barrier()

    def gather(jm, b, wait):
      def issue(t):
        d = pltpu.make_async_copy(t.at[src_all.at[jm]], rows[b], sems[b])
        if wait:
          d.wait()
        else:
          d.start()
      if feat_split:
        @pl.when(cid == 0)
        def _():
          issue(t0)

        @pl.when(cid == 1)
        def _():
          issue(t1)
      else:
        issue(t0)

    def slab_body(t, carry):
      load_slab(t * KSLAB)
      for b in range(NBUF):
        gather(b, b, wait=False)

      def chunk(jm, carry2):
        for b in range(NBUF):
          @pl.when(lax.rem(jm, NBUF) == b)
          def _(b=b):
            gather(jm, b, wait=True)
            pltpu.sync_copy(rows[b], accum.at[dst_all.at[jm]], add=True)

            @pl.when(jm + NBUF < KSLAB)
            def _():
              gather(jm + NBUF, b, wait=False)
        return carry2
      lax.fori_loop(0, KSLAB, chunk, 0)
      return carry
    lax.fori_loop(0, nch // KSLAB, slab_body, 0)

    plsc.subcore_barrier()

    last = sid == NS - 1
    for c, o in ((0, o0), (1, o1)):
      @pl.when(jnp.logical_and(cid == c, jnp.logical_not(last)))
      def _(o=o):
        pltpu.sync_copy(accum.at[pl.ds(row0, DUMP_ROWS)],
                        o.at[pl.ds(row0, DUMP_ROWS)])

      @pl.when(jnp.logical_and(cid == c, last))
      def _(o=o):
        pltpu.sync_copy(accum.at[pl.ds(row0, LAST_ROWS)],
                        o.at[pl.ds(row0, LAST_ROWS)])

  return segsum


_segsum_edge128 = _make_segsum(D_IN, feat_split=False)
_segsum128 = _make_segsum(H // 2, feat_split=True)

R = 1000
GRID = N // R

_f32 = jnp.float32
_DOT = dict(preferred_element_type=_f32, precision=lax.Precision.DEFAULT)


def _ln(h, g, be):
  m = jnp.mean(h, axis=-1, keepdims=True)
  hc = h - m
  v = jnp.mean(hc * hc, axis=-1, keepdims=True)
  return hc * lax.rsqrt(v + 1e-5) * g + be


def _full(shape):
  return pl.BlockSpec(shape, lambda i: (0,) * len(shape))


def _rows(w):
  return pl.BlockSpec((R, w), lambda i: (i, 0))


def _dense1_body(a0, a1, x, wrelT, b, wrootT, g, be, y0, y1):
  aggr = a0[...] + a1[...]
  h = (jnp.dot(aggr, wrelT[...], **_DOT)
       + jnp.dot(x[...], wrootT[...], **_DOT) + b[...])
  o = _ln(jnp.maximum(h, 0.0), g[...], be[...])
  y0[...] = o[:, :H // 2]
  y1[...] = o[:, H // 2:]


_dense1 = pl.pallas_call(
    _dense1_body,
    grid=(GRID,),
    in_specs=[_rows(128), _rows(128), _rows(128), _full((D_IN, H)),
              _full((1, H)), _full((D_IN, H)), _full((1, H)), _full((1, H))],
    out_specs=(_rows(128), _rows(128)),
    out_shape=(jax.ShapeDtypeStruct((N, 128), _f32),
               jax.ShapeDtypeStruct((N, 128), _f32)),
)


def _dense2_body(a0, a1, x0, x1, wrelT, b, wrootT, g, be,
                 wfcT, bfc, g3, be3, y0, y1):
  x1f = jnp.concatenate([x0[...], x1[...]], axis=1)
  aggr = jnp.concatenate([a0[...], a1[...]], axis=1)
  h = (jnp.dot(aggr, wrelT[...], **_DOT)
       + jnp.dot(x1f, wrootT[...], **_DOT) + b[...])
  x2 = _ln(jnp.maximum(h, 0.0), g[...], be[...])
  h3 = jnp.dot(x1f + x2, wfcT[...], **_DOT) + bfc[...]
  o = _ln(jnp.maximum(h3, 0.0), g3[...], be3[...])
  y0[...] = o[:, :H // 2]
  y1[...] = o[:, H // 2:]


_dense2 = pl.pallas_call(
    _dense2_body,
    grid=(GRID,),
    in_specs=[_rows(128), _rows(128), _rows(128), _rows(128),
              _full((H, H)), _full((1, H)), _full((H, H)), _full((1, H)),
              _full((1, H)), _full((H, H)), _full((1, H)), _full((1, H)),
              _full((1, H))],
    out_specs=(_rows(128), _rows(128)),
    out_shape=(jax.ShapeDtypeStruct((N, 128), _f32),
               jax.ShapeDtypeStruct((N, 128), _f32)),
)


def _dense3_body(a0, a1, x0, x1, wrelT, b, wrootT, g, be, y0, y1):
  xf = jnp.concatenate([x0[...], x1[...]], axis=1)
  aggr = jnp.concatenate([a0[...], a1[...]], axis=1)
  h = (jnp.dot(aggr, wrelT[...], **_DOT)
       + jnp.dot(xf, wrootT[...], **_DOT) + b[...])
  o = _ln(jnp.maximum(h, 0.0), g[...], be[...])
  y0[...] = o[:, :H // 2]
  y1[...] = o[:, H // 2:]


_dense3 = pl.pallas_call(
    _dense3_body,
    grid=(GRID,),
    in_specs=[_rows(128), _rows(128), _rows(128), _rows(128),
              _full((H, H)), _full((1, H)), _full((H, H)), _full((1, H)),
              _full((1, H))],
    out_specs=(_rows(128), _rows(128)),
    out_shape=(jax.ShapeDtypeStruct((N, 128), _f32),
               jax.ShapeDtypeStruct((N, 128), _f32)),
)


def _dense4_body(a0, a1, x0, x1, wmu_relT, bmu, wmu_rootT,
                 wls_relT, bls, wls_rootT, mu, ls):
  xf = jnp.concatenate([x0[...], x1[...]], axis=1)
  aggr = jnp.concatenate([a0[...], a1[...]], axis=1)
  mu[...] = (jnp.dot(aggr, wmu_relT[...], **_DOT)
             + jnp.dot(xf, wmu_rootT[...], **_DOT) + bmu[...])
  ls[...] = (jnp.dot(aggr, wls_relT[...], **_DOT)
             + jnp.dot(xf, wls_rootT[...], **_DOT) + bls[...])


_dense4 = pl.pallas_call(
    _dense4_body,
    grid=(GRID,),
    in_specs=[_rows(128), _rows(128), _rows(128), _rows(128),
              _full((H, L)), _full((1, L)), _full((H, L)),
              _full((H, L)), _full((1, L)), _full((H, L))],
    out_specs=(_rows(L), _rows(L)),
    out_shape=(jax.ShapeDtypeStruct((N, L), _f32),
               jax.ShapeDtypeStruct((N, L), _f32)),
)


def kernel(x, edge_index, w1_rel, b1, w1_root, g1, be1, w2_rel, b2, w2_root,
           g2, be2, w_fc, b_fc, g3, be3, w3_rel, b3, w3_root, g4, be4,
           wmu_rel, bmu, wmu_root, wls_rel, bls, wls_root):
  src = edge_index[0].reshape(E // CHUNK, CHUNK)
  dst = edge_index[1].reshape(E // CHUNK, CHUNK)
  row = lambda v: v.reshape(1, -1)

  a1_0, a1_1 = _segsum_edge128(x, x, src, dst)
  x1_0, x1_1 = _dense1(a1_0, a1_1, x, w1_rel.T, row(b1), w1_root.T,
                       row(g1), row(be1))
  a2_0, a2_1 = _segsum128(x1_0, x1_1, src, dst)
  x3_0, x3_1 = _dense2(a2_0, a2_1, x1_0, x1_1, w2_rel.T, row(b2), w2_root.T,
                       row(g2), row(be2), w_fc.T, row(b_fc), row(g3), row(be3))
  a3_0, a3_1 = _segsum128(x3_0, x3_1, src, dst)
  x4_0, x4_1 = _dense3(a3_0, a3_1, x3_0, x3_1, w3_rel.T, row(b3), w3_root.T,
                       row(g4), row(be4))
  a4_0, a4_1 = _segsum128(x4_0, x4_1, src, dst)
  mu, logstd = _dense4(a4_0, a4_1, x4_0, x4_1, wmu_rel.T, row(bmu),
                       wmu_root.T, wls_rel.T, row(bls), wls_root.T)
  return (mu, logstd)

# --- scband reference (transcript-rebuilt; emitter-appended) ---
"""Pipeline reference for scband-variational-encoder-53661321396311 (READ-ONLY COPY).

The authoritative reference and input builder live on the scoring server;
editing this copy changes nothing except your own understanding.
"""

import jax, jax.numpy as jnp
import numpy as np

N = 10000
E = 320000
D_IN = 128
H = 256
L = 64


def _graph_conv(x, src, dst, w_rel, b_rel, w_root, n_nodes):
    # PyG GraphConv with aggr='add': lin_rel(sum_j x_j) + lin_root(x)
    msg = jnp.take(x, src, axis=0)
    aggr = jax.ops.segment_sum(msg, dst, num_segments=n_nodes)
    return aggr @ w_rel.T + b_rel + x @ w_root.T


def _layer_norm(x, g, b, eps=1e-5):
    m = jnp.mean(x, axis=-1, keepdims=True)
    v = jnp.var(x, axis=-1, keepdims=True)
    return (x - m) / jnp.sqrt(v + eps) * g + b


def setup_inputs(seed: int = 0) -> dict:
    key = jax.random.key(seed)
    ks = jax.random.split(key, 40)
    s = 0.05
    inp = {}
    inp['x'] = jax.random.normal(ks[0], (N, D_IN), dtype=jnp.float32)
    inp['edge_index'] = jax.random.randint(ks[1], (2, E), 0, N, dtype=jnp.int32)
    # conv1: GraphConv(D_IN, H)
    inp['w1_rel'] = jax.random.normal(ks[2], (H, D_IN), dtype=jnp.float32) * s
    inp['b1'] = jnp.zeros((H,), dtype=jnp.float32)
    inp['w1_root'] = jax.random.normal(ks[3], (H, D_IN), dtype=jnp.float32) * s
    inp['g1'] = jnp.ones((H,), dtype=jnp.float32)
    inp['be1'] = jnp.zeros((H,), dtype=jnp.float32)
    # conv2: GraphConv(H, H)
    inp['w2_rel'] = jax.random.normal(ks[4], (H, H), dtype=jnp.float32) * s
    inp['b2'] = jnp.zeros((H,), dtype=jnp.float32)
    inp['w2_root'] = jax.random.normal(ks[5], (H, H), dtype=jnp.float32) * s
    inp['g2'] = jnp.ones((H,), dtype=jnp.float32)
    inp['be2'] = jnp.zeros((H,), dtype=jnp.float32)
    # fc: Linear(H, H)
    inp['w_fc'] = jax.random.normal(ks[6], (H, H), dtype=jnp.float32) * s
    inp['b_fc'] = jnp.zeros((H,), dtype=jnp.float32)
    inp['g3'] = jnp.ones((H,), dtype=jnp.float32)
    inp['be3'] = jnp.zeros((H,), dtype=jnp.float32)
    # conv3: GraphConv(H, H)
    inp['w3_rel'] = jax.random.normal(ks[7], (H, H), dtype=jnp.float32) * s
    inp['b3'] = jnp.zeros((H,), dtype=jnp.float32)
    inp['w3_root'] = jax.random.normal(ks[8], (H, H), dtype=jnp.float32) * s
    inp['g4'] = jnp.ones((H,), dtype=jnp.float32)
    inp['be4'] = jnp.zeros((H,), dtype=jnp.float32)
    # fc_mu / fc_logstd: GraphConv(H, L)
    inp['wmu_rel'] = jax.random.normal(ks[9], (L, H), dtype=jnp.float32) * s
    inp['bmu'] = jnp.zeros((L,), dtype=jnp.float32)
    inp['wmu_root'] = jax.random.normal(ks[10], (L, H), dtype=jnp.float32) * s
    inp['wls_rel'] = jax.random.normal(ks[11], (L, H), dtype=jnp.float32) * s
    inp['bls'] = jnp.zeros((L,), dtype=jnp.float32)
    inp['wls_root'] = jax.random.normal(ks[12], (L, H), dtype=jnp.float32) * s
    return inp


def reference(x, edge_index, w1_rel, b1, w1_root, g1, be1, w2_rel, b2, w2_root, g2, be2, w_fc, b_fc, g3, be3, w3_rel, b3, w3_root, g4, be4, wmu_rel, bmu, wmu_root, wls_rel, bls, wls_root):
    # Eval-mode forward (no random node masking, which only runs in training)
    src = edge_index[0]
    dst = edge_index[1]
    x1 = _layer_norm(jax.nn.relu(_graph_conv(x, src, dst, w1_rel, b1, w1_root, N)), g1, be1)
    x2 = _layer_norm(jax.nn.relu(_graph_conv(x1, src, dst, w2_rel, b2, w2_root, N)), g2, be2)
    x3 = _layer_norm(jax.nn.relu((x1 + x2) @ w_fc.T + b_fc), g3, be3)
    x4 = _layer_norm(jax.nn.relu(_graph_conv(x3, src, dst, w3_rel, b3, w3_root, N)), g4, be4)
    mu = _graph_conv(x4, src, dst, wmu_rel, bmu, wmu_root, N)
    logstd = _graph_conv(x4, src, dst, wls_rel, bls, wls_root, N)
    return (mu, logstd)

if __name__ == "__main__":
    import jax
    _d = setup_inputs()
    print(jax.jit(kernel)(*tuple(_d.values())))

</pallas_src>

<mosaic_0001>
#map = affine_map<(d0, d1) -> (0, 0)>
module attributes {stable_mosaic.version = 14 : i64} {
  func.func @segsum(%arg0: i32, %arg1: i32, %arg2: memref<10000x128xf32, #tpu.memory_space<hbm>>, %arg3: memref<10000x128xf32, #tpu.memory_space<hbm>>, %arg4: memref<2560x125xi32, #tpu.memory_space<hbm>>, %arg5: memref<2560x125xi32, #tpu.memory_space<hbm>>, %arg6: memref<10000x128xf32, #tpu.memory_space<hbm>>, %arg7: memref<10000x128xf32, #tpu.memory_space<hbm>>, %arg8: memref<40x125xi32, #tpu.memory_space<vmem>>, %arg9: memref<40x125xi32, #tpu.memory_space<vmem>>, %arg10: memref<125x128xf32, #tpu.memory_space<vmem>>, %arg11: memref<125x128xf32, #tpu.memory_space<vmem>>, %arg12: memref<16x128xf32, #tpu.memory_space<vmem>>, %arg13: memref<10000x128xf32, #tpu.memory_space<vmem_shared>>, %arg14: memref<!tpu.dma_semaphore, #tpu.memory_space<semaphore_mem>>, %arg15: memref<!tpu.dma_semaphore, #tpu.memory_space<semaphore_mem>>) attributes {dimension_semantics = [#tpu.dimension_semantics<core_parallel>, #tpu.dimension_semantics<subcore_parallel>], iteration_bounds = array<i64: 2, 16>, scalar_prefetch = 0 : i64, scratch_operands = 8 : i64, tpu.core_type = #tpu.core_type<sc_vector_subcore>, window_params = [{transform_indices = #map}, {transform_indices = #map}, {transform_indices = #map}, {transform_indices = #map}, {transform_indices = #map}, {transform_indices = #map}]} {
    %broadcast_in_dim3A = arith.constant 0.000000e+00 : f32
    %broadcast_in_dim3A_0 = vector.broadcast %broadcast_in_dim3A : f32 to vector<16xf32>
    %scan3A = arith.constant 0 : i32
    %scan3A_1 = arith.constant 0 : i32
    %scan3A_2 = arith.constant 16 : i32
    %scan3A_3 = arith.addi %scan3A_1, %scan3A_2 : i32
    %scan3A_4 = arith.constant 1 : i32
    scf.for %scan3A_57 = %scan3A_1 to %scan3A_3 step %scan3A_4  : i32 {
      %swap3A = arith.index_cast %scan3A_57 : i32 to index
      %swap3A_58 = arith.constant 0 : index
      %swap3A_59 = tpu.vector_load %arg12[%swap3A, %swap3A_58] {strides = array<i32>} : memref<16x128xf32, #tpu.memory_space<vmem>>, vector<1x16xf32>,
      %swap3A_60 = vector.shape_cast %swap3A_59 : vector<1x16xf32> to vector<16xf32>
      %swap3A_61 = vector.shape_cast %broadcast_in_dim3A_0 : vector<16xf32> to vector<1x16xf32>
      tpu.vector_store %arg12[%swap3A, %swap3A_58], %swap3A_61 {strides = array<i32>} : memref<16x128xf32, #tpu.memory_space<vmem>>, vector<1x16xf32>,
      %swap3A_62 = arith.index_cast %scan3A_57 : i32 to index
      %swap3A_63 = arith.constant 16 : index
      %swap3A_64 = tpu.vector_load %arg12[%swap3A_62, %swap3A_63] {strides = array<i32>} : memref<16x128xf32, #tpu.memory_space<vmem>>, vector<1x16xf32>,
      %swap3A_65 = vector.shape_cast %swap3A_64 : vector<1x16xf32> to vector<16xf32>
      %swap3A_66 = vector.shape_cast %broadcast_in_dim3A_0 : vector<16xf32> to vector<1x16xf32>
      tpu.vector_store %arg12[%swap3A_62, %swap3A_63], %swap3A_66 {strides = array<i32>} : memref<16x128xf32, #tpu.memory_space<vmem>>, vector<1x16xf32>,
      %swap3A_67 = arith.index_cast %scan3A_57 : i32 to index
      %swap3A_68 = arith.constant 32 : index
      %swap3A_69 = tpu.vector_load %arg12[%swap3A_67, %swap3A_68] {strides = array<i32>} : memref<16x128xf32, #tpu.memory_space<vmem>>, vector<1x16xf32>,
      %swap3A_70 = vector.shape_cast %swap3A_69 : vector<1x16xf32> to vector<16xf32>
      %swap3A_71 = vector.shape_cast %broadcast_in_dim3A_0 : vector<16xf32> to vector<1x16xf32>
      tpu.vector_store %arg12[%swap3A_67, %swap3A_68], %swap3A_71 {strides = array<i32>} : memref<16x128xf32, #tpu.memory_space<vmem>>, vector<1x16xf32>,
      %swap3A_72 = arith.index_cast %scan3A_57 : i32 to index
      %swap3A_73 = arith.constant 48 : index
      %swap3A_74 = tpu.vector_load %arg12[%swap3A_72, %swap3A_73] {strides = array<i32>} : memref<16x128xf32, #tpu.memory_space<vmem>>, vector<1x16xf32>,
      %swap3A_75 = vector.shape_cast %swap3A_74 : vector<1x16xf32> to vector<16xf32>
      %swap3A_76 = vector.shape_cast %broadcast_in_dim3A_0 : vector<16xf32> to vector<1x16xf32>
      tpu.vector_store %arg12[%swap3A_72, %swap3A_73], %swap3A_76 {strides = array<i32>} : memref<16x128xf32, #tpu.memory_space<vmem>>, vector<1x16xf32>,
      %swap3A_77 = arith.index_cast %scan3A_57 : i32 to index
      %swap3A_78 = arith.constant 64 : index
      %swap3A_79 = tpu.vector_load %arg12[%swap3A_77, %swap3A_78] {strides = array<i32>} : memref<16x128xf32, #tpu.memory_space<vmem>>, vector<1x16xf32>,
      %swap3A_80 = vector.shape_cast %swap3A_79 : vector<1x16xf32> to vector<16xf32>
      %swap3A_81 = vector.shape_cast %broadcast_in_dim3A_0 : vector<16xf32> to vector<1x16xf32>
      tpu.vector_store %arg12[%swap3A_77, %swap3A_78], %swap3A_81 {strides = array<i32>} : memref<16x128xf32, #tpu.memory_space<vmem>>, vector<1x16xf32>,
      %swap3A_82 = arith.index_cast %scan3A_57 : i32 to index
      %swap3A_83 = arith.constant 80 : index
      %swap3A_84 = tpu.vector_load %arg12[%swap3A_82, %swap3A_83] {strides = array<i32>} : memref<16x128xf32, #tpu.memory_space<vmem>>, vector<1x16xf32>,
      %swap3A_85 = vector.shape_cast %swap3A_84 : vector<1x16xf32> to vector<16xf32>
      %swap3A_86 = vector.shape_cast %broadcast_in_dim3A_0 : vector<16xf32> to vector<1x16xf32>
      tpu.vector_store %arg12[%swap3A_82, %swap3A_83], %swap3A_86 {strides = array<i32>} : memref<16x128xf32, #tpu.memory_space<vmem>>, vector<1x16xf32>,
      %swap3A_87 = arith.index_cast %scan3A_57 : i32 to index
      %swap3A_88 = arith.constant 96 : index
      %swap3A_89 = tpu.vector_load %arg12[%swap3A_87, %swap3A_88] {strides = array<i32>} : memref<16x128xf32, #tpu.memory_space<vmem>>, vector<1x16xf32>,
      %swap3A_90 = vector.shape_cast %swap3A_89 : vector<1x16xf32> to vector<16xf32>
      %swap3A_91 = vector.shape_cast %broadcast_in_dim3A_0 : vector<16xf32> to vector<1x16xf32>
      tpu.vector_store %arg12[%swap3A_87, %swap3A_88], %swap3A_91 {strides = array<i32>} : memref<16x128xf32, #tpu.memory_space<vmem>>, vector<1x16xf32>,
      %swap3A_92 = arith.index_cast %scan3A_57 : i32 to index
      %swap3A_93 = arith.constant 112 : index
      %swap3A_94 = tpu.vector_load %arg12[%swap3A_92, %swap3A_93] {strides = array<i32>} : memref<16x128xf32, #tpu.memory_space<vmem>>, vector<1x16xf32>,
      %swap3A_95 = vector.shape_cast %swap3A_94 : vector<1x16xf32> to vector<16xf32>
      %swap3A_96 = vector.shape_cast %broadcast_in_dim3A_0 : vector<16xf32> to vector<1x16xf32>
      tpu.vector_store %arg12[%swap3A_92, %swap3A_93], %swap3A_96 {strides = array<i32>} : memref<16x128xf32, #tpu.memory_space<vmem>>, vector<1x16xf32>,
    }
    %scan3A_5 = arith.constant 16 : i32
    %mul3A = arith.constant 624 : i32
    %mul3A_6 = arith.muli %arg1, %mul3A : i32
    %eq3A = arith.constant 15 : i32
    %eq3A_7 = arith.cmpi eq, %arg1, %eq3A : i32
    %jit3A = arith.constant 40 : i32
    %jit3A_8 = arith.constant 39 : i32
    %select_n3A = arith.select %eq3A_7, %jit3A, %jit3A_8 : i32
    %while3A = arith.constant 0 : i32
    %while3A_9 = arith.constant 0 : i32
    %while3A_10 = arith.subi %select_n3A, %while3A_9 : i32
    %while3A_11 = arith.addi %while3A_9, %while3A_10 : i32
    %while3A_12 = arith.constant 1 : i32
    %while3A_13 = arith.divsi %while3A_10, %while3A_12 : i32
    %while3A_14 = arith.muli %while3A_13, %while3A_12 : i32
    %while3A_15 = arith.addi %while3A_9, %while3A_14 : i32
    %while3A_16 = arith.constant 1 : i32
    scf.for %while3A_57 = %while3A_9 to %while3A_15 step %while3A_16  : i32 {
      %mul3A_58 = arith.constant 16 : i32
      %mul3A_59 = arith.muli %while3A_57, %mul3A_58 : i32
      %add3A_60 = arith.addi %mul3A_6, %mul3A_59 : i32
      "tpu.region"() ({
        %run_scoped3A = tpu.sem_alloc : memref<!tpu.dma_semaphore, #tpu.memory_space<semaphore_mem>>
        %dma_start3A = arith.constant 0 : i32
        %dma_start3A_61 = tpu.memref_slice %arg13[%add3A_60, %dma_start3A] : memref<10000x128xf32, #tpu.memory_space<vmem_shared>> -> memref<16x128xf32, #tpu.memory_space<vmem_shared>>
        %dma_start3A_62 = arith.constant 0 : i32
        %dma_start3A_63 = tpu.memref_slice %arg13[%add3A_60, %dma_start3A_62] : memref<10000x128xf32, #tpu.memory_space<vmem_shared>> -> memref<16x128xf32, #tpu.memory_space<vmem_shared>>
        tpu.enqueue_dma source(%arg12 : memref<16x128xf32, #tpu.memory_space<vmem>>) target(%dma_start3A_63 : memref<16x128xf32, #tpu.memory_space<vmem_shared>>) target_semaphore(%run_scoped3A : memref<!tpu.dma_semaphore, #tpu.memory_space<semaphore_mem>>)
        %dma_wait3A = arith.constant 0 : i32
        %dma_wait3A_64 = tpu.memref_slice %arg13[%add3A_60, %dma_wait3A] : memref<10000x128xf32, #tpu.memory_space<vmem_shared>> -> memref<16x128xf32, #tpu.memory_space<vmem_shared>>
        %dma_wait3A_65 = arith.constant 0 : i32
        %dma_wait3A_66 = tpu.memref_slice %arg13[%add3A_60, %dma_wait3A_65] : memref<10000x128xf32, #tpu.memory_space<vmem_shared>> -> memref<16x128xf32, #tpu.memory_space<vmem_shared>>
        tpu.wait_dma2 semaphore(%run_scoped3A : memref<!tpu.dma_semaphore, #tpu.memory_space<semaphore_mem>>) src(%arg12 : memref<16x128xf32, #tpu.memory_space<vmem>>) dst(%dma_wait3A_66 : memref<16x128xf32, #tpu.memory_space<vmem_shared>>)
        tpu.yield
      }) : () -> ()
    }
    %while3A_17 = arith.constant 1 : i32
    scf.for %while3A_57 = %while3A_15 to %while3A_11 step %while3A_17  : i32 {
      %mul3A_58 = arith.constant 16 : i32
      %mul3A_59 = arith.muli %while3A_57, %mul3A_58 : i32
      %add3A_60 = arith.addi %mul3A_6, %mul3A_59 : i32
      "tpu.region"() ({
        %run_scoped3A = tpu.sem_alloc : memref<!tpu.dma_semaphore, #tpu.memory_space<semaphore_mem>>
        %dma_start3A = arith.constant 0 : i32
        %dma_start3A_61 = tpu.memref_slice %arg13[%add3A_60, %dma_start3A] : memref<10000x128xf32, #tpu.memory_space<vmem_shared>> -> memref<16x128xf32, #tpu.memory_space<vmem_shared>>
        %dma_start3A_62 = arith.constant 0 : i32
        %dma_start3A_63 = tpu.memref_slice %arg13[%add3A_60, %dma_start3A_62] : memref<10000x128xf32, #tpu.memory_space<vmem_shared>> -> memref<16x128xf32, #tpu.memory_space<vmem_shared>>
        tpu.enqueue_dma source(%arg12 : memref<16x128xf32, #tpu.memory_space<vmem>>) target(%dma_start3A_63 : memref<16x128xf32, #tpu.memory_space<vmem_shared>>) target_semaphore(%run_scoped3A : memref<!tpu.dma_semaphore, #tpu.memory_space<semaphore_mem>>)
        %dma_wait3A = arith.constant 0 : i32
        %dma_wait3A_64 = tpu.memref_slice %arg13[%add3A_60, %dma_wait3A] : memref<10000x128xf32, #tpu.memory_space<vmem_shared>> -> memref<16x128xf32, #tpu.memory_space<vmem_shared>>
        %dma_wait3A_65 = arith.constant 0 : i32
        %dma_wait3A_66 = tpu.memref_slice %arg13[%add3A_60, %dma_wait3A_65] : memref<10000x128xf32, #tpu.memory_space<vmem_shared>> -> memref<16x128xf32, #tpu.memory_space<vmem_shared>>
        tpu.wait_dma2 semaphore(%run_scoped3A : memref<!tpu.dma_semaphore, #tpu.memory_space<semaphore_mem>>) src(%arg12 : memref<16x128xf32, #tpu.memory_space<vmem>>) dst(%dma_wait3A_66 : memref<16x128xf32, #tpu.memory_space<vmem_shared>>)
        tpu.yield
      }) : () -> ()
    }
    %mul3A_18 = arith.constant 16 : i32
    %mul3A_19 = arith.muli %arg0, %mul3A_18 : i32
    %mul3A_20 = arith.constant 80 : i32
    %mul3A_21 = arith.muli %mul3A_19, %mul3A_20 : i32
    %mul3A_22 = arith.constant 80 : i32
    %mul3A_23 = arith.muli %arg1, %mul3A_22 : i32
    %add3A = arith.addi %mul3A_21, %mul3A_23 : i32
    %barrier3A = arith.constant 0 : index
    tpu.barrier barrier_id(%barrier3A)
    %scan3A_24 = arith.constant 0 : i32
    %scan3A_25 = arith.constant 0 : i32
    %scan3A_26 = arith.constant 2 : i32
    %scan3A_27 = arith.addi %scan3A_25, %scan3A_26 : i32
    %scan3A_28 = arith.constant 1 : i32
    scf.for %scan3A_57 = %scan3A_25 to %scan3A_27 step %scan3A_28  : i32 {
      %mul3A_58 = arith.constant 40 : i32
      %mul3A_59 = arith.muli %scan3A_57, %mul3A_58 : i32
      %add3A_60 = arith.addi %add3A, %mul3A_59 : i32
      "tpu.region"() ({
        %run_scoped3A = tpu.sem_alloc : memref<!tpu.dma_semaphore, #tpu.memory_space<semaphore_mem>>
        %dma_start3A_81 = arith.constant 0 : i32
        %dma_start3A_82 = tpu.memref_slice %arg4[%add3A_60, %dma_start3A_81] : memref<2560x125xi32, #tpu.memory_space<hbm>> -> memref<40x125xi32, #tpu.memory_space<hbm>>
        %dma_start3A_83 = arith.constant 0 : i32
        %dma_start3A_84 = tpu.memref_slice %arg4[%add3A_60, %dma_start3A_83] : memref<2560x125xi32, #tpu.memory_space<hbm>> -> memref<40x125xi32, #tpu.memory_space<hbm>>
        tpu.enqueue_dma source(%dma_start3A_84 : memref<40x125xi32, #tpu.memory_space<hbm>>) target(%arg8 : memref<40x125xi32, #tpu.memory_space<vmem>>) target_semaphore(%run_scoped3A : memref<!tpu.dma_semaphore, #tpu.memory_space<semaphore_mem>>)
        %dma_wait3A = arith.constant 0 : i32
        %dma_wait3A_85 = tpu.memref_slice %arg4[%add3A_60, %dma_wait3A] : memref<2560x125xi32, #tpu.memory_space<hbm>> -> memref<40x125xi32, #tpu.memory_space<hbm>>
        %dma_wait3A_86 = arith.constant 0 : i32
        %dma_wait3A_87 = tpu.memref_slice %arg4[%add3A_60, %dma_wait3A_86] : memref<2560x125xi32, #tpu.memory_space<hbm>> -> memref<40x125xi32, #tpu.memory_space<hbm>>
        tpu.wait_dma2 semaphore(%run_scoped3A : memref<!tpu.dma_semaphore, #tpu.memory_space<semaphore_mem>>) src(%dma_wait3A_87 : memref<40x125xi32, #tpu.memory_space<hbm>>) dst(%arg8 : memref<40x125xi32, #tpu.memory_space<vmem>>)
        tpu.yield
      }) : () -> ()
      %add3A_61 = arith.addi %add3A, %mul3A_59 : i32
      "tpu.region"() ({
        %run_scoped3A = tpu.sem_alloc : memref<!tpu.dma_semaphore, #tpu.memory_space<semaphore_mem>>
        %dma_start3A_81 = arith.constant 0 : i32
        %dma_start3A_82 = tpu.memref_slice %arg5[%add3A_61, %dma_start3A_81] : memref<2560x125xi32, #tpu.memory_space<hbm>> -> memref<40x125xi32, #tpu.memory_space<hbm>>
        %dma_start3A_83 = arith.constant 0 : i32
        %dma_start3A_84 = tpu.memref_slice %arg5[%add3A_61, %dma_start3A_83] : memref<2560x125xi32, #tpu.memory_space<hbm>> -> memref<40x125xi32, #tpu.memory_space<hbm>>
        tpu.enqueue_dma source(%dma_start3A_84 : memref<40x125xi32, #tpu.memory_space<hbm>>) target(%arg9 : memref<40x125xi32, #tpu.memory_space<vmem>>) target_semaphore(%run_scoped3A : memref<!tpu.dma_semaphore, #tpu.memory_space<semaphore_mem>>)
        %dma_wait3A = arith.constant 0 : i32
        %dma_wait3A_85 = tpu.memref_slice %arg5[%add3A_61, %dma_wait3A] : memref<2560x125xi32, #tpu.memory_space<hbm>> -> memref<40x125xi32, #tpu.memory_space<hbm>>
        %dma_wait3A_86 = arith.constant 0 : i32
        %dma_wait3A_87 = tpu.memref_slice %arg5[%add3A_61, %dma_wait3A_86] : memref<2560x125xi32, #tpu.memory_space<hbm>> -> memref<40x125xi32, #tpu.memory_space<hbm>>
        tpu.wait_dma2 semaphore(%run_scoped3A : memref<!tpu.dma_semaphore, #tpu.memory_space<semaphore_mem>>) src(%dma_wait3A_87 : memref<40x125xi32, #tpu.memory_space<hbm>>) dst(%arg9 : memref<40x125xi32, #tpu.memory_space<vmem>>)
        tpu.yield
      }) : () -> ()
      %dma_start3A = arith.constant 0 : i32
      %dma_start3A_62 = arith.constant 0 : i32
      %dma_start3A_63 = tpu.memref_slice %arg8[%dma_start3A, %dma_start3A_62] : memref<40x125xi32, #tpu.memory_space<vmem>> -> memref<1x125xi32, #tpu.memory_space<vmem>>
      %dma_start3A_64 = tpu.memref_squeeze %dma_start3A_63 : memref<1x125xi32, #tpu.memory_space<vmem>> -> memref<125xi32, #tpu.memory_space<vmem>>
      %dma_start3A_65 = arith.constant 0 : i32
      %dma_start3A_66 = arith.constant 0 : i32
      %dma_start3A_67 = tpu.memref_slice %arg2[%dma_start3A_65, %dma_start3A_66] : memref<10000x128xf32, #tpu.memory_space<hbm>> -> memref<10000x128xf32, #tpu.memory_space<hbm>>
      tpu.enqueue_indirect_dma source(%dma_start3A_67 : memref<10000x128xf32, #tpu.memory_space<hbm>>) target(%arg10 : memref<125x128xf32, #tpu.memory_space<vmem>>) offsets(%dma_start3A_64 : memref<125xi32, #tpu.memory_space<vmem>>) semaphore(%arg14 : memref<!tpu.dma_semaphore, #tpu.memory_space<semaphore_mem>>)
      %dma_start3A_68 = arith.constant 1 : i32
      %dma_start3A_69 = arith.constant 0 : i32
      %dma_start3A_70 = tpu.memref_slice %arg8[%dma_start3A_68, %dma_start3A_69] : memref<40x125xi32, #tpu.memory_space<vmem>> -> memref<1x125xi32, #tpu.memory_space<vmem>>
      %dma_start3A_71 = tpu.memref_squeeze %dma_start3A_70 : memref<1x125xi32, #tpu.memory_space<vmem>> -> memref<125xi32, #tpu.memory_space<vmem>>
      %dma_start3A_72 = arith.constant 0 : i32
      %dma_start3A_73 = arith.constant 0 : i32
      %dma_start3A_74 = tpu.memref_slice %arg2[%dma_start3A_72, %dma_start3A_73] : memref<10000x128xf32, #tpu.memory_space<hbm>> -> memref<10000x128xf32, #tpu.memory_space<hbm>>
      tpu.enqueue_indirect_dma source(%dma_start3A_74 : memref<10000x128xf32, #tpu.memory_space<hbm>>) target(%arg11 : memref<125x128xf32, #tpu.memory_space<vmem>>) offsets(%dma_start3A_71 : memref<125xi32, #tpu.memory_space<vmem>>) semaphore(%arg15 : memref<!tpu.dma_semaphore, #tpu.memory_space<semaphore_mem>>)
      %scan3A_75 = arith.constant 0 : i32
      %scan3A_76 = arith.constant 0 : i32
      %scan3A_77 = arith.constant 40 : i32
      %scan3A_78 = arith.addi %scan3A_76, %scan3A_77 : i32
      %scan3A_79 = arith.constant 1 : i32
      scf.for %scan3A_81 = %scan3A_76 to %scan3A_78 step %scan3A_79  : i32 {
        %rem3A = arith.constant 2 : i32
        %rem3A_82 = arith.remsi %scan3A_81, %rem3A : i32
        %eq3A_83 = arith.constant 0 : i32
        %eq3A_84 = arith.cmpi eq, %rem3A_82, %eq3A_83 : i32
        %convert_element_type3A_85 = arith.extui %eq3A_84 : i1 to i32
        %cond3A_86 = arith.constant 0 : i32
        %cond3A_87 = arith.cmpi ne, %convert_element_type3A_85, %cond3A_86 : i32
        scf.if %cond3A_87 {
          %dma_wait3A = arith.constant 0 : i32
          %dma_wait3A_95 = tpu.memref_slice %arg8[%scan3A_81, %dma_wait3A] : memref<40x125xi32, #tpu.memory_space<vmem>> -> memref<1x125xi32, #tpu.memory_space<vmem>>
          %dma_wait3A_96 = tpu.memref_squeeze %dma_wait3A_95 : memref<1x125xi32, #tpu.memory_space<vmem>> -> memref<125xi32, #tpu.memory_space<vmem>>
          %dma_wait3A_97 = arith.constant 0 : i32
          %dma_wait3A_98 = arith.constant 0 : i32
          %dma_wait3A_99 = tpu.memref_slice %arg2[%dma_wait3A_97, %dma_wait3A_98] : memref<10000x128xf32, #tpu.memory_space<hbm>> -> memref<10000x128xf32, #tpu.memory_space<hbm>>
          tpu.wait_indirect_dma semaphore(%arg14 : memref<!tpu.dma_semaphore, #tpu.memory_space<semaphore_mem>>) src(%dma_wait3A_99 : memref<10000x128xf32, #tpu.memory_space<hbm>>) dst(%arg10 : memref<125x128xf32, #tpu.memory_space<vmem>>)
          "tpu.region"() ({
            %run_scoped3A = tpu.sem_alloc : memref<!tpu.dma_semaphore, #tpu.memory_space<semaphore_mem>>
            %dma_start3A_106 = arith.constant 0 : i32
            %dma_start3A_107 = tpu.memref_slice %arg9[%scan3A_81, %dma_start3A_106] : memref<40x125xi32, #tpu.memory_space<vmem>> -> memref<1x125xi32, #tpu.memory_space<vmem>>
            %dma_start3A_108 = tpu.memref_squeeze %dma_start3A_107 : memref<1x125xi32, #tpu.memory_space<vmem>> -> memref<125xi32, #tpu.memory_space<vmem>>
            %dma_start3A_109 = arith.constant 0 : i32
            %dma_start3A_110 = arith.constant 0 : i32
            %dma_start3A_111 = tpu.memref_slice %arg13[%dma_start3A_109, %dma_start3A_110] : memref<10000x128xf32, #tpu.memory_space<vmem_shared>> -> memref<10000x128xf32, #tpu.memory_space<vmem_shared>>
            tpu.enqueue_indirect_dma source(%arg10 : memref<125x128xf32, #tpu.memory_space<vmem>>) target(%dma_start3A_111 : memref<10000x128xf32, #tpu.memory_space<vmem_shared>>) offsets(%dma_start3A_108 : memref<125xi32, #tpu.memory_space<vmem>>) semaphore(%run_scoped3A : memref<!tpu.dma_semaphore, #tpu.memory_space<semaphore_mem>>) {add = true}
            %dma_wait3A_112 = arith.constant 0 : i32
            %dma_wait3A_113 = tpu.memref_slice %arg9[%scan3A_81, %dma_wait3A_112] : memref<40x125xi32, #tpu.memory_space<vmem>> -> memref<1x125xi32, #tpu.memory_space<vmem>>
            %dma_wait3A_114 = tpu.memref_squeeze %dma_wait3A_113 : memref<1x125xi32, #tpu.memory_space<vmem>> -> memref<125xi32, #tpu.memory_space<vmem>>
            %dma_wait3A_115 = arith.constant 0 : i32
            %dma_wait3A_116 = arith.constant 0 : i32
            %dma_wait3A_117 = tpu.memref_slice %arg13[%dma_wait3A_115, %dma_wait3A_116] : memref<10000x128xf32, #tpu.memory_space<vmem_shared>> -> memref<10000x128xf32, #tpu.memory_space<vmem_shared>>
            tpu.wait_indirect_dma semaphore(%run_scoped3A : memref<!tpu.dma_semaphore, #tpu.memory_space<semaphore_mem>>) src(%arg10 : memref<125x128xf32, #tpu.memory_space<vmem>>) dst(%dma_wait3A_117 : memref<10000x128xf32, #tpu.memory_space<vmem_shared>>)
            tpu.yield
          }) : () -> ()
          %add3A_100 = arith.constant 2 : i32
          %add3A_101 = arith.addi %scan3A_81, %add3A_100 : i32
          %lt3A = arith.constant 40 : i32
          %lt3A_102 = arith.cmpi slt, %add3A_101, %lt3A : i32
          %convert_element_type3A_103 = arith.extui %lt3A_102 : i1 to i32
          %cond3A_104 = arith.constant 0 : i32
          %cond3A_105 = arith.cmpi ne, %convert_element_type3A_103, %cond3A_104 : i32
          scf.if %cond3A_105 {
            %add3A_106 = arith.constant 2 : i32
            %add3A_107 = arith.addi %scan3A_81, %add3A_106 : i32
            %dma_start3A_108 = arith.constant 0 : i32
            %dma_start3A_109 = tpu.memref_slice %arg8[%add3A_107, %dma_start3A_108] : memref<40x125xi32, #tpu.memory_space<vmem>> -> memref<1x125xi32, #tpu.memory_space<vmem>>
            %dma_start3A_110 = tpu.memref_squeeze %dma_start3A_109 : memref<1x125xi32, #tpu.memory_space<vmem>> -> memref<125xi32, #tpu.memory_space<vmem>>
            %dma_start3A_111 = arith.constant 0 : i32
            %dma_start3A_112 = arith.constant 0 : i32
            %dma_start3A_113 = tpu.memref_slice %arg2[%dma_start3A_111, %dma_start3A_112] : memref<10000x128xf32, #tpu.memory_space<hbm>> -> memref<10000x128xf32, #tpu.memory_space<hbm>>
            tpu.enqueue_indirect_dma source(%dma_start3A_113 : memref<10000x128xf32, #tpu.memory_space<hbm>>) target(%arg10 : memref<125x128xf32, #tpu.memory_space<vmem>>) offsets(%dma_start3A_110 : memref<125xi32, #tpu.memory_space<vmem>>) semaphore(%arg14 : memref<!tpu.dma_semaphore, #tpu.memory_space<semaphore_mem>>)
          } else {
          }
        } else {
        }
        %rem3A_88 = arith.constant 2 : i32
        %rem3A_89 = arith.remsi %scan3A_81, %rem3A_88 : i32
        %eq3A_90 = arith.constant 1 : i32
        %eq3A_91 = arith.cmpi eq, %rem3A_89, %eq3A_90 : i32
        %convert_element_type3A_92 = arith.extui %eq3A_91 : i1 to i32
        %cond3A_93 = arith.constant 0 : i32
        %cond3A_94 = arith.cmpi ne, %convert_element_type3A_92, %cond3A_93 : i32
        scf.if %cond3A_94 {
          %dma_wait3A = arith.constant 0 : i32
          %dma_wait3A_95 = tpu.memref_slice %arg8[%scan3A_81, %dma_wait3A] : memref<40x125xi32, #tpu.memory_space<vmem>> -> memref<1x125xi32, #tpu.memory_space<vmem>>
          %dma_wait3A_96 = tpu.memref_squeeze %dma_wait3A_95 : memref<1x125xi32, #tpu.memory_space<vmem>> -> memref<125xi32, #tpu.memory_space<vmem>>
          %dma_wait3A_97 = arith.constant 0 : i32
          %dma_wait3A_98 = arith.constant 0 : i32
          %dma_wait3A_99 = tpu.memref_slice %arg2[%dma_wait3A_97, %dma_wait3A_98] : memref<10000x128xf32, #tpu.memory_space<hbm>> -> memref<10000x128xf32, #tpu.memory_space<hbm>>
          tpu.wait_indirect_dma semaphore(%arg15 : memref<!tpu.dma_semaphore, #tpu.memory_space<semaphore_mem>>) src(%dma_wait3A_99 : memref<10000x128xf32, #tpu.memory_space<hbm>>) dst(%arg11 : memref<125x128xf32, #tpu.memory_space<vmem>>)
          "tpu.region"() ({
            %run_scoped3A = tpu.sem_alloc : memref<!tpu.dma_semaphore, #tpu.memory_space<semaphore_mem>>
            %dma_start3A_106 = arith.constant 0 : i32
            %dma_start3A_107 = tpu.memref_slice %arg9[%scan3A_81, %dma_start3A_106] : memref<40x125xi32, #tpu.memory_space<vmem>> -> memref<1x125xi32, #tpu.memory_space<vmem>>
            %dma_start3A_108 = tpu.memref_squeeze %dma_start3A_107 : memref<1x125xi32, #tpu.memory_space<vmem>> -> memref<125xi32, #tpu.memory_space<vmem>>
            %dma_start3A_109 = arith.constant 0 : i32
            %dma_start3A_110 = arith.constant 0 : i32
            %dma_start3A_111 = tpu.memref_slice %arg13[%dma_start3A_109, %dma_start3A_110] : memref<10000x128xf32, #tpu.memory_space<vmem_shared>> -> memref<10000x128xf32, #tpu.memory_space<vmem_shared>>
            tpu.enqueue_indirect_dma source(%arg11 : memref<125x128xf32, #tpu.memory_space<vmem>>) target(%dma_start3A_111 : memref<10000x128xf32, #tpu.memory_space<vmem_shared>>) offsets(%dma_start3A_108 : memref<125xi32, #tpu.memory_space<vmem>>) semaphore(%run_scoped3A : memref<!tpu.dma_semaphore, #tpu.memory_space<semaphore_mem>>) {add = true}
            %dma_wait3A_112 = arith.constant 0 : i32
            %dma_wait3A_113 = tpu.memref_slice %arg9[%scan3A_81, %dma_wait3A_112] : memref<40x125xi32, #tpu.memory_space<vmem>> -> memref<1x125xi32, #tpu.memory_space<vmem>>
            %dma_wait3A_114 = tpu.memref_squeeze %dma_wait3A_113 : memref<1x125xi32, #tpu.memory_space<vmem>> -> memref<125xi32, #tpu.memory_space<vmem>>
            %dma_wait3A_115 = arith.constant 0 : i32
            %dma_wait3A_116 = arith.constant 0 : i32
            %dma_wait3A_117 = tpu.memref_slice %arg13[%dma_wait3A_115, %dma_wait3A_116] : memref<10000x128xf32, #tpu.memory_space<vmem_shared>> -> memref<10000x128xf32, #tpu.memory_space<vmem_shared>>
            tpu.wait_indirect_dma semaphore(%run_scoped3A : memref<!tpu.dma_semaphore, #tpu.memory_space<semaphore_mem>>) src(%arg11 : memref<125x128xf32, #tpu.memory_space<vmem>>) dst(%dma_wait3A_117 : memref<10000x128xf32, #tpu.memory_space<vmem_shared>>)
            tpu.yield
          }) : () -> ()
          %add3A_100 = arith.constant 2 : i32
          %add3A_101 = arith.addi %scan3A_81, %add3A_100 : i32
          %lt3A = arith.constant 40 : i32
          %lt3A_102 = arith.cmpi slt, %add3A_101, %lt3A : i32
          %convert_element_type3A_103 = arith.extui %lt3A_102 : i1 to i32
          %cond3A_104 = arith.constant 0 : i32
          %cond3A_105 = arith.cmpi ne, %convert_element_type3A_103, %cond3A_104 : i32
          scf.if %cond3A_105 {
            %add3A_106 = arith.constant 2 : i32
            %add3A_107 = arith.addi %scan3A_81, %add3A_106 : i32
            %dma_start3A_108 = arith.constant 0 : i32
            %dma_start3A_109 = tpu.memref_slice %arg8[%add3A_107, %dma_start3A_108] : memref<40x125xi32, #tpu.memory_space<vmem>> -> memref<1x125xi32, #tpu.memory_space<vmem>>
            %dma_start3A_110 = tpu.memref_squeeze %dma_start3A_109 : memref<1x125xi32, #tpu.memory_space<vmem>> -> memref<125xi32, #tpu.memory_space<vmem>>
            %dma_start3A_111 = arith.constant 0 : i32
            %dma_start3A_112 = arith.constant 0 : i32
            %dma_start3A_113 = tpu.memref_slice %arg2[%dma_start3A_111, %dma_start3A_112] : memref<10000x128xf32, #tpu.memory_space<hbm>> -> memref<10000x128xf32, #tpu.memory_space<hbm>>
            tpu.enqueue_indirect_dma source(%dma_start3A_113 : memref<10000x128xf32, #tpu.memory_space<hbm>>) target(%arg11 : memref<125x128xf32, #tpu.memory_space<vmem>>) offsets(%dma_start3A_110 : memref<125xi32, #tpu.memory_space<vmem>>) semaphore(%arg15 : memref<!tpu.dma_semaphore, #tpu.memory_space<semaphore_mem>>)
          } else {
          }
        } else {
        }
      }
      %scan3A_80 = arith.constant 40 : i32
    }
    %scan3A_29 = arith.constant 2 : i32
    %barrier3A_30 = arith.constant 0 : index
    tpu.barrier barrier_id(%barrier3A_30)
    %eq3A_31 = arith.constant 15 : i32
    %eq3A_32 = arith.cmpi eq, %arg1, %eq3A_31 : i32
    %eq3A_33 = arith.constant 0 : i32
    %eq3A_34 = arith.cmpi eq, %arg0, %eq3A_33 : i32
    %not3A = arith.constant true
    %not3A_35 = arith.xori %eq3A_32, %not3A : i1
    %and3A = arith.andi %eq3A_34, %not3A_35 : i1
    %convert_element_type3A = arith.extui %and3A : i1 to i32
    %cond3A = arith.constant 0 : i32
    %cond3A_36 = arith.cmpi ne, %convert_element_type3A, %cond3A : i32
    scf.if %cond3A_36 {
      "tpu.region"() ({
        %run_scoped3A = tpu.sem_alloc : memref<!tpu.dma_semaphore, #tpu.memory_space<semaphore_mem>>
        %dma_start3A = arith.constant 0 : i32
        %dma_start3A_57 = tpu.memref_slice %arg6[%mul3A_6, %dma_start3A] : memref<10000x128xf32, #tpu.memory_space<hbm>> -> memref<624x128xf32, #tpu.memory_space<hbm>>
        %dma_start3A_58 = arith.constant 0 : i32
        %dma_start3A_59 = tpu.memref_slice %arg13[%mul3A_6, %dma_start3A_58] : memref<10000x128xf32, #tpu.memory_space<vmem_shared>> -> memref<624x128xf32, #tpu.memory_space<vmem_shared>>
        tpu.enqueue_dma source(%dma_start3A_59 : memref<624x128xf32, #tpu.memory_space<vmem_shared>>) target(%dma_start3A_57 : memref<624x128xf32, #tpu.memory_space<hbm>>) target_semaphore(%run_scoped3A : memref<!tpu.dma_semaphore, #tpu.memory_space<semaphore_mem>>)
        %dma_wait3A = arith.constant 0 : i32
        %dma_wait3A_60 = tpu.memref_slice %arg6[%mul3A_6, %dma_wait3A] : memref<10000x128xf32, #tpu.memory_space<hbm>> -> memref<624x128xf32, #tpu.memory_space<hbm>>
        %dma_wait3A_61 = arith.constant 0 : i32
        %dma_wait3A_62 = tpu.memref_slice %arg13[%mul3A_6, %dma_wait3A_61] : memref<10000x128xf32, #tpu.memory_space<vmem_shared>> -> memref<624x128xf32, #tpu.memory_space<vmem_shared>>
        tpu.wait_dma2 semaphore(%run_scoped3A : memref<!tpu.dma_semaphore, #tpu.memory_space<semaphore_mem>>) src(%dma_wait3A_62 : memref<624x128xf32, #tpu.memory_space<vmem_shared>>) dst(%dma_wait3A_60 : memref<624x128xf32, #tpu.memory_space<hbm>>)
        tpu.yield
      }) : () -> ()
    } else {
    }
    %eq3A_37 = arith.constant 0 : i32
    %eq3A_38 = arith.cmpi eq, %arg0, %eq3A_37 : i32
    %and3A_39 = arith.andi %eq3A_38, %eq3A_32 : i1
    %convert_element_type3A_40 = arith.extui %and3A_39 : i1 to i32
    %cond3A_41 = arith.constant 0 : i32
    %cond3A_42 = arith.cmpi ne, %convert_element_type3A_40, %cond3A_41 : i32
    scf.if %cond3A_42 {
      "tpu.region"() ({
        %run_scoped3A = tpu.sem_alloc : memref<!tpu.dma_semaphore, #tpu.memory_space<semaphore_mem>>
        %dma_start3A = arith.constant 0 : i32
        %dma_start3A_57 = tpu.memref_slice %arg6[%mul3A_6, %dma_start3A] : memref<10000x128xf32, #tpu.memory_space<hbm>> -> memref<640x128xf32, #tpu.memory_space<hbm>>
        %dma_start3A_58 = arith.constant 0 : i32
        %dma_start3A_59 = tpu.memref_slice %arg13[%mul3A_6, %dma_start3A_58] : memref<10000x128xf32, #tpu.memory_space<vmem_shared>> -> memref<640x128xf32, #tpu.memory_space<vmem_shared>>
        tpu.enqueue_dma source(%dma_start3A_59 : memref<640x128xf32, #tpu.memory_space<vmem_shared>>) target(%dma_start3A_57 : memref<640x128xf32, #tpu.memory_space<hbm>>) target_semaphore(%run_scoped3A : memref<!tpu.dma_semaphore, #tpu.memory_space<semaphore_mem>>)
        %dma_wait3A = arith.constant 0 : i32
        %dma_wait3A_60 = tpu.memref_slice %arg6[%mul3A_6, %dma_wait3A] : memref<10000x128xf32, #tpu.memory_space<hbm>> -> memref<640x128xf32, #tpu.memory_space<hbm>>
        %dma_wait3A_61 = arith.constant 0 : i32
        %dma_wait3A_62 = tpu.memref_slice %arg13[%mul3A_6, %dma_wait3A_61] : memref<10000x128xf32, #tpu.memory_space<vmem_shared>> -> memref<640x128xf32, #tpu.memory_space<vmem_shared>>
        tpu.wait_dma2 semaphore(%run_scoped3A : memref<!tpu.dma_semaphore, #tpu.memory_space<semaphore_mem>>) src(%dma_wait3A_62 : memref<640x128xf32, #tpu.memory_space<vmem_shared>>) dst(%dma_wait3A_60 : memref<640x128xf32, #tpu.memory_space<hbm>>)
        tpu.yield
      }) : () -> ()
    } else {
    }
    %eq3A_43 = arith.constant 1 : i32
    %eq3A_44 = arith.cmpi eq, %arg0, %eq3A_43 : i32
    %not3A_45 = arith.constant true
    %not3A_46 = arith.xori %eq3A_32, %not3A_45 : i1
    %and3A_47 = arith.andi %eq3A_44, %not3A_46 : i1
    %convert_element_type3A_48 = arith.extui %and3A_47 : i1 to i32
    %cond3A_49 = arith.constant 0 : i32
    %cond3A_50 = arith.cmpi ne, %convert_element_type3A_48, %cond3A_49 : i32
    scf.if %cond3A_50 {
      "tpu.region"() ({
        %run_scoped3A = tpu.sem_alloc : memref<!tpu.dma_semaphore, #tpu.memory_space<semaphore_mem>>
        %dma_start3A = arith.constant 0 : i32
        %dma_start3A_57 = tpu.memref_slice %arg7[%mul3A_6, %dma_start3A] : memref<10000x128xf32, #tpu.memory_space<hbm>> -> memref<624x128xf32, #tpu.memory_space<hbm>>
        %dma_start3A_58 = arith.constant 0 : i32
        %dma_start3A_59 = tpu.memref_slice %arg13[%mul3A_6, %dma_start3A_58] : memref<10000x128xf32, #tpu.memory_space<vmem_shared>> -> memref<624x128xf32, #tpu.memory_space<vmem_shared>>
        tpu.enqueue_dma source(%dma_start3A_59 : memref<624x128xf32, #tpu.memory_space<vmem_shared>>) target(%dma_start3A_57 : memref<624x128xf32, #tpu.memory_space<hbm>>) target_semaphore(%run_scoped3A : memref<!tpu.dma_semaphore, #tpu.memory_space<semaphore_mem>>)
        %dma_wait3A = arith.constant 0 : i32
        %dma_wait3A_60 = tpu.memref_slice %arg7[%mul3A_6, %dma_wait3A] : memref<10000x128xf32, #tpu.memory_space<hbm>> -> memref<624x128xf32, #tpu.memory_space<hbm>>
        %dma_wait3A_61 = arith.constant 0 : i32
        %dma_wait3A_62 = tpu.memref_slice %arg13[%mul3A_6, %dma_wait3A_61] : memref<10000x128xf32, #tpu.memory_space<vmem_shared>> -> memref<624x128xf32, #tpu.memory_space<vmem_shared>>
        tpu.wait_dma2 semaphore(%run_scoped3A : memref<!tpu.dma_semaphore, #tpu.memory_space<semaphore_mem>>) src(%dma_wait3A_62 : memref<624x128xf32, #tpu.memory_space<vmem_shared>>) dst(%dma_wait3A_60 : memref<624x128xf32, #tpu.memory_space<hbm>>)
        tpu.yield
      }) : () -> ()
    } else {
    }
    %eq3A_51 = arith.constant 1 : i32
    %eq3A_52 = arith.cmpi eq, %arg0, %eq3A_51 : i32
    %and3A_53 = arith.andi %eq3A_52, %eq3A_32 : i1
    %convert_element_type3A_54 = arith.extui %and3A_53 : i1 to i32
    %cond3A_55 = arith.constant 0 : i32
    %cond3A_56 = arith.cmpi ne, %convert_element_type3A_54, %cond3A_55 : i32
    scf.if %cond3A_56 {
      "tpu.region"() ({
        %run_scoped3A = tpu.sem_alloc : memref<!tpu.dma_semaphore, #tpu.memory_space<semaphore_mem>>
        %dma_start3A = arith.constant 0 : i32
        %dma_start3A_57 = tpu.memref_slice %arg7[%mul3A_6, %dma_start3A] : memref<10000x128xf32, #tpu.memory_space<hbm>> -> memref<640x128xf32, #tpu.memory_space<hbm>>
        %dma_start3A_58 = arith.constant 0 : i32
        %dma_start3A_59 = tpu.memref_slice %arg13[%mul3A_6, %dma_start3A_58] : memref<10000x128xf32, #tpu.memory_space<vmem_shared>> -> memref<640x128xf32, #tpu.memory_space<vmem_shared>>
        tpu.enqueue_dma source(%dma_start3A_59 : memref<640x128xf32, #tpu.memory_space<vmem_shared>>) target(%dma_start3A_57 : memref<640x128xf32, #tpu.memory_space<hbm>>) target_semaphore(%run_scoped3A : memref<!tpu.dma_semaphore, #tpu.memory_space<semaphore_mem>>)
        %dma_wait3A = arith.constant 0 : i32
        %dma_wait3A_60 = tpu.memref_slice %arg7[%mul3A_6, %dma_wait3A] : memref<10000x128xf32, #tpu.memory_space<hbm>> -> memref<640x128xf32, #tpu.memory_space<hbm>>
        %dma_wait3A_61 = arith.constant 0 : i32
        %dma_wait3A_62 = tpu.memref_slice %arg13[%mul3A_6, %dma_wait3A_61] : memref<10000x128xf32, #tpu.memory_space<vmem_shared>> -> memref<640x128xf32, #tpu.memory_space<vmem_shared>>
        tpu.wait_dma2 semaphore(%run_scoped3A : memref<!tpu.dma_semaphore, #tpu.memory_space<semaphore_mem>>) src(%dma_wait3A_62 : memref<640x128xf32, #tpu.memory_space<vmem_shared>>) dst(%dma_wait3A_60 : memref<640x128xf32, #tpu.memory_space<hbm>>)
        tpu.yield
      }) : () -> ()
    } else {
    }
    return
  }
}

#map = affine_map<(d0, d1) -> (0, 0)>
module attributes {stable_mosaic.version = 14 : i64} {
  func.func @segsum(%arg0: i32, %arg1: i32, %arg2: memref<10000x128xf32, #tpu.memory_space<hbm>>, %arg3: memref<10000x128xf32, #tpu.memory_space<hbm>>, %arg4: memref<2560x125xi32, #tpu.memory_space<hbm>>, %arg5: memref<2560x125xi32, #tpu.memory_space<hbm>>, %arg6: memref<10000x128xf32, #tpu.memory_space<hbm>>, %arg7: memref<10000x128xf32, #tpu.memory_space<hbm>>, %arg8: memref<40x125xi32, #tpu.memory_space<vmem>>, %arg9: memref<40x125xi32, #tpu.memory_space<vmem>>, %arg10: memref<125x128xf32, #tpu.memory_space<vmem>>, %arg11: memref<125x128xf32, #tpu.memory_space<vmem>>, %arg12: memref<16x128xf32, #tpu.memory_space<vmem>>, %arg13: memref<10000x128xf32, #tpu.memory_space<vmem_shared>>, %arg14: memref<!tpu.dma_semaphore, #tpu.memory_space<semaphore_mem>>, %arg15: memref<!tpu.dma_semaphore, #tpu.memory_space<semaphore_mem>>) attributes {dimension_semantics = [#tpu.dimension_semantics<core_parallel>, #tpu.dimension_semantics<subcore_parallel>], iteration_bounds = array<i64: 2, 16>, scalar_prefetch = 0 : i64, scratch_operands = 8 : i64, tpu.core_type = #tpu.core_type<sc_vector_subcore>, window_params = [{transform_indices = #map}, {transform_indices = #map}, {transform_indices = #map}, {transform_indices = #map}, {transform_indices = #map}, {transform_indices = #map}]} {
    %broadcast_in_dim3A = arith.constant 0.000000e+00 : f32
    %broadcast_in_dim3A_0 = vector.broadcast %broadcast_in_dim3A : f32 to vector<16xf32>
    %scan3A = arith.constant 0 : i32
    %scan3A_1 = arith.constant 0 : i32
    %scan3A_2 = arith.constant 16 : i32
    %scan3A_3 = arith.addi %scan3A_1, %scan3A_2 : i32
    %scan3A_4 = arith.constant 1 : i32
    scf.for %scan3A_53 = %scan3A_1 to %scan3A_3 step %scan3A_4  : i32 {
      %swap3A = arith.index_cast %scan3A_53 : i32 to index
      %swap3A_54 = arith.constant 0 : index
      %swap3A_55 = tpu.vector_load %arg12[%swap3A, %swap3A_54] {strides = array<i32>} : memref<16x128xf32, #tpu.memory_space<vmem>>, vector<1x16xf32>,
      %swap3A_56 = vector.shape_cast %swap3A_55 : vector<1x16xf32> to vector<16xf32>
      %swap3A_57 = vector.shape_cast %broadcast_in_dim3A_0 : vector<16xf32> to vector<1x16xf32>
      tpu.vector_store %arg12[%swap3A, %swap3A_54], %swap3A_57 {strides = array<i32>} : memref<16x128xf32, #tpu.memory_space<vmem>>, vector<1x16xf32>,
      %swap3A_58 = arith.index_cast %scan3A_53 : i32 to index
      %swap3A_59 = arith.constant 16 : index
      %swap3A_60 = tpu.vector_load %arg12[%swap3A_58, %swap3A_59] {strides = array<i32>} : memref<16x128xf32, #tpu.memory_space<vmem>>, vector<1x16xf32>,
      %swap3A_61 = vector.shape_cast %swap3A_60 : vector<1x16xf32> to vector<16xf32>
      %swap3A_62 = vector.shape_cast %broadcast_in_dim3A_0 : vector<16xf32> to vector<1x16xf32>
      tpu.vector_store %arg12[%swap3A_58, %swap3A_59], %swap3A_62 {strides = array<i32>} : memref<16x128xf32, #tpu.memory_space<vmem>>, vector<1x16xf32>,
      %swap3A_63 = arith.index_cast %scan3A_53 : i32 to index
      %swap3A_64 = arith.constant 32 : index
      %swap3A_65 = tpu.vector_load %arg12[%swap3A_63, %swap3A_64] {strides = array<i32>} : memref<16x128xf32, #tpu.memory_space<vmem>>, vector<1x16xf32>,
      %swap3A_66 = vector.shape_cast %swap3A_65 : vector<1x16xf32> to vector<16xf32>
      %swap3A_67 = vector.shape_cast %broadcast_in_dim3A_0 : vector<16xf32> to vector<1x16xf32>
      tpu.vector_store %arg12[%swap3A_63, %swap3A_64], %swap3A_67 {strides = array<i32>} : memref<16x128xf32, #tpu.memory_space<vmem>>, vector<1x16xf32>,
      %swap3A_68 = arith.index_cast %scan3A_53 : i32 to index
      %swap3A_69 = arith.constant 48 : index
      %swap3A_70 = tpu.vector_load %arg12[%swap3A_68, %swap3A_69] {strides = array<i32>} : memref<16x128xf32, #tpu.memory_space<vmem>>, vector<1x16xf32>,
      %swap3A_71 = vector.shape_cast %swap3A_70 : vector<1x16xf32> to vector<16xf32>
      %swap3A_72 = vector.shape_cast %broadcast_in_dim3A_0 : vector<16xf32> to vector<1x16xf32>
      tpu.vector_store %arg12[%swap3A_68, %swap3A_69], %swap3A_72 {strides = array<i32>} : memref<16x128xf32, #tpu.memory_space<vmem>>, vector<1x16xf32>,
      %swap3A_73 = arith.index_cast %scan3A_53 : i32 to index
      %swap3A_74 = arith.constant 64 : index
      %swap3A_75 = tpu.vector_load %arg12[%swap3A_73, %swap3A_74] {strides = array<i32>} : memref<16x128xf32, #tpu.memory_space<vmem>>, vector<1x16xf32>,
      %swap3A_76 = vector.shape_cast %swap3A_75 : vector<1x16xf32> to vector<16xf32>
      %swap3A_77 = vector.shape_cast %broadcast_in_dim3A_0 : vector<16xf32> to vector<1x16xf32>
      tpu.vector_store %arg12[%swap3A_73, %swap3A_74], %swap3A_77 {strides = array<i32>} : memref<16x128xf32, #tpu.memory_space<vmem>>, vector<1x16xf32>,
      %swap3A_78 = arith.index_cast %scan3A_53 : i32 to index
      %swap3A_79 = arith.constant 80 : index
      %swap3A_80 = tpu.vector_load %arg12[%swap3A_78, %swap3A_79] {strides = array<i32>} : memref<16x128xf32, #tpu.memory_space<vmem>>, vector<1x16xf32>,
      %swap3A_81 = vector.shape_cast %swap3A_80 : vector<1x16xf32> to vector<16xf32>
      %swap3A_82 = vector.shape_cast %broadcast_in_dim3A_0 : vector<16xf32> to vector<1x16xf32>
      tpu.vector_store %arg12[%swap3A_78, %swap3A_79], %swap3A_82 {strides = array<i32>} : memref<16x128xf32, #tpu.memory_space<vmem>>, vector<1x16xf32>,
      %swap3A_83 = arith.index_cast %scan3A_53 : i32 to index
      %swap3A_84 = arith.constant 96 : index
      %swap3A_85 = tpu.vector_load %arg12[%swap3A_83, %swap3A_84] {strides = array<i32>} : memref<16x128xf32, #tpu.memory_space<vmem>>, vector<1x16xf32>,
      %swap3A_86 = vector.shape_cast %swap3A_85 : vector<1x16xf32> to vector<16xf32>
      %swap3A_87 = vector.shape_cast %broadcast_in_dim3A_0 : vector<16xf32> to vector<1x16xf32>
      tpu.vector_store %arg12[%swap3A_83, %swap3A_84], %swap3A_87 {strides = array<i32>} : memref<16x128xf32, #tpu.memory_space<vmem>>, vector<1x16xf32>,
      %swap3A_88 = arith.index_cast %scan3A_53 : i32 to index
      %swap3A_89 = arith.constant 112 : index
      %swap3A_90 = tpu.vector_load %arg12[%swap3A_88, %swap3A_89] {strides = array<i32>} : memref<16x128xf32, #tpu.memory_space<vmem>>, vector<1x16xf32>,
      %swap3A_91 = vector.shape_cast %swap3A_90 : vector<1x16xf32> to vector<16xf32>
      %swap3A_92 = vector.shape_cast %broadcast_in_dim3A_0 : vector<16xf32> to vector<1x16xf32>
      tpu.vector_store %arg12[%swap3A_88, %swap3A_89], %swap3A_92 {strides = array<i32>} : memref<16x128xf32, #tpu.memory_space<vmem>>, vector<1x16xf32>,
    }
    %scan3A_5 = arith.constant 16 : i32
    %mul3A = arith.constant 624 : i32
    %mul3A_6 = arith.muli %arg1, %mul3A : i32
    %eq3A = arith.constant 15 : i32
    %eq3A_7 = arith.cmpi eq, %arg1, %eq3A : i32
    %jit3A = arith.constant 40 : i32
    %jit3A_8 = arith.constant 39 : i32
    %select_n3A = arith.select %eq3A_7, %jit3A, %jit3A_8 : i32
    %while3A = arith.constant 0 : i32
    %while3A_9 = arith.constant 0 : i32
    %while3A_10 = arith.subi %select_n3A, %while3A_9 : i32
    %while3A_11 = arith.addi %while3A_9, %while3A_10 : i32
    %while3A_12 = arith.constant 1 : i32
    %while3A_13 = arith.divsi %while3A_10, %while3A_12 : i32
    %while3A_14 = arith.muli %while3A_13, %while3A_12 : i32
    %while3A_15 = arith.addi %while3A_9, %while3A_14 : i32
    %while3A_16 = arith.constant 1 : i32
    scf.for %while3A_53 = %while3A_9 to %while3A_15 step %while3A_16  : i32 {
      %mul3A_54 = arith.constant 16 : i32
      %mul3A_55 = arith.muli %while3A_53, %mul3A_54 : i32
      %add3A = arith.addi %mul3A_6, %mul3A_55 : i32
      "tpu.region"() ({
        %run_scoped3A = tpu.sem_alloc : memref<!tpu.dma_semaphore, #tpu.memory_space<semaphore_mem>>
        %dma_start3A = arith.constant 0 : i32
        %dma_start3A_56 = tpu.memref_slice %arg13[%add3A, %dma_start3A] : memref<10000x128xf32, #tpu.memory_space<vmem_shared>> -> memref<16x128xf32, #tpu.memory_space<vmem_shared>>
        %dma_start3A_57 = arith.constant 0 : i32
        %dma_start3A_58 = tpu.memref_slice %arg13[%add3A, %dma_start3A_57] : memref<10000x128xf32, #tpu.memory_space<vmem_shared>> -> memref<16x128xf32, #tpu.memory_space<vmem_shared>>
        tpu.enqueue_dma source(%arg12 : memref<16x128xf32, #tpu.memory_space<vmem>>) target(%dma_start3A_58 : memref<16x128xf32, #tpu.memory_space<vmem_shared>>) target_semaphore(%run_scoped3A : memref<!tpu.dma_semaphore, #tpu.memory_space<semaphore_mem>>)
        %dma_wait3A = arith.constant 0 : i32
        %dma_wait3A_59 = tpu.memref_slice %arg13[%add3A, %dma_wait3A] : memref<10000x128xf32, #tpu.memory_space<vmem_shared>> -> memref<16x128xf32, #tpu.memory_space<vmem_shared>>
        %dma_wait3A_60 = arith.constant 0 : i32
        %dma_wait3A_61 = tpu.memref_slice %arg13[%add3A, %dma_wait3A_60] : memref<10000x128xf32, #tpu.memory_space<vmem_shared>> -> memref<16x128xf32, #tpu.memory_space<vmem_shared>>
        tpu.wait_dma2 semaphore(%run_scoped3A : memref<!tpu.dma_semaphore, #tpu.memory_space<semaphore_mem>>) src(%arg12 : memref<16x128xf32, #tpu.memory_space<vmem>>) dst(%dma_wait3A_61 : memref<16x128xf32, #tpu.memory_space<vmem_shared>>)
        tpu.yield
      }) : () -> ()
    }
    %while3A_17 = arith.constant 1 : i32
    scf.for %while3A_53 = %while3A_15 to %while3A_11 step %while3A_17  : i32 {
      %mul3A_54 = arith.constant 16 : i32
      %mul3A_55 = arith.muli %while3A_53, %mul3A_54 : i32
      %add3A = arith.addi %mul3A_6, %mul3A_55 : i32
      "tpu.region"() ({
        %run_scoped3A = tpu.sem_alloc : memref<!tpu.dma_semaphore, #tpu.memory_space<semaphore_mem>>
        %dma_start3A = arith.constant 0 : i32
        %dma_start3A_56 = tpu.memref_slice %arg13[%add3A, %dma_start3A] : memref<10000x128xf32, #tpu.memory_space<vmem_shared>> -> memref<16x128xf32, #tpu.memory_space<vmem_shared>>
        %dma_start3A_57 = arith.constant 0 : i32
        %dma_start3A_58 = tpu.memref_slice %arg13[%add3A, %dma_start3A_57] : memref<10000x128xf32, #tpu.memory_space<vmem_shared>> -> memref<16x128xf32, #tpu.memory_space<vmem_shared>>
        tpu.enqueue_dma source(%arg12 : memref<16x128xf32, #tpu.memory_space<vmem>>) target(%dma_start3A_58 : memref<16x128xf32, #tpu.memory_space<vmem_shared>>) target_semaphore(%run_scoped3A : memref<!tpu.dma_semaphore, #tpu.memory_space<semaphore_mem>>)
        %dma_wait3A = arith.constant 0 : i32
        %dma_wait3A_59 = tpu.memref_slice %arg13[%add3A, %dma_wait3A] : memref<10000x128xf32, #tpu.memory_space<vmem_shared>> -> memref<16x128xf32, #tpu.memory_space<vmem_shared>>
        %dma_wait3A_60 = arith.constant 0 : i32
        %dma_wait3A_61 = tpu.memref_slice %arg13[%add3A, %dma_wait3A_60] : memref<10000x128xf32, #tpu.memory_space<vmem_shared>> -> memref<16x128xf32, #tpu.memory_space<vmem_shared>>
        tpu.wait_dma2 semaphore(%run_scoped3A : memref<!tpu.dma_semaphore, #tpu.memory_space<semaphore_mem>>) src(%arg12 : memref<16x128xf32, #tpu.memory_space<vmem>>) dst(%dma_wait3A_61 : memref<16x128xf32, #tpu.memory_space<vmem_shared>>)
        tpu.yield
      }) : () -> ()
    }
    %mul3A_18 = arith.constant 160 : i32
    %mul3A_19 = arith.muli %arg1, %mul3A_18 : i32
    %barrier3A = arith.constant 0 : index
    tpu.barrier barrier_id(%barrier3A)
    %scan3A_20 = arith.constant 0 : i32
    %scan3A_21 = arith.constant 0 : i32
    %scan3A_22 = arith.constant 4 : i32
    %scan3A_23 = arith.addi %scan3A_21, %scan3A_22 : i32
    %scan3A_24 = arith.constant 1 : i32
    scf.for %scan3A_53 = %scan3A_21 to %scan3A_23 step %scan3A_24  : i32 {
      %mul3A_54 = arith.constant 40 : i32
      %mul3A_55 = arith.muli %scan3A_53, %mul3A_54 : i32
      %add3A = arith.addi %mul3A_19, %mul3A_55 : i32
      "tpu.region"() ({
        %run_scoped3A = tpu.sem_alloc : memref<!tpu.dma_semaphore, #tpu.memory_space<semaphore_mem>>
        %dma_start3A = arith.constant 0 : i32
        %dma_start3A_83 = tpu.memref_slice %arg4[%add3A, %dma_start3A] : memref<2560x125xi32, #tpu.memory_space<hbm>> -> memref<40x125xi32, #tpu.memory_space<hbm>>
        %dma_start3A_84 = arith.constant 0 : i32
        %dma_start3A_85 = tpu.memref_slice %arg4[%add3A, %dma_start3A_84] : memref<2560x125xi32, #tpu.memory_space<hbm>> -> memref<40x125xi32, #tpu.memory_space<hbm>>
        tpu.enqueue_dma source(%dma_start3A_85 : memref<40x125xi32, #tpu.memory_space<hbm>>) target(%arg8 : memref<40x125xi32, #tpu.memory_space<vmem>>) target_semaphore(%run_scoped3A : memref<!tpu.dma_semaphore, #tpu.memory_space<semaphore_mem>>)
        %dma_wait3A = arith.constant 0 : i32
        %dma_wait3A_86 = tpu.memref_slice %arg4[%add3A, %dma_wait3A] : memref<2560x125xi32, #tpu.memory_space<hbm>> -> memref<40x125xi32, #tpu.memory_space<hbm>>
        %dma_wait3A_87 = arith.constant 0 : i32
        %dma_wait3A_88 = tpu.memref_slice %arg4[%add3A, %dma_wait3A_87] : memref<2560x125xi32, #tpu.memory_space<hbm>> -> memref<40x125xi32, #tpu.memory_space<hbm>>
        tpu.wait_dma2 semaphore(%run_scoped3A : memref<!tpu.dma_semaphore, #tpu.memory_space<semaphore_mem>>) src(%dma_wait3A_88 : memref<40x125xi32, #tpu.memory_space<hbm>>) dst(%arg8 : memref<40x125xi32, #tpu.memory_space<vmem>>)
        tpu.yield
      }) : () -> ()
      %add3A_56 = arith.addi %mul3A_19, %mul3A_55 : i32
      "tpu.region"() ({
        %run_scoped3A = tpu.sem_alloc : memref<!tpu.dma_semaphore, #tpu.memory_space<semaphore_mem>>
        %dma_start3A = arith.constant 0 : i32
        %dma_start3A_83 = tpu.memref_slice %arg5[%add3A_56, %dma_start3A] : memref<2560x125xi32, #tpu.memory_space<hbm>> -> memref<40x125xi32, #tpu.memory_space<hbm>>
        %dma_start3A_84 = arith.constant 0 : i32
        %dma_start3A_85 = tpu.memref_slice %arg5[%add3A_56, %dma_start3A_84] : memref<2560x125xi32, #tpu.memory_space<hbm>> -> memref<40x125xi32, #tpu.memory_space<hbm>>
        tpu.enqueue_dma source(%dma_start3A_85 : memref<40x125xi32, #tpu.memory_space<hbm>>) target(%arg9 : memref<40x125xi32, #tpu.memory_space<vmem>>) target_semaphore(%run_scoped3A : memref<!tpu.dma_semaphore, #tpu.memory_space<semaphore_mem>>)
        %dma_wait3A = arith.constant 0 : i32
        %dma_wait3A_86 = tpu.memref_slice %arg5[%add3A_56, %dma_wait3A] : memref<2560x125xi32, #tpu.memory_space<hbm>> -> memref<40x125xi32, #tpu.memory_space<hbm>>
        %dma_wait3A_87 = arith.constant 0 : i32
        %dma_wait3A_88 = tpu.memref_slice %arg5[%add3A_56, %dma_wait3A_87] : memref<2560x125xi32, #tpu.memory_space<hbm>> -> memref<40x125xi32, #tpu.memory_space<hbm>>
        tpu.wait_dma2 semaphore(%run_scoped3A : memref<!tpu.dma_semaphore, #tpu.memory_space<semaphore_mem>>) src(%dma_wait3A_88 : memref<40x125xi32, #tpu.memory_space<hbm>>) dst(%arg9 : memref<40x125xi32, #tpu.memory_space<vmem>>)
        tpu.yield
      }) : () -> ()
      %eq3A_57 = arith.constant 0 : i32
      %eq3A_58 = arith.cmpi eq, %arg0, %eq3A_57 : i32
      %convert_element_type3A_59 = arith.extui %eq3A_58 : i1 to i32
      %cond3A_60 = arith.constant 0 : i32
      %cond3A_61 = arith.cmpi ne, %convert_element_type3A_59, %cond3A_60 : i32
      scf.if %cond3A_61 {
        %dma_start3A = arith.constant 0 : i32
        %dma_start3A_83 = arith.constant 0 : i32
        %dma_start3A_84 = tpu.memref_slice %arg8[%dma_start3A, %dma_start3A_83] : memref<40x125xi32, #tpu.memory_space<vmem>> -> memref<1x125xi32, #tpu.memory_space<vmem>>
        %dma_start3A_85 = tpu.memref_squeeze %dma_start3A_84 : memref<1x125xi32, #tpu.memory_space<vmem>> -> memref<125xi32, #tpu.memory_space<vmem>>
        %dma_start3A_86 = arith.constant 0 : i32
        %dma_start3A_87 = arith.constant 0 : i32
        %dma_start3A_88 = tpu.memref_slice %arg2[%dma_start3A_86, %dma_start3A_87] : memref<10000x128xf32, #tpu.memory_space<hbm>> -> memref<10000x128xf32, #tpu.memory_space<hbm>>
        tpu.enqueue_indirect_dma source(%dma_start3A_88 : memref<10000x128xf32, #tpu.memory_space<hbm>>) target(%arg10 : memref<125x128xf32, #tpu.memory_space<vmem>>) offsets(%dma_start3A_85 : memref<125xi32, #tpu.memory_space<vmem>>) semaphore(%arg14 : memref<!tpu.dma_semaphore, #tpu.memory_space<semaphore_mem>>)
      } else {
      }
      %eq3A_62 = arith.constant 1 : i32
      %eq3A_63 = arith.cmpi eq, %arg0, %eq3A_62 : i32
      %convert_element_type3A_64 = arith.extui %eq3A_63 : i1 to i32
      %cond3A_65 = arith.constant 0 : i32
      %cond3A_66 = arith.cmpi ne, %convert_element_type3A_64, %cond3A_65 : i32
      scf.if %cond3A_66 {
        %dma_start3A = arith.constant 0 : i32
        %dma_start3A_83 = arith.constant 0 : i32
        %dma_start3A_84 = tpu.memref_slice %arg8[%dma_start3A, %dma_start3A_83] : memref<40x125xi32, #tpu.memory_space<vmem>> -> memref<1x125xi32, #tpu.memory_space<vmem>>
        %dma_start3A_85 = tpu.memref_squeeze %dma_start3A_84 : memref<1x125xi32, #tpu.memory_space<vmem>> -> memref<125xi32, #tpu.memory_space<vmem>>
        %dma_start3A_86 = arith.constant 0 : i32
        %dma_start3A_87 = arith.constant 0 : i32
        %dma_start3A_88 = tpu.memref_slice %arg3[%dma_start3A_86, %dma_start3A_87] : memref<10000x128xf32, #tpu.memory_space<hbm>> -> memref<10000x128xf32, #tpu.memory_space<hbm>>
        tpu.enqueue_indirect_dma source(%dma_start3A_88 : memref<10000x128xf32, #tpu.memory_space<hbm>>) target(%arg10 : memref<125x128xf32, #tpu.memory_space<vmem>>) offsets(%dma_start3A_85 : memref<125xi32, #tpu.memory_space<vmem>>) semaphore(%arg14 : memref<!tpu.dma_semaphore, #tpu.memory_space<semaphore_mem>>)
      } else {
      }
      %eq3A_67 = arith.constant 0 : i32
      %eq3A_68 = arith.cmpi eq, %arg0, %eq3A_67 : i32
      %convert_element_type3A_69 = arith.extui %eq3A_68 : i1 to i32
      %cond3A_70 = arith.constant 0 : i32
      %cond3A_71 = arith.cmpi ne, %convert_element_type3A_69, %cond3A_70 : i32
      scf.if %cond3A_71 {
        %dma_start3A = arith.constant 1 : i32
        %dma_start3A_83 = arith.constant 0 : i32
        %dma_start3A_84 = tpu.memref_slice %arg8[%dma_start3A, %dma_start3A_83] : memref<40x125xi32, #tpu.memory_space<vmem>> -> memref<1x125xi32, #tpu.memory_space<vmem>>
        %dma_start3A_85 = tpu.memref_squeeze %dma_start3A_84 : memref<1x125xi32, #tpu.memory_space<vmem>> -> memref<125xi32, #tpu.memory_space<vmem>>
        %dma_start3A_86 = arith.constant 0 : i32
        %dma_start3A_87 = arith.constant 0 : i32
        %dma_start3A_88 = tpu.memref_slice %arg2[%dma_start3A_86, %dma_start3A_87] : memref<10000x128xf32, #tpu.memory_space<hbm>> -> memref<10000x128xf32, #tpu.memory_space<hbm>>
        tpu.enqueue_indirect_dma source(%dma_start3A_88 : memref<10000x128xf32, #tpu.memory_space<hbm>>) target(%arg11 : memref<125x128xf32, #tpu.memory_space<vmem>>) offsets(%dma_start3A_85 : memref<125xi32, #tpu.memory_space<vmem>>) semaphore(%arg15 : memref<!tpu.dma_semaphore, #tpu.memory_space<semaphore_mem>>)
      } else {
      }
      %eq3A_72 = arith.constant 1 : i32
      %eq3A_73 = arith.cmpi eq, %arg0, %eq3A_72 : i32
      %convert_element_type3A_74 = arith.extui %eq3A_73 : i1 to i32
      %cond3A_75 = arith.constant 0 : i32
      %cond3A_76 = arith.cmpi ne, %convert_element_type3A_74, %cond3A_75 : i32
      scf.if %cond3A_76 {
        %dma_start3A = arith.constant 1 : i32
        %dma_start3A_83 = arith.constant 0 : i32
        %dma_start3A_84 = tpu.memref_slice %arg8[%dma_start3A, %dma_start3A_83] : memref<40x125xi32, #tpu.memory_space<vmem>> -> memref<1x125xi32, #tpu.memory_space<vmem>>
        %dma_start3A_85 = tpu.memref_squeeze %dma_start3A_84 : memref<1x125xi32, #tpu.memory_space<vmem>> -> memref<125xi32, #tpu.memory_space<vmem>>
        %dma_start3A_86 = arith.constant 0 : i32
        %dma_start3A_87 = arith.constant 0 : i32
        %dma_start3A_88 = tpu.memref_slice %arg3[%dma_start3A_86, %dma_start3A_87] : memref<10000x128xf32, #tpu.memory_space<hbm>> -> memref<10000x128xf32, #tpu.memory_space<hbm>>
        tpu.enqueue_indirect_dma source(%dma_start3A_88 : memref<10000x128xf32, #tpu.memory_space<hbm>>) target(%arg11 : memref<125x128xf32, #tpu.memory_space<vmem>>) offsets(%dma_start3A_85 : memref<125xi32, #tpu.memory_space<vmem>>) semaphore(%arg15 : memref<!tpu.dma_semaphore, #tpu.memory_space<semaphore_mem>>)
      } else {
      }
      %scan3A_77 = arith.constant 0 : i32
      %scan3A_78 = arith.constant 0 : i32
      %scan3A_79 = arith.constant 40 : i32
      %scan3A_80 = arith.addi %scan3A_78, %scan3A_79 : i32
      %scan3A_81 = arith.constant 1 : i32
      scf.for %scan3A_83 = %scan3A_78 to %scan3A_80 step %scan3A_81  : i32 {
        %rem3A = arith.constant 2 : i32
        %rem3A_84 = arith.remsi %scan3A_83, %rem3A : i32
        %eq3A_85 = arith.constant 0 : i32
        %eq3A_86 = arith.cmpi eq, %rem3A_84, %eq3A_85 : i32
        %convert_element_type3A_87 = arith.extui %eq3A_86 : i1 to i32
        %cond3A_88 = arith.constant 0 : i32
        %cond3A_89 = arith.cmpi ne, %convert_element_type3A_87, %cond3A_88 : i32
        scf.if %cond3A_89 {
          %eq3A_97 = arith.constant 0 : i32
          %eq3A_98 = arith.cmpi eq, %arg0, %eq3A_97 : i32
          %convert_element_type3A_99 = arith.extui %eq3A_98 : i1 to i32
          %cond3A_100 = arith.constant 0 : i32
          %cond3A_101 = arith.cmpi ne, %convert_element_type3A_99, %cond3A_100 : i32
          scf.if %cond3A_101 {
            %dma_wait3A = arith.constant 0 : i32
            %dma_wait3A_113 = tpu.memref_slice %arg8[%scan3A_83, %dma_wait3A] : memref<40x125xi32, #tpu.memory_space<vmem>> -> memref<1x125xi32, #tpu.memory_space<vmem>>
            %dma_wait3A_114 = tpu.memref_squeeze %dma_wait3A_113 : memref<1x125xi32, #tpu.memory_space<vmem>> -> memref<125xi32, #tpu.memory_space<vmem>>
            %dma_wait3A_115 = arith.constant 0 : i32
            %dma_wait3A_116 = arith.constant 0 : i32
            %dma_wait3A_117 = tpu.memref_slice %arg2[%dma_wait3A_115, %dma_wait3A_116] : memref<10000x128xf32, #tpu.memory_space<hbm>> -> memref<10000x128xf32, #tpu.memory_space<hbm>>
            tpu.wait_indirect_dma semaphore(%arg14 : memref<!tpu.dma_semaphore, #tpu.memory_space<semaphore_mem>>) src(%dma_wait3A_117 : memref<10000x128xf32, #tpu.memory_space<hbm>>) dst(%arg10 : memref<125x128xf32, #tpu.memory_space<vmem>>)
          } else {
          }
          %eq3A_102 = arith.constant 1 : i32
          %eq3A_103 = arith.cmpi eq, %arg0, %eq3A_102 : i32
          %convert_element_type3A_104 = arith.extui %eq3A_103 : i1 to i32
          %cond3A_105 = arith.constant 0 : i32
          %cond3A_106 = arith.cmpi ne, %convert_element_type3A_104, %cond3A_105 : i32
          scf.if %cond3A_106 {
            %dma_wait3A = arith.constant 0 : i32
            %dma_wait3A_113 = tpu.memref_slice %arg8[%scan3A_83, %dma_wait3A] : memref<40x125xi32, #tpu.memory_space<vmem>> -> memref<1x125xi32, #tpu.memory_space<vmem>>
            %dma_wait3A_114 = tpu.memref_squeeze %dma_wait3A_113 : memref<1x125xi32, #tpu.memory_space<vmem>> -> memref<125xi32, #tpu.memory_space<vmem>>
            %dma_wait3A_115 = arith.constant 0 : i32
            %dma_wait3A_116 = arith.constant 0 : i32
            %dma_wait3A_117 = tpu.memref_slice %arg3[%dma_wait3A_115, %dma_wait3A_116] : memref<10000x128xf32, #tpu.memory_space<hbm>> -> memref<10000x128xf32, #tpu.memory_space<hbm>>
            tpu.wait_indirect_dma semaphore(%arg14 : memref<!tpu.dma_semaphore, #tpu.memory_space<semaphore_mem>>) src(%dma_wait3A_117 : memref<10000x128xf32, #tpu.memory_space<hbm>>) dst(%arg10 : memref<125x128xf32, #tpu.memory_space<vmem>>)
          } else {
          }
          "tpu.region"() ({
            %run_scoped3A = tpu.sem_alloc : memref<!tpu.dma_semaphore, #tpu.memory_space<semaphore_mem>>
            %dma_start3A = arith.constant 0 : i32
            %dma_start3A_113 = tpu.memref_slice %arg9[%scan3A_83, %dma_start3A] : memref<40x125xi32, #tpu.memory_space<vmem>> -> memref<1x125xi32, #tpu.memory_space<vmem>>
            %dma_start3A_114 = tpu.memref_squeeze %dma_start3A_113 : memref<1x125xi32, #tpu.memory_space<vmem>> -> memref<125xi32, #tpu.memory_space<vmem>>
            %dma_start3A_115 = arith.constant 0 : i32
            %dma_start3A_116 = arith.constant 0 : i32
            %dma_start3A_117 = tpu.memref_slice %arg13[%dma_start3A_115, %dma_start3A_116] : memref<10000x128xf32, #tpu.memory_space<vmem_shared>> -> memref<10000x128xf32, #tpu.memory_space<vmem_shared>>
            tpu.enqueue_indirect_dma source(%arg10 : memref<125x128xf32, #tpu.memory_space<vmem>>) target(%dma_start3A_117 : memref<10000x128xf32, #tpu.memory_space<vmem_shared>>) offsets(%dma_start3A_114 : memref<125xi32, #tpu.memory_space<vmem>>) semaphore(%run_scoped3A : memref<!tpu.dma_semaphore, #tpu.memory_space<semaphore_mem>>) {add = true}
            %dma_wait3A = arith.constant 0 : i32
            %dma_wait3A_118 = tpu.memref_slice %arg9[%scan3A_83, %dma_wait3A] : memref<40x125xi32, #tpu.memory_space<vmem>> -> memref<1x125xi32, #tpu.memory_space<vmem>>
            %dma_wait3A_119 = tpu.memref_squeeze %dma_wait3A_118 : memref<1x125xi32, #tpu.memory_space<vmem>> -> memref<125xi32, #tpu.memory_space<vmem>>
            %dma_wait3A_120 = arith.constant 0 : i32
            %dma_wait3A_121 = arith.constant 0 : i32
            %dma_wait3A_122 = tpu.memref_slice %arg13[%dma_wait3A_120, %dma_wait3A_121] : memref<10000x128xf32, #tpu.memory_space<vmem_shared>> -> memref<10000x128xf32, #tpu.memory_space<vmem_shared>>
            tpu.wait_indirect_dma semaphore(%run_scoped3A : memref<!tpu.dma_semaphore, #tpu.memory_space<semaphore_mem>>) src(%arg10 : memref<125x128xf32, #tpu.memory_space<vmem>>) dst(%dma_wait3A_122 : memref<10000x128xf32, #tpu.memory_space<vmem_shared>>)
            tpu.yield
          }) : () -> ()
          %add3A_107 = arith.constant 2 : i32
          %add3A_108 = arith.addi %scan3A_83, %add3A_107 : i32
          %lt3A = arith.constant 40 : i32
          %lt3A_109 = arith.cmpi slt, %add3A_108, %lt3A : i32
          %convert_element_type3A_110 = arith.extui %lt3A_109 : i1 to i32
          %cond3A_111 = arith.constant 0 : i32
          %cond3A_112 = arith.cmpi ne, %convert_element_type3A_110, %cond3A_111 : i32
          scf.if %cond3A_112 {
            %add3A_113 = arith.constant 2 : i32
            %add3A_114 = arith.addi %scan3A_83, %add3A_113 : i32
            %eq3A_115 = arith.constant 0 : i32
            %eq3A_116 = arith.cmpi eq, %arg0, %eq3A_115 : i32
            %convert_element_type3A_117 = arith.extui %eq3A_116 : i1 to i32
            %cond3A_118 = arith.constant 0 : i32
            %cond3A_119 = arith.cmpi ne, %convert_element_type3A_117, %cond3A_118 : i32
            scf.if %cond3A_119 {
              %dma_start3A = arith.constant 0 : i32
              %dma_start3A_125 = tpu.memref_slice %arg8[%add3A_114, %dma_start3A] : memref<40x125xi32, #tpu.memory_space<vmem>> -> memref<1x125xi32, #tpu.memory_space<vmem>>
              %dma_start3A_126 = tpu.memref_squeeze %dma_start3A_125 : memref<1x125xi32, #tpu.memory_space<vmem>> -> memref<125xi32, #tpu.memory_space<vmem>>
              %dma_start3A_127 = arith.constant 0 : i32
              %dma_start3A_128 = arith.constant 0 : i32
              %dma_start3A_129 = tpu.memref_slice %arg2[%dma_start3A_127, %dma_start3A_128] : memref<10000x128xf32, #tpu.memory_space<hbm>> -> memref<10000x128xf32, #tpu.memory_space<hbm>>
              tpu.enqueue_indirect_dma source(%dma_start3A_129 : memref<10000x128xf32, #tpu.memory_space<hbm>>) target(%arg10 : memref<125x128xf32, #tpu.memory_space<vmem>>) offsets(%dma_start3A_126 : memref<125xi32, #tpu.memory_space<vmem>>) semaphore(%arg14 : memref<!tpu.dma_semaphore, #tpu.memory_space<semaphore_mem>>)
            } else {
            }
            %eq3A_120 = arith.constant 1 : i32
            %eq3A_121 = arith.cmpi eq, %arg0, %eq3A_120 : i32
            %convert_element_type3A_122 = arith.extui %eq3A_121 : i1 to i32
            %cond3A_123 = arith.constant 0 : i32
            %cond3A_124 = arith.cmpi ne, %convert_element_type3A_122, %cond3A_123 : i32
            scf.if %cond3A_124 {
              %dma_start3A = arith.constant 0 : i32
              %dma_start3A_125 = tpu.memref_slice %arg8[%add3A_114, %dma_start3A] : memref<40x125xi32, #tpu.memory_space<vmem>> -> memref<1x125xi32, #tpu.memory_space<vmem>>
              %dma_start3A_126 = tpu.memref_squeeze %dma_start3A_125 : memref<1x125xi32, #tpu.memory_space<vmem>> -> memref<125xi32, #tpu.memory_space<vmem>>
              %dma_start3A_127 = arith.constant 0 : i32
              %dma_start3A_128 = arith.constant 0 : i32
              %dma_start3A_129 = tpu.memref_slice %arg3[%dma_start3A_127, %dma_start3A_128] : memref<10000x128xf32, #tpu.memory_space<hbm>> -> memref<10000x128xf32, #tpu.memory_space<hbm>>
              tpu.enqueue_indirect_dma source(%dma_start3A_129 : memref<10000x128xf32, #tpu.memory_space<hbm>>) target(%arg10 : memref<125x128xf32, #tpu.memory_space<vmem>>) offsets(%dma_start3A_126 : memref<125xi32, #tpu.memory_space<vmem>>) semaphore(%arg14 : memref<!tpu.dma_semaphore, #tpu.memory_space<semaphore_mem>>)
            } else {
            }
          } else {
          }
        } else {
        }
        %rem3A_90 = arith.constant 2 : i32
        %rem3A_91 = arith.remsi %scan3A_83, %rem3A_90 : i32
        %eq3A_92 = arith.constant 1 : i32
        %eq3A_93 = arith.cmpi eq, %rem3A_91, %eq3A_92 : i32
        %convert_element_type3A_94 = arith.extui %eq3A_93 : i1 to i32
        %cond3A_95 = arith.constant 0 : i32
        %cond3A_96 = arith.cmpi ne, %convert_element_type3A_94, %cond3A_95 : i32
        scf.if %cond3A_96 {
          %eq3A_97 = arith.constant 0 : i32
          %eq3A_98 = arith.cmpi eq, %arg0, %eq3A_97 : i32
          %convert_element_type3A_99 = arith.extui %eq3A_98 : i1 to i32
          %cond3A_100 = arith.constant 0 : i32
          %cond3A_101 = arith.cmpi ne, %convert_element_type3A_99, %cond3A_100 : i32
          scf.if %cond3A_101 {
            %dma_wait3A = arith.constant 0 : i32
            %dma_wait3A_113 = tpu.memref_slice %arg8[%scan3A_83, %dma_wait3A] : memref<40x125xi32, #tpu.memory_space<vmem>> -> memref<1x125xi32, #tpu.memory_space<vmem>>
            %dma_wait3A_114 = tpu.memref_squeeze %dma_wait3A_113 : memref<1x125xi32, #tpu.memory_space<vmem>> -> memref<125xi32, #tpu.memory_space<vmem>>
            %dma_wait3A_115 = arith.constant 0 : i32
            %dma_wait3A_116 = arith.constant 0 : i32
            %dma_wait3A_117 = tpu.memref_slice %arg2[%dma_wait3A_115, %dma_wait3A_116] : memref<10000x128xf32, #tpu.memory_space<hbm>> -> memref<10000x128xf32, #tpu.memory_space<hbm>>
            tpu.wait_indirect_dma semaphore(%arg15 : memref<!tpu.dma_semaphore, #tpu.memory_space<semaphore_mem>>) src(%dma_wait3A_117 : memref<10000x128xf32, #tpu.memory_space<hbm>>) dst(%arg11 : memref<125x128xf32, #tpu.memory_space<vmem>>)
          } else {
          }
          %eq3A_102 = arith.constant 1 : i32
          %eq3A_103 = arith.cmpi eq, %arg0, %eq3A_102 : i32
          %convert_element_type3A_104 = arith.extui %eq3A_103 : i1 to i32
          %cond3A_105 = arith.constant 0 : i32
          %cond3A_106 = arith.cmpi ne, %convert_element_type3A_104, %cond3A_105 : i32
          scf.if %cond3A_106 {
            %dma_wait3A = arith.constant 0 : i32
            %dma_wait3A_113 = tpu.memref_slice %arg8[%scan3A_83, %dma_wait3A] : memref<40x125xi32, #tpu.memory_space<vmem>> -> memref<1x125xi32, #tpu.memory_space<vmem>>
            %dma_wait3A_114 = tpu.memref_squeeze %dma_wait3A_113 : memref<1x125xi32, #tpu.memory_space<vmem>> -> memref<125xi32, #tpu.memory_space<vmem>>
            %dma_wait3A_115 = arith.constant 0 : i32
            %dma_wait3A_116 = arith.constant 0 : i32
            %dma_wait3A_117 = tpu.memref_slice %arg3[%dma_wait3A_115, %dma_wait3A_116] : memref<10000x128xf32, #tpu.memory_space<hbm>> -> memref<10000x128xf32, #tpu.memory_space<hbm>>
            tpu.wait_indirect_dma semaphore(%arg15 : memref<!tpu.dma_semaphore, #tpu.memory_space<semaphore_mem>>) src(%dma_wait3A_117 : memref<10000x128xf32, #tpu.memory_space<hbm>>) dst(%arg11 : memref<125x128xf32, #tpu.memory_space<vmem>>)
          } else {
          }
          "tpu.region"() ({
            %run_scoped3A = tpu.sem_alloc : memref<!tpu.dma_semaphore, #tpu.memory_space<semaphore_mem>>
            %dma_start3A = arith.constant 0 : i32
            %dma_start3A_113 = tpu.memref_slice %arg9[%scan3A_83, %dma_start3A] : memref<40x125xi32, #tpu.memory_space<vmem>> -> memref<1x125xi32, #tpu.memory_space<vmem>>
            %dma_start3A_114 = tpu.memref_squeeze %dma_start3A_113 : memref<1x125xi32, #tpu.memory_space<vmem>> -> memref<125xi32, #tpu.memory_space<vmem>>
            %dma_start3A_115 = arith.constant 0 : i32
            %dma_start3A_116 = arith.constant 0 : i32
            %dma_start3A_117 = tpu.memref_slice %arg13[%dma_start3A_115, %dma_start3A_116] : memref<10000x128xf32, #tpu.memory_space<vmem_shared>> -> memref<10000x128xf32, #tpu.memory_space<vmem_shared>>
            tpu.enqueue_indirect_dma source(%arg11 : memref<125x128xf32, #tpu.memory_space<vmem>>) target(%dma_start3A_117 : memref<10000x128xf32, #tpu.memory_space<vmem_shared>>) offsets(%dma_start3A_114 : memref<125xi32, #tpu.memory_space<vmem>>) semaphore(%run_scoped3A : memref<!tpu.dma_semaphore, #tpu.memory_space<semaphore_mem>>) {add = true}
            %dma_wait3A = arith.constant 0 : i32
            %dma_wait3A_118 = tpu.memref_slice %arg9[%scan3A_83, %dma_wait3A] : memref<40x125xi32, #tpu.memory_space<vmem>> -> memref<1x125xi32, #tpu.memory_space<vmem>>
            %dma_wait3A_119 = tpu.memref_squeeze %dma_wait3A_118 : memref<1x125xi32, #tpu.memory_space<vmem>> -> memref<125xi32, #tpu.memory_space<vmem>>
            %dma_wait3A_120 = arith.constant 0 : i32
            %dma_wait3A_121 = arith.constant 0 : i32
            %dma_wait3A_122 = tpu.memref_slice %arg13[%dma_wait3A_120, %dma_wait3A_121] : memref<10000x128xf32, #tpu.memory_space<vmem_shared>> -> memref<10000x128xf32, #tpu.memory_space<vmem_shared>>
            tpu.wait_indirect_dma semaphore(%run_scoped3A : memref<!tpu.dma_semaphore, #tpu.memory_space<semaphore_mem>>) src(%arg11 : memref<125x128xf32, #tpu.memory_space<vmem>>) dst(%dma_wait3A_122 : memref<10000x128xf32, #tpu.memory_space<vmem_shared>>)
            tpu.yield
          }) : () -> ()
          %add3A_107 = arith.constant 2 : i32
          %add3A_108 = arith.addi %scan3A_83, %add3A_107 : i32
          %lt3A = arith.constant 40 : i32
          %lt3A_109 = arith.cmpi slt, %add3A_108, %lt3A : i32
          %convert_element_type3A_110 = arith.extui %lt3A_109 : i1 to i32
          %cond3A_111 = arith.constant 0 : i32
          %cond3A_112 = arith.cmpi ne, %convert_element_type3A_110, %cond3A_111 : i32
          scf.if %cond3A_112 {
            %add3A_113 = arith.constant 2 : i32
            %add3A_114 = arith.addi %scan3A_83, %add3A_113 : i32
            %eq3A_115 = arith.constant 0 : i32
            %eq3A_116 = arith.cmpi eq, %arg0, %eq3A_115 : i32
            %convert_element_type3A_117 = arith.extui %eq3A_116 : i1 to i32
            %cond3A_118 = arith.constant 0 : i32
            %cond3A_119 = arith.cmpi ne, %convert_element_type3A_117, %cond3A_118 : i32
            scf.if %cond3A_119 {
              %dma_start3A = arith.constant 0 : i32
              %dma_start3A_125 = tpu.memref_slice %arg8[%add3A_114, %dma_start3A] : memref<40x125xi32, #tpu.memory_space<vmem>> -> memref<1x125xi32, #tpu.memory_space<vmem>>
              %dma_start3A_126 = tpu.memref_squeeze %dma_start3A_125 : memref<1x125xi32, #tpu.memory_space<vmem>> -> memref<125xi32, #tpu.memory_space<vmem>>
              %dma_start3A_127 = arith.constant 0 : i32
              %dma_start3A_128 = arith.constant 0 : i32
              %dma_start3A_129 = tpu.memref_slice %arg2[%dma_start3A_127, %dma_start3A_128] : memref<10000x128xf32, #tpu.memory_space<hbm>> -> memref<10000x128xf32, #tpu.memory_space<hbm>>
              tpu.enqueue_indirect_dma source(%dma_start3A_129 : memref<10000x128xf32, #tpu.memory_space<hbm>>) target(%arg11 : memref<125x128xf32, #tpu.memory_space<vmem>>) offsets(%dma_start3A_126 : memref<125xi32, #tpu.memory_space<vmem>>) semaphore(%arg15 : memref<!tpu.dma_semaphore, #tpu.memory_space<semaphore_mem>>)
            } else {
            }
            %eq3A_120 = arith.constant 1 : i32
            %eq3A_121 = arith.cmpi eq, %arg0, %eq3A_120 : i32
            %convert_element_type3A_122 = arith.extui %eq3A_121 : i1 to i32
            %cond3A_123 = arith.constant 0 : i32
            %cond3A_124 = arith.cmpi ne, %convert_element_type3A_122, %cond3A_123 : i32
            scf.if %cond3A_124 {
              %dma_start3A = arith.constant 0 : i32
              %dma_start3A_125 = tpu.memref_slice %arg8[%add3A_114, %dma_start3A] : memref<40x125xi32, #tpu.memory_space<vmem>> -> memref<1x125xi32, #tpu.memory_space<vmem>>
              %dma_start3A_126 = tpu.memref_squeeze %dma_start3A_125 : memref<1x125xi32, #tpu.memory_space<vmem>> -> memref<125xi32, #tpu.memory_space<vmem>>
              %dma_start3A_127 = arith.constant 0 : i32
              %dma_start3A_128 = arith.constant 0 : i32
              %dma_start3A_129 = tpu.memref_slice %arg3[%dma_start3A_127, %dma_start3A_128] : memref<10000x128xf32, #tpu.memory_space<hbm>> -> memref<10000x128xf32, #tpu.memory_space<hbm>>
              tpu.enqueue_indirect_dma source(%dma_start3A_129 : memref<10000x128xf32, #tpu.memory_space<hbm>>) target(%arg11 : memref<125x128xf32, #tpu.memory_space<vmem>>) offsets(%dma_start3A_126 : memref<125xi32, #tpu.memory_space<vmem>>) semaphore(%arg15 : memref<!tpu.dma_semaphore, #tpu.memory_space<semaphore_mem>>)
            } else {
            }
          } else {
          }
        } else {
        }
      }
      %scan3A_82 = arith.constant 40 : i32
    }
    %scan3A_25 = arith.constant 4 : i32
    %barrier3A_26 = arith.constant 0 : index
    tpu.barrier barrier_id(%barrier3A_26)
    %eq3A_27 = arith.constant 15 : i32
    %eq3A_28 = arith.cmpi eq, %arg1, %eq3A_27 : i32
    %eq3A_29 = arith.constant 0 : i32
    %eq3A_30 = arith.cmpi eq, %arg0, %eq3A_29 : i32
    %not3A = arith.constant true
    %not3A_31 = arith.xori %eq3A_28, %not3A : i1
    %and3A = arith.andi %eq3A_30, %not3A_31 : i1
    %convert_element_type3A = arith.extui %and3A : i1 to i32
    %cond3A = arith.constant 0 : i32
    %cond3A_32 = arith.cmpi ne, %convert_element_type3A, %cond3A : i32
    scf.if %cond3A_32 {
      "tpu.region"() ({
        %run_scoped3A = tpu.sem_alloc : memref<!tpu.dma_semaphore, #tpu.memory_space<semaphore_mem>>
        %dma_start3A = arith.constant 0 : i32
        %dma_start3A_53 = tpu.memref_slice %arg6[%mul3A_6, %dma_start3A] : memref<10000x128xf32, #tpu.memory_space<hbm>> -> memref<624x128xf32, #tpu.memory_space<hbm>>
        %dma_start3A_54 = arith.constant 0 : i32
        %dma_start3A_55 = tpu.memref_slice %arg13[%mul3A_6, %dma_start3A_54] : memref<10000x128xf32, #tpu.memory_space<vmem_shared>> -> memref<624x128xf32, #tpu.memory_space<vmem_shared>>
        tpu.enqueue_dma source(%dma_start3A_55 : memref<624x128xf32, #tpu.memory_space<vmem_shared>>) target(%dma_start3A_53 : memref<624x128xf32, #tpu.memory_space<hbm>>) target_semaphore(%run_scoped3A : memref<!tpu.dma_semaphore, #tpu.memory_space<semaphore_mem>>)
        %dma_wait3A = arith.constant 0 : i32
        %dma_wait3A_56 = tpu.memref_slice %arg6[%mul3A_6, %dma_wait3A] : memref<10000x128xf32, #tpu.memory_space<hbm>> -> memref<624x128xf32, #tpu.memory_space<hbm>>
        %dma_wait3A_57 = arith.constant 0 : i32
        %dma_wait3A_58 = tpu.memref_slice %arg13[%mul3A_6, %dma_wait3A_57] : memref<10000x128xf32, #tpu.memory_space<vmem_shared>> -> memref<624x128xf32, #tpu.memory_space<vmem_shared>>
        tpu.wait_dma2 semaphore(%run_scoped3A : memref<!tpu.dma_semaphore, #tpu.memory_space<semaphore_mem>>) src(%dma_wait3A_58 : memref<624x128xf32, #tpu.memory_space<vmem_shared>>) dst(%dma_wait3A_56 : memref<624x128xf32, #tpu.memory_space<hbm>>)
        tpu.yield
      }) : () -> ()
    } else {
    }
    %eq3A_33 = arith.constant 0 : i32
    %eq3A_34 = arith.cmpi eq, %arg0, %eq3A_33 : i32
    %and3A_35 = arith.andi %eq3A_34, %eq3A_28 : i1
    %convert_element_type3A_36 = arith.extui %and3A_35 : i1 to i32
    %cond3A_37 = arith.constant 0 : i32
    %cond3A_38 = arith.cmpi ne, %convert_element_type3A_36, %cond3A_37 : i32
    scf.if %cond3A_38 {
      "tpu.region"() ({
        %run_scoped3A = tpu.sem_alloc : memref<!tpu.dma_semaphore, #tpu.memory_space<semaphore_mem>>
        %dma_start3A = arith.constant 0 : i32
        %dma_start3A_53 = tpu.memref_slice %arg6[%mul3A_6, %dma_start3A] : memref<10000x128xf32, #tpu.memory_space<hbm>> -> memref<640x128xf32, #tpu.memory_space<hbm>>
        %dma_start3A_54 = arith.constant 0 : i32
        %dma_start3A_55 = tpu.memref_slice %arg13[%mul3A_6, %dma_start3A_54] : memref<10000x128xf32, #tpu.memory_space<vmem_shared>> -> memref<640x128xf32, #tpu.memory_space<vmem_shared>>
        tpu.enqueue_dma source(%dma_start3A_55 : memref<640x128xf32, #tpu.memory_space<vmem_shared>>) target(%dma_start3A_53 : memref<640x128xf32, #tpu.memory_space<hbm>>) target_semaphore(%run_scoped3A : memref<!tpu.dma_semaphore, #tpu.memory_space<semaphore_mem>>)
        %dma_wait3A = arith.constant 0 : i32
        %dma_wait3A_56 = tpu.memref_slice %arg6[%mul3A_6, %dma_wait3A] : memref<10000x128xf32, #tpu.memory_space<hbm>> -> memref<640x128xf32, #tpu.memory_space<hbm>>
        %dma_wait3A_57 = arith.constant 0 : i32
        %dma_wait3A_58 = tpu.memref_slice %arg13[%mul3A_6, %dma_wait3A_57] : memref<10000x128xf32, #tpu.memory_space<vmem_shared>> -> memref<640x128xf32, #tpu.memory_space<vmem_shared>>
        tpu.wait_dma2 semaphore(%run_scoped3A : memref<!tpu.dma_semaphore, #tpu.memory_space<semaphore_mem>>) src(%dma_wait3A_58 : memref<640x128xf32, #tpu.memory_space<vmem_shared>>) dst(%dma_wait3A_56 : memref<640x128xf32, #tpu.memory_space<hbm>>)
        tpu.yield
      }) : () -> ()
    } else {
    }
    %eq3A_39 = arith.constant 1 : i32
    %eq3A_40 = arith.cmpi eq, %arg0, %eq3A_39 : i32
    %not3A_41 = arith.constant true
    %not3A_42 = arith.xori %eq3A_28, %not3A_41 : i1
    %and3A_43 = arith.andi %eq3A_40, %not3A_42 : i1
    %convert_element_type3A_44 = arith.extui %and3A_43 : i1 to i32
    %cond3A_45 = arith.constant 0 : i32
    %cond3A_46 = arith.cmpi ne, %convert_element_type3A_44, %cond3A_45 : i32
    scf.if %cond3A_46 {
      "tpu.region"() ({
        %run_scoped3A = tpu.sem_alloc : memref<!tpu.dma_semaphore, #tpu.memory_space<semaphore_mem>>
        %dma_start3A = arith.constant 0 : i32
        %dma_start3A_53 = tpu.memref_slice %arg7[%mul3A_6, %dma_start3A] : memref<10000x128xf32, #tpu.memory_space<hbm>> -> memref<624x128xf32, #tpu.memory_space<hbm>>
        %dma_start3A_54 = arith.constant 0 : i32
        %dma_start3A_55 = tpu.memref_slice %arg13[%mul3A_6, %dma_start3A_54] : memref<10000x128xf32, #tpu.memory_space<vmem_shared>> -> memref<624x128xf32, #tpu.memory_space<vmem_shared>>
        tpu.enqueue_dma source(%dma_start3A_55 : memref<624x128xf32, #tpu.memory_space<vmem_shared>>) target(%dma_start3A_53 : memref<624x128xf32, #tpu.memory_space<hbm>>) target_semaphore(%run_scoped3A : memref<!tpu.dma_semaphore, #tpu.memory_space<semaphore_mem>>)
        %dma_wait3A = arith.constant 0 : i32
        %dma_wait3A_56 = tpu.memref_slice %arg7[%mul3A_6, %dma_wait3A] : memref<10000x128xf32, #tpu.memory_space<hbm>> -> memref<624x128xf32, #tpu.memory_space<hbm>>
        %dma_wait3A_57 = arith.constant 0 : i32
        %dma_wait3A_58 = tpu.memref_slice %arg13[%mul3A_6, %dma_wait3A_57] : memref<10000x128xf32, #tpu.memory_space<vmem_shared>> -> memref<624x128xf32, #tpu.memory_space<vmem_shared>>
        tpu.wait_dma2 semaphore(%run_scoped3A : memref<!tpu.dma_semaphore, #tpu.memory_space<semaphore_mem>>) src(%dma_wait3A_58 : memref<624x128xf32, #tpu.memory_space<vmem_shared>>) dst(%dma_wait3A_56 : memref<624x128xf32, #tpu.memory_space<hbm>>)
        tpu.yield
      }) : () -> ()
    } else {
    }
    %eq3A_47 = arith.constant 1 : i32
    %eq3A_48 = arith.cmpi eq, %arg0, %eq3A_47 : i32
    %and3A_49 = arith.andi %eq3A_48, %eq3A_28 : i1
    %convert_element_type3A_50 = arith.extui %and3A_49 : i1 to i32
    %cond3A_51 = arith.constant 0 : i32
    %cond3A_52 = arith.cmpi ne, %convert_element_type3A_50, %cond3A_51 : i32
    scf.if %cond3A_52 {
      "tpu.region"() ({
        %run_scoped3A = tpu.sem_alloc : memref<!tpu.dma_semaphore, #tpu.memory_space<semaphore_mem>>
        %dma_start3A = arith.constant 0 : i32
        %dma_start3A_53 = tpu.memref_slice %arg7[%mul3A_6, %dma_start3A] : memref<10000x128xf32, #tpu.memory_space<hbm>> -> memref<640x128xf32, #tpu.memory_space<hbm>>
        %dma_start3A_54 = arith.constant 0 : i32
        %dma_start3A_55 = tpu.memref_slice %arg13[%mul3A_6, %dma_start3A_54] : memref<10000x128xf32, #tpu.memory_space<vmem_shared>> -> memref<640x128xf32, #tpu.memory_space<vmem_shared>>
        tpu.enqueue_dma source(%dma_start3A_55 : memref<640x128xf32, #tpu.memory_space<vmem_shared>>) target(%dma_start3A_53 : memref<640x128xf32, #tpu.memory_space<hbm>>) target_semaphore(%run_scoped3A : memref<!tpu.dma_semaphore, #tpu.memory_space<semaphore_mem>>)
        %dma_wait3A = arith.constant 0 : i32
        %dma_wait3A_56 = tpu.memref_slice %arg7[%mul3A_6, %dma_wait3A] : memref<10000x128xf32, #tpu.memory_space<hbm>> -> memref<640x128xf32, #tpu.memory_space<hbm>>
        %dma_wait3A_57 = arith.constant 0 : i32
        %dma_wait3A_58 = tpu.memref_slice %arg13[%mul3A_6, %dma_wait3A_57] : memref<10000x128xf32, #tpu.memory_space<vmem_shared>> -> memref<640x128xf32, #tpu.memory_space<vmem_shared>>
        tpu.wait_dma2 semaphore(%run_scoped3A : memref<!tpu.dma_semaphore, #tpu.memory_space<semaphore_mem>>) src(%dma_wait3A_58 : memref<640x128xf32, #tpu.memory_space<vmem_shared>>) dst(%dma_wait3A_56 : memref<640x128xf32, #tpu.memory_space<hbm>>)
        tpu.yield
      }) : () -> ()
    } else {
    }
    return
  }
}

#map = affine_map<(d0, d1) -> (0, 0)>
module attributes {stable_mosaic.version = 14 : i64} {
  func.func @segsum(%arg0: i32, %arg1: i32, %arg2: memref<10000x128xf32, #tpu.memory_space<hbm>>, %arg3: memref<10000x128xf32, #tpu.memory_space<hbm>>, %arg4: memref<2560x125xi32, #tpu.memory_space<hbm>>, %arg5: memref<2560x125xi32, #tpu.memory_space<hbm>>, %arg6: memref<10000x128xf32, #tpu.memory_space<hbm>>, %arg7: memref<10000x128xf32, #tpu.memory_space<hbm>>, %arg8: memref<40x125xi32, #tpu.memory_space<vmem>>, %arg9: memref<40x125xi32, #tpu.memory_space<vmem>>, %arg10: memref<125x128xf32, #tpu.memory_space<vmem>>, %arg11: memref<125x128xf32, #tpu.memory_space<vmem>>, %arg12: memref<16x128xf32, #tpu.memory_space<vmem>>, %arg13: memref<10000x128xf32, #tpu.memory_space<vmem_shared>>, %arg14: memref<!tpu.dma_semaphore, #tpu.memory_space<semaphore_mem>>, %arg15: memref<!tpu.dma_semaphore, #tpu.memory_space<semaphore_mem>>) attributes {dimension_semantics = [#tpu.dimension_semantics<core_parallel>, #tpu.dimension_semantics<subcore_parallel>], iteration_bounds = array<i64: 2, 16>, scalar_prefetch = 0 : i64, scratch_operands = 8 : i64, tpu.core_type = #tpu.core_type<sc_vector_subcore>, window_params = [{transform_indices = #map}, {transform_indices = #map}, {transform_indices = #map}, {transform_indices = #map}, {transform_indices = #map}, {transform_indices = #map}]} {
    %broadcast_in_dim3A = arith.constant 0.000000e+00 : f32
    %broadcast_in_dim3A_0 = vector.broadcast %broadcast_in_dim3A : f32 to vector<16xf32>
    %scan3A = arith.constant 0 : i32
    %scan3A_1 = arith.constant 0 : i32
    %scan3A_2 = arith.constant 16 : i32
    %scan3A_3 = arith.addi %scan3A_1, %scan3A_2 : i32
    %scan3A_4 = arith.constant 1 : i32
    scf.for %scan3A_53 = %scan3A_1 to %scan3A_3 step %scan3A_4  : i32 {
      %swap3A = arith.index_cast %scan3A_53 : i32 to index
      %swap3A_54 = arith.constant 0 : index
      %swap3A_55 = tpu.vector_load %arg12[%swap3A, %swap3A_54] {strides = array<i32>} : memref<16x128xf32, #tpu.memory_space<vmem>>, vector<1x16xf32>,
      %swap3A_56 = vector.shape_cast %swap3A_55 : vector<1x16xf32> to vector<16xf32>
      %swap3A_57 = vector.shape_cast %broadcast_in_dim3A_0 : vector<16xf32> to vector<1x16xf32>
      tpu.vector_store %arg12[%swap3A, %swap3A_54], %swap3A_57 {strides = array<i32>} : memref<16x128xf32, #tpu.memory_space<vmem>>, vector<1x16xf32>,
      %swap3A_58 = arith.index_cast %scan3A_53 : i32 to index
      %swap3A_59 = arith.constant 16 : index
      %swap3A_60 = tpu.vector_load %arg12[%swap3A_58, %swap3A_59] {strides = array<i32>} : memref<16x128xf32, #tpu.memory_space<vmem>>, vector<1x16xf32>,
      %swap3A_61 = vector.shape_cast %swap3A_60 : vector<1x16xf32> to vector<16xf32>
      %swap3A_62 = vector.shape_cast %broadcast_in_dim3A_0 : vector<16xf32> to vector<1x16xf32>
      tpu.vector_store %arg12[%swap3A_58, %swap3A_59], %swap3A_62 {strides = array<i32>} : memref<16x128xf32, #tpu.memory_space<vmem>>, vector<1x16xf32>,
      %swap3A_63 = arith.index_cast %scan3A_53 : i32 to index
      %swap3A_64 = arith.constant 32 : index
      %swap3A_65 = tpu.vector_load %arg12[%swap3A_63, %swap3A_64] {strides = array<i32>} : memref<16x128xf32, #tpu.memory_space<vmem>>, vector<1x16xf32>,
      %swap3A_66 = vector.shape_cast %swap3A_65 : vector<1x16xf32> to vector<16xf32>
      %swap3A_67 = vector.shape_cast %broadcast_in_dim3A_0 : vector<16xf32> to vector<1x16xf32>
      tpu.vector_store %arg12[%swap3A_63, %swap3A_64], %swap3A_67 {strides = array<i32>} : memref<16x128xf32, #tpu.memory_space<vmem>>, vector<1x16xf32>,
      %swap3A_68 = arith.index_cast %scan3A_53 : i32 to index
      %swap3A_69 = arith.constant 48 : index
      %swap3A_70 = tpu.vector_load %arg12[%swap3A_68, %swap3A_69] {strides = array<i32>} : memref<16x128xf32, #tpu.memory_space<vmem>>, vector<1x16xf32>,
      %swap3A_71 = vector.shape_cast %swap3A_70 : vector<1x16xf32> to vector<16xf32>
      %swap3A_72 = vector.shape_cast %broadcast_in_dim3A_0 : vector<16xf32> to vector<1x16xf32>
      tpu.vector_store %arg12[%swap3A_68, %swap3A_69], %swap3A_72 {strides = array<i32>} : memref<16x128xf32, #tpu.memory_space<vmem>>, vector<1x16xf32>,
      %swap3A_73 = arith.index_cast %scan3A_53 : i32 to index
      %swap3A_74 = arith.constant 64 : index
      %swap3A_75 = tpu.vector_load %arg12[%swap3A_73, %swap3A_74] {strides = array<i32>} : memref<16x128xf32, #tpu.memory_space<vmem>>, vector<1x16xf32>,
      %swap3A_76 = vector.shape_cast %swap3A_75 : vector<1x16xf32> to vector<16xf32>
      %swap3A_77 = vector.shape_cast %broadcast_in_dim3A_0 : vector<16xf32> to vector<1x16xf32>
      tpu.vector_store %arg12[%swap3A_73, %swap3A_74], %swap3A_77 {strides = array<i32>} : memref<16x128xf32, #tpu.memory_space<vmem>>, vector<1x16xf32>,
      %swap3A_78 = arith.index_cast %scan3A_53 : i32 to index
      %swap3A_79 = arith.constant 80 : index
      %swap3A_80 = tpu.vector_load %arg12[%swap3A_78, %swap3A_79] {strides = array<i32>} : memref<16x128xf32, #tpu.memory_space<vmem>>, vector<1x16xf32>,
      %swap3A_81 = vector.shape_cast %swap3A_80 : vector<1x16xf32> to vector<16xf32>
      %swap3A_82 = vector.shape_cast %broadcast_in_dim3A_0 : vector<16xf32> to vector<1x16xf32>
      tpu.vector_store %arg12[%swap3A_78, %swap3A_79], %swap3A_82 {strides = array<i32>} : memref<16x128xf32, #tpu.memory_space<vmem>>, vector<1x16xf32>,
      %swap3A_83 = arith.index_cast %scan3A_53 : i32 to index
      %swap3A_84 = arith.constant 96 : index
      %swap3A_85 = tpu.vector_load %arg12[%swap3A_83, %swap3A_84] {strides = array<i32>} : memref<16x128xf32, #tpu.memory_space<vmem>>, vector<1x16xf32>,
      %swap3A_86 = vector.shape_cast %swap3A_85 : vector<1x16xf32> to vector<16xf32>
      %swap3A_87 = vector.shape_cast %broadcast_in_dim3A_0 : vector<16xf32> to vector<1x16xf32>
      tpu.vector_store %arg12[%swap3A_83, %swap3A_84], %swap3A_87 {strides = array<i32>} : memref<16x128xf32, #tpu.memory_space<vmem>>, vector<1x16xf32>,
      %swap3A_88 = arith.index_cast %scan3A_53 : i32 to index
      %swap3A_89 = arith.constant 112 : index
      %swap3A_90 = tpu.vector_load %arg12[%swap3A_88, %swap3A_89] {strides = array<i32>} : memref<16x128xf32, #tpu.memory_space<vmem>>, vector<1x16xf32>,
      %swap3A_91 = vector.shape_cast %swap3A_90 : vector<1x16xf32> to vector<16xf32>
      %swap3A_92 = vector.shape_cast %broadcast_in_dim3A_0 : vector<16xf32> to vector<1x16xf32>
      tpu.vector_store %arg12[%swap3A_88, %swap3A_89], %swap3A_92 {strides = array<i32>} : memref<16x128xf32, #tpu.memory_space<vmem>>, vector<1x16xf32>,
    }
    %scan3A_5 = arith.constant 16 : i32
    %mul3A = arith.constant 624 : i32
    %mul3A_6 = arith.muli %arg1, %mul3A : i32
    %eq3A = arith.constant 15 : i32
    %eq3A_7 = arith.cmpi eq, %arg1, %eq3A : i32
    %jit3A = arith.constant 40 : i32
    %jit3A_8 = arith.constant 39 : i32
    %select_n3A = arith.select %eq3A_7, %jit3A, %jit3A_8 : i32
    %while3A = arith.constant 0 : i32
    %while3A_9 = arith.constant 0 : i32
    %while3A_10 = arith.subi %select_n3A, %while3A_9 : i32
    %while3A_11 = arith.addi %while3A_9, %while3A_10 : i32
    %while3A_12 = arith.constant 1 : i32
    %while3A_13 = arith.divsi %while3A_10, %while3A_12 : i32
    %while3A_14 = arith.muli %while3A_13, %while3A_12 : i32
    %while3A_15 = arith.addi %while3A_9, %while3A_14 : i32
    %while3A_16 = arith.constant 1 : i32
    scf.for %while3A_53 = %while3A_9 to %while3A_15 step %while3A_16  : i32 {
      %mul3A_54 = arith.constant 16 : i32
      %mul3A_55 = arith.muli %while3A_53, %mul3A_54 : i32
      %add3A = arith.addi %mul3A_6, %mul3A_55 : i32
      "tpu.region"() ({
        %run_scoped3A = tpu.sem_alloc : memref<!tpu.dma_semaphore, #tpu.memory_space<semaphore_mem>>
        %dma_start3A = arith.constant 0 : i32
        %dma_start3A_56 = tpu.memref_slice %arg13[%add3A, %dma_start3A] : memref<10000x128xf32, #tpu.memory_space<vmem_shared>> -> memref<16x128xf32, #tpu.memory_space<vmem_shared>>
        %dma_start3A_57 = arith.constant 0 : i32
        %dma_start3A_58 = tpu.memref_slice %arg13[%add3A, %dma_start3A_57] : memref<10000x128xf32, #tpu.memory_space<vmem_shared>> -> memref<16x128xf32, #tpu.memory_space<vmem_shared>>
        tpu.enqueue_dma source(%arg12 : memref<16x128xf32, #tpu.memory_space<vmem>>) target(%dma_start3A_58 : memref<16x128xf32, #tpu.memory_space<vmem_shared>>) target_semaphore(%run_scoped3A : memref<!tpu.dma_semaphore, #tpu.memory_space<semaphore_mem>>)
        %dma_wait3A = arith.constant 0 : i32
        %dma_wait3A_59 = tpu.memref_slice %arg13[%add3A, %dma_wait3A] : memref<10000x128xf32, #tpu.memory_space<vmem_shared>> -> memref<16x128xf32, #tpu.memory_space<vmem_shared>>
        %dma_wait3A_60 = arith.constant 0 : i32
        %dma_wait3A_61 = tpu.memref_slice %arg13[%add3A, %dma_wait3A_60] : memref<10000x128xf32, #tpu.memory_space<vmem_shared>> -> memref<16x128xf32, #tpu.memory_space<vmem_shared>>
        tpu.wait_dma2 semaphore(%run_scoped3A : memref<!tpu.dma_semaphore, #tpu.memory_space<semaphore_mem>>) src(%arg12 : memref<16x128xf32, #tpu.memory_space<vmem>>) dst(%dma_wait3A_61 : memref<16x128xf32, #tpu.memory_space<vmem_shared>>)
        tpu.yield
      }) : () -> ()
    }
    %while3A_17 = arith.constant 1 : i32
    scf.for %while3A_53 = %while3A_15 to %while3A_11 step %while3A_17  : i32 {
      %mul3A_54 = arith.constant 16 : i32
      %mul3A_55 = arith.muli %while3A_53, %mul3A_54 : i32
      %add3A = arith.addi %mul3A_6, %mul3A_55 : i32
      "tpu.region"() ({
        %run_scoped3A = tpu.sem_alloc : memref<!tpu.dma_semaphore, #tpu.memory_space<semaphore_mem>>
        %dma_start3A = arith.constant 0 : i32
        %dma_start3A_56 = tpu.memref_slice %arg13[%add3A, %dma_start3A] : memref<10000x128xf32, #tpu.memory_space<vmem_shared>> -> memref<16x128xf32, #tpu.memory_space<vmem_shared>>
        %dma_start3A_57 = arith.constant 0 : i32
        %dma_start3A_58 = tpu.memref_slice %arg13[%add3A, %dma_start3A_57] : memref<10000x128xf32, #tpu.memory_space<vmem_shared>> -> memref<16x128xf32, #tpu.memory_space<vmem_shared>>
        tpu.enqueue_dma source(%arg12 : memref<16x128xf32, #tpu.memory_space<vmem>>) target(%dma_start3A_58 : memref<16x128xf32, #tpu.memory_space<vmem_shared>>) target_semaphore(%run_scoped3A : memref<!tpu.dma_semaphore, #tpu.memory_space<semaphore_mem>>)
        %dma_wait3A = arith.constant 0 : i32
        %dma_wait3A_59 = tpu.memref_slice %arg13[%add3A, %dma_wait3A] : memref<10000x128xf32, #tpu.memory_space<vmem_shared>> -> memref<16x128xf32, #tpu.memory_space<vmem_shared>>
        %dma_wait3A_60 = arith.constant 0 : i32
        %dma_wait3A_61 = tpu.memref_slice %arg13[%add3A, %dma_wait3A_60] : memref<10000x128xf32, #tpu.memory_space<vmem_shared>> -> memref<16x128xf32, #tpu.memory_space<vmem_shared>>
        tpu.wait_dma2 semaphore(%run_scoped3A : memref<!tpu.dma_semaphore, #tpu.memory_space<semaphore_mem>>) src(%arg12 : memref<16x128xf32, #tpu.memory_space<vmem>>) dst(%dma_wait3A_61 : memref<16x128xf32, #tpu.memory_space<vmem_shared>>)
        tpu.yield
      }) : () -> ()
    }
    %mul3A_18 = arith.constant 160 : i32
    %mul3A_19 = arith.muli %arg1, %mul3A_18 : i32
    %barrier3A = arith.constant 0 : index
    tpu.barrier barrier_id(%barrier3A)
    %scan3A_20 = arith.constant 0 : i32
    %scan3A_21 = arith.constant 0 : i32
    %scan3A_22 = arith.constant 4 : i32
    %scan3A_23 = arith.addi %scan3A_21, %scan3A_22 : i32
    %scan3A_24 = arith.constant 1 : i32
    scf.for %scan3A_53 = %scan3A_21 to %scan3A_23 step %scan3A_24  : i32 {
      %mul3A_54 = arith.constant 40 : i32
      %mul3A_55 = arith.muli %scan3A_53, %mul3A_54 : i32
      %add3A = arith.addi %mul3A_19, %mul3A_55 : i32
      "tpu.region"() ({
        %run_scoped3A = tpu.sem_alloc : memref<!tpu.dma_semaphore, #tpu.memory_space<semaphore_mem>>
        %dma_start3A = arith.constant 0 : i32
        %dma_start3A_83 = tpu.memref_slice %arg4[%add3A, %dma_start3A] : memref<2560x125xi32, #tpu.memory_space<hbm>> -> memref<40x125xi32, #tpu.memory_space<hbm>>
        %dma_start3A_84 = arith.constant 0 : i32
        %dma_start3A_85 = tpu.memref_slice %arg4[%add3A, %dma_start3A_84] : memref<2560x125xi32, #tpu.memory_space<hbm>> -> memref<40x125xi32, #tpu.memory_space<hbm>>
        tpu.enqueue_dma source(%dma_start3A_85 : memref<40x125xi32, #tpu.memory_space<hbm>>) target(%arg8 : memref<40x125xi32, #tpu.memory_space<vmem>>) target_semaphore(%run_scoped3A : memref<!tpu.dma_semaphore, #tpu.memory_space<semaphore_mem>>)
        %dma_wait3A = arith.constant 0 : i32
        %dma_wait3A_86 = tpu.memref_slice %arg4[%add3A, %dma_wait3A] : memref<2560x125xi32, #tpu.memory_space<hbm>> -> memref<40x125xi32, #tpu.memory_space<hbm>>
        %dma_wait3A_87 = arith.constant 0 : i32
        %dma_wait3A_88 = tpu.memref_slice %arg4[%add3A, %dma_wait3A_87] : memref<2560x125xi32, #tpu.memory_space<hbm>> -> memref<40x125xi32, #tpu.memory_space<hbm>>
        tpu.wait_dma2 semaphore(%run_scoped3A : memref<!tpu.dma_semaphore, #tpu.memory_space<semaphore_mem>>) src(%dma_wait3A_88 : memref<40x125xi32, #tpu.memory_space<hbm>>) dst(%arg8 : memref<40x125xi32, #tpu.memory_space<vmem>>)
        tpu.yield
      }) : () -> ()
      %add3A_56 = arith.addi %mul3A_19, %mul3A_55 : i32
      "tpu.region"() ({
        %run_scoped3A = tpu.sem_alloc : memref<!tpu.dma_semaphore, #tpu.memory_space<semaphore_mem>>
        %dma_start3A = arith.constant 0 : i32
        %dma_start3A_83 = tpu.memref_slice %arg5[%add3A_56, %dma_start3A] : memref<2560x125xi32, #tpu.memory_space<hbm>> -> memref<40x125xi32, #tpu.memory_space<hbm>>
        %dma_start3A_84 = arith.constant 0 : i32
        %dma_start3A_85 = tpu.memref_slice %arg5[%add3A_56, %dma_start3A_84] : memref<2560x125xi32, #tpu.memory_space<hbm>> -> memref<40x125xi32, #tpu.memory_space<hbm>>
        tpu.enqueue_dma source(%dma_start3A_85 : memref<40x125xi32, #tpu.memory_space<hbm>>) target(%arg9 : memref<40x125xi32, #tpu.memory_space<vmem>>) target_semaphore(%run_scoped3A : memref<!tpu.dma_semaphore, #tpu.memory_space<semaphore_mem>>)
        %dma_wait3A = arith.constant 0 : i32
        %dma_wait3A_86 = tpu.memref_slice %arg5[%add3A_56, %dma_wait3A] : memref<2560x125xi32, #tpu.memory_space<hbm>> -> memref<40x125xi32, #tpu.memory_space<hbm>>
        %dma_wait3A_87 = arith.constant 0 : i32
        %dma_wait3A_88 = tpu.memref_slice %arg5[%add3A_56, %dma_wait3A_87] : memref<2560x125xi32, #tpu.memory_space<hbm>> -> memref<40x125xi32, #tpu.memory_space<hbm>>
        tpu.wait_dma2 semaphore(%run_scoped3A : memref<!tpu.dma_semaphore, #tpu.memory_space<semaphore_mem>>) src(%dma_wait3A_88 : memref<40x125xi32, #tpu.memory_space<hbm>>) dst(%arg9 : memref<40x125xi32, #tpu.memory_space<vmem>>)
        tpu.yield
      }) : () -> ()
      %eq3A_57 = arith.constant 0 : i32
      %eq3A_58 = arith.cmpi eq, %arg0, %eq3A_57 : i32
      %convert_element_type3A_59 = arith.extui %eq3A_58 : i1 to i32
      %cond3A_60 = arith.constant 0 : i32
      %cond3A_61 = arith.cmpi ne, %convert_element_type3A_59, %cond3A_60 : i32
      scf.if %cond3A_61 {
        %dma_start3A = arith.constant 0 : i32
        %dma_start3A_83 = arith.constant 0 : i32
        %dma_start3A_84 = tpu.memref_slice %arg8[%dma_start3A, %dma_start3A_83] : memref<40x125xi32, #tpu.memory_space<vmem>> -> memref<1x125xi32, #tpu.memory_space<vmem>>
        %dma_start3A_85 = tpu.memref_squeeze %dma_start3A_84 : memref<1x125xi32, #tpu.memory_space<vmem>> -> memref<125xi32, #tpu.memory_space<vmem>>
        %dma_start3A_86 = arith.constant 0 : i32
        %dma_start3A_87 = arith.constant 0 : i32
        %dma_start3A_88 = tpu.memref_slice %arg2[%dma_start3A_86, %dma_start3A_87] : memref<10000x128xf32, #tpu.memory_space<hbm>> -> memref<10000x128xf32, #tpu.memory_space<hbm>>
        tpu.enqueue_indirect_dma source(%dma_start3A_88 : memref<10000x128xf32, #tpu.memory_space<hbm>>) target(%arg10 : memref<125x128xf32, #tpu.memory_space<vmem>>) offsets(%dma_start3A_85 : memref<125xi32, #tpu.memory_space<vmem>>) semaphore(%arg14 : memref<!tpu.dma_semaphore, #tpu.memory_space<semaphore_mem>>)
      } else {
      }
      %eq3A_62 = arith.constant 1 : i32
      %eq3A_63 = arith.cmpi eq, %arg0, %eq3A_62 : i32
      %convert_element_type3A_64 = arith.extui %eq3A_63 : i1 to i32
      %cond3A_65 = arith.constant 0 : i32
      %cond3A_66 = arith.cmpi ne, %convert_element_type3A_64, %cond3A_65 : i32
      scf.if %cond3A_66 {
        %dma_start3A = arith.constant 0 : i32
        %dma_start3A_83 = arith.constant 0 : i32
        %dma_start3A_84 = tpu.memref_slice %arg8[%dma_start3A, %dma_start3A_83] : memref<40x125xi32, #tpu.memory_space<vmem>> -> memref<1x125xi32, #tpu.memory_space<vmem>>
        %dma_start3A_85 = tpu.memref_squeeze %dma_start3A_84 : memref<1x125xi32, #tpu.memory_space<vmem>> -> memref<125xi32, #tpu.memory_space<vmem>>
        %dma_start3A_86 = arith.constant 0 : i32
        %dma_start3A_87 = arith.constant 0 : i32
        %dma_start3A_88 = tpu.memref_slice %arg3[%dma_start3A_86, %dma_start3A_87] : memref<10000x128xf32, #tpu.memory_space<hbm>> -> memref<10000x128xf32, #tpu.memory_space<hbm>>
        tpu.enqueue_indirect_dma source(%dma_start3A_88 : memref<10000x128xf32, #tpu.memory_space<hbm>>) target(%arg10 : memref<125x128xf32, #tpu.memory_space<vmem>>) offsets(%dma_start3A_85 : memref<125xi32, #tpu.memory_space<vmem>>) semaphore(%arg14 : memref<!tpu.dma_semaphore, #tpu.memory_space<semaphore_mem>>)
      } else {
      }
      %eq3A_67 = arith.constant 0 : i32
      %eq3A_68 = arith.cmpi eq, %arg0, %eq3A_67 : i32
      %convert_element_type3A_69 = arith.extui %eq3A_68 : i1 to i32
      %cond3A_70 = arith.constant 0 : i32
      %cond3A_71 = arith.cmpi ne, %convert_element_type3A_69, %cond3A_70 : i32
      scf.if %cond3A_71 {
        %dma_start3A = arith.constant 1 : i32
        %dma_start3A_83 = arith.constant 0 : i32
        %dma_start3A_84 = tpu.memref_slice %arg8[%dma_start3A, %dma_start3A_83] : memref<40x125xi32, #tpu.memory_space<vmem>> -> memref<1x125xi32, #tpu.memory_space<vmem>>
        %dma_start3A_85 = tpu.memref_squeeze %dma_start3A_84 : memref<1x125xi32, #tpu.memory_space<vmem>> -> memref<125xi32, #tpu.memory_space<vmem>>
        %dma_start3A_86 = arith.constant 0 : i32
        %dma_start3A_87 = arith.constant 0 : i32
        %dma_start3A_88 = tpu.memref_slice %arg2[%dma_start3A_86, %dma_start3A_87] : memref<10000x128xf32, #tpu.memory_space<hbm>> -> memref<10000x128xf32, #tpu.memory_space<hbm>>
        tpu.enqueue_indirect_dma source(%dma_start3A_88 : memref<10000x128xf32, #tpu.memory_space<hbm>>) target(%arg11 : memref<125x128xf32, #tpu.memory_space<vmem>>) offsets(%dma_start3A_85 : memref<125xi32, #tpu.memory_space<vmem>>) semaphore(%arg15 : memref<!tpu.dma_semaphore, #tpu.memory_space<semaphore_mem>>)
      } else {
      }
      %eq3A_72 = arith.constant 1 : i32
      %eq3A_73 = arith.cmpi eq, %arg0, %eq3A_72 : i32
      %convert_element_type3A_74 = arith.extui %eq3A_73 : i1 to i32
      %cond3A_75 = arith.constant 0 : i32
      %cond3A_76 = arith.cmpi ne, %convert_element_type3A_74, %cond3A_75 : i32
      scf.if %cond3A_76 {
        %dma_start3A = arith.constant 1 : i32
        %dma_start3A_83 = arith.constant 0 : i32
        %dma_start3A_84 = tpu.memref_slice %arg8[%dma_start3A, %dma_start3A_83] : memref<40x125xi32, #tpu.memory_space<vmem>> -> memref<1x125xi32, #tpu.memory_space<vmem>>
        %dma_start3A_85 = tpu.memref_squeeze %dma_start3A_84 : memref<1x125xi32, #tpu.memory_space<vmem>> -> memref<125xi32, #tpu.memory_space<vmem>>
        %dma_start3A_86 = arith.constant 0 : i32
        %dma_start3A_87 = arith.constant 0 : i32
        %dma_start3A_88 = tpu.memref_slice %arg3[%dma_start3A_86, %dma_start3A_87] : memref<10000x128xf32, #tpu.memory_space<hbm>> -> memref<10000x128xf32, #tpu.memory_space<hbm>>
        tpu.enqueue_indirect_dma source(%dma_start3A_88 : memref<10000x128xf32, #tpu.memory_space<hbm>>) target(%arg11 : memref<125x128xf32, #tpu.memory_space<vmem>>) offsets(%dma_start3A_85 : memref<125xi32, #tpu.memory_space<vmem>>) semaphore(%arg15 : memref<!tpu.dma_semaphore, #tpu.memory_space<semaphore_mem>>)
      } else {
      }
      %scan3A_77 = arith.constant 0 : i32
      %scan3A_78 = arith.constant 0 : i32
      %scan3A_79 = arith.constant 40 : i32
      %scan3A_80 = arith.addi %scan3A_78, %scan3A_79 : i32
      %scan3A_81 = arith.constant 1 : i32
      scf.for %scan3A_83 = %scan3A_78 to %scan3A_80 step %scan3A_81  : i32 {
        %rem3A = arith.constant 2 : i32
        %rem3A_84 = arith.remsi %scan3A_83, %rem3A : i32
        %eq3A_85 = arith.constant 0 : i32
        %eq3A_86 = arith.cmpi eq, %rem3A_84, %eq3A_85 : i32
        %convert_element_type3A_87 = arith.extui %eq3A_86 : i1 to i32
        %cond3A_88 = arith.constant 0 : i32
        %cond3A_89 = arith.cmpi ne, %convert_element_type3A_87, %cond3A_88 : i32
        scf.if %cond3A_89 {
          %eq3A_97 = arith.constant 0 : i32
          %eq3A_98 = arith.cmpi eq, %arg0, %eq3A_97 : i32
          %convert_element_type3A_99 = arith.extui %eq3A_98 : i1 to i32
          %cond3A_100 = arith.constant 0 : i32
          %cond3A_101 = arith.cmpi ne, %convert_element_type3A_99, %cond3A_100 : i32
          scf.if %cond3A_101 {
            %dma_wait3A = arith.constant 0 : i32
            %dma_wait3A_113 = tpu.memref_slice %arg8[%scan3A_83, %dma_wait3A] : memref<40x125xi32, #tpu.memory_space<vmem>> -> memref<1x125xi32, #tpu.memory_space<vmem>>
            %dma_wait3A_114 = tpu.memref_squeeze %dma_wait3A_113 : memref<1x125xi32, #tpu.memory_space<vmem>> -> memref<125xi32, #tpu.memory_space<vmem>>
            %dma_wait3A_115 = arith.constant 0 : i32
            %dma_wait3A_116 = arith.constant 0 : i32
            %dma_wait3A_117 = tpu.memref_slice %arg2[%dma_wait3A_115, %dma_wait3A_116] : memref<10000x128xf32, #tpu.memory_space<hbm>> -> memref<10000x128xf32, #tpu.memory_space<hbm>>
            tpu.wait_indirect_dma semaphore(%arg14 : memref<!tpu.dma_semaphore, #tpu.memory_space<semaphore_mem>>) src(%dma_wait3A_117 : memref<10000x128xf32, #tpu.memory_space<hbm>>) dst(%arg10 : memref<125x128xf32, #tpu.memory_space<vmem>>)
          } else {
          }
          %eq3A_102 = arith.constant 1 : i32
          %eq3A_103 = arith.cmpi eq, %arg0, %eq3A_102 : i32
          %convert_element_type3A_104 = arith.extui %eq3A_103 : i1 to i32
          %cond3A_105 = arith.constant 0 : i32
          %cond3A_106 = arith.cmpi ne, %convert_element_type3A_104, %cond3A_105 : i32
          scf.if %cond3A_106 {
            %dma_wait3A = arith.constant 0 : i32
            %dma_wait3A_113 = tpu.memref_slice %arg8[%scan3A_83, %dma_wait3A] : memref<40x125xi32, #tpu.memory_space<vmem>> -> memref<1x125xi32, #tpu.memory_space<vmem>>
            %dma_wait3A_114 = tpu.memref_squeeze %dma_wait3A_113 : memref<1x125xi32, #tpu.memory_space<vmem>> -> memref<125xi32, #tpu.memory_space<vmem>>
            %dma_wait3A_115 = arith.constant 0 : i32
            %dma_wait3A_116 = arith.constant 0 : i32
            %dma_wait3A_117 = tpu.memref_slice %arg3[%dma_wait3A_115, %dma_wait3A_116] : memref<10000x128xf32, #tpu.memory_space<hbm>> -> memref<10000x128xf32, #tpu.memory_space<hbm>>
            tpu.wait_indirect_dma semaphore(%arg14 : memref<!tpu.dma_semaphore, #tpu.memory_space<semaphore_mem>>) src(%dma_wait3A_117 : memref<10000x128xf32, #tpu.memory_space<hbm>>) dst(%arg10 : memref<125x128xf32, #tpu.memory_space<vmem>>)
          } else {
          }
          "tpu.region"() ({
            %run_scoped3A = tpu.sem_alloc : memref<!tpu.dma_semaphore, #tpu.memory_space<semaphore_mem>>
            %dma_start3A = arith.constant 0 : i32
            %dma_start3A_113 = tpu.memref_slice %arg9[%scan3A_83, %dma_start3A] : memref<40x125xi32, #tpu.memory_space<vmem>> -> memref<1x125xi32, #tpu.memory_space<vmem>>
            %dma_start3A_114 = tpu.memref_squeeze %dma_start3A_113 : memref<1x125xi32, #tpu.memory_space<vmem>> -> memref<125xi32, #tpu.memory_space<vmem>>
            %dma_start3A_115 = arith.constant 0 : i32
            %dma_start3A_116 = arith.constant 0 : i32
            %dma_start3A_117 = tpu.memref_slice %arg13[%dma_start3A_115, %dma_start3A_116] : memref<10000x128xf32, #tpu.memory_space<vmem_shared>> -> memref<10000x128xf32, #tpu.memory_space<vmem_shared>>
            tpu.enqueue_indirect_dma source(%arg10 : memref<125x128xf32, #tpu.memory_space<vmem>>) target(%dma_start3A_117 : memref<10000x128xf32, #tpu.memory_space<vmem_shared>>) offsets(%dma_start3A_114 : memref<125xi32, #tpu.memory_space<vmem>>) semaphore(%run_scoped3A : memref<!tpu.dma_semaphore, #tpu.memory_space<semaphore_mem>>) {add = true}
            %dma_wait3A = arith.constant 0 : i32
            %dma_wait3A_118 = tpu.memref_slice %arg9[%scan3A_83, %dma_wait3A] : memref<40x125xi32, #tpu.memory_space<vmem>> -> memref<1x125xi32, #tpu.memory_space<vmem>>
            %dma_wait3A_119 = tpu.memref_squeeze %dma_wait3A_118 : memref<1x125xi32, #tpu.memory_space<vmem>> -> memref<125xi32, #tpu.memory_space<vmem>>
            %dma_wait3A_120 = arith.constant 0 : i32
            %dma_wait3A_121 = arith.constant 0 : i32
            %dma_wait3A_122 = tpu.memref_slice %arg13[%dma_wait3A_120, %dma_wait3A_121] : memref<10000x128xf32, #tpu.memory_space<vmem_shared>> -> memref<10000x128xf32, #tpu.memory_space<vmem_shared>>
            tpu.wait_indirect_dma semaphore(%run_scoped3A : memref<!tpu.dma_semaphore, #tpu.memory_space<semaphore_mem>>) src(%arg10 : memref<125x128xf32, #tpu.memory_space<vmem>>) dst(%dma_wait3A_122 : memref<10000x128xf32, #tpu.memory_space<vmem_shared>>)
            tpu.yield
          }) : () -> ()
          %add3A_107 = arith.constant 2 : i32
          %add3A_108 = arith.addi %scan3A_83, %add3A_107 : i32
          %lt3A = arith.constant 40 : i32
          %lt3A_109 = arith.cmpi slt, %add3A_108, %lt3A : i32
          %convert_element_type3A_110 = arith.extui %lt3A_109 : i1 to i32
          %cond3A_111 = arith.constant 0 : i32
          %cond3A_112 = arith.cmpi ne, %convert_element_type3A_110, %cond3A_111 : i32
          scf.if %cond3A_112 {
            %add3A_113 = arith.constant 2 : i32
            %add3A_114 = arith.addi %scan3A_83, %add3A_113 : i32
            %eq3A_115 = arith.constant 0 : i32
            %eq3A_116 = arith.cmpi eq, %arg0, %eq3A_115 : i32
            %convert_element_type3A_117 = arith.extui %eq3A_116 : i1 to i32
            %cond3A_118 = arith.constant 0 : i32
            %cond3A_119 = arith.cmpi ne, %convert_element_type3A_117, %cond3A_118 : i32
            scf.if %cond3A_119 {
              %dma_start3A = arith.constant 0 : i32
              %dma_start3A_125 = tpu.memref_slice %arg8[%add3A_114, %dma_start3A] : memref<40x125xi32, #tpu.memory_space<vmem>> -> memref<1x125xi32, #tpu.memory_space<vmem>>
              %dma_start3A_126 = tpu.memref_squeeze %dma_start3A_125 : memref<1x125xi32, #tpu.memory_space<vmem>> -> memref<125xi32, #tpu.memory_space<vmem>>
              %dma_start3A_127 = arith.constant 0 : i32
              %dma_start3A_128 = arith.constant 0 : i32
              %dma_start3A_129 = tpu.memref_slice %arg2[%dma_start3A_127, %dma_start3A_128] : memref<10000x128xf32, #tpu.memory_space<hbm>> -> memref<10000x128xf32, #tpu.memory_space<hbm>>
              tpu.enqueue_indirect_dma source(%dma_start3A_129 : memref<10000x128xf32, #tpu.memory_space<hbm>>) target(%arg10 : memref<125x128xf32, #tpu.memory_space<vmem>>) offsets(%dma_start3A_126 : memref<125xi32, #tpu.memory_space<vmem>>) semaphore(%arg14 : memref<!tpu.dma_semaphore, #tpu.memory_space<semaphore_mem>>)
            } else {
            }
            %eq3A_120 = arith.constant 1 : i32
            %eq3A_121 = arith.cmpi eq, %arg0, %eq3A_120 : i32
            %convert_element_type3A_122 = arith.extui %eq3A_121 : i1 to i32
            %cond3A_123 = arith.constant 0 : i32
            %cond3A_124 = arith.cmpi ne, %convert_element_type3A_122, %cond3A_123 : i32
            scf.if %cond3A_124 {
              %dma_start3A = arith.constant 0 : i32
              %dma_start3A_125 = tpu.memref_slice %arg8[%add3A_114, %dma_start3A] : memref<40x125xi32, #tpu.memory_space<vmem>> -> memref<1x125xi32, #tpu.memory_space<vmem>>
              %dma_start3A_126 = tpu.memref_squeeze %dma_start3A_125 : memref<1x125xi32, #tpu.memory_space<vmem>> -> memref<125xi32, #tpu.memory_space<vmem>>
              %dma_start3A_127 = arith.constant 0 : i32
              %dma_start3A_128 = arith.constant 0 : i32
              %dma_start3A_129 = tpu.memref_slice %arg3[%dma_start3A_127, %dma_start3A_128] : memref<10000x128xf32, #tpu.memory_space<hbm>> -> memref<10000x128xf32, #tpu.memory_space<hbm>>
              tpu.enqueue_indirect_dma source(%dma_start3A_129 : memref<10000x128xf32, #tpu.memory_space<hbm>>) target(%arg10 : memref<125x128xf32, #tpu.memory_space<vmem>>) offsets(%dma_start3A_126 : memref<125xi32, #tpu.memory_space<vmem>>) semaphore(%arg14 : memref<!tpu.dma_semaphore, #tpu.memory_space<semaphore_mem>>)
            } else {
            }
          } else {
          }
        } else {
        }
        %rem3A_90 = arith.constant 2 : i32
        %rem3A_91 = arith.remsi %scan3A_83, %rem3A_90 : i32
        %eq3A_92 = arith.constant 1 : i32
        %eq3A_93 = arith.cmpi eq, %rem3A_91, %eq3A_92 : i32
        %convert_element_type3A_94 = arith.extui %eq3A_93 : i1 to i32
        %cond3A_95 = arith.constant 0 : i32
        %cond3A_96 = arith.cmpi ne, %convert_element_type3A_94, %cond3A_95 : i32
        scf.if %cond3A_96 {
          %eq3A_97 = arith.constant 0 : i32
          %eq3A_98 = arith.cmpi eq, %arg0, %eq3A_97 : i32
          %convert_element_type3A_99 = arith.extui %eq3A_98 : i1 to i32
          %cond3A_100 = arith.constant 0 : i32
          %cond3A_101 = arith.cmpi ne, %convert_element_type3A_99, %cond3A_100 : i32
          scf.if %cond3A_101 {
            %dma_wait3A = arith.constant 0 : i32
            %dma_wait3A_113 = tpu.memref_slice %arg8[%scan3A_83, %dma_wait3A] : memref<40x125xi32, #tpu.memory_space<vmem>> -> memref<1x125xi32, #tpu.memory_space<vmem>>
            %dma_wait3A_114 = tpu.memref_squeeze %dma_wait3A_113 : memref<1x125xi32, #tpu.memory_space<vmem>> -> memref<125xi32, #tpu.memory_space<vmem>>
            %dma_wait3A_115 = arith.constant 0 : i32
            %dma_wait3A_116 = arith.constant 0 : i32
            %dma_wait3A_117 = tpu.memref_slice %arg2[%dma_wait3A_115, %dma_wait3A_116] : memref<10000x128xf32, #tpu.memory_space<hbm>> -> memref<10000x128xf32, #tpu.memory_space<hbm>>
            tpu.wait_indirect_dma semaphore(%arg15 : memref<!tpu.dma_semaphore, #tpu.memory_space<semaphore_mem>>) src(%dma_wait3A_117 : memref<10000x128xf32, #tpu.memory_space<hbm>>) dst(%arg11 : memref<125x128xf32, #tpu.memory_space<vmem>>)
          } else {
          }
          %eq3A_102 = arith.constant 1 : i32
          %eq3A_103 = arith.cmpi eq, %arg0, %eq3A_102 : i32
          %convert_element_type3A_104 = arith.extui %eq3A_103 : i1 to i32
          %cond3A_105 = arith.constant 0 : i32
          %cond3A_106 = arith.cmpi ne, %convert_element_type3A_104, %cond3A_105 : i32
          scf.if %cond3A_106 {
            %dma_wait3A = arith.constant 0 : i32
            %dma_wait3A_113 = tpu.memref_slice %arg8[%scan3A_83, %dma_wait3A] : memref<40x125xi32, #tpu.memory_space<vmem>> -> memref<1x125xi32, #tpu.memory_space<vmem>>
            %dma_wait3A_114 = tpu.memref_squeeze %dma_wait3A_113 : memref<1x125xi32, #tpu.memory_space<vmem>> -> memref<125xi32, #tpu.memory_space<vmem>>
            %dma_wait3A_115 = arith.constant 0 : i32
            %dma_wait3A_116 = arith.constant 0 : i32
            %dma_wait3A_117 = tpu.memref_slice %arg3[%dma_wait3A_115, %dma_wait3A_116] : memref<10000x128xf32, #tpu.memory_space<hbm>> -> memref<10000x128xf32, #tpu.memory_space<hbm>>
            tpu.wait_indirect_dma semaphore(%arg15 : memref<!tpu.dma_semaphore, #tpu.memory_space<semaphore_mem>>) src(%dma_wait3A_117 : memref<10000x128xf32, #tpu.memory_space<hbm>>) dst(%arg11 : memref<125x128xf32, #tpu.memory_space<vmem>>)
          } else {
          }
          "tpu.region"() ({
            %run_scoped3A = tpu.sem_alloc : memref<!tpu.dma_semaphore, #tpu.memory_space<semaphore_mem>>
            %dma_start3A = arith.constant 0 : i32
            %dma_start3A_113 = tpu.memref_slice %arg9[%scan3A_83, %dma_start3A] : memref<40x125xi32, #tpu.memory_space<vmem>> -> memref<1x125xi32, #tpu.memory_space<vmem>>
            %dma_start3A_114 = tpu.memref_squeeze %dma_start3A_113 : memref<1x125xi32, #tpu.memory_space<vmem>> -> memref<125xi32, #tpu.memory_space<vmem>>
            %dma_start3A_115 = arith.constant 0 : i32
            %dma_start3A_116 = arith.constant 0 : i32
            %dma_start3A_117 = tpu.memref_slice %arg13[%dma_start3A_115, %dma_start3A_116] : memref<10000x128xf32, #tpu.memory_space<vmem_shared>> -> memref<10000x128xf32, #tpu.memory_space<vmem_shared>>
            tpu.enqueue_indirect_dma source(%arg11 : memref<125x128xf32, #tpu.memory_space<vmem>>) target(%dma_start3A_117 : memref<10000x128xf32, #tpu.memory_space<vmem_shared>>) offsets(%dma_start3A_114 : memref<125xi32, #tpu.memory_space<vmem>>) semaphore(%run_scoped3A : memref<!tpu.dma_semaphore, #tpu.memory_space<semaphore_mem>>) {add = true}
            %dma_wait3A = arith.constant 0 : i32
            %dma_wait3A_118 = tpu.memref_slice %arg9[%scan3A_83, %dma_wait3A] : memref<40x125xi32, #tpu.memory_space<vmem>> -> memref<1x125xi32, #tpu.memory_space<vmem>>
            %dma_wait3A_119 = tpu.memref_squeeze %dma_wait3A_118 : memref<1x125xi32, #tpu.memory_space<vmem>> -> memref<125xi32, #tpu.memory_space<vmem>>
            %dma_wait3A_120 = arith.constant 0 : i32
            %dma_wait3A_121 = arith.constant 0 : i32
            %dma_wait3A_122 = tpu.memref_slice %arg13[%dma_wait3A_120, %dma_wait3A_121] : memref<10000x128xf32, #tpu.memory_space<vmem_shared>> -> memref<10000x128xf32, #tpu.memory_space<vmem_shared>>
            tpu.wait_indirect_dma semaphore(%run_scoped3A : memref<!tpu.dma_semaphore, #tpu.memory_space<semaphore_mem>>) src(%arg11 : memref<125x128xf32, #tpu.memory_space<vmem>>) dst(%dma_wait3A_122 : memref<10000x128xf32, #tpu.memory_space<vmem_shared>>)
            tpu.yield
          }) : () -> ()
          %add3A_107 = arith.constant 2 : i32
          %add3A_108 = arith.addi %scan3A_83, %add3A_107 : i32
          %lt3A = arith.constant 40 : i32
          %lt3A_109 = arith.cmpi slt, %add3A_108, %lt3A : i32
          %convert_element_type3A_110 = arith.extui %lt3A_109 : i1 to i32
          %cond3A_111 = arith.constant 0 : i32
          %cond3A_112 = arith.cmpi ne, %convert_element_type3A_110, %cond3A_111 : i32
          scf.if %cond3A_112 {
            %add3A_113 = arith.constant 2 : i32
            %add3A_114 = arith.addi %scan3A_83, %add3A_113 : i32
            %eq3A_115 = arith.constant 0 : i32
            %eq3A_116 = arith.cmpi eq, %arg0, %eq3A_115 : i32
            %convert_element_type3A_117 = arith.extui %eq3A_116 : i1 to i32
            %cond3A_118 = arith.constant 0 : i32
            %cond3A_119 = arith.cmpi ne, %convert_element_type3A_117, %cond3A_118 : i32
            scf.if %cond3A_119 {
              %dma_start3A = arith.constant 0 : i32
              %dma_start3A_125 = tpu.memref_slice %arg8[%add3A_114, %dma_start3A] : memref<40x125xi32, #tpu.memory_space<vmem>> -> memref<1x125xi32, #tpu.memory_space<vmem>>
              %dma_start3A_126 = tpu.memref_squeeze %dma_start3A_125 : memref<1x125xi32, #tpu.memory_space<vmem>> -> memref<125xi32, #tpu.memory_space<vmem>>
              %dma_start3A_127 = arith.constant 0 : i32
              %dma_start3A_128 = arith.constant 0 : i32
              %dma_start3A_129 = tpu.memref_slice %arg2[%dma_start3A_127, %dma_start3A_128] : memref<10000x128xf32, #tpu.memory_space<hbm>> -> memref<10000x128xf32, #tpu.memory_space<hbm>>
              tpu.enqueue_indirect_dma source(%dma_start3A_129 : memref<10000x128xf32, #tpu.memory_space<hbm>>) target(%arg11 : memref<125x128xf32, #tpu.memory_space<vmem>>) offsets(%dma_start3A_126 : memref<125xi32, #tpu.memory_space<vmem>>) semaphore(%arg15 : memref<!tpu.dma_semaphore, #tpu.memory_space<semaphore_mem>>)
            } else {
            }
            %eq3A_120 = arith.constant 1 : i32
            %eq3A_121 = arith.cmpi eq, %arg0, %eq3A_120 : i32
            %convert_element_type3A_122 = arith.extui %eq3A_121 : i1 to i32
            %cond3A_123 = arith.constant 0 : i32
            %cond3A_124 = arith.cmpi ne, %convert_element_type3A_122, %cond3A_123 : i32
            scf.if %cond3A_124 {
              %dma_start3A = arith.constant 0 : i32
              %dma_start3A_125 = tpu.memref_slice %arg8[%add3A_114, %dma_start3A] : memref<40x125xi32, #tpu.memory_space<vmem>> -> memref<1x125xi32, #tpu.memory_space<vmem>>
              %dma_start3A_126 = tpu.memref_squeeze %dma_start3A_125 : memref<1x125xi32, #tpu.memory_space<vmem>> -> memref<125xi32, #tpu.memory_space<vmem>>
              %dma_start3A_127 = arith.constant 0 : i32
              %dma_start3A_128 = arith.constant 0 : i32
              %dma_start3A_129 = tpu.memref_slice %arg3[%dma_start3A_127, %dma_start3A_128] : memref<10000x128xf32, #tpu.memory_space<hbm>> -> memref<10000x128xf32, #tpu.memory_space<hbm>>
              tpu.enqueue_indirect_dma source(%dma_start3A_129 : memref<10000x128xf32, #tpu.memory_space<hbm>>) target(%arg11 : memref<125x128xf32, #tpu.memory_space<vmem>>) offsets(%dma_start3A_126 : memref<125xi32, #tpu.memory_space<vmem>>) semaphore(%arg15 : memref<!tpu.dma_semaphore, #tpu.memory_space<semaphore_mem>>)
            } else {
            }
          } else {
          }
        } else {
        }
      }
      %scan3A_82 = arith.constant 40 : i32
    }
    %scan3A_25 = arith.constant 4 : i32
    %barrier3A_26 = arith.constant 0 : index
    tpu.barrier barrier_id(%barrier3A_26)
    %eq3A_27 = arith.constant 15 : i32
    %eq3A_28 = arith.cmpi eq, %arg1, %eq3A_27 : i32
    %eq3A_29 = arith.constant 0 : i32
    %eq3A_30 = arith.cmpi eq, %arg0, %eq3A_29 : i32
    %not3A = arith.constant true
    %not3A_31 = arith.xori %eq3A_28, %not3A : i1
    %and3A = arith.andi %eq3A_30, %not3A_31 : i1
    %convert_element_type3A = arith.extui %and3A : i1 to i32
    %cond3A = arith.constant 0 : i32
    %cond3A_32 = arith.cmpi ne, %convert_element_type3A, %cond3A : i32
    scf.if %cond3A_32 {
      "tpu.region"() ({
        %run_scoped3A = tpu.sem_alloc : memref<!tpu.dma_semaphore, #tpu.memory_space<semaphore_mem>>
        %dma_start3A = arith.constant 0 : i32
        %dma_start3A_53 = tpu.memref_slice %arg6[%mul3A_6, %dma_start3A] : memref<10000x128xf32, #tpu.memory_space<hbm>> -> memref<624x128xf32, #tpu.memory_space<hbm>>
        %dma_start3A_54 = arith.constant 0 : i32
        %dma_start3A_55 = tpu.memref_slice %arg13[%mul3A_6, %dma_start3A_54] : memref<10000x128xf32, #tpu.memory_space<vmem_shared>> -> memref<624x128xf32, #tpu.memory_space<vmem_shared>>
        tpu.enqueue_dma source(%dma_start3A_55 : memref<624x128xf32, #tpu.memory_space<vmem_shared>>) target(%dma_start3A_53 : memref<624x128xf32, #tpu.memory_space<hbm>>) target_semaphore(%run_scoped3A : memref<!tpu.dma_semaphore, #tpu.memory_space<semaphore_mem>>)
        %dma_wait3A = arith.constant 0 : i32
        %dma_wait3A_56 = tpu.memref_slice %arg6[%mul3A_6, %dma_wait3A] : memref<10000x128xf32, #tpu.memory_space<hbm>> -> memref<624x128xf32, #tpu.memory_space<hbm>>
        %dma_wait3A_57 = arith.constant 0 : i32
        %dma_wait3A_58 = tpu.memref_slice %arg13[%mul3A_6, %dma_wait3A_57] : memref<10000x128xf32, #tpu.memory_space<vmem_shared>> -> memref<624x128xf32, #tpu.memory_space<vmem_shared>>
        tpu.wait_dma2 semaphore(%run_scoped3A : memref<!tpu.dma_semaphore, #tpu.memory_space<semaphore_mem>>) src(%dma_wait3A_58 : memref<624x128xf32, #tpu.memory_space<vmem_shared>>) dst(%dma_wait3A_56 : memref<624x128xf32, #tpu.memory_space<hbm>>)
        tpu.yield
      }) : () -> ()
    } else {
    }
    %eq3A_33 = arith.constant 0 : i32
    %eq3A_34 = arith.cmpi eq, %arg0, %eq3A_33 : i32
    %and3A_35 = arith.andi %eq3A_34, %eq3A_28 : i1
    %convert_element_type3A_36 = arith.extui %and3A_35 : i1 to i32
    %cond3A_37 = arith.constant 0 : i32
    %cond3A_38 = arith.cmpi ne, %convert_element_type3A_36, %cond3A_37 : i32
    scf.if %cond3A_38 {
      "tpu.region"() ({
        %run_scoped3A = tpu.sem_alloc : memref<!tpu.dma_semaphore, #tpu.memory_space<semaphore_mem>>
        %dma_start3A = arith.constant 0 : i32
        %dma_start3A_53 = tpu.memref_slice %arg6[%mul3A_6, %dma_start3A] : memref<10000x128xf32, #tpu.memory_space<hbm>> -> memref<640x128xf32, #tpu.memory_space<hbm>>
        %dma_start3A_54 = arith.constant 0 : i32
        %dma_start3A_55 = tpu.memref_slice %arg13[%mul3A_6, %dma_start3A_54] : memref<10000x128xf32, #tpu.memory_space<vmem_shared>> -> memref<640x128xf32, #tpu.memory_space<vmem_shared>>
        tpu.enqueue_dma source(%dma_start3A_55 : memref<640x128xf32, #tpu.memory_space<vmem_shared>>) target(%dma_start3A_53 : memref<640x128xf32, #tpu.memory_space<hbm>>) target_semaphore(%run_scoped3A : memref<!tpu.dma_semaphore, #tpu.memory_space<semaphore_mem>>)
        %dma_wait3A = arith.constant 0 : i32
        %dma_wait3A_56 = tpu.memref_slice %arg6[%mul3A_6, %dma_wait3A] : memref<10000x128xf32, #tpu.memory_space<hbm>> -> memref<640x128xf32, #tpu.memory_space<hbm>>
        %dma_wait3A_57 = arith.constant 0 : i32
        %dma_wait3A_58 = tpu.memref_slice %arg13[%mul3A_6, %dma_wait3A_57] : memref<10000x128xf32, #tpu.memory_space<vmem_shared>> -> memref<640x128xf32, #tpu.memory_space<vmem_shared>>
        tpu.wait_dma2 semaphore(%run_scoped3A : memref<!tpu.dma_semaphore, #tpu.memory_space<semaphore_mem>>) src(%dma_wait3A_58 : memref<640x128xf32, #tpu.memory_space<vmem_shared>>) dst(%dma_wait3A_56 : memref<640x128xf32, #tpu.memory_space<hbm>>)
        tpu.yield
      }) : () -> ()
    } else {
    }
    %eq3A_39 = arith.constant 1 : i32
    %eq3A_40 = arith.cmpi eq, %arg0, %eq3A_39 : i32
    %not3A_41 = arith.constant true
    %not3A_42 = arith.xori %eq3A_28, %not3A_41 : i1
    %and3A_43 = arith.andi %eq3A_40, %not3A_42 : i1
    %convert_element_type3A_44 = arith.extui %and3A_43 : i1 to i32
    %cond3A_45 = arith.constant 0 : i32
    %cond3A_46 = arith.cmpi ne, %convert_element_type3A_44, %cond3A_45 : i32
    scf.if %cond3A_46 {
      "tpu.region"() ({
        %run_scoped3A = tpu.sem_alloc : memref<!tpu.dma_semaphore, #tpu.memory_space<semaphore_mem>>
        %dma_start3A = arith.constant 0 : i32
        %dma_start3A_53 = tpu.memref_slice %arg7[%mul3A_6, %dma_start3A] : memref<10000x128xf32, #tpu.memory_space<hbm>> -> memref<624x128xf32, #tpu.memory_space<hbm>>
        %dma_start3A_54 = arith.constant 0 : i32
        %dma_start3A_55 = tpu.memref_slice %arg13[%mul3A_6, %dma_start3A_54] : memref<10000x128xf32, #tpu.memory_space<vmem_shared>> -> memref<624x128xf32, #tpu.memory_space<vmem_shared>>
        tpu.enqueue_dma source(%dma_start3A_55 : memref<624x128xf32, #tpu.memory_space<vmem_shared>>) target(%dma_start3A_53 : memref<624x128xf32, #tpu.memory_space<hbm>>) target_semaphore(%run_scoped3A : memref<!tpu.dma_semaphore, #tpu.memory_space<semaphore_mem>>)
        %dma_wait3A = arith.constant 0 : i32
        %dma_wait3A_56 = tpu.memref_slice %arg7[%mul3A_6, %dma_wait3A] : memref<10000x128xf32, #tpu.memory_space<hbm>> -> memref<624x128xf32, #tpu.memory_space<hbm>>
        %dma_wait3A_57 = arith.constant 0 : i32
        %dma_wait3A_58 = tpu.memref_slice %arg13[%mul3A_6, %dma_wait3A_57] : memref<10000x128xf32, #tpu.memory_space<vmem_shared>> -> memref<624x128xf32, #tpu.memory_space<vmem_shared>>
        tpu.wait_dma2 semaphore(%run_scoped3A : memref<!tpu.dma_semaphore, #tpu.memory_space<semaphore_mem>>) src(%dma_wait3A_58 : memref<624x128xf32, #tpu.memory_space<vmem_shared>>) dst(%dma_wait3A_56 : memref<624x128xf32, #tpu.memory_space<hbm>>)
        tpu.yield
      }) : () -> ()
    } else {
    }
    %eq3A_47 = arith.constant 1 : i32
    %eq3A_48 = arith.cmpi eq, %arg0, %eq3A_47 : i32
    %and3A_49 = arith.andi %eq3A_48, %eq3A_28 : i1
    %convert_element_type3A_50 = arith.extui %and3A_49 : i1 to i32
    %cond3A_51 = arith.constant 0 : i32
    %cond3A_52 = arith.cmpi ne, %convert_element_type3A_50, %cond3A_51 : i32
    scf.if %cond3A_52 {
      "tpu.region"() ({
        %run_scoped3A = tpu.sem_alloc : memref<!tpu.dma_semaphore, #tpu.memory_space<semaphore_mem>>
        %dma_start3A = arith.constant 0 : i32
        %dma_start3A_53 = tpu.memref_slice %arg7[%mul3A_6, %dma_start3A] : memref<10000x128xf32, #tpu.memory_space<hbm>> -> memref<640x128xf32, #tpu.memory_space<hbm>>
        %dma_start3A_54 = arith.constant 0 : i32
        %dma_start3A_55 = tpu.memref_slice %arg13[%mul3A_6, %dma_start3A_54] : memref<10000x128xf32, #tpu.memory_space<vmem_shared>> -> memref<640x128xf32, #tpu.memory_space<vmem_shared>>
        tpu.enqueue_dma source(%dma_start3A_55 : memref<640x128xf32, #tpu.memory_space<vmem_shared>>) target(%dma_start3A_53 : memref<640x128xf32, #tpu.memory_space<hbm>>) target_semaphore(%run_scoped3A : memref<!tpu.dma_semaphore, #tpu.memory_space<semaphore_mem>>)
        %dma_wait3A = arith.constant 0 : i32
        %dma_wait3A_56 = tpu.memref_slice %arg7[%mul3A_6, %dma_wait3A] : memref<10000x128xf32, #tpu.memory_space<hbm>> -> memref<640x128xf32, #tpu.memory_space<hbm>>
        %dma_wait3A_57 = arith.constant 0 : i32
        %dma_wait3A_58 = tpu.memref_slice %arg13[%mul3A_6, %dma_wait3A_57] : memref<10000x128xf32, #tpu.memory_space<vmem_shared>> -> memref<640x128xf32, #tpu.memory_space<vmem_shared>>
        tpu.wait_dma2 semaphore(%run_scoped3A : memref<!tpu.dma_semaphore, #tpu.memory_space<semaphore_mem>>) src(%dma_wait3A_58 : memref<640x128xf32, #tpu.memory_space<vmem_shared>>) dst(%dma_wait3A_56 : memref<640x128xf32, #tpu.memory_space<hbm>>)
        tpu.yield
      }) : () -> ()
    } else {
    }
    return
  }
}

#map = affine_map<(d0, d1) -> (0, 0)>
module attributes {stable_mosaic.version = 14 : i64} {
  func.func @segsum(%arg0: i32, %arg1: i32, %arg2: memref<10000x128xf32, #tpu.memory_space<hbm>>, %arg3: memref<10000x128xf32, #tpu.memory_space<hbm>>, %arg4: memref<2560x125xi32, #tpu.memory_space<hbm>>, %arg5: memref<2560x125xi32, #tpu.memory_space<hbm>>, %arg6: memref<10000x128xf32, #tpu.memory_space<hbm>>, %arg7: memref<10000x128xf32, #tpu.memory_space<hbm>>, %arg8: memref<40x125xi32, #tpu.memory_space<vmem>>, %arg9: memref<40x125xi32, #tpu.memory_space<vmem>>, %arg10: memref<125x128xf32, #tpu.memory_space<vmem>>, %arg11: memref<125x128xf32, #tpu.memory_space<vmem>>, %arg12: memref<16x128xf32, #tpu.memory_space<vmem>>, %arg13: memref<10000x128xf32, #tpu.memory_space<vmem_shared>>, %arg14: memref<!tpu.dma_semaphore, #tpu.memory_space<semaphore_mem>>, %arg15: memref<!tpu.dma_semaphore, #tpu.memory_space<semaphore_mem>>) attributes {dimension_semantics = [#tpu.dimension_semantics<core_parallel>, #tpu.dimension_semantics<subcore_parallel>], iteration_bounds = array<i64: 2, 16>, scalar_prefetch = 0 : i64, scratch_operands = 8 : i64, tpu.core_type = #tpu.core_type<sc_vector_subcore>, window_params = [{transform_indices = #map}, {transform_indices = #map}, {transform_indices = #map}, {transform_indices = #map}, {transform_indices = #map}, {transform_indices = #map}]} {
    %broadcast_in_dim3A = arith.constant 0.000000e+00 : f32
    %broadcast_in_dim3A_0 = vector.broadcast %broadcast_in_dim3A : f32 to vector<16xf32>
    %scan3A = arith.constant 0 : i32
    %scan3A_1 = arith.constant 0 : i32
    %scan3A_2 = arith.constant 16 : i32
    %scan3A_3 = arith.addi %scan3A_1, %scan3A_2 : i32
    %scan3A_4 = arith.constant 1 : i32
    scf.for %scan3A_53 = %scan3A_1 to %scan3A_3 step %scan3A_4  : i32 {
      %swap3A = arith.index_cast %scan3A_53 : i32 to index
      %swap3A_54 = arith.constant 0 : index
      %swap3A_55 = tpu.vector_load %arg12[%swap3A, %swap3A_54] {strides = array<i32>} : memref<16x128xf32, #tpu.memory_space<vmem>>, vector<1x16xf32>,
      %swap3A_56 = vector.shape_cast %swap3A_55 : vector<1x16xf32> to vector<16xf32>
      %swap3A_57 = vector.shape_cast %broadcast_in_dim3A_0 : vector<16xf32> to vector<1x16xf32>
      tpu.vector_store %arg12[%swap3A, %swap3A_54], %swap3A_57 {strides = array<i32>} : memref<16x128xf32, #tpu.memory_space<vmem>>, vector<1x16xf32>,
      %swap3A_58 = arith.index_cast %scan3A_53 : i32 to index
      %swap3A_59 = arith.constant 16 : index
      %swap3A_60 = tpu.vector_load %arg12[%swap3A_58, %swap3A_59] {strides = array<i32>} : memref<16x128xf32, #tpu.memory_space<vmem>>, vector<1x16xf32>,
      %swap3A_61 = vector.shape_cast %swap3A_60 : vector<1x16xf32> to vector<16xf32>
      %swap3A_62 = vector.shape_cast %broadcast_in_dim3A_0 : vector<16xf32> to vector<1x16xf32>
      tpu.vector_store %arg12[%swap3A_58, %swap3A_59], %swap3A_62 {strides = array<i32>} : memref<16x128xf32, #tpu.memory_space<vmem>>, vector<1x16xf32>,
      %swap3A_63 = arith.index_cast %scan3A_53 : i32 to index
      %swap3A_64 = arith.constant 32 : index
      %swap3A_65 = tpu.vector_load %arg12[%swap3A_63, %swap3A_64] {strides = array<i32>} : memref<16x128xf32, #tpu.memory_space<vmem>>, vector<1x16xf32>,
      %swap3A_66 = vector.shape_cast %swap3A_65 : vector<1x16xf32> to vector<16xf32>
      %swap3A_67 = vector.shape_cast %broadcast_in_dim3A_0 : vector<16xf32> to vector<1x16xf32>
      tpu.vector_store %arg12[%swap3A_63, %swap3A_64], %swap3A_67 {strides = array<i32>} : memref<16x128xf32, #tpu.memory_space<vmem>>, vector<1x16xf32>,
      %swap3A_68 = arith.index_cast %scan3A_53 : i32 to index
      %swap3A_69 = arith.constant 48 : index
      %swap3A_70 = tpu.vector_load %arg12[%swap3A_68, %swap3A_69] {strides = array<i32>} : memref<16x128xf32, #tpu.memory_space<vmem>>, vector<1x16xf32>,
      %swap3A_71 = vector.shape_cast %swap3A_70 : vector<1x16xf32> to vector<16xf32>
      %swap3A_72 = vector.shape_cast %broadcast_in_dim3A_0 : vector<16xf32> to vector<1x16xf32>
      tpu.vector_store %arg12[%swap3A_68, %swap3A_69], %swap3A_72 {strides = array<i32>} : memref<16x128xf32, #tpu.memory_space<vmem>>, vector<1x16xf32>,
      %swap3A_73 = arith.index_cast %scan3A_53 : i32 to index
      %swap3A_74 = arith.constant 64 : index
      %swap3A_75 = tpu.vector_load %arg12[%swap3A_73, %swap3A_74] {strides = array<i32>} : memref<16x128xf32, #tpu.memory_space<vmem>>, vector<1x16xf32>,
      %swap3A_76 = vector.shape_cast %swap3A_75 : vector<1x16xf32> to vector<16xf32>
      %swap3A_77 = vector.shape_cast %broadcast_in_dim3A_0 : vector<16xf32> to vector<1x16xf32>
      tpu.vector_store %arg12[%swap3A_73, %swap3A_74], %swap3A_77 {strides = array<i32>} : memref<16x128xf32, #tpu.memory_space<vmem>>, vector<1x16xf32>,
      %swap3A_78 = arith.index_cast %scan3A_53 : i32 to index
      %swap3A_79 = arith.constant 80 : index
      %swap3A_80 = tpu.vector_load %arg12[%swap3A_78, %swap3A_79] {strides = array<i32>} : memref<16x128xf32, #tpu.memory_space<vmem>>, vector<1x16xf32>,
      %swap3A_81 = vector.shape_cast %swap3A_80 : vector<1x16xf32> to vector<16xf32>
      %swap3A_82 = vector.shape_cast %broadcast_in_dim3A_0 : vector<16xf32> to vector<1x16xf32>
      tpu.vector_store %arg12[%swap3A_78, %swap3A_79], %swap3A_82 {strides = array<i32>} : memref<16x128xf32, #tpu.memory_space<vmem>>, vector<1x16xf32>,
      %swap3A_83 = arith.index_cast %scan3A_53 : i32 to index
      %swap3A_84 = arith.constant 96 : index
      %swap3A_85 = tpu.vector_load %arg12[%swap3A_83, %swap3A_84] {strides = array<i32>} : memref<16x128xf32, #tpu.memory_space<vmem>>, vector<1x16xf32>,
      %swap3A_86 = vector.shape_cast %swap3A_85 : vector<1x16xf32> to vector<16xf32>
      %swap3A_87 = vector.shape_cast %broadcast_in_dim3A_0 : vector<16xf32> to vector<1x16xf32>
      tpu.vector_store %arg12[%swap3A_83, %swap3A_84], %swap3A_87 {strides = array<i32>} : memref<16x128xf32, #tpu.memory_space<vmem>>, vector<1x16xf32>,
      %swap3A_88 = arith.index_cast %scan3A_53 : i32 to index
      %swap3A_89 = arith.constant 112 : index
      %swap3A_90 = tpu.vector_load %arg12[%swap3A_88, %swap3A_89] {strides = array<i32>} : memref<16x128xf32, #tpu.memory_space<vmem>>, vector<1x16xf32>,
      %swap3A_91 = vector.shape_cast %swap3A_90 : vector<1x16xf32> to vector<16xf32>
      %swap3A_92 = vector.shape_cast %broadcast_in_dim3A_0 : vector<16xf32> to vector<1x16xf32>
      tpu.vector_store %arg12[%swap3A_88, %swap3A_89], %swap3A_92 {strides = array<i32>} : memref<16x128xf32, #tpu.memory_space<vmem>>, vector<1x16xf32>,
    }
    %scan3A_5 = arith.constant 16 : i32
    %mul3A = arith.constant 624 : i32
    %mul3A_6 = arith.muli %arg1, %mul3A : i32
    %eq3A = arith.constant 15 : i32
    %eq3A_7 = arith.cmpi eq, %arg1, %eq3A : i32
    %jit3A = arith.constant 40 : i32
    %jit3A_8 = arith.constant 39 : i32
    %select_n3A = arith.select %eq3A_7, %jit3A, %jit3A_8 : i32
    %while3A = arith.constant 0 : i32
    %while3A_9 = arith.constant 0 : i32
    %while3A_10 = arith.subi %select_n3A, %while3A_9 : i32
    %while3A_11 = arith.addi %while3A_9, %while3A_10 : i32
    %while3A_12 = arith.constant 1 : i32
    %while3A_13 = arith.divsi %while3A_10, %while3A_12 : i32
    %while3A_14 = arith.muli %while3A_13, %while3A_12 : i32
    %while3A_15 = arith.addi %while3A_9, %while3A_14 : i32
    %while3A_16 = arith.constant 1 : i32
    scf.for %while3A_53 = %while3A_9 to %while3A_15 step %while3A_16  : i32 {
      %mul3A_54 = arith.constant 16 : i32
      %mul3A_55 = arith.muli %while3A_53, %mul3A_54 : i32
      %add3A = arith.addi %mul3A_6, %mul3A_55 : i32
      "tpu.region"() ({
        %run_scoped3A = tpu.sem_alloc : memref<!tpu.dma_semaphore, #tpu.memory_space<semaphore_mem>>
        %dma_start3A = arith.constant 0 : i32
        %dma_start3A_56 = tpu.memref_slice %arg13[%add3A, %dma_start3A] : memref<10000x128xf32, #tpu.memory_space<vmem_shared>> -> memref<16x128xf32, #tpu.memory_space<vmem_shared>>
        %dma_start3A_57 = arith.constant 0 : i32
        %dma_start3A_58 = tpu.memref_slice %arg13[%add3A, %dma_start3A_57] : memref<10000x128xf32, #tpu.memory_space<vmem_shared>> -> memref<16x128xf32, #tpu.memory_space<vmem_shared>>
        tpu.enqueue_dma source(%arg12 : memref<16x128xf32, #tpu.memory_space<vmem>>) target(%dma_start3A_58 : memref<16x128xf32, #tpu.memory_space<vmem_shared>>) target_semaphore(%run_scoped3A : memref<!tpu.dma_semaphore, #tpu.memory_space<semaphore_mem>>)
        %dma_wait3A = arith.constant 0 : i32
        %dma_wait3A_59 = tpu.memref_slice %arg13[%add3A, %dma_wait3A] : memref<10000x128xf32, #tpu.memory_space<vmem_shared>> -> memref<16x128xf32, #tpu.memory_space<vmem_shared>>
        %dma_wait3A_60 = arith.constant 0 : i32
        %dma_wait3A_61 = tpu.memref_slice %arg13[%add3A, %dma_wait3A_60] : memref<10000x128xf32, #tpu.memory_space<vmem_shared>> -> memref<16x128xf32, #tpu.memory_space<vmem_shared>>
        tpu.wait_dma2 semaphore(%run_scoped3A : memref<!tpu.dma_semaphore, #tpu.memory_space<semaphore_mem>>) src(%arg12 : memref<16x128xf32, #tpu.memory_space<vmem>>) dst(%dma_wait3A_61 : memref<16x128xf32, #tpu.memory_space<vmem_shared>>)
        tpu.yield
      }) : () -> ()
    }
    %while3A_17 = arith.constant 1 : i32
    scf.for %while3A_53 = %while3A_15 to %while3A_11 step %while3A_17  : i32 {
      %mul3A_54 = arith.constant 16 : i32
      %mul3A_55 = arith.muli %while3A_53, %mul3A_54 : i32
      %add3A = arith.addi %mul3A_6, %mul3A_55 : i32
      "tpu.region"() ({
        %run_scoped3A = tpu.sem_alloc : memref<!tpu.dma_semaphore, #tpu.memory_space<semaphore_mem>>
        %dma_start3A = arith.constant 0 : i32
        %dma_start3A_56 = tpu.memref_slice %arg13[%add3A, %dma_start3A] : memref<10000x128xf32, #tpu.memory_space<vmem_shared>> -> memref<16x128xf32, #tpu.memory_space<vmem_shared>>
        %dma_start3A_57 = arith.constant 0 : i32
        %dma_start3A_58 = tpu.memref_slice %arg13[%add3A, %dma_start3A_57] : memref<10000x128xf32, #tpu.memory_space<vmem_shared>> -> memref<16x128xf32, #tpu.memory_space<vmem_shared>>
        tpu.enqueue_dma source(%arg12 : memref<16x128xf32, #tpu.memory_space<vmem>>) target(%dma_start3A_58 : memref<16x128xf32, #tpu.memory_space<vmem_shared>>) target_semaphore(%run_scoped3A : memref<!tpu.dma_semaphore, #tpu.memory_space<semaphore_mem>>)
        %dma_wait3A = arith.constant 0 : i32
        %dma_wait3A_59 = tpu.memref_slice %arg13[%add3A, %dma_wait3A] : memref<10000x128xf32, #tpu.memory_space<vmem_shared>> -> memref<16x128xf32, #tpu.memory_space<vmem_shared>>
        %dma_wait3A_60 = arith.constant 0 : i32
        %dma_wait3A_61 = tpu.memref_slice %arg13[%add3A, %dma_wait3A_60] : memref<10000x128xf32, #tpu.memory_space<vmem_shared>> -> memref<16x128xf32, #tpu.memory_space<vmem_shared>>
        tpu.wait_dma2 semaphore(%run_scoped3A : memref<!tpu.dma_semaphore, #tpu.memory_space<semaphore_mem>>) src(%arg12 : memref<16x128xf32, #tpu.memory_space<vmem>>) dst(%dma_wait3A_61 : memref<16x128xf32, #tpu.memory_space<vmem_shared>>)
        tpu.yield
      }) : () -> ()
    }
    %mul3A_18 = arith.constant 160 : i32
    %mul3A_19 = arith.muli %arg1, %mul3A_18 : i32
    %barrier3A = arith.constant 0 : index
    tpu.barrier barrier_id(%barrier3A)
    %scan3A_20 = arith.constant 0 : i32
    %scan3A_21 = arith.constant 0 : i32
    %scan3A_22 = arith.constant 4 : i32
    %scan3A_23 = arith.addi %scan3A_21, %scan3A_22 : i32
    %scan3A_24 = arith.constant 1 : i32
    scf.for %scan3A_53 = %scan3A_21 to %scan3A_23 step %scan3A_24  : i32 {
      %mul3A_54 = arith.constant 40 : i32
      %mul3A_55 = arith.muli %scan3A_53, %mul3A_54 : i32
      %add3A = arith.addi %mul3A_19, %mul3A_55 : i32
      "tpu.region"() ({
        %run_scoped3A = tpu.sem_alloc : memref<!tpu.dma_semaphore, #tpu.memory_space<semaphore_mem>>
        %dma_start3A = arith.constant 0 : i32
        %dma_start3A_83 = tpu.memref_slice %arg4[%add3A, %dma_start3A] : memref<2560x125xi32, #tpu.memory_space<hbm>> -> memref<40x125xi32, #tpu.memory_space<hbm>>
        %dma_start3A_84 = arith.constant 0 : i32
        %dma_start3A_85 = tpu.memref_slice %arg4[%add3A, %dma_start3A_84] : memref<2560x125xi32, #tpu.memory_space<hbm>> -> memref<40x125xi32, #tpu.memory_space<hbm>>
        tpu.enqueue_dma source(%dma_start3A_85 : memref<40x125xi32, #tpu.memory_space<hbm>>) target(%arg8 : memref<40x125xi32, #tpu.memory_space<vmem>>) target_semaphore(%run_scoped3A : memref<!tpu.dma_semaphore, #tpu.memory_space<semaphore_mem>>)
        %dma_wait3A = arith.constant 0 : i32
        %dma_wait3A_86 = tpu.memref_slice %arg4[%add3A, %dma_wait3A] : memref<2560x125xi32, #tpu.memory_space<hbm>> -> memref<40x125xi32, #tpu.memory_space<hbm>>
        %dma_wait3A_87 = arith.constant 0 : i32
        %dma_wait3A_88 = tpu.memref_slice %arg4[%add3A, %dma_wait3A_87] : memref<2560x125xi32, #tpu.memory_space<hbm>> -> memref<40x125xi32, #tpu.memory_space<hbm>>
        tpu.wait_dma2 semaphore(%run_scoped3A : memref<!tpu.dma_semaphore, #tpu.memory_space<semaphore_mem>>) src(%dma_wait3A_88 : memref<40x125xi32, #tpu.memory_space<hbm>>) dst(%arg8 : memref<40x125xi32, #tpu.memory_space<vmem>>)
        tpu.yield
      }) : () -> ()
      %add3A_56 = arith.addi %mul3A_19, %mul3A_55 : i32
      "tpu.region"() ({
        %run_scoped3A = tpu.sem_alloc : memref<!tpu.dma_semaphore, #tpu.memory_space<semaphore_mem>>
        %dma_start3A = arith.constant 0 : i32
        %dma_start3A_83 = tpu.memref_slice %arg5[%add3A_56, %dma_start3A] : memref<2560x125xi32, #tpu.memory_space<hbm>> -> memref<40x125xi32, #tpu.memory_space<hbm>>
        %dma_start3A_84 = arith.constant 0 : i32
        %dma_start3A_85 = tpu.memref_slice %arg5[%add3A_56, %dma_start3A_84] : memref<2560x125xi32, #tpu.memory_space<hbm>> -> memref<40x125xi32, #tpu.memory_space<hbm>>
        tpu.enqueue_dma source(%dma_start3A_85 : memref<40x125xi32, #tpu.memory_space<hbm>>) target(%arg9 : memref<40x125xi32, #tpu.memory_space<vmem>>) target_semaphore(%run_scoped3A : memref<!tpu.dma_semaphore, #tpu.memory_space<semaphore_mem>>)
        %dma_wait3A = arith.constant 0 : i32
        %dma_wait3A_86 = tpu.memref_slice %arg5[%add3A_56, %dma_wait3A] : memref<2560x125xi32, #tpu.memory_space<hbm>> -> memref<40x125xi32, #tpu.memory_space<hbm>>
        %dma_wait3A_87 = arith.constant 0 : i32
        %dma_wait3A_88 = tpu.memref_slice %arg5[%add3A_56, %dma_wait3A_87] : memref<2560x125xi32, #tpu.memory_space<hbm>> -> memref<40x125xi32, #tpu.memory_space<hbm>>
        tpu.wait_dma2 semaphore(%run_scoped3A : memref<!tpu.dma_semaphore, #tpu.memory_space<semaphore_mem>>) src(%dma_wait3A_88 : memref<40x125xi32, #tpu.memory_space<hbm>>) dst(%arg9 : memref<40x125xi32, #tpu.memory_space<vmem>>)
        tpu.yield
      }) : () -> ()
      %eq3A_57 = arith.constant 0 : i32
      %eq3A_58 = arith.cmpi eq, %arg0, %eq3A_57 : i32
      %convert_element_type3A_59 = arith.extui %eq3A_58 : i1 to i32
      %cond3A_60 = arith.constant 0 : i32
      %cond3A_61 = arith.cmpi ne, %convert_element_type3A_59, %cond3A_60 : i32
      scf.if %cond3A_61 {
        %dma_start3A = arith.constant 0 : i32
        %dma_start3A_83 = arith.constant 0 : i32
        %dma_start3A_84 = tpu.memref_slice %arg8[%dma_start3A, %dma_start3A_83] : memref<40x125xi32, #tpu.memory_space<vmem>> -> memref<1x125xi32, #tpu.memory_space<vmem>>
        %dma_start3A_85 = tpu.memref_squeeze %dma_start3A_84 : memref<1x125xi32, #tpu.memory_space<vmem>> -> memref<125xi32, #tpu.memory_space<vmem>>
        %dma_start3A_86 = arith.constant 0 : i32
        %dma_start3A_87 = arith.constant 0 : i32
        %dma_start3A_88 = tpu.memref_slice %arg2[%dma_start3A_86, %dma_start3A_87] : memref<10000x128xf32, #tpu.memory_space<hbm>> -> memref<10000x128xf32, #tpu.memory_space<hbm>>
        tpu.enqueue_indirect_dma source(%dma_start3A_88 : memref<10000x128xf32, #tpu.memory_space<hbm>>) target(%arg10 : memref<125x128xf32, #tpu.memory_space<vmem>>) offsets(%dma_start3A_85 : memref<125xi32, #tpu.memory_space<vmem>>) semaphore(%arg14 : memref<!tpu.dma_semaphore, #tpu.memory_space<semaphore_mem>>)
      } else {
      }
      %eq3A_62 = arith.constant 1 : i32
      %eq3A_63 = arith.cmpi eq, %arg0, %eq3A_62 : i32
      %convert_element_type3A_64 = arith.extui %eq3A_63 : i1 to i32
      %cond3A_65 = arith.constant 0 : i32
      %cond3A_66 = arith.cmpi ne, %convert_element_type3A_64, %cond3A_65 : i32
      scf.if %cond3A_66 {
        %dma_start3A = arith.constant 0 : i32
        %dma_start3A_83 = arith.constant 0 : i32
        %dma_start3A_84 = tpu.memref_slice %arg8[%dma_start3A, %dma_start3A_83] : memref<40x125xi32, #tpu.memory_space<vmem>> -> memref<1x125xi32, #tpu.memory_space<vmem>>
        %dma_start3A_85 = tpu.memref_squeeze %dma_start3A_84 : memref<1x125xi32, #tpu.memory_space<vmem>> -> memref<125xi32, #tpu.memory_space<vmem>>
        %dma_start3A_86 = arith.constant 0 : i32
        %dma_start3A_87 = arith.constant 0 : i32
        %dma_start3A_88 = tpu.memref_slice %arg3[%dma_start3A_86, %dma_start3A_87] : memref<10000x128xf32, #tpu.memory_space<hbm>> -> memref<10000x128xf32, #tpu.memory_space<hbm>>
        tpu.enqueue_indirect_dma source(%dma_start3A_88 : memref<10000x128xf32, #tpu.memory_space<hbm>>) target(%arg10 : memref<125x128xf32, #tpu.memory_space<vmem>>) offsets(%dma_start3A_85 : memref<125xi32, #tpu.memory_space<vmem>>) semaphore(%arg14 : memref<!tpu.dma_semaphore, #tpu.memory_space<semaphore_mem>>)
      } else {
      }
      %eq3A_67 = arith.constant 0 : i32
      %eq3A_68 = arith.cmpi eq, %arg0, %eq3A_67 : i32
      %convert_element_type3A_69 = arith.extui %eq3A_68 : i1 to i32
      %cond3A_70 = arith.constant 0 : i32
      %cond3A_71 = arith.cmpi ne, %convert_element_type3A_69, %cond3A_70 : i32
      scf.if %cond3A_71 {
        %dma_start3A = arith.constant 1 : i32
        %dma_start3A_83 = arith.constant 0 : i32
        %dma_start3A_84 = tpu.memref_slice %arg8[%dma_start3A, %dma_start3A_83] : memref<40x125xi32, #tpu.memory_space<vmem>> -> memref<1x125xi32, #tpu.memory_space<vmem>>
        %dma_start3A_85 = tpu.memref_squeeze %dma_start3A_84 : memref<1x125xi32, #tpu.memory_space<vmem>> -> memref<125xi32, #tpu.memory_space<vmem>>
        %dma_start3A_86 = arith.constant 0 : i32
        %dma_start3A_87 = arith.constant 0 : i32
        %dma_start3A_88 = tpu.memref_slice %arg2[%dma_start3A_86, %dma_start3A_87] : memref<10000x128xf32, #tpu.memory_space<hbm>> -> memref<10000x128xf32, #tpu.memory_space<hbm>>
        tpu.enqueue_indirect_dma source(%dma_start3A_88 : memref<10000x128xf32, #tpu.memory_space<hbm>>) target(%arg11 : memref<125x128xf32, #tpu.memory_space<vmem>>) offsets(%dma_start3A_85 : memref<125xi32, #tpu.memory_space<vmem>>) semaphore(%arg15 : memref<!tpu.dma_semaphore, #tpu.memory_space<semaphore_mem>>)
      } else {
      }
      %eq3A_72 = arith.constant 1 : i32
      %eq3A_73 = arith.cmpi eq, %arg0, %eq3A_72 : i32
      %convert_element_type3A_74 = arith.extui %eq3A_73 : i1 to i32
      %cond3A_75 = arith.constant 0 : i32
      %cond3A_76 = arith.cmpi ne, %convert_element_type3A_74, %cond3A_75 : i32
      scf.if %cond3A_76 {
        %dma_start3A = arith.constant 1 : i32
        %dma_start3A_83 = arith.constant 0 : i32
        %dma_start3A_84 = tpu.memref_slice %arg8[%dma_start3A, %dma_start3A_83] : memref<40x125xi32, #tpu.memory_space<vmem>> -> memref<1x125xi32, #tpu.memory_space<vmem>>
        %dma_start3A_85 = tpu.memref_squeeze %dma_start3A_84 : memref<1x125xi32, #tpu.memory_space<vmem>> -> memref<125xi32, #tpu.memory_space<vmem>>
        %dma_start3A_86 = arith.constant 0 : i32
        %dma_start3A_87 = arith.constant 0 : i32
        %dma_start3A_88 = tpu.memref_slice %arg3[%dma_start3A_86, %dma_start3A_87] : memref<10000x128xf32, #tpu.memory_space<hbm>> -> memref<10000x128xf32, #tpu.memory_space<hbm>>
        tpu.enqueue_indirect_dma source(%dma_start3A_88 : memref<10000x128xf32, #tpu.memory_space<hbm>>) target(%arg11 : memref<125x128xf32, #tpu.memory_space<vmem>>) offsets(%dma_start3A_85 : memref<125xi32, #tpu.memory_space<vmem>>) semaphore(%arg15 : memref<!tpu.dma_semaphore, #tpu.memory_space<semaphore_mem>>)
      } else {
      }
      %scan3A_77 = arith.constant 0 : i32
      %scan3A_78 = arith.constant 0 : i32
      %scan3A_79 = arith.constant 40 : i32
      %scan3A_80 = arith.addi %scan3A_78, %scan3A_79 : i32
      %scan3A_81 = arith.constant 1 : i32
      scf.for %scan3A_83 = %scan3A_78 to %scan3A_80 step %scan3A_81  : i32 {
        %rem3A = arith.constant 2 : i32
        %rem3A_84 = arith.remsi %scan3A_83, %rem3A : i32
        %eq3A_85 = arith.constant 0 : i32
        %eq3A_86 = arith.cmpi eq, %rem3A_84, %eq3A_85 : i32
        %convert_element_type3A_87 = arith.extui %eq3A_86 : i1 to i32
        %cond3A_88 = arith.constant 0 : i32
        %cond3A_89 = arith.cmpi ne, %convert_element_type3A_87, %cond3A_88 : i32
        scf.if %cond3A_89 {
          %eq3A_97 = arith.constant 0 : i32
          %eq3A_98 = arith.cmpi eq, %arg0, %eq3A_97 : i32
          %convert_element_type3A_99 = arith.extui %eq3A_98 : i1 to i32
          %cond3A_100 = arith.constant 0 : i32
          %cond3A_101 = arith.cmpi ne, %convert_element_type3A_99, %cond3A_100 : i32
          scf.if %cond3A_101 {
            %dma_wait3A = arith.constant 0 : i32
            %dma_wait3A_113 = tpu.memref_slice %arg8[%scan3A_83, %dma_wait3A] : memref<40x125xi32, #tpu.memory_space<vmem>> -> memref<1x125xi32, #tpu.memory_space<vmem>>
            %dma_wait3A_114 = tpu.memref_squeeze %dma_wait3A_113 : memref<1x125xi32, #tpu.memory_space<vmem>> -> memref<125xi32, #tpu.memory_space<vmem>>
            %dma_wait3A_115 = arith.constant 0 : i32
            %dma_wait3A_116 = arith.constant 0 : i32
            %dma_wait3A_117 = tpu.memref_slice %arg2[%dma_wait3A_115, %dma_wait3A_116] : memref<10000x128xf32, #tpu.memory_space<hbm>> -> memref<10000x128xf32, #tpu.memory_space<hbm>>
            tpu.wait_indirect_dma semaphore(%arg14 : memref<!tpu.dma_semaphore, #tpu.memory_space<semaphore_mem>>) src(%dma_wait3A_117 : memref<10000x128xf32, #tpu.memory_space<hbm>>) dst(%arg10 : memref<125x128xf32, #tpu.memory_space<vmem>>)
          } else {
          }
          %eq3A_102 = arith.constant 1 : i32
          %eq3A_103 = arith.cmpi eq, %arg0, %eq3A_102 : i32
          %convert_element_type3A_104 = arith.extui %eq3A_103 : i1 to i32
          %cond3A_105 = arith.constant 0 : i32
          %cond3A_106 = arith.cmpi ne, %convert_element_type3A_104, %cond3A_105 : i32
          scf.if %cond3A_106 {
            %dma_wait3A = arith.constant 0 : i32
            %dma_wait3A_113 = tpu.memref_slice %arg8[%scan3A_83, %dma_wait3A] : memref<40x125xi32, #tpu.memory_space<vmem>> -> memref<1x125xi32, #tpu.memory_space<vmem>>
            %dma_wait3A_114 = tpu.memref_squeeze %dma_wait3A_113 : memref<1x125xi32, #tpu.memory_space<vmem>> -> memref<125xi32, #tpu.memory_space<vmem>>
            %dma_wait3A_115 = arith.constant 0 : i32
            %dma_wait3A_116 = arith.constant 0 : i32
            %dma_wait3A_117 = tpu.memref_slice %arg3[%dma_wait3A_115, %dma_wait3A_116] : memref<10000x128xf32, #tpu.memory_space<hbm>> -> memref<10000x128xf32, #tpu.memory_space<hbm>>
            tpu.wait_indirect_dma semaphore(%arg14 : memref<!tpu.dma_semaphore, #tpu.memory_space<semaphore_mem>>) src(%dma_wait3A_117 : memref<10000x128xf32, #tpu.memory_space<hbm>>) dst(%arg10 : memref<125x128xf32, #tpu.memory_space<vmem>>)
          } else {
          }
          "tpu.region"() ({
            %run_scoped3A = tpu.sem_alloc : memref<!tpu.dma_semaphore, #tpu.memory_space<semaphore_mem>>
            %dma_start3A = arith.constant 0 : i32
            %dma_start3A_113 = tpu.memref_slice %arg9[%scan3A_83, %dma_start3A] : memref<40x125xi32, #tpu.memory_space<vmem>> -> memref<1x125xi32, #tpu.memory_space<vmem>>
            %dma_start3A_114 = tpu.memref_squeeze %dma_start3A_113 : memref<1x125xi32, #tpu.memory_space<vmem>> -> memref<125xi32, #tpu.memory_space<vmem>>
            %dma_start3A_115 = arith.constant 0 : i32
            %dma_start3A_116 = arith.constant 0 : i32
            %dma_start3A_117 = tpu.memref_slice %arg13[%dma_start3A_115, %dma_start3A_116] : memref<10000x128xf32, #tpu.memory_space<vmem_shared>> -> memref<10000x128xf32, #tpu.memory_space<vmem_shared>>
            tpu.enqueue_indirect_dma source(%arg10 : memref<125x128xf32, #tpu.memory_space<vmem>>) target(%dma_start3A_117 : memref<10000x128xf32, #tpu.memory_space<vmem_shared>>) offsets(%dma_start3A_114 : memref<125xi32, #tpu.memory_space<vmem>>) semaphore(%run_scoped3A : memref<!tpu.dma_semaphore, #tpu.memory_space<semaphore_mem>>) {add = true}
            %dma_wait3A = arith.constant 0 : i32
            %dma_wait3A_118 = tpu.memref_slice %arg9[%scan3A_83, %dma_wait3A] : memref<40x125xi32, #tpu.memory_space<vmem>> -> memref<1x125xi32, #tpu.memory_space<vmem>>
            %dma_wait3A_119 = tpu.memref_squeeze %dma_wait3A_118 : memref<1x125xi32, #tpu.memory_space<vmem>> -> memref<125xi32, #tpu.memory_space<vmem>>
            %dma_wait3A_120 = arith.constant 0 : i32
            %dma_wait3A_121 = arith.constant 0 : i32
            %dma_wait3A_122 = tpu.memref_slice %arg13[%dma_wait3A_120, %dma_wait3A_121] : memref<10000x128xf32, #tpu.memory_space<vmem_shared>> -> memref<10000x128xf32, #tpu.memory_space<vmem_shared>>
            tpu.wait_indirect_dma semaphore(%run_scoped3A : memref<!tpu.dma_semaphore, #tpu.memory_space<semaphore_mem>>) src(%arg10 : memref<125x128xf32, #tpu.memory_space<vmem>>) dst(%dma_wait3A_122 : memref<10000x128xf32, #tpu.memory_space<vmem_shared>>)
            tpu.yield
          }) : () -> ()
          %add3A_107 = arith.constant 2 : i32
          %add3A_108 = arith.addi %scan3A_83, %add3A_107 : i32
          %lt3A = arith.constant 40 : i32
          %lt3A_109 = arith.cmpi slt, %add3A_108, %lt3A : i32
          %convert_element_type3A_110 = arith.extui %lt3A_109 : i1 to i32
          %cond3A_111 = arith.constant 0 : i32
          %cond3A_112 = arith.cmpi ne, %convert_element_type3A_110, %cond3A_111 : i32
          scf.if %cond3A_112 {
            %add3A_113 = arith.constant 2 : i32
            %add3A_114 = arith.addi %scan3A_83, %add3A_113 : i32
            %eq3A_115 = arith.constant 0 : i32
            %eq3A_116 = arith.cmpi eq, %arg0, %eq3A_115 : i32
            %convert_element_type3A_117 = arith.extui %eq3A_116 : i1 to i32
            %cond3A_118 = arith.constant 0 : i32
            %cond3A_119 = arith.cmpi ne, %convert_element_type3A_117, %cond3A_118 : i32
            scf.if %cond3A_119 {
              %dma_start3A = arith.constant 0 : i32
              %dma_start3A_125 = tpu.memref_slice %arg8[%add3A_114, %dma_start3A] : memref<40x125xi32, #tpu.memory_space<vmem>> -> memref<1x125xi32, #tpu.memory_space<vmem>>
              %dma_start3A_126 = tpu.memref_squeeze %dma_start3A_125 : memref<1x125xi32, #tpu.memory_space<vmem>> -> memref<125xi32, #tpu.memory_space<vmem>>
              %dma_start3A_127 = arith.constant 0 : i32
              %dma_start3A_128 = arith.constant 0 : i32
              %dma_start3A_129 = tpu.memref_slice %arg2[%dma_start3A_127, %dma_start3A_128] : memref<10000x128xf32, #tpu.memory_space<hbm>> -> memref<10000x128xf32, #tpu.memory_space<hbm>>
              tpu.enqueue_indirect_dma source(%dma_start3A_129 : memref<10000x128xf32, #tpu.memory_space<hbm>>) target(%arg10 : memref<125x128xf32, #tpu.memory_space<vmem>>) offsets(%dma_start3A_126 : memref<125xi32, #tpu.memory_space<vmem>>) semaphore(%arg14 : memref<!tpu.dma_semaphore, #tpu.memory_space<semaphore_mem>>)
            } else {
            }
            %eq3A_120 = arith.constant 1 : i32
            %eq3A_121 = arith.cmpi eq, %arg0, %eq3A_120 : i32
            %convert_element_type3A_122 = arith.extui %eq3A_121 : i1 to i32
            %cond3A_123 = arith.constant 0 : i32
            %cond3A_124 = arith.cmpi ne, %convert_element_type3A_122, %cond3A_123 : i32
            scf.if %cond3A_124 {
              %dma_start3A = arith.constant 0 : i32
              %dma_start3A_125 = tpu.memref_slice %arg8[%add3A_114, %dma_start3A] : memref<40x125xi32, #tpu.memory_space<vmem>> -> memref<1x125xi32, #tpu.memory_space<vmem>>
              %dma_start3A_126 = tpu.memref_squeeze %dma_start3A_125 : memref<1x125xi32, #tpu.memory_space<vmem>> -> memref<125xi32, #tpu.memory_space<vmem>>
              %dma_start3A_127 = arith.constant 0 : i32
              %dma_start3A_128 = arith.constant 0 : i32
              %dma_start3A_129 = tpu.memref_slice %arg3[%dma_start3A_127, %dma_start3A_128] : memref<10000x128xf32, #tpu.memory_space<hbm>> -> memref<10000x128xf32, #tpu.memory_space<hbm>>
              tpu.enqueue_indirect_dma source(%dma_start3A_129 : memref<10000x128xf32, #tpu.memory_space<hbm>>) target(%arg10 : memref<125x128xf32, #tpu.memory_space<vmem>>) offsets(%dma_start3A_126 : memref<125xi32, #tpu.memory_space<vmem>>) semaphore(%arg14 : memref<!tpu.dma_semaphore, #tpu.memory_space<semaphore_mem>>)
            } else {
            }
          } else {
          }
        } else {
        }
        %rem3A_90 = arith.constant 2 : i32
        %rem3A_91 = arith.remsi %scan3A_83, %rem3A_90 : i32
        %eq3A_92 = arith.constant 1 : i32
        %eq3A_93 = arith.cmpi eq, %rem3A_91, %eq3A_92 : i32
        %convert_element_type3A_94 = arith.extui %eq3A_93 : i1 to i32
        %cond3A_95 = arith.constant 0 : i32
        %cond3A_96 = arith.cmpi ne, %convert_element_type3A_94, %cond3A_95 : i32
        scf.if %cond3A_96 {
          %eq3A_97 = arith.constant 0 : i32
          %eq3A_98 = arith.cmpi eq, %arg0, %eq3A_97 : i32
          %convert_element_type3A_99 = arith.extui %eq3A_98 : i1 to i32
          %cond3A_100 = arith.constant 0 : i32
          %cond3A_101 = arith.cmpi ne, %convert_element_type3A_99, %cond3A_100 : i32
          scf.if %cond3A_101 {
            %dma_wait3A = arith.constant 0 : i32
            %dma_wait3A_113 = tpu.memref_slice %arg8[%scan3A_83, %dma_wait3A] : memref<40x125xi32, #tpu.memory_space<vmem>> -> memref<1x125xi32, #tpu.memory_space<vmem>>
            %dma_wait3A_114 = tpu.memref_squeeze %dma_wait3A_113 : memref<1x125xi32, #tpu.memory_space<vmem>> -> memref<125xi32, #tpu.memory_space<vmem>>
            %dma_wait3A_115 = arith.constant 0 : i32
            %dma_wait3A_116 = arith.constant 0 : i32
            %dma_wait3A_117 = tpu.memref_slice %arg2[%dma_wait3A_115, %dma_wait3A_116] : memref<10000x128xf32, #tpu.memory_space<hbm>> -> memref<10000x128xf32, #tpu.memory_space<hbm>>
            tpu.wait_indirect_dma semaphore(%arg15 : memref<!tpu.dma_semaphore, #tpu.memory_space<semaphore_mem>>) src(%dma_wait3A_117 : memref<10000x128xf32, #tpu.memory_space<hbm>>) dst(%arg11 : memref<125x128xf32, #tpu.memory_space<vmem>>)
          } else {
          }
          %eq3A_102 = arith.constant 1 : i32
          %eq3A_103 = arith.cmpi eq, %arg0, %eq3A_102 : i32
          %convert_element_type3A_104 = arith.extui %eq3A_103 : i1 to i32
          %cond3A_105 = arith.constant 0 : i32
          %cond3A_106 = arith.cmpi ne, %convert_element_type3A_104, %cond3A_105 : i32
          scf.if %cond3A_106 {
            %dma_wait3A = arith.constant 0 : i32
            %dma_wait3A_113 = tpu.memref_slice %arg8[%scan3A_83, %dma_wait3A] : memref<40x125xi32, #tpu.memory_space<vmem>> -> memref<1x125xi32, #tpu.memory_space<vmem>>
            %dma_wait3A_114 = tpu.memref_squeeze %dma_wait3A_113 : memref<1x125xi32, #tpu.memory_space<vmem>> -> memref<125xi32, #tpu.memory_space<vmem>>
            %dma_wait3A_115 = arith.constant 0 : i32
            %dma_wait3A_116 = arith.constant 0 : i32
            %dma_wait3A_117 = tpu.memref_slice %arg3[%dma_wait3A_115, %dma_wait3A_116] : memref<10000x128xf32, #tpu.memory_space<hbm>> -> memref<10000x128xf32, #tpu.memory_space<hbm>>
            tpu.wait_indirect_dma semaphore(%arg15 : memref<!tpu.dma_semaphore, #tpu.memory_space<semaphore_mem>>) src(%dma_wait3A_117 : memref<10000x128xf32, #tpu.memory_space<hbm>>) dst(%arg11 : memref<125x128xf32, #tpu.memory_space<vmem>>)
          } else {
          }
          "tpu.region"() ({
            %run_scoped3A = tpu.sem_alloc : memref<!tpu.dma_semaphore, #tpu.memory_space<semaphore_mem>>
            %dma_start3A = arith.constant 0 : i32
            %dma_start3A_113 = tpu.memref_slice %arg9[%scan3A_83, %dma_start3A] : memref<40x125xi32, #tpu.memory_space<vmem>> -> memref<1x125xi32, #tpu.memory_space<vmem>>
            %dma_start3A_114 = tpu.memref_squeeze %dma_start3A_113 : memref<1x125xi32, #tpu.memory_space<vmem>> -> memref<125xi32, #tpu.memory_space<vmem>>
            %dma_start3A_115 = arith.constant 0 : i32
            %dma_start3A_116 = arith.constant 0 : i32
            %dma_start3A_117 = tpu.memref_slice %arg13[%dma_start3A_115, %dma_start3A_116] : memref<10000x128xf32, #tpu.memory_space<vmem_shared>> -> memref<10000x128xf32, #tpu.memory_space<vmem_shared>>
            tpu.enqueue_indirect_dma source(%arg11 : memref<125x128xf32, #tpu.memory_space<vmem>>) target(%dma_start3A_117 : memref<10000x128xf32, #tpu.memory_space<vmem_shared>>) offsets(%dma_start3A_114 : memref<125xi32, #tpu.memory_space<vmem>>) semaphore(%run_scoped3A : memref<!tpu.dma_semaphore, #tpu.memory_space<semaphore_mem>>) {add = true}
            %dma_wait3A = arith.constant 0 : i32
            %dma_wait3A_118 = tpu.memref_slice %arg9[%scan3A_83, %dma_wait3A] : memref<40x125xi32, #tpu.memory_space<vmem>> -> memref<1x125xi32, #tpu.memory_space<vmem>>
            %dma_wait3A_119 = tpu.memref_squeeze %dma_wait3A_118 : memref<1x125xi32, #tpu.memory_space<vmem>> -> memref<125xi32, #tpu.memory_space<vmem>>
            %dma_wait3A_120 = arith.constant 0 : i32
            %dma_wait3A_121 = arith.constant 0 : i32
            %dma_wait3A_122 = tpu.memref_slice %arg13[%dma_wait3A_120, %dma_wait3A_121] : memref<10000x128xf32, #tpu.memory_space<vmem_shared>> -> memref<10000x128xf32, #tpu.memory_space<vmem_shared>>
            tpu.wait_indirect_dma semaphore(%run_scoped3A : memref<!tpu.dma_semaphore, #tpu.memory_space<semaphore_mem>>) src(%arg11 : memref<125x128xf32, #tpu.memory_space<vmem>>) dst(%dma_wait3A_122 : memref<10000x128xf32, #tpu.memory_space<vmem_shared>>)
            tpu.yield
          }) : () -> ()
          %add3A_107 = arith.constant 2 : i32
          %add3A_108 = arith.addi %scan3A_83, %add3A_107 : i32
          %lt3A = arith.constant 40 : i32
          %lt3A_109 = arith.cmpi slt, %add3A_108, %lt3A : i32
          %convert_element_type3A_110 = arith.extui %lt3A_109 : i1 to i32
          %cond3A_111 = arith.constant 0 : i32
          %cond3A_112 = arith.cmpi ne, %convert_element_type3A_110, %cond3A_111 : i32
          scf.if %cond3A_112 {
            %add3A_113 = arith.constant 2 : i32
            %add3A_114 = arith.addi %scan3A_83, %add3A_113 : i32
            %eq3A_115 = arith.constant 0 : i32
            %eq3A_116 = arith.cmpi eq, %arg0, %eq3A_115 : i32
            %convert_element_type3A_117 = arith.extui %eq3A_116 : i1 to i32
            %cond3A_118 = arith.constant 0 : i32
            %cond3A_119 = arith.cmpi ne, %convert_element_type3A_117, %cond3A_118 : i32
            scf.if %cond3A_119 {
              %dma_start3A = arith.constant 0 : i32
              %dma_start3A_125 = tpu.memref_slice %arg8[%add3A_114, %dma_start3A] : memref<40x125xi32, #tpu.memory_space<vmem>> -> memref<1x125xi32, #tpu.memory_space<vmem>>
              %dma_start3A_126 = tpu.memref_squeeze %dma_start3A_125 : memref<1x125xi32, #tpu.memory_space<vmem>> -> memref<125xi32, #tpu.memory_space<vmem>>
              %dma_start3A_127 = arith.constant 0 : i32
              %dma_start3A_128 = arith.constant 0 : i32
              %dma_start3A_129 = tpu.memref_slice %arg2[%dma_start3A_127, %dma_start3A_128] : memref<10000x128xf32, #tpu.memory_space<hbm>> -> memref<10000x128xf32, #tpu.memory_space<hbm>>
              tpu.enqueue_indirect_dma source(%dma_start3A_129 : memref<10000x128xf32, #tpu.memory_space<hbm>>) target(%arg11 : memref<125x128xf32, #tpu.memory_space<vmem>>) offsets(%dma_start3A_126 : memref<125xi32, #tpu.memory_space<vmem>>) semaphore(%arg15 : memref<!tpu.dma_semaphore, #tpu.memory_space<semaphore_mem>>)
            } else {
            }
            %eq3A_120 = arith.constant 1 : i32
            %eq3A_121 = arith.cmpi eq, %arg0, %eq3A_120 : i32
            %convert_element_type3A_122 = arith.extui %eq3A_121 : i1 to i32
            %cond3A_123 = arith.constant 0 : i32
            %cond3A_124 = arith.cmpi ne, %convert_element_type3A_122, %cond3A_123 : i32
            scf.if %cond3A_124 {
              %dma_start3A = arith.constant 0 : i32
              %dma_start3A_125 = tpu.memref_slice %arg8[%add3A_114, %dma_start3A] : memref<40x125xi32, #tpu.memory_space<vmem>> -> memref<1x125xi32, #tpu.memory_space<vmem>>
              %dma_start3A_126 = tpu.memref_squeeze %dma_start3A_125 : memref<1x125xi32, #tpu.memory_space<vmem>> -> memref<125xi32, #tpu.memory_space<vmem>>
              %dma_start3A_127 = arith.constant 0 : i32
              %dma_start3A_128 = arith.constant 0 : i32
              %dma_start3A_129 = tpu.memref_slice %arg3[%dma_start3A_127, %dma_start3A_128] : memref<10000x128xf32, #tpu.memory_space<hbm>> -> memref<10000x128xf32, #tpu.memory_space<hbm>>
              tpu.enqueue_indirect_dma source(%dma_start3A_129 : memref<10000x128xf32, #tpu.memory_space<hbm>>) target(%arg11 : memref<125x128xf32, #tpu.memory_space<vmem>>) offsets(%dma_start3A_126 : memref<125xi32, #tpu.memory_space<vmem>>) semaphore(%arg15 : memref<!tpu.dma_semaphore, #tpu.memory_space<semaphore_mem>>)
            } else {
            }
          } else {
          }
        } else {
        }
      }
      %scan3A_82 = arith.constant 40 : i32
    }
    %scan3A_25 = arith.constant 4 : i32
    %barrier3A_26 = arith.constant 0 : index
    tpu.barrier barrier_id(%barrier3A_26)
    %eq3A_27 = arith.constant 15 : i32
    %eq3A_28 = arith.cmpi eq, %arg1, %eq3A_27 : i32
    %eq3A_29 = arith.constant 0 : i32
    %eq3A_30 = arith.cmpi eq, %arg0, %eq3A_29 : i32
    %not3A = arith.constant true
    %not3A_31 = arith.xori %eq3A_28, %not3A : i1
    %and3A = arith.andi %eq3A_30, %not3A_31 : i1
    %convert_element_type3A = arith.extui %and3A : i1 to i32
    %cond3A = arith.constant 0 : i32
    %cond3A_32 = arith.cmpi ne, %convert_element_type3A, %cond3A : i32
    scf.if %cond3A_32 {
      "tpu.region"() ({
        %run_scoped3A = tpu.sem_alloc : memref<!tpu.dma_semaphore, #tpu.memory_space<semaphore_mem>>
        %dma_start3A = arith.constant 0 : i32
        %dma_start3A_53 = tpu.memref_slice %arg6[%mul3A_6, %dma_start3A] : memref<10000x128xf32, #tpu.memory_space<hbm>> -> memref<624x128xf32, #tpu.memory_space<hbm>>
        %dma_start3A_54 = arith.constant 0 : i32
        %dma_start3A_55 = tpu.memref_slice %arg13[%mul3A_6, %dma_start3A_54] : memref<10000x128xf32, #tpu.memory_space<vmem_shared>> -> memref<624x128xf32, #tpu.memory_space<vmem_shared>>
        tpu.enqueue_dma source(%dma_start3A_55 : memref<624x128xf32, #tpu.memory_space<vmem_shared>>) target(%dma_start3A_53 : memref<624x128xf32, #tpu.memory_space<hbm>>) target_semaphore(%run_scoped3A : memref<!tpu.dma_semaphore, #tpu.memory_space<semaphore_mem>>)
        %dma_wait3A = arith.constant 0 : i32
        %dma_wait3A_56 = tpu.memref_slice %arg6[%mul3A_6, %dma_wait3A] : memref<10000x128xf32, #tpu.memory_space<hbm>> -> memref<624x128xf32, #tpu.memory_space<hbm>>
        %dma_wait3A_57 = arith.constant 0 : i32
        %dma_wait3A_58 = tpu.memref_slice %arg13[%mul3A_6, %dma_wait3A_57] : memref<10000x128xf32, #tpu.memory_space<vmem_shared>> -> memref<624x128xf32, #tpu.memory_space<vmem_shared>>
        tpu.wait_dma2 semaphore(%run_scoped3A : memref<!tpu.dma_semaphore, #tpu.memory_space<semaphore_mem>>) src(%dma_wait3A_58 : memref<624x128xf32, #tpu.memory_space<vmem_shared>>) dst(%dma_wait3A_56 : memref<624x128xf32, #tpu.memory_space<hbm>>)
        tpu.yield
      }) : () -> ()
    } else {
    }
    %eq3A_33 = arith.constant 0 : i32
    %eq3A_34 = arith.cmpi eq, %arg0, %eq3A_33 : i32
    %and3A_35 = arith.andi %eq3A_34, %eq3A_28 : i1
    %convert_element_type3A_36 = arith.extui %and3A_35 : i1 to i32
    %cond3A_37 = arith.constant 0 : i32
    %cond3A_38 = arith.cmpi ne, %convert_element_type3A_36, %cond3A_37 : i32
    scf.if %cond3A_38 {
      "tpu.region"() ({
        %run_scoped3A = tpu.sem_alloc : memref<!tpu.dma_semaphore, #tpu.memory_space<semaphore_mem>>
        %dma_start3A = arith.constant 0 : i32
        %dma_start3A_53 = tpu.memref_slice %arg6[%mul3A_6, %dma_start3A] : memref<10000x128xf32, #tpu.memory_space<hbm>> -> memref<640x128xf32, #tpu.memory_space<hbm>>
        %dma_start3A_54 = arith.constant 0 : i32
        %dma_start3A_55 = tpu.memref_slice %arg13[%mul3A_6, %dma_start3A_54] : memref<10000x128xf32, #tpu.memory_space<vmem_shared>> -> memref<640x128xf32, #tpu.memory_space<vmem_shared>>
        tpu.enqueue_dma source(%dma_start3A_55 : memref<640x128xf32, #tpu.memory_space<vmem_shared>>) target(%dma_start3A_53 : memref<640x128xf32, #tpu.memory_space<hbm>>) target_semaphore(%run_scoped3A : memref<!tpu.dma_semaphore, #tpu.memory_space<semaphore_mem>>)
        %dma_wait3A = arith.constant 0 : i32
        %dma_wait3A_56 = tpu.memref_slice %arg6[%mul3A_6, %dma_wait3A] : memref<10000x128xf32, #tpu.memory_space<hbm>> -> memref<640x128xf32, #tpu.memory_space<hbm>>
        %dma_wait3A_57 = arith.constant 0 : i32
        %dma_wait3A_58 = tpu.memref_slice %arg13[%mul3A_6, %dma_wait3A_57] : memref<10000x128xf32, #tpu.memory_space<vmem_shared>> -> memref<640x128xf32, #tpu.memory_space<vmem_shared>>
        tpu.wait_dma2 semaphore(%run_scoped3A : memref<!tpu.dma_semaphore, #tpu.memory_space<semaphore_mem>>) src(%dma_wait3A_58 : memref<640x128xf32, #tpu.memory_space<vmem_shared>>) dst(%dma_wait3A_56 : memref<640x128xf32, #tpu.memory_space<hbm>>)
        tpu.yield
      }) : () -> ()
    } else {
    }
    %eq3A_39 = arith.constant 1 : i32
    %eq3A_40 = arith.cmpi eq, %arg0, %eq3A_39 : i32
    %not3A_41 = arith.constant true
    %not3A_42 = arith.xori %eq3A_28, %not3A_41 : i1
    %and3A_43 = arith.andi %eq3A_40, %not3A_42 : i1
    %convert_element_type3A_44 = arith.extui %and3A_43 : i1 to i32
    %cond3A_45 = arith.constant 0 : i32
    %cond3A_46 = arith.cmpi ne, %convert_element_type3A_44, %cond3A_45 : i32
    scf.if %cond3A_46 {
      "tpu.region"() ({
        %run_scoped3A = tpu.sem_alloc : memref<!tpu.dma_semaphore, #tpu.memory_space<semaphore_mem>>
        %dma_start3A = arith.constant 0 : i32
        %dma_start3A_53 = tpu.memref_slice %arg7[%mul3A_6, %dma_start3A] : memref<10000x128xf32, #tpu.memory_space<hbm>> -> memref<624x128xf32, #tpu.memory_space<hbm>>
        %dma_start3A_54 = arith.constant 0 : i32
        %dma_start3A_55 = tpu.memref_slice %arg13[%mul3A_6, %dma_start3A_54] : memref<10000x128xf32, #tpu.memory_space<vmem_shared>> -> memref<624x128xf32, #tpu.memory_space<vmem_shared>>
        tpu.enqueue_dma source(%dma_start3A_55 : memref<624x128xf32, #tpu.memory_space<vmem_shared>>) target(%dma_start3A_53 : memref<624x128xf32, #tpu.memory_space<hbm>>) target_semaphore(%run_scoped3A : memref<!tpu.dma_semaphore, #tpu.memory_space<semaphore_mem>>)
        %dma_wait3A = arith.constant 0 : i32
        %dma_wait3A_56 = tpu.memref_slice %arg7[%mul3A_6, %dma_wait3A] : memref<10000x128xf32, #tpu.memory_space<hbm>> -> memref<624x128xf32, #tpu.memory_space<hbm>>
        %dma_wait3A_57 = arith.constant 0 : i32
        %dma_wait3A_58 = tpu.memref_slice %arg13[%mul3A_6, %dma_wait3A_57] : memref<10000x128xf32, #tpu.memory_space<vmem_shared>> -> memref<624x128xf32, #tpu.memory_space<vmem_shared>>
        tpu.wait_dma2 semaphore(%run_scoped3A : memref<!tpu.dma_semaphore, #tpu.memory_space<semaphore_mem>>) src(%dma_wait3A_58 : memref<624x128xf32, #tpu.memory_space<vmem_shared>>) dst(%dma_wait3A_56 : memref<624x128xf32, #tpu.memory_space<hbm>>)
        tpu.yield
      }) : () -> ()
    } else {
    }
    %eq3A_47 = arith.constant 1 : i32
    %eq3A_48 = arith.cmpi eq, %arg0, %eq3A_47 : i32
    %and3A_49 = arith.andi %eq3A_48, %eq3A_28 : i1
    %convert_element_type3A_50 = arith.extui %and3A_49 : i1 to i32
    %cond3A_51 = arith.constant 0 : i32
    %cond3A_52 = arith.cmpi ne, %convert_element_type3A_50, %cond3A_51 : i32
    scf.if %cond3A_52 {
      "tpu.region"() ({
        %run_scoped3A = tpu.sem_alloc : memref<!tpu.dma_semaphore, #tpu.memory_space<semaphore_mem>>
        %dma_start3A = arith.constant 0 : i32
        %dma_start3A_53 = tpu.memref_slice %arg7[%mul3A_6, %dma_start3A] : memref<10000x128xf32, #tpu.memory_space<hbm>> -> memref<640x128xf32, #tpu.memory_space<hbm>>
        %dma_start3A_54 = arith.constant 0 : i32
        %dma_start3A_55 = tpu.memref_slice %arg13[%mul3A_6, %dma_start3A_54] : memref<10000x128xf32, #tpu.memory_space<vmem_shared>> -> memref<640x128xf32, #tpu.memory_space<vmem_shared>>
        tpu.enqueue_dma source(%dma_start3A_55 : memref<640x128xf32, #tpu.memory_space<vmem_shared>>) target(%dma_start3A_53 : memref<640x128xf32, #tpu.memory_space<hbm>>) target_semaphore(%run_scoped3A : memref<!tpu.dma_semaphore, #tpu.memory_space<semaphore_mem>>)
        %dma_wait3A = arith.constant 0 : i32
        %dma_wait3A_56 = tpu.memref_slice %arg7[%mul3A_6, %dma_wait3A] : memref<10000x128xf32, #tpu.memory_space<hbm>> -> memref<640x128xf32, #tpu.memory_space<hbm>>
        %dma_wait3A_57 = arith.constant 0 : i32
        %dma_wait3A_58 = tpu.memref_slice %arg13[%mul3A_6, %dma_wait3A_57] : memref<10000x128xf32, #tpu.memory_space<vmem_shared>> -> memref<640x128xf32, #tpu.memory_space<vmem_shared>>
        tpu.wait_dma2 semaphore(%run_scoped3A : memref<!tpu.dma_semaphore, #tpu.memory_space<semaphore_mem>>) src(%dma_wait3A_58 : memref<640x128xf32, #tpu.memory_space<vmem_shared>>) dst(%dma_wait3A_56 : memref<640x128xf32, #tpu.memory_space<hbm>>)
        tpu.yield
      }) : () -> ()
    } else {
    }
    return
  }
}

module attributes {stable_mosaic.version = 14 : i64} {
  func.func @_dense1_body(%arg0: i32, %arg1: memref<1000x128xf32, #tpu.memory_space<vmem>>, %arg2: memref<1000x128xf32, #tpu.memory_space<vmem>>, %arg3: memref<1000x128xf32, #tpu.memory_space<vmem>>, %arg4: memref<128x256xf32, #tpu.memory_space<vmem>>, %arg5: memref<1x256xf32, #tpu.memory_space<vmem>>, %arg6: memref<128x256xf32, #tpu.memory_space<vmem>>, %arg7: memref<1x256xf32, #tpu.memory_space<vmem>>, %arg8: memref<1x256xf32, #tpu.memory_space<vmem>>, %arg9: memref<1000x128xf32, #tpu.memory_space<vmem>>, %arg10: memref<1000x128xf32, #tpu.memory_space<vmem>>) attributes {dimension_semantics = [#tpu.dimension_semantics<arbitrary>], iteration_bounds = array<i64: 10>, scalar_prefetch = 0 : i64, scratch_operands = 0 : i64, tpu.core_type = #tpu.core_type<tc>, window_params = [{transform_indices = @transform_0, window_bounds = array<i64: 1000, 128>}, {transform_indices = @transform_1, window_bounds = array<i64: 1000, 128>}, {transform_indices = @transform_2, window_bounds = array<i64: 1000, 128>}, {pipeline_mode = #tpu.pipeline_mode<synchronous>, transform_indices = @transform_3, window_bounds = array<i64: 128, 256>}, {pipeline_mode = #tpu.pipeline_mode<synchronous>, transform_indices = @transform_4, window_bounds = array<i64: 1, 256>}, {pipeline_mode = #tpu.pipeline_mode<synchronous>, transform_indices = @transform_5, window_bounds = array<i64: 128, 256>}, {pipeline_mode = #tpu.pipeline_mode<synchronous>, transform_indices = @transform_6, window_bounds = array<i64: 1, 256>}, {pipeline_mode = #tpu.pipeline_mode<synchronous>, transform_indices = @transform_7, window_bounds = array<i64: 1, 256>}, {transform_indices = @transform_8, window_bounds = array<i64: 1000, 128>}, {transform_indices = @transform_9, window_bounds = array<i64: 1000, 128>}]} {
    %get3A = arith.constant 0 : index
    %get3A_0 = arith.constant 0 : index
    %get3A_1 = vector.load %arg1[%get3A, %get3A_0] : memref<1000x128xf32, #tpu.memory_space<vmem>>, vector<1000x128xf32>
    %get3A_2 = arith.constant 0 : index
    %get3A_3 = arith.constant 0 : index
    %get3A_4 = vector.load %arg2[%get3A_2, %get3A_3] : memref<1000x128xf32, #tpu.memory_space<vmem>>, vector<1000x128xf32>
    %add3A = arith.addf %get3A_1, %get3A_4 : vector<1000x128xf32>
    %get3A_5 = arith.constant 0 : index
    %get3A_6 = arith.constant 0 : index
    %get3A_7 = vector.load %arg4[%get3A_5, %get3A_6] : memref<128x256xf32, #tpu.memory_space<vmem>>, vector<128x256xf32>
    %dot_general3A = arith.constant dense<0.000000e+00> : vector<1000x256xf32>
    %dot_general3A_8 = tpu.matmul %add3A, %get3A_7, %dot_general3A {dimension_numbers = #tpu.dot_dimension_numbers<[1], [0], [0], [1], [0, 0, 1, 1], [], []>, transpose_lhs_hint = false} : vector<1000x128xf32>, vector<128x256xf32>, vector<1000x256xf32> -> vector<1000x256xf32>
    %get3A_9 = arith.constant 0 : index
    %get3A_10 = arith.constant 0 : index
    %get3A_11 = vector.load %arg3[%get3A_9, %get3A_10] : memref<1000x128xf32, #tpu.memory_space<vmem>>, vector<1000x128xf32>
    %get3A_12 = arith.constant 0 : index
    %get3A_13 = arith.constant 0 : index
    %get3A_14 = vector.load %arg6[%get3A_12, %get3A_13] : memref<128x256xf32, #tpu.memory_space<vmem>>, vector<128x256xf32>
    %dot_general3A_15 = arith.constant dense<0.000000e+00> : vector<1000x256xf32>
    %dot_general3A_16 = tpu.matmul %get3A_11, %get3A_14, %dot_general3A_15 {dimension_numbers = #tpu.dot_dimension_numbers<[1], [0], [0], [1], [0, 0, 1, 1], [], []>, transpose_lhs_hint = false} : vector<1000x128xf32>, vector<128x256xf32>, vector<1000x256xf32> -> vector<1000x256xf32>
    %add3A_17 = arith.addf %dot_general3A_8, %dot_general3A_16 : vector<1000x256xf32>
    %get3A_18 = arith.constant 0 : index
    %get3A_19 = arith.constant 0 : index
    %get3A_20 = vector.load %arg5[%get3A_18, %get3A_19] : memref<1x256xf32, #tpu.memory_space<vmem>>, vector<1x256xf32>
    %add3A_21 = vector.broadcast %get3A_20 : vector<1x256xf32> to vector<1000x256xf32>
    %add3A_22 = arith.addf %add3A_17, %add3A_21 : vector<1000x256xf32>
    %max3A = arith.constant 0.000000e+00 : f32
    %max3A_23 = vector.broadcast %max3A : f32 to vector<1000x256xf32>
    %max3A_24 = arith.maximumf %add3A_22, %max3A_23 : vector<1000x256xf32>
    %get3A_25 = arith.constant 0 : index
    %get3A_26 = arith.constant 0 : index
    %get3A_27 = vector.load %arg7[%get3A_25, %get3A_26] : memref<1x256xf32, #tpu.memory_space<vmem>>, vector<1x256xf32>
    %get3A_28 = arith.constant 0 : index
    %get3A_29 = arith.constant 0 : index
    %get3A_30 = vector.load %arg8[%get3A_28, %get3A_29] : memref<1x256xf32, #tpu.memory_space<vmem>>, vector<1x256xf32>
    %reduce_sum3A = arith.constant dense<0.000000e+00> : vector<1000xf32>
    %reduce_sum3A_31 = vector.multi_reduction <add>, %max3A_24, %reduce_sum3A [1] : vector<1000x256xf32> to vector<1000xf32>
    %broadcast_in_dim3A = vector.shape_cast %reduce_sum3A_31 : vector<1000xf32> to vector<1000x1xf32>
    %div3A = arith.constant 2.560000e+02 : f32
    %div3A_32 = vector.broadcast %div3A : f32 to vector<1000x1xf32>
    %div3A_33 = arith.divf %broadcast_in_dim3A, %div3A_32 : vector<1000x1xf32>
    %sub3A = vector.broadcast %div3A_33 : vector<1000x1xf32> to vector<1000x256xf32>
    %sub3A_34 = arith.subf %max3A_24, %sub3A : vector<1000x256xf32>
    %mul3A = arith.mulf %sub3A_34, %sub3A_34 : vector<1000x256xf32>
    %reduce_sum3A_35 = arith.constant dense<0.000000e+00> : vector<1000xf32>
    %reduce_sum3A_36 = vector.multi_reduction <add>, %mul3A, %reduce_sum3A_35 [1] : vector<1000x256xf32> to vector<1000xf32>
    %broadcast_in_dim3A_37 = vector.shape_cast %reduce_sum3A_36 : vector<1000xf32> to vector<1000x1xf32>
    %div3A_38 = arith.constant 2.560000e+02 : f32
    %div3A_39 = vector.broadcast %div3A_38 : f32 to vector<1000x1xf32>
    %div3A_40 = arith.divf %broadcast_in_dim3A_37, %div3A_39 : vector<1000x1xf32>
    %add3A_41 = arith.constant 9.99999974E-6 : f32
    %add3A_42 = vector.broadcast %add3A_41 : f32 to vector<1000x1xf32>
    %add3A_43 = arith.addf %div3A_40, %add3A_42 : vector<1000x1xf32>
    %rsqrt3A = math.rsqrt %add3A_43 : vector<1000x1xf32>
    %mul3A_44 = vector.broadcast %rsqrt3A : vector<1000x1xf32> to vector<1000x256xf32>
    %mul3A_45 = arith.mulf %sub3A_34, %mul3A_44 : vector<1000x256xf32>
    %mul3A_46 = vector.broadcast %get3A_27 : vector<1x256xf32> to vector<1000x256xf32>
    %mul3A_47 = arith.mulf %mul3A_45, %mul3A_46 : vector<1000x256xf32>
    %add3A_48 = vector.broadcast %get3A_30 : vector<1x256xf32> to vector<1000x256xf32>
    %add3A_49 = arith.addf %mul3A_47, %add3A_48 : vector<1000x256xf32>
    %slice3A = vector.extract_strided_slice %add3A_49 {offsets = [0, 0], sizes = [1000, 128], strides = [1, 1]} : vector<1000x256xf32> to vector<1000x128xf32>
    %swap3A = arith.constant 0 : index
    %swap3A_50 = arith.constant 0 : index
    %swap3A_51 = vector.load %arg9[%swap3A, %swap3A_50] : memref<1000x128xf32, #tpu.memory_space<vmem>>, vector<1000x128xf32>
    tpu.vector_store %arg9[%swap3A, %swap3A_50], %slice3A {strides = array<i32>} : memref<1000x128xf32, #tpu.memory_space<vmem>>, vector<1000x128xf32>,
    %slice3A_52 = vector.extract_strided_slice %add3A_49 {offsets = [0, 128], sizes = [1000, 128], strides = [1, 1]} : vector<1000x256xf32> to vector<1000x128xf32>
    %swap3A_53 = arith.constant 0 : index
    %swap3A_54 = arith.constant 0 : index
    %swap3A_55 = vector.load %arg10[%swap3A_53, %swap3A_54] : memref<1000x128xf32, #tpu.memory_space<vmem>>, vector<1000x128xf32>
    tpu.vector_store %arg10[%swap3A_53, %swap3A_54], %slice3A_52 {strides = array<i32>} : memref<1000x128xf32, #tpu.memory_space<vmem>>, vector<1000x128xf32>,
    return
  }
  func.func @transform_0(%arg0: i32) -> (i32, i32) {
    %c0_i32 = arith.constant 0 : i32
    %c0_i32_0 = arith.constant 0 : i32
    return %arg0, %c0_i32 : i32, i32
  }
  func.func @transform_1(%arg0: i32) -> (i32, i32) {
    %c0_i32 = arith.constant 0 : i32
    %c0_i32_0 = arith.constant 0 : i32
    return %arg0, %c0_i32 : i32, i32
  }
  func.func @transform_2(%arg0: i32) -> (i32, i32) {
    %c0_i32 = arith.constant 0 : i32
    %c0_i32_0 = arith.constant 0 : i32
    return %arg0, %c0_i32 : i32, i32
  }
  func.func @transform_3(%arg0: i32) -> (i32, i32) {
    %c0_i32 = arith.constant 0 : i32
    %c0_i32_0 = arith.constant 0 : i32
    %c0_i32_1 = arith.constant 0 : i32
    return %c0_i32, %c0_i32_0 : i32, i32
  }
  func.func @transform_4(%arg0: i32) -> (i32, i32) {
    %c0_i32 = arith.constant 0 : i32
    %c0_i32_0 = arith.constant 0 : i32
    %c0_i32_1 = arith.constant 0 : i32
    return %c0_i32, %c0_i32_0 : i32, i32
  }
  func.func @transform_5(%arg0: i32) -> (i32, i32) {
    %c0_i32 = arith.constant 0 : i32
    %c0_i32_0 = arith.constant 0 : i32
    %c0_i32_1 = arith.constant 0 : i32
    return %c0_i32, %c0_i32_0 : i32, i32
  }
  func.func @transform_6(%arg0: i32) -> (i32, i32) {
    %c0_i32 = arith.constant 0 : i32
    %c0_i32_0 = arith.constant 0 : i32
    %c0_i32_1 = arith.constant 0 : i32
    return %c0_i32, %c0_i32_0 : i32, i32
  }
  func.func @transform_7(%arg0: i32) -> (i32, i32) {
    %c0_i32 = arith.constant 0 : i32
    %c0_i32_0 = arith.constant 0 : i32
    %c0_i32_1 = arith.constant 0 : i32
    return %c0_i32, %c0_i32_0 : i32, i32
  }
  func.func @transform_8(%arg0: i32) -> (i32, i32) {
    %c0_i32 = arith.constant 0 : i32
    %c0_i32_0 = arith.constant 0 : i32
    return %arg0, %c0_i32 : i32, i32
  }
  func.func @transform_9(%arg0: i32) -> (i32, i32) {
    %c0_i32 = arith.constant 0 : i32
    %c0_i32_0 = arith.constant 0 : i32
    return %arg0, %c0_i32 : i32, i32
  }
}

module attributes {stable_mosaic.version = 14 : i64} {
  func.func @_dense2_body(%arg0: i32, %arg1: memref<1000x128xf32, #tpu.memory_space<vmem>>, %arg2: memref<1000x128xf32, #tpu.memory_space<vmem>>, %arg3: memref<1000x128xf32, #tpu.memory_space<vmem>>, %arg4: memref<1000x128xf32, #tpu.memory_space<vmem>>, %arg5: memref<256x256xf32, #tpu.memory_space<vmem>>, %arg6: memref<1x256xf32, #tpu.memory_space<vmem>>, %arg7: memref<256x256xf32, #tpu.memory_space<vmem>>, %arg8: memref<1x256xf32, #tpu.memory_space<vmem>>, %arg9: memref<1x256xf32, #tpu.memory_space<vmem>>, %arg10: memref<256x256xf32, #tpu.memory_space<vmem>>, %arg11: memref<1x256xf32, #tpu.memory_space<vmem>>, %arg12: memref<1x256xf32, #tpu.memory_space<vmem>>, %arg13: memref<1x256xf32, #tpu.memory_space<vmem>>, %arg14: memref<1000x128xf32, #tpu.memory_space<vmem>>, %arg15: memref<1000x128xf32, #tpu.memory_space<vmem>>) attributes {dimension_semantics = [#tpu.dimension_semantics<arbitrary>], iteration_bounds = array<i64: 10>, scalar_prefetch = 0 : i64, scratch_operands = 0 : i64, tpu.core_type = #tpu.core_type<tc>, window_params = [{transform_indices = @transform_0, window_bounds = array<i64: 1000, 128>}, {transform_indices = @transform_1, window_bounds = array<i64: 1000, 128>}, {transform_indices = @transform_2, window_bounds = array<i64: 1000, 128>}, {transform_indices = @transform_3, window_bounds = array<i64: 1000, 128>}, {pipeline_mode = #tpu.pipeline_mode<synchronous>, transform_indices = @transform_4, window_bounds = array<i64: 256, 256>}, {pipeline_mode = #tpu.pipeline_mode<synchronous>, transform_indices = @transform_5, window_bounds = array<i64: 1, 256>}, {pipeline_mode = #tpu.pipeline_mode<synchronous>, transform_indices = @transform_6, window_bounds = array<i64: 256, 256>}, {pipeline_mode = #tpu.pipeline_mode<synchronous>, transform_indices = @transform_7, window_bounds = array<i64: 1, 256>}, {pipeline_mode = #tpu.pipeline_mode<synchronous>, transform_indices = @transform_8, window_bounds = array<i64: 1, 256>}, {pipeline_mode = #tpu.pipeline_mode<synchronous>, transform_indices = @transform_9, window_bounds = array<i64: 256, 256>}, {pipeline_mode = #tpu.pipeline_mode<synchronous>, transform_indices = @transform_10, window_bounds = array<i64: 1, 256>}, {pipeline_mode = #tpu.pipeline_mode<synchronous>, transform_indices = @transform_11, window_bounds = array<i64: 1, 256>}, {pipeline_mode = #tpu.pipeline_mode<synchronous>, transform_indices = @transform_12, window_bounds = array<i64: 1, 256>}, {transform_indices = @transform_13, window_bounds = array<i64: 1000, 128>}, {transform_indices = @transform_14, window_bounds = array<i64: 1000, 128>}]} {
    %get3A = arith.constant 0 : index
    %get3A_0 = arith.constant 0 : index
    %get3A_1 = vector.load %arg3[%get3A, %get3A_0] : memref<1000x128xf32, #tpu.memory_space<vmem>>, vector<1000x128xf32>
    %get3A_2 = arith.constant 0 : index
    %get3A_3 = arith.constant 0 : index
    %get3A_4 = vector.load %arg4[%get3A_2, %get3A_3] : memref<1000x128xf32, #tpu.memory_space<vmem>>, vector<1000x128xf32>
    %concatenate3A = tpu.concatenate %get3A_1, %get3A_4 in 1 : vector<1000x128xf32>, vector<1000x128xf32> -> vector<1000x256xf32>
    %get3A_5 = arith.constant 0 : index
    %get3A_6 = arith.constant 0 : index
    %get3A_7 = vector.load %arg1[%get3A_5, %get3A_6] : memref<1000x128xf32, #tpu.memory_space<vmem>>, vector<1000x128xf32>
    %get3A_8 = arith.constant 0 : index
    %get3A_9 = arith.constant 0 : index
    %get3A_10 = vector.load %arg2[%get3A_8, %get3A_9] : memref<1000x128xf32, #tpu.memory_space<vmem>>, vector<1000x128xf32>
    %concatenate3A_11 = tpu.concatenate %get3A_7, %get3A_10 in 1 : vector<1000x128xf32>, vector<1000x128xf32> -> vector<1000x256xf32>
    %get3A_12 = arith.constant 0 : index
    %get3A_13 = arith.constant 0 : index
    %get3A_14 = vector.load %arg5[%get3A_12, %get3A_13] : memref<256x256xf32, #tpu.memory_space<vmem>>, vector<256x256xf32>
    %dot_general3A = arith.constant dense<0.000000e+00> : vector<1000x256xf32>
    %dot_general3A_15 = tpu.matmul %concatenate3A_11, %get3A_14, %dot_general3A {dimension_numbers = #tpu.dot_dimension_numbers<[1], [0], [0], [1], [0, 0, 1, 1], [], []>, transpose_lhs_hint = false} : vector<1000x256xf32>, vector<256x256xf32>, vector<1000x256xf32> -> vector<1000x256xf32>
    %get3A_16 = arith.constant 0 : index
    %get3A_17 = arith.constant 0 : index
    %get3A_18 = vector.load %arg7[%get3A_16, %get3A_17] : memref<256x256xf32, #tpu.memory_space<vmem>>, vector<256x256xf32>
    %dot_general3A_19 = arith.constant dense<0.000000e+00> : vector<1000x256xf32>
    %dot_general3A_20 = tpu.matmul %concatenate3A, %get3A_18, %dot_general3A_19 {dimension_numbers = #tpu.dot_dimension_numbers<[1], [0], [0], [1], [0, 0, 1, 1], [], []>, transpose_lhs_hint = false} : vector<1000x256xf32>, vector<256x256xf32>, vector<1000x256xf32> -> vector<1000x256xf32>
    %add3A = arith.addf %dot_general3A_15, %dot_general3A_20 : vector<1000x256xf32>
    %get3A_21 = arith.constant 0 : index
    %get3A_22 = arith.constant 0 : index
    %get3A_23 = vector.load %arg6[%get3A_21, %get3A_22] : memref<1x256xf32, #tpu.memory_space<vmem>>, vector<1x256xf32>
    %add3A_24 = vector.broadcast %get3A_23 : vector<1x256xf32> to vector<1000x256xf32>
    %add3A_25 = arith.addf %add3A, %add3A_24 : vector<1000x256xf32>
    %max3A = arith.constant 0.000000e+00 : f32
    %max3A_26 = vector.broadcast %max3A : f32 to vector<1000x256xf32>
    %max3A_27 = arith.maximumf %add3A_25, %max3A_26 : vector<1000x256xf32>
    %get3A_28 = arith.constant 0 : index
    %get3A_29 = arith.constant 0 : index
    %get3A_30 = vector.load %arg8[%get3A_28, %get3A_29] : memref<1x256xf32, #tpu.memory_space<vmem>>, vector<1x256xf32>
    %get3A_31 = arith.constant 0 : index
    %get3A_32 = arith.constant 0 : index
    %get3A_33 = vector.load %arg9[%get3A_31, %get3A_32] : memref<1x256xf32, #tpu.memory_space<vmem>>, vector<1x256xf32>
    %reduce_sum3A = arith.constant dense<0.000000e+00> : vector<1000xf32>
    %reduce_sum3A_34 = vector.multi_reduction <add>, %max3A_27, %reduce_sum3A [1] : vector<1000x256xf32> to vector<1000xf32>
    %broadcast_in_dim3A = vector.shape_cast %reduce_sum3A_34 : vector<1000xf32> to vector<1000x1xf32>
    %div3A = arith.constant 2.560000e+02 : f32
    %div3A_35 = vector.broadcast %div3A : f32 to vector<1000x1xf32>
    %div3A_36 = arith.divf %broadcast_in_dim3A, %div3A_35 : vector<1000x1xf32>
    %sub3A = vector.broadcast %div3A_36 : vector<1000x1xf32> to vector<1000x256xf32>
    %sub3A_37 = arith.subf %max3A_27, %sub3A : vector<1000x256xf32>
    %mul3A = arith.mulf %sub3A_37, %sub3A_37 : vector<1000x256xf32>
    %reduce_sum3A_38 = arith.constant dense<0.000000e+00> : vector<1000xf32>
    %reduce_sum3A_39 = vector.multi_reduction <add>, %mul3A, %reduce_sum3A_38 [1] : vector<1000x256xf32> to vector<1000xf32>
    %broadcast_in_dim3A_40 = vector.shape_cast %reduce_sum3A_39 : vector<1000xf32> to vector<1000x1xf32>
    %div3A_41 = arith.constant 2.560000e+02 : f32
    %div3A_42 = vector.broadcast %div3A_41 : f32 to vector<1000x1xf32>
    %div3A_43 = arith.divf %broadcast_in_dim3A_40, %div3A_42 : vector<1000x1xf32>
    %add3A_44 = arith.constant 9.99999974E-6 : f32
    %add3A_45 = vector.broadcast %add3A_44 : f32 to vector<1000x1xf32>
    %add3A_46 = arith.addf %div3A_43, %add3A_45 : vector<1000x1xf32>
    %rsqrt3A = math.rsqrt %add3A_46 : vector<1000x1xf32>
    %mul3A_47 = vector.broadcast %rsqrt3A : vector<1000x1xf32> to vector<1000x256xf32>
    %mul3A_48 = arith.mulf %sub3A_37, %mul3A_47 : vector<1000x256xf32>
    %mul3A_49 = vector.broadcast %get3A_30 : vector<1x256xf32> to vector<1000x256xf32>
    %mul3A_50 = arith.mulf %mul3A_48, %mul3A_49 : vector<1000x256xf32>
    %add3A_51 = vector.broadcast %get3A_33 : vector<1x256xf32> to vector<1000x256xf32>
    %add3A_52 = arith.addf %mul3A_50, %add3A_51 : vector<1000x256xf32>
    %add3A_53 = arith.addf %concatenate3A, %add3A_52 : vector<1000x256xf32>
    %get3A_54 = arith.constant 0 : index
    %get3A_55 = arith.constant 0 : index
    %get3A_56 = vector.load %arg10[%get3A_54, %get3A_55] : memref<256x256xf32, #tpu.memory_space<vmem>>, vector<256x256xf32>
    %dot_general3A_57 = arith.constant dense<0.000000e+00> : vector<1000x256xf32>
    %dot_general3A_58 = tpu.matmul %add3A_53, %get3A_56, %dot_general3A_57 {dimension_numbers = #tpu.dot_dimension_numbers<[1], [0], [0], [1], [0, 0, 1, 1], [], []>, transpose_lhs_hint = false} : vector<1000x256xf32>, vector<256x256xf32>, vector<1000x256xf32> -> vector<1000x256xf32>
    %get3A_59 = arith.constant 0 : index
    %get3A_60 = arith.constant 0 : index
    %get3A_61 = vector.load %arg11[%get3A_59, %get3A_60] : memref<1x256xf32, #tpu.memory_space<vmem>>, vector<1x256xf32>
    %add3A_62 = vector.broadcast %get3A_61 : vector<1x256xf32> to vector<1000x256xf32>
    %add3A_63 = arith.addf %dot_general3A_58, %add3A_62 : vector<1000x256xf32>
    %max3A_64 = arith.constant 0.000000e+00 : f32
    %max3A_65 = vector.broadcast %max3A_64 : f32 to vector<1000x256xf32>
    %max3A_66 = arith.maximumf %add3A_63, %max3A_65 : vector<1000x256xf32>
    %get3A_67 = arith.constant 0 : index
    %get3A_68 = arith.constant 0 : index
    %get3A_69 = vector.load %arg12[%get3A_67, %get3A_68] : memref<1x256xf32, #tpu.memory_space<vmem>>, vector<1x256xf32>
    %get3A_70 = arith.constant 0 : index
    %get3A_71 = arith.constant 0 : index
    %get3A_72 = vector.load %arg13[%get3A_70, %get3A_71] : memref<1x256xf32, #tpu.memory_space<vmem>>, vector<1x256xf32>
    %reduce_sum3A_73 = arith.constant dense<0.000000e+00> : vector<1000xf32>
    %reduce_sum3A_74 = vector.multi_reduction <add>, %max3A_66, %reduce_sum3A_73 [1] : vector<1000x256xf32> to vector<1000xf32>
    %broadcast_in_dim3A_75 = vector.shape_cast %reduce_sum3A_74 : vector<1000xf32> to vector<1000x1xf32>
    %div3A_76 = arith.constant 2.560000e+02 : f32
    %div3A_77 = vector.broadcast %div3A_76 : f32 to vector<1000x1xf32>
    %div3A_78 = arith.divf %broadcast_in_dim3A_75, %div3A_77 : vector<1000x1xf32>
    %sub3A_79 = vector.broadcast %div3A_78 : vector<1000x1xf32> to vector<1000x256xf32>
    %sub3A_80 = arith.subf %max3A_66, %sub3A_79 : vector<1000x256xf32>
    %mul3A_81 = arith.mulf %sub3A_80, %sub3A_80 : vector<1000x256xf32>
    %reduce_sum3A_82 = arith.constant dense<0.000000e+00> : vector<1000xf32>
    %reduce_sum3A_83 = vector.multi_reduction <add>, %mul3A_81, %reduce_sum3A_82 [1] : vector<1000x256xf32> to vector<1000xf32>
    %broadcast_in_dim3A_84 = vector.shape_cast %reduce_sum3A_83 : vector<1000xf32> to vector<1000x1xf32>
    %div3A_85 = arith.constant 2.560000e+02 : f32
    %div3A_86 = vector.broadcast %div3A_85 : f32 to vector<1000x1xf32>
    %div3A_87 = arith.divf %broadcast_in_dim3A_84, %div3A_86 : vector<1000x1xf32>
    %add3A_88 = arith.constant 9.99999974E-6 : f32
    %add3A_89 = vector.broadcast %add3A_88 : f32 to vector<1000x1xf32>
    %add3A_90 = arith.addf %div3A_87, %add3A_89 : vector<1000x1xf32>
    %rsqrt3A_91 = math.rsqrt %add3A_90 : vector<1000x1xf32>
    %mul3A_92 = vector.broadcast %rsqrt3A_91 : vector<1000x1xf32> to vector<1000x256xf32>
    %mul3A_93 = arith.mulf %sub3A_80, %mul3A_92 : vector<1000x256xf32>
    %mul3A_94 = vector.broadcast %get3A_69 : vector<1x256xf32> to vector<1000x256xf32>
    %mul3A_95 = arith.mulf %mul3A_93, %mul3A_94 : vector<1000x256xf32>
    %add3A_96 = vector.broadcast %get3A_72 : vector<1x256xf32> to vector<1000x256xf32>
    %add3A_97 = arith.addf %mul3A_95, %add3A_96 : vector<1000x256xf32>
    %slice3A = vector.extract_strided_slice %add3A_97 {offsets = [0, 0], sizes = [1000, 128], strides = [1, 1]} : vector<1000x256xf32> to vector<1000x128xf32>
    %swap3A = arith.constant 0 : index
    %swap3A_98 = arith.constant 0 : index
    %swap3A_99 = vector.load %arg14[%swap3A, %swap3A_98] : memref<1000x128xf32, #tpu.memory_space<vmem>>, vector<1000x128xf32>
    tpu.vector_store %arg14[%swap3A, %swap3A_98], %slice3A {strides = array<i32>} : memref<1000x128xf32, #tpu.memory_space<vmem>>, vector<1000x128xf32>,
    %slice3A_100 = vector.extract_strided_slice %add3A_97 {offsets = [0, 128], sizes = [1000, 128], strides = [1, 1]} : vector<1000x256xf32> to vector<1000x128xf32>
    %swap3A_101 = arith.constant 0 : index
    %swap3A_102 = arith.constant 0 : index
    %swap3A_103 = vector.load %arg15[%swap3A_101, %swap3A_102] : memref<1000x128xf32, #tpu.memory_space<vmem>>, vector<1000x128xf32>
    tpu.vector_store %arg15[%swap3A_101, %swap3A_102], %slice3A_100 {strides = array<i32>} : memref<1000x128xf32, #tpu.memory_space<vmem>>, vector<1000x128xf32>,
    return
  }
  func.func @transform_0(%arg0: i32) -> (i32, i32) {
    %c0_i32 = arith.constant 0 : i32
    %c0_i32_0 = arith.constant 0 : i32
    return %arg0, %c0_i32 : i32, i32
  }
  func.func @transform_1(%arg0: i32) -> (i32, i32) {
    %c0_i32 = arith.constant 0 : i32
    %c0_i32_0 = arith.constant 0 : i32
    return %arg0, %c0_i32 : i32, i32
  }
  func.func @transform_2(%arg0: i32) -> (i32, i32) {
    %c0_i32 = arith.constant 0 : i32
    %c0_i32_0 = arith.constant 0 : i32
    return %arg0, %c0_i32 : i32, i32
  }
  func.func @transform_3(%arg0: i32) -> (i32, i32) {
    %c0_i32 = arith.constant 0 : i32
    %c0_i32_0 = arith.constant 0 : i32
    return %arg0, %c0_i32 : i32, i32
  }
  func.func @transform_4(%arg0: i32) -> (i32, i32) {
    %c0_i32 = arith.constant 0 : i32
    %c0_i32_0 = arith.constant 0 : i32
    %c0_i32_1 = arith.constant 0 : i32
    return %c0_i32, %c0_i32_0 : i32, i32
  }
  func.func @transform_5(%arg0: i32) -> (i32, i32) {
    %c0_i32 = arith.constant 0 : i32
    %c0_i32_0 = arith.constant 0 : i32
    %c0_i32_1 = arith.constant 0 : i32
    return %c0_i32, %c0_i32_0 : i32, i32
  }
  func.func @transform_6(%arg0: i32) -> (i32, i32) {
    %c0_i32 = arith.constant 0 : i32
    %c0_i32_0 = arith.constant 0 : i32
    %c0_i32_1 = arith.constant 0 : i32
    return %c0_i32, %c0_i32_0 : i32, i32
  }
  func.func @transform_7(%arg0: i32) -> (i32, i32) {
    %c0_i32 = arith.constant 0 : i32
    %c0_i32_0 = arith.constant 0 : i32
    %c0_i32_1 = arith.constant 0 : i32
    return %c0_i32, %c0_i32_0 : i32, i32
  }
  func.func @transform_8(%arg0: i32) -> (i32, i32) {
    %c0_i32 = arith.constant 0 : i32
    %c0_i32_0 = arith.constant 0 : i32
    %c0_i32_1 = arith.constant 0 : i32
    return %c0_i32, %c0_i32_0 : i32, i32
  }
  func.func @transform_9(%arg0: i32) -> (i32, i32) {
    %c0_i32 = arith.constant 0 : i32
    %c0_i32_0 = arith.constant 0 : i32
    %c0_i32_1 = arith.constant 0 : i32
    return %c0_i32, %c0_i32_0 : i32, i32
  }
  func.func @transform_10(%arg0: i32) -> (i32, i32) {
    %c0_i32 = arith.constant 0 : i32
    %c0_i32_0 = arith.constant 0 : i32
    %c0_i32_1 = arith.constant 0 : i32
    return %c0_i32, %c0_i32_0 : i32, i32
  }
  func.func @transform_11(%arg0: i32) -> (i32, i32) {
    %c0_i32 = arith.constant 0 : i32
    %c0_i32_0 = arith.constant 0 : i32
    %c0_i32_1 = arith.constant 0 : i32
    return %c0_i32, %c0_i32_0 : i32, i32
  }
  func.func @transform_12(%arg0: i32) -> (i32, i32) {
    %c0_i32 = arith.constant 0 : i32
    %c0_i32_0 = arith.constant 0 : i32
    %c0_i32_1 = arith.constant 0 : i32
    return %c0_i32, %c0_i32_0 : i32, i32
  }
  func.func @transform_13(%arg0: i32) -> (i32, i32) {
    %c0_i32 = arith.constant 0 : i32
    %c0_i32_0 = arith.constant 0 : i32
    return %arg0, %c0_i32 : i32, i32
  }
  func.func @transform_14(%arg0: i32) -> (i32, i32) {
    %c0_i32 = arith.constant 0 : i32
    %c0_i32_0 = arith.constant 0 : i32
    return %arg0, %c0_i32 : i32, i32
  }
}

module attributes {stable_mosaic.version = 14 : i64} {
  func.func @_dense3_body(%arg0: i32, %arg1: memref<1000x128xf32, #tpu.memory_space<vmem>>, %arg2: memref<1000x128xf32, #tpu.memory_space<vmem>>, %arg3: memref<1000x128xf32, #tpu.memory_space<vmem>>, %arg4: memref<1000x128xf32, #tpu.memory_space<vmem>>, %arg5: memref<256x256xf32, #tpu.memory_space<vmem>>, %arg6: memref<1x256xf32, #tpu.memory_space<vmem>>, %arg7: memref<256x256xf32, #tpu.memory_space<vmem>>, %arg8: memref<1x256xf32, #tpu.memory_space<vmem>>, %arg9: memref<1x256xf32, #tpu.memory_space<vmem>>, %arg10: memref<1000x128xf32, #tpu.memory_space<vmem>>, %arg11: memref<1000x128xf32, #tpu.memory_space<vmem>>) attributes {dimension_semantics = [#tpu.dimension_semantics<arbitrary>], iteration_bounds = array<i64: 10>, scalar_prefetch = 0 : i64, scratch_operands = 0 : i64, tpu.core_type = #tpu.core_type<tc>, window_params = [{transform_indices = @transform_0, window_bounds = array<i64: 1000, 128>}, {transform_indices = @transform_1, window_bounds = array<i64: 1000, 128>}, {transform_indices = @transform_2, window_bounds = array<i64: 1000, 128>}, {transform_indices = @transform_3, window_bounds = array<i64: 1000, 128>}, {pipeline_mode = #tpu.pipeline_mode<synchronous>, transform_indices = @transform_4, window_bounds = array<i64: 256, 256>}, {pipeline_mode = #tpu.pipeline_mode<synchronous>, transform_indices = @transform_5, window_bounds = array<i64: 1, 256>}, {pipeline_mode = #tpu.pipeline_mode<synchronous>, transform_indices = @transform_6, window_bounds = array<i64: 256, 256>}, {pipeline_mode = #tpu.pipeline_mode<synchronous>, transform_indices = @transform_7, window_bounds = array<i64: 1, 256>}, {pipeline_mode = #tpu.pipeline_mode<synchronous>, transform_indices = @transform_8, window_bounds = array<i64: 1, 256>}, {transform_indices = @transform_9, window_bounds = array<i64: 1000, 128>}, {transform_indices = @transform_10, window_bounds = array<i64: 1000, 128>}]} {
    %get3A = arith.constant 0 : index
    %get3A_0 = arith.constant 0 : index
    %get3A_1 = vector.load %arg3[%get3A, %get3A_0] : memref<1000x128xf32, #tpu.memory_space<vmem>>, vector<1000x128xf32>
    %get3A_2 = arith.constant 0 : index
    %get3A_3 = arith.constant 0 : index
    %get3A_4 = vector.load %arg4[%get3A_2, %get3A_3] : memref<1000x128xf32, #tpu.memory_space<vmem>>, vector<1000x128xf32>
    %concatenate3A = tpu.concatenate %get3A_1, %get3A_4 in 1 : vector<1000x128xf32>, vector<1000x128xf32> -> vector<1000x256xf32>
    %get3A_5 = arith.constant 0 : index
    %get3A_6 = arith.constant 0 : index
    %get3A_7 = vector.load %arg1[%get3A_5, %get3A_6] : memref<1000x128xf32, #tpu.memory_space<vmem>>, vector<1000x128xf32>
    %get3A_8 = arith.constant 0 : index
    %get3A_9 = arith.constant 0 : index
    %get3A_10 = vector.load %arg2[%get3A_8, %get3A_9] : memref<1000x128xf32, #tpu.memory_space<vmem>>, vector<1000x128xf32>
    %concatenate3A_11 = tpu.concatenate %get3A_7, %get3A_10 in 1 : vector<1000x128xf32>, vector<1000x128xf32> -> vector<1000x256xf32>
    %get3A_12 = arith.constant 0 : index
    %get3A_13 = arith.constant 0 : index
    %get3A_14 = vector.load %arg5[%get3A_12, %get3A_13] : memref<256x256xf32, #tpu.memory_space<vmem>>, vector<256x256xf32>
    %dot_general3A = arith.constant dense<0.000000e+00> : vector<1000x256xf32>
    %dot_general3A_15 = tpu.matmul %concatenate3A_11, %get3A_14, %dot_general3A {dimension_numbers = #tpu.dot_dimension_numbers<[1], [0], [0], [1], [0, 0, 1, 1], [], []>, transpose_lhs_hint = false} : vector<1000x256xf32>, vector<256x256xf32>, vector<1000x256xf32> -> vector<1000x256xf32>
    %get3A_16 = arith.constant 0 : index
    %get3A_17 = arith.constant 0 : index
    %get3A_18 = vector.load %arg7[%get3A_16, %get3A_17] : memref<256x256xf32, #tpu.memory_space<vmem>>, vector<256x256xf32>
    %dot_general3A_19 = arith.constant dense<0.000000e+00> : vector<1000x256xf32>
    %dot_general3A_20 = tpu.matmul %concatenate3A, %get3A_18, %dot_general3A_19 {dimension_numbers = #tpu.dot_dimension_numbers<[1], [0], [0], [1], [0, 0, 1, 1], [], []>, transpose_lhs_hint = false} : vector<1000x256xf32>, vector<256x256xf32>, vector<1000x256xf32> -> vector<1000x256xf32>
    %add3A = arith.addf %dot_general3A_15, %dot_general3A_20 : vector<1000x256xf32>
    %get3A_21 = arith.constant 0 : index
    %get3A_22 = arith.constant 0 : index
    %get3A_23 = vector.load %arg6[%get3A_21, %get3A_22] : memref<1x256xf32, #tpu.memory_space<vmem>>, vector<1x256xf32>
    %add3A_24 = vector.broadcast %get3A_23 : vector<1x256xf32> to vector<1000x256xf32>
    %add3A_25 = arith.addf %add3A, %add3A_24 : vector<1000x256xf32>
    %max3A = arith.constant 0.000000e+00 : f32
    %max3A_26 = vector.broadcast %max3A : f32 to vector<1000x256xf32>
    %max3A_27 = arith.maximumf %add3A_25, %max3A_26 : vector<1000x256xf32>
    %get3A_28 = arith.constant 0 : index
    %get3A_29 = arith.constant 0 : index
    %get3A_30 = vector.load %arg8[%get3A_28, %get3A_29] : memref<1x256xf32, #tpu.memory_space<vmem>>, vector<1x256xf32>
    %get3A_31 = arith.constant 0 : index
    %get3A_32 = arith.constant 0 : index
    %get3A_33 = vector.load %arg9[%get3A_31, %get3A_32] : memref<1x256xf32, #tpu.memory_space<vmem>>, vector<1x256xf32>
    %reduce_sum3A = arith.constant dense<0.000000e+00> : vector<1000xf32>
    %reduce_sum3A_34 = vector.multi_reduction <add>, %max3A_27, %reduce_sum3A [1] : vector<1000x256xf32> to vector<1000xf32>
    %broadcast_in_dim3A = vector.shape_cast %reduce_sum3A_34 : vector<1000xf32> to vector<1000x1xf32>
    %div3A = arith.constant 2.560000e+02 : f32
    %div3A_35 = vector.broadcast %div3A : f32 to vector<1000x1xf32>
    %div3A_36 = arith.divf %broadcast_in_dim3A, %div3A_35 : vector<1000x1xf32>
    %sub3A = vector.broadcast %div3A_36 : vector<1000x1xf32> to vector<1000x256xf32>
    %sub3A_37 = arith.subf %max3A_27, %sub3A : vector<1000x256xf32>
    %mul3A = arith.mulf %sub3A_37, %sub3A_37 : vector<1000x256xf32>
    %reduce_sum3A_38 = arith.constant dense<0.000000e+00> : vector<1000xf32>
    %reduce_sum3A_39 = vector.multi_reduction <add>, %mul3A, %reduce_sum3A_38 [1] : vector<1000x256xf32> to vector<1000xf32>
    %broadcast_in_dim3A_40 = vector.shape_cast %reduce_sum3A_39 : vector<1000xf32> to vector<1000x1xf32>
    %div3A_41 = arith.constant 2.560000e+02 : f32
    %div3A_42 = vector.broadcast %div3A_41 : f32 to vector<1000x1xf32>
    %div3A_43 = arith.divf %broadcast_in_dim3A_40, %div3A_42 : vector<1000x1xf32>
    %add3A_44 = arith.constant 9.99999974E-6 : f32
    %add3A_45 = vector.broadcast %add3A_44 : f32 to vector<1000x1xf32>
    %add3A_46 = arith.addf %div3A_43, %add3A_45 : vector<1000x1xf32>
    %rsqrt3A = math.rsqrt %add3A_46 : vector<1000x1xf32>
    %mul3A_47 = vector.broadcast %rsqrt3A : vector<1000x1xf32> to vector<1000x256xf32>
    %mul3A_48 = arith.mulf %sub3A_37, %mul3A_47 : vector<1000x256xf32>
    %mul3A_49 = vector.broadcast %get3A_30 : vector<1x256xf32> to vector<1000x256xf32>
    %mul3A_50 = arith.mulf %mul3A_48, %mul3A_49 : vector<1000x256xf32>
    %add3A_51 = vector.broadcast %get3A_33 : vector<1x256xf32> to vector<1000x256xf32>
    %add3A_52 = arith.addf %mul3A_50, %add3A_51 : vector<1000x256xf32>
    %slice3A = vector.extract_strided_slice %add3A_52 {offsets = [0, 0], sizes = [1000, 128], strides = [1, 1]} : vector<1000x256xf32> to vector<1000x128xf32>
    %swap3A = arith.constant 0 : index
    %swap3A_53 = arith.constant 0 : index
    %swap3A_54 = vector.load %arg10[%swap3A, %swap3A_53] : memref<1000x128xf32, #tpu.memory_space<vmem>>, vector<1000x128xf32>
    tpu.vector_store %arg10[%swap3A, %swap3A_53], %slice3A {strides = array<i32>} : memref<1000x128xf32, #tpu.memory_space<vmem>>, vector<1000x128xf32>,
    %slice3A_55 = vector.extract_strided_slice %add3A_52 {offsets = [0, 128], sizes = [1000, 128], strides = [1, 1]} : vector<1000x256xf32> to vector<1000x128xf32>
    %swap3A_56 = arith.constant 0 : index
    %swap3A_57 = arith.constant 0 : index
    %swap3A_58 = vector.load %arg11[%swap3A_56, %swap3A_57] : memref<1000x128xf32, #tpu.memory_space<vmem>>, vector<1000x128xf32>
    tpu.vector_store %arg11[%swap3A_56, %swap3A_57], %slice3A_55 {strides = array<i32>} : memref<1000x128xf32, #tpu.memory_space<vmem>>, vector<1000x128xf32>,
    return
  }
  func.func @transform_0(%arg0: i32) -> (i32, i32) {
    %c0_i32 = arith.constant 0 : i32
    %c0_i32_0 = arith.constant 0 : i32
    return %arg0, %c0_i32 : i32, i32
  }
  func.func @transform_1(%arg0: i32) -> (i32, i32) {
    %c0_i32 = arith.constant 0 : i32
    %c0_i32_0 = arith.constant 0 : i32
    return %arg0, %c0_i32 : i32, i32
  }
  func.func @transform_2(%arg0: i32) -> (i32, i32) {
    %c0_i32 = arith.constant 0 : i32
    %c0_i32_0 = arith.constant 0 : i32
    return %arg0, %c0_i32 : i32, i32
  }
  func.func @transform_3(%arg0: i32) -> (i32, i32) {
    %c0_i32 = arith.constant 0 : i32
    %c0_i32_0 = arith.constant 0 : i32
    return %arg0, %c0_i32 : i32, i32
  }
  func.func @transform_4(%arg0: i32) -> (i32, i32) {
    %c0_i32 = arith.constant 0 : i32
    %c0_i32_0 = arith.constant 0 : i32
    %c0_i32_1 = arith.constant 0 : i32
    return %c0_i32, %c0_i32_0 : i32, i32
  }
  func.func @transform_5(%arg0: i32) -> (i32, i32) {
    %c0_i32 = arith.constant 0 : i32
    %c0_i32_0 = arith.constant 0 : i32
    %c0_i32_1 = arith.constant 0 : i32
    return %c0_i32, %c0_i32_0 : i32, i32
  }
  func.func @transform_6(%arg0: i32) -> (i32, i32) {
    %c0_i32 = arith.constant 0 : i32
    %c0_i32_0 = arith.constant 0 : i32
    %c0_i32_1 = arith.constant 0 : i32
    return %c0_i32, %c0_i32_0 : i32, i32
  }
  func.func @transform_7(%arg0: i32) -> (i32, i32) {
    %c0_i32 = arith.constant 0 : i32
    %c0_i32_0 = arith.constant 0 : i32
    %c0_i32_1 = arith.constant 0 : i32
    return %c0_i32, %c0_i32_0 : i32, i32
  }
  func.func @transform_8(%arg0: i32) -> (i32, i32) {
    %c0_i32 = arith.constant 0 : i32
    %c0_i32_0 = arith.constant 0 : i32
    %c0_i32_1 = arith.constant 0 : i32
    return %c0_i32, %c0_i32_0 : i32, i32
  }
  func.func @transform_9(%arg0: i32) -> (i32, i32) {
    %c0_i32 = arith.constant 0 : i32
    %c0_i32_0 = arith.constant 0 : i32
    return %arg0, %c0_i32 : i32, i32
  }
  func.func @transform_10(%arg0: i32) -> (i32, i32) {
    %c0_i32 = arith.constant 0 : i32
    %c0_i32_0 = arith.constant 0 : i32
    return %arg0, %c0_i32 : i32, i32
  }
}

module attributes {stable_mosaic.version = 14 : i64} {
  func.func @_dense4_body(%arg0: i32, %arg1: memref<1000x128xf32, #tpu.memory_space<vmem>>, %arg2: memref<1000x128xf32, #tpu.memory_space<vmem>>, %arg3: memref<1000x128xf32, #tpu.memory_space<vmem>>, %arg4: memref<1000x128xf32, #tpu.memory_space<vmem>>, %arg5: memref<256x64xf32, #tpu.memory_space<vmem>>, %arg6: memref<1x64xf32, #tpu.memory_space<vmem>>, %arg7: memref<256x64xf32, #tpu.memory_space<vmem>>, %arg8: memref<256x64xf32, #tpu.memory_space<vmem>>, %arg9: memref<1x64xf32, #tpu.memory_space<vmem>>, %arg10: memref<256x64xf32, #tpu.memory_space<vmem>>, %arg11: memref<1000x64xf32, #tpu.memory_space<vmem>>, %arg12: memref<1000x64xf32, #tpu.memory_space<vmem>>) attributes {dimension_semantics = [#tpu.dimension_semantics<arbitrary>], iteration_bounds = array<i64: 10>, scalar_prefetch = 0 : i64, scratch_operands = 0 : i64, tpu.core_type = #tpu.core_type<tc>, window_params = [{transform_indices = @transform_0, window_bounds = array<i64: 1000, 128>}, {transform_indices = @transform_1, window_bounds = array<i64: 1000, 128>}, {transform_indices = @transform_2, window_bounds = array<i64: 1000, 128>}, {transform_indices = @transform_3, window_bounds = array<i64: 1000, 128>}, {pipeline_mode = #tpu.pipeline_mode<synchronous>, transform_indices = @transform_4, window_bounds = array<i64: 256, 64>}, {pipeline_mode = #tpu.pipeline_mode<synchronous>, transform_indices = @transform_5, window_bounds = array<i64: 1, 64>}, {pipeline_mode = #tpu.pipeline_mode<synchronous>, transform_indices = @transform_6, window_bounds = array<i64: 256, 64>}, {pipeline_mode = #tpu.pipeline_mode<synchronous>, transform_indices = @transform_7, window_bounds = array<i64: 256, 64>}, {pipeline_mode = #tpu.pipeline_mode<synchronous>, transform_indices = @transform_8, window_bounds = array<i64: 1, 64>}, {pipeline_mode = #tpu.pipeline_mode<synchronous>, transform_indices = @transform_9, window_bounds = array<i64: 256, 64>}, {transform_indices = @transform_10, window_bounds = array<i64: 1000, 64>}, {transform_indices = @transform_11, window_bounds = array<i64: 1000, 64>}]} {
    %get3A = arith.constant 0 : index
    %get3A_0 = arith.constant 0 : index
    %get3A_1 = vector.load %arg3[%get3A, %get3A_0] : memref<1000x128xf32, #tpu.memory_space<vmem>>, vector<1000x128xf32>
    %get3A_2 = arith.constant 0 : index
    %get3A_3 = arith.constant 0 : index
    %get3A_4 = vector.load %arg4[%get3A_2, %get3A_3] : memref<1000x128xf32, #tpu.memory_space<vmem>>, vector<1000x128xf32>
    %concatenate3A = tpu.concatenate %get3A_1, %get3A_4 in 1 : vector<1000x128xf32>, vector<1000x128xf32> -> vector<1000x256xf32>
    %get3A_5 = arith.constant 0 : index
    %get3A_6 = arith.constant 0 : index
    %get3A_7 = vector.load %arg1[%get3A_5, %get3A_6] : memref<1000x128xf32, #tpu.memory_space<vmem>>, vector<1000x128xf32>
    %get3A_8 = arith.constant 0 : index
    %get3A_9 = arith.constant 0 : index
    %get3A_10 = vector.load %arg2[%get3A_8, %get3A_9] : memref<1000x128xf32, #tpu.memory_space<vmem>>, vector<1000x128xf32>
    %concatenate3A_11 = tpu.concatenate %get3A_7, %get3A_10 in 1 : vector<1000x128xf32>, vector<1000x128xf32> -> vector<1000x256xf32>
    %get3A_12 = arith.constant 0 : index
    %get3A_13 = arith.constant 0 : index
    %get3A_14 = vector.load %arg5[%get3A_12, %get3A_13] : memref<256x64xf32, #tpu.memory_space<vmem>>, vector<256x64xf32>
    %dot_general3A = arith.constant dense<0.000000e+00> : vector<1000x64xf32>
    %dot_general3A_15 = tpu.matmul %concatenate3A_11, %get3A_14, %dot_general3A {dimension_numbers = #tpu.dot_dimension_numbers<[1], [0], [0], [1], [0, 0, 1, 1], [], []>, transpose_lhs_hint = false} : vector<1000x256xf32>, vector<256x64xf32>, vector<1000x64xf32> -> vector<1000x64xf32>
    %get3A_16 = arith.constant 0 : index
    %get3A_17 = arith.constant 0 : index
    %get3A_18 = vector.load %arg7[%get3A_16, %get3A_17] : memref<256x64xf32, #tpu.memory_space<vmem>>, vector<256x64xf32>
    %dot_general3A_19 = arith.constant dense<0.000000e+00> : vector<1000x64xf32>
    %dot_general3A_20 = tpu.matmul %concatenate3A, %get3A_18, %dot_general3A_19 {dimension_numbers = #tpu.dot_dimension_numbers<[1], [0], [0], [1], [0, 0, 1, 1], [], []>, transpose_lhs_hint = false} : vector<1000x256xf32>, vector<256x64xf32>, vector<1000x64xf32> -> vector<1000x64xf32>
    %add3A = arith.addf %dot_general3A_15, %dot_general3A_20 : vector<1000x64xf32>
    %get3A_21 = arith.constant 0 : index
    %get3A_22 = arith.constant 0 : index
    %get3A_23 = vector.load %arg6[%get3A_21, %get3A_22] : memref<1x64xf32, #tpu.memory_space<vmem>>, vector<1x64xf32>
    %add3A_24 = vector.broadcast %get3A_23 : vector<1x64xf32> to vector<1000x64xf32>
    %add3A_25 = arith.addf %add3A, %add3A_24 : vector<1000x64xf32>
    %swap3A = arith.constant 0 : index
    %swap3A_26 = arith.constant 0 : index
    %swap3A_27 = vector.load %arg11[%swap3A, %swap3A_26] : memref<1000x64xf32, #tpu.memory_space<vmem>>, vector<1000x64xf32>
    tpu.vector_store %arg11[%swap3A, %swap3A_26], %add3A_25 {strides = array<i32>} : memref<1000x64xf32, #tpu.memory_space<vmem>>, vector<1000x64xf32>,
    %get3A_28 = arith.constant 0 : index
    %get3A_29 = arith.constant 0 : index
    %get3A_30 = vector.load %arg8[%get3A_28, %get3A_29] : memref<256x64xf32, #tpu.memory_space<vmem>>, vector<256x64xf32>
    %dot_general3A_31 = arith.constant dense<0.000000e+00> : vector<1000x64xf32>
    %dot_general3A_32 = tpu.matmul %concatenate3A_11, %get3A_30, %dot_general3A_31 {dimension_numbers = #tpu.dot_dimension_numbers<[1], [0], [0], [1], [0, 0, 1, 1], [], []>, transpose_lhs_hint = false} : vector<1000x256xf32>, vector<256x64xf32>, vector<1000x64xf32> -> vector<1000x64xf32>
    %get3A_33 = arith.constant 0 : index
    %get3A_34 = arith.constant 0 : index
    %get3A_35 = vector.load %arg10[%get3A_33, %get3A_34] : memref<256x64xf32, #tpu.memory_space<vmem>>, vector<256x64xf32>
    %dot_general3A_36 = arith.constant dense<0.000000e+00> : vector<1000x64xf32>
    %dot_general3A_37 = tpu.matmul %concatenate3A, %get3A_35, %dot_general3A_36 {dimension_numbers = #tpu.dot_dimension_numbers<[1], [0], [0], [1], [0, 0, 1, 1], [], []>, transpose_lhs_hint = false} : vector<1000x256xf32>, vector<256x64xf32>, vector<1000x64xf32> -> vector<1000x64xf32>
    %add3A_38 = arith.addf %dot_general3A_32, %dot_general3A_37 : vector<1000x64xf32>
    %get3A_39 = arith.constant 0 : index
    %get3A_40 = arith.constant 0 : index
    %get3A_41 = vector.load %arg9[%get3A_39, %get3A_40] : memref<1x64xf32, #tpu.memory_space<vmem>>, vector<1x64xf32>
    %add3A_42 = vector.broadcast %get3A_41 : vector<1x64xf32> to vector<1000x64xf32>
    %add3A_43 = arith.addf %add3A_38, %add3A_42 : vector<1000x64xf32>
    %swap3A_44 = arith.constant 0 : index
    %swap3A_45 = arith.constant 0 : index
    %swap3A_46 = vector.load %arg12[%swap3A_44, %swap3A_45] : memref<1000x64xf32, #tpu.memory_space<vmem>>, vector<1000x64xf32>
    tpu.vector_store %arg12[%swap3A_44, %swap3A_45], %add3A_43 {strides = array<i32>} : memref<1000x64xf32, #tpu.memory_space<vmem>>, vector<1000x64xf32>,
    return
  }
  func.func @transform_0(%arg0: i32) -> (i32, i32) {
    %c0_i32 = arith.constant 0 : i32
    %c0_i32_0 = arith.constant 0 : i32
    return %arg0, %c0_i32 : i32, i32
  }
  func.func @transform_1(%arg0: i32) -> (i32, i32) {
    %c0_i32 = arith.constant 0 : i32
    %c0_i32_0 = arith.constant 0 : i32
    return %arg0, %c0_i32 : i32, i32
  }
  func.func @transform_2(%arg0: i32) -> (i32, i32) {
    %c0_i32 = arith.constant 0 : i32
    %c0_i32_0 = arith.constant 0 : i32
    return %arg0, %c0_i32 : i32, i32
  }
  func.func @transform_3(%arg0: i32) -> (i32, i32) {
    %c0_i32 = arith.constant 0 : i32
    %c0_i32_0 = arith.constant 0 : i32
    return %arg0, %c0_i32 : i32, i32
  }
  func.func @transform_4(%arg0: i32) -> (i32, i32) {
    %c0_i32 = arith.constant 0 : i32
    %c0_i32_0 = arith.constant 0 : i32
    %c0_i32_1 = arith.constant 0 : i32
    return %c0_i32, %c0_i32_0 : i32, i32
  }
  func.func @transform_5(%arg0: i32) -> (i32, i32) {
    %c0_i32 = arith.constant 0 : i32
    %c0_i32_0 = arith.constant 0 : i32
    %c0_i32_1 = arith.constant 0 : i32
    return %c0_i32, %c0_i32_0 : i32, i32
  }
  func.func @transform_6(%arg0: i32) -> (i32, i32) {
    %c0_i32 = arith.constant 0 : i32
    %c0_i32_0 = arith.constant 0 : i32
    %c0_i32_1 = arith.constant 0 : i32
    return %c0_i32, %c0_i32_0 : i32, i32
  }
  func.func @transform_7(%arg0: i32) -> (i32, i32) {
    %c0_i32 = arith.constant 0 : i32
    %c0_i32_0 = arith.constant 0 : i32
    %c0_i32_1 = arith.constant 0 : i32
    return %c0_i32, %c0_i32_0 : i32, i32
  }
  func.func @transform_8(%arg0: i32) -> (i32, i32) {
    %c0_i32 = arith.constant 0 : i32
    %c0_i32_0 = arith.constant 0 : i32
    %c0_i32_1 = arith.constant 0 : i32
    return %c0_i32, %c0_i32_0 : i32, i32
  }
  func.func @transform_9(%arg0: i32) -> (i32, i32) {
    %c0_i32 = arith.constant 0 : i32
    %c0_i32_0 = arith.constant 0 : i32
    %c0_i32_1 = arith.constant 0 : i32
    return %c0_i32, %c0_i32_0 : i32, i32
  }
  func.func @transform_10(%arg0: i32) -> (i32, i32) {
    %c0_i32 = arith.constant 0 : i32
    %c0_i32_0 = arith.constant 0 : i32
    return %arg0, %c0_i32 : i32, i32
  }
  func.func @transform_11(%arg0: i32) -> (i32, i32) {
    %c0_i32 = arith.constant 0 : i32
    %c0_i32_0 = arith.constant 0 : i32
    return %arg0, %c0_i32 : i32, i32
  }
}

</mosaic_0001>

<sc_bundles>
// kernel: kernel.10.cloned.1.call-start
scs
__scs_entry_jumppad:
0x0: {  	(pc) =	sbr.rel $0x88, $3  }
0x1: {  	(tag) =	ssettag $0x0;
	lr =	simm.s32 $0x1  }
0x2: {  	[smem:$0x3F86] =	sst lr;
	_ =	strace $0xD0000000  }
0x3: {  	_ = 	snop  }
0x4: {  	_ = 	snop  }
0x5: {  	_ = 	snop  }
0x6: {  	_ = 	snop  }
0x7: {  	_ = 	snop  }
__scs_overlays_trampoline_lowered:
0x8: {  	[smem:$0x3F95] =	sst s0  }
0x9: {  	[smem:$0x3F96] =	sst s1  }
0xa: {  	[smem:$0x3F97] =	sst s2  }
0xb: {  	[smem:$0x3F98] =	sst s3  }
0xc: {  	[smem:$0x3F99] =	sst s4  }
0xd: {  	[smem:$0x3F9A] =	sst s5  }
0xe: {  	[smem:$0x3F9B] =	sst s6  }
0xf: {  	[smem:$0x3F9C] =	sst s7  }
0x10: {  	[smem:$0x3F9D] =	sst s8  }
0x11: {  	[smem:$0x3F9E] =	sst s9;
	s0 =	simm.s32 @!p0 $0x0  }
0x12: {  	s1 =	sld [smem:$0x3F84];
	s0 =	simm.s32 @p0 $0x1  }
0x13: {  	[smem:$0x3F9F] =	sst s0;
	s0 =	simm.s32 @!p1 $0x0  }
0x14: {  	s2 =	sld [smem:$0x3F83];
	s0 =	simm.s32 @p1 $0x1  }
0x15: {  	[smem:$0x3FA0] =	sst s0;
	s0 =	simm.s32 @!p2 $0x0  }
0x16: {  	s3 =	sld [smem:$0x3FDB];
	s0 =	simm.s32 @p2 $0x1  }
0x17: {  	s4 =	simm.s32 $0x1BF5;
	[smem:$0x3FA2] =	sst s0  }
0x18: {  	s0 =	sld [smem:$0x3F85];
	_ =	swait.ge [sflag:s4], $0x0  }
0x19: {  	s7 =	sld [smem:$0x3F86]  }
0x1a: {  	s8 =	sadd.s32 $0xFFFFE003, lr  }
0x1b: {  	s9 =	sadd.s32 $0xFFFFFEF7, lr;
	s5 =	simm.s32 $0xFFFFFFFF;
	p2 =	slt.u32 s8, $0xFFFFF086  }
0x1c: {  	p1 =	slt.u32 s9, $0xF7A;
	s5 =	simm.s32 @!p2 $0x0  }
0x1d: {  	s5 =	simm.s32 @p1 $0x1;
	p0 =	seq.s32 s7, s2  }
0x1e: {  	s7 =	smul.u32 @!p0 $0xF7A, s2;
	p2 =	seq.s32 @!p0 s5, $0x0  }
0x1f: {  	s9 =	smul.u32 $0xF7A, s1;
	s8 =	simm.s32 @!p0 $0x1BF5;
	p2 =	por !p2, p0  }
0x20: {  	[sflag:s8] =	ssyncset.s32 @!p0 $0xFFFFF086;
	s6 =	sadd.s32 @!p0 s3, s7;
	s7 =	simm.s32 @!p0 $0x108  }
0x21: {  	s3 =	sadd.s32 s3, s9;
	s6 =	sadd.s32 @!p0 $0x88, s6;
	s7 =	simm.s32 @p2 $0x1082  }
0x22: {  	[simem:s7], [sflag:s8] =	dma.local @!p0 [hbm:s6], $0xF7A  }
0x23: {  	s9 =	sor.u32 $0xD0000000, s2;
	s6 =	simm.s32 $0x108;
	_ =	swait.ge @!p0 [sflag:s8], $0x0  }
0x24: {  	s3 =	sadd.s32 $0x88, s3;
	s6 =	simm.s32 @!p1 $0x1082;
	[sflag:s4] =	ssyncset.s32 $0xFFFFF086  }
0x25: {  	[simem:s6], [sflag:s4] =	dma.local [hbm:s3], $0xF7A  }
0x26: {  	[smem:$0x3F86] =	sst s1;
	(tag) =	ssettag s2;
	_ =	strace s9  }
0x27: {  	s1 =	sld [smem:$0x3F96]  }
0x28: {  	s2 =	sld [smem:$0x3F97]  }
0x29: {  	s4 =	sld [smem:$0x3F99]  }
0x2a: {  	p0 =	seq.s32 s5, $0x0;
	s5 =	sld [smem:$0x3F9A]  }
0x2b: {  	s6 =	sld [smem:$0x3F9B]  }
0x2c: {  	s7 =	sld [smem:$0x3F9C]  }
0x2d: {  	s3 =	simm.s32 $0x108;
	s8 =	sld [smem:$0x3F9D]  }
0x2e: {  	s3 =	simm.s32 @!p0 $0x1082;
	s9 =	sld [smem:$0x3F9E]  }
0x2f: {  	lr =	sadd.s32 s0, s3;
	s0 =	sld [smem:$0x3F95]  }
0x30: {  	s3 =	sld [smem:$0x3F98]  }
0x31: {  	[smem:$0x3FA1] =	sst s10  }
0x32: {  	s10 =	sld [smem:$0x3F9F];
	_ =	sdelay $0x3  }
0x33: {  	p0 =	seq.s32 s10, $0x1;
	s10 =	sld [smem:$0x3FA1];
	_ =	sdelay $0x3  }
0x34: {  	[smem:$0x3FA1] =	sst s10  }
0x35: {  	s10 =	sld [smem:$0x3FA0];
	_ =	sdelay $0x3  }
0x36: {  	p1 =	seq.s32 s10, $0x1;
	s10 =	sld [smem:$0x3FA1];
	_ =	sdelay $0x3  }
0x37: {  	[smem:$0x3FA1] =	sst s10  }
0x38: {  	s10 =	sld [smem:$0x3FA2]  }
0x39: {  	_ = 	snop;
	(pc) =	sbr.ind lr, $3  }
0x3a: {  	_ = 	snop  }
0x3b: {  	_ = 	snop  }
0x3c: {  	p2 =	seq.s32 s10, $0x1;
	s10 =	sld [smem:$0x3FA1]  }
0x3d: {  	_ =	shalt  }
0x3e: {  	_ =	shalt  }
0x3f: {  	_ =	shalt  }
0x40: {  	_ =	shalt  }
0x41: {  	_ =	shalt  }
0x42: {  	_ =	shalt  }
0x43: {  	_ =	shalt  }
0x44: {  	_ =	shalt  }
0x45: {  	_ =	shalt  }
0x46: {  	_ =	shalt  }
0x47: {  	_ =	shalt  }
0x48: {  	_ =	shalt  }
0x49: {  	_ =	shalt  }
0x4a: {  	_ =	shalt  }
0x4b: {  	_ =	shalt  }
0x4c: {  	_ =	shalt  }
0x4d: {  	_ =	shalt  }
0x4e: {  	_ =	shalt  }
0x4f: {  	_ =	shalt  }
0x50: {  	_ =	shalt  }
0x51: {  	_ =	shalt  }
0x52: {  	_ =	shalt  }
0x53: {  	_ =	shalt  }
0x54: {  	_ =	shalt  }
0x55: {  	_ =	shalt  }
0x56: {  	_ =	shalt  }
0x57: {  	_ =	shalt  }
0x58: {  	_ =	shalt  }
0x59: {  	_ =	shalt  }
0x5a: {  	_ =	shalt  }
0x5b: {  	_ =	shalt  }
0x5c: {  	_ =	shalt  }
0x5d: {  	_ =	shalt  }
0x5e: {  	_ =	shalt  }
0x5f: {  	_ =	shalt  }
0x60: {  	_ =	shalt  }
0x61: {  	_ =	shalt  }
0x62: {  	_ =	shalt  }
0x63: {  	_ =	shalt  }
0x64: {  	_ =	shalt  }
0x65: {  	_ =	shalt  }
0x66: {  	_ =	shalt  }
0x67: {  	_ =	shalt  }
0x68: {  	_ =	shalt  }
0x69: {  	_ =	shalt  }
0x6a: {  	_ =	shalt  }
0x6b: {  	_ =	shalt  }
0x6c: {  	_ =	shalt  }
0x6d: {  	_ =	shalt  }
0x6e: {  	_ =	shalt  }
0x6f: {  	_ =	shalt  }
0x70: {  	_ =	shalt  }
0x71: {  	_ =	shalt  }
0x72: {  	_ =	shalt  }
0x73: {  	_ =	shalt  }
0x74: {  	_ =	shalt  }
0x75: {  	_ =	shalt  }
0x76: {  	_ =	shalt  }
0x77: {  	_ =	shalt  }
0x78: {  	_ =	shalt  }
0x79: {  	_ =	shalt  }
0x7a: {  	_ =	shalt  }
0x7b: {  	_ =	shalt  }
0x7c: {  	_ =	shalt  }
0x7d: {  	_ =	shalt  }
0x7e: {  	_ =	shalt  }
0x7f: {  	_ =	shalt  }
0x80: {  	_ =	shalt  }
0x81: {  	_ =	shalt  }
0x82: {  	_ =	shalt  }
0x83: {  	_ =	shalt  }
0x84: {  	_ =	shalt  }
0x85: {  	_ =	shalt  }
0x86: {  	_ =	shalt  }
0x87: {  	_ =	shalt  }
.Lfunc_end0:
.L_simem_size_0:
called_computation_lowered:
.L_overlay_start_0:
0x88: {  	s2 =	sld [smem:$0x3FD9]  }
0x89: {  	s3 =	sld [smem:$0x3FFE];
	_ =	sdelay $0x1  }
0x8a: {  	s1 =	srdreg.scid  }
0x8b: {  	s0 =	sand.u32 $0x1, s1  }
0x8c: {  	s14 =	sshll.u32 s0, $0xA;
	s2 =	sadd.s32 s3, s2  }
0x8d: {  	s2 =	sadd.s32 s2, s14  }
0x8e: {  	[smem:$0x3FAD] =	sst s2  }
0x8f: {  	_ = 	snop  }
0x90: {  	s2 =	sld [smem:$0x3FD0];
	_ =	sdelay $0x2  }
0x91: {  	s4 =	simm.s32 $0xA;
	s5 =	simm.s32 $0x10;
	s15 =	sld [smem:$0x3FC9]  }
0x92: {  	[smem:s5], [sflag:s4] =	dma.local [hbm:s2], $0x1  }
0x93: {  	_ =	swait.eq [sflag:s4], $0x1  }
0x94: {  	[sflag:s4] =	ssyncset.done $0x0  }
0x95: {  	s16 =	sld [smem:$0x10];
	[sflag:s4] =	ssyncadd.s32 $0xFFFFFFFF  }
0x96: {  	s17 =	sld [smem:$0x11];
	(tm) =	ssettm $0x1  }
0x97: {  	s18 =	sld [smem:$0x3FFB];
	_ =	sdelay $0x3  }
0x98: {  	_ =	strace s18  }
0x99: {  	s5 =	sld [smem:$0x3FFC];
	_ =	sdelay $0x3  }
0x9a: {  	_ =	strace s5  }
0x9b: {  	s5 =	sld [smem:$0x3FFD];
	_ =	sdelay $0x3  }
0x9c: {  	_ =	strace s5  }
0x9d: {  	_ =	strace $0x8FFFFFFF  }
0x9e: {  	s19 =	sld [smem:$0x3FDB];
	_ =	sdelay $0x1  }
0x9f: {  	s6 =	simm.s32 $_scs_section_size  }
0xa0: {  	s7 =	simm.s32 $_size__tile_overlayer_lowered;
	s8 =	simm.s32 $_tile_overlayer_lowered  }
0xa1: {  	s22 =	simm.s32 $0x1BFF;
	s21 =	sshll.u32 s8, $0x1;
	s5 =	sadd.s32 s6, s19  }
0xa2: {  	s9 =	simm.s32 $0x0;
	s20 =	sshll.u32 s7, $0x1;
	s7 =	sadd.s32 s21, s5  }
0xa3: {  	[timem:s9], [sflag:s22] =	dma.local [hbm:s7], s20  }
0xa4: {  	_ =	swait.ge [sflag:s22], s20  }
0xa5: {  	s6 =	ssub.s32 $0x0, s20;
	[sflag:s22] =	ssyncset.done $0x0  }
0xa6: {  	[sflag:s22] =	ssyncadd.s32 s6;
	_ =	sdelay $0x1  }
0xa7: {  	s23 =	simm.s32 $0x1B8B  }
0xa8: {  	_ =	swait.ge [sflag:s23], $0x1  }
0xa9: {  	[sflag:s23] =	ssyncset.done $0x0  }
0xaa: {  	s25 =	simm.s32 $0x1B8E;
	s24 =	sld [smem:$0x3FFE];
	[sflag:s23] =	ssyncadd.s32 $0xFFFFFFFF  }
0xab: {  	s26 =	simm.s32 $execute0_lowered;
	[smem:$0x3FD2] =	sst s25  }
0xac: {  	s7 =	sshll.u32 s26, $0x1;
	_ =	strace $0x80000046;
	[dreg:$0x1] =	wrdreg $0xFFFFFFFF  }
0xad: {  	s28 =	simm.s32 $_size_execute0_lowered;
	s5 =	sadd.s32 s5, s7;
	[dreg:$0x0] =	wrdreg $0x0  }
0xae: {  	s7 =	sshll.u32 s28, $0x1;
	[dreg:$0x2] =	wrdreg s5  }
0xaf: {  	[dreg:$0x3] =	wrdreg s7  }
0xb0: {  	[dreg:$0x4] =	wrdreg $0xC0  }
0xb1: {  	_ =	task [dreg:s9], $0x5FFFF  }
0xb2: {  	[dreg:$0x1] =	wrdreg $0xFFFFFFFF  }
0xb3: {  	[dreg:$0x0] =	wrdreg $0x60  }
0xb4: {  	[dreg:$0x2] =	wrdreg s15  }
0xb5: {  	[dreg:$0x3] =	wrdreg s17  }
0xb6: {  	[dreg:$0x4] =	wrdreg s16  }
0xb7: {  	[dreg:$0x5] =	wrdreg s24  }
0xb8: {  	[dreg:$0x6] =	wrdreg $0xB0000  }
0xb9: {  	[dreg:$0x7] =	wrdreg $0x9  }
0xba: {  	_ =	task.clear_ibuf [dreg:s9], $0x8FFFF;
	_ =	strace $0x90000046  }
0xbb: {  	s29 =	simm.s32 $0x9;
	_ =	strace $0x80000048  }
0xbc: {  	_ =	swait.ge [sflag:s29], $0x1  }
0xbd: {  	[sflag:s29] =	ssyncadd.s32 $0xFFFFFFFF  }
0xbe: {  	_ =	strace $0x90000048  }
0xbf: {  	_ =	sfence  }
0xc0: {  	s30 =	sld [smem:$0x0];
	_ =	sdelay $0x2  }
0xc1: {  	s31 =	sshll.u32 s1, $0xD;
	s1 =	sshrl.u32 s1, $0x2  }
0xc2: {  	s3 =	sand.u32 $0x4000, s31;
	s1 =	sadd.s32 s1, s30  }
0xc3: {  	s0 =	sor.u32 s3, s0;
	s1 =	sshll.u32 s1, $0x11  }
0xc4: {  	s0 =	sor.u32 s1, s0  }
0xc5: {  	s0 =	sadd.s32 $0x8F2B, s0  }
0xc6: {  	[sflag:s0] =	ssyncadd.remote.s32 $0x1  }
0xc7: {  	_ =	sfence.sel $0xFFFF  }
0xc8: {  	[dreg:$0x0] =	wrdreg $0xFFFFFFFF;
	(pc) =	sbr.abs _section_cstart, $3  }
0xc9: {  	[dreg:$0x1] =	wrdreg $0xFFFFFFFF  }
0xca: {  	_ =	task.clear_ibuf [dreg:s9], $0x2FFFF;
	_ =	strace $0x9FFFFFFF  }
0xcb: {  	(tm) =	ssettm $0x7FFFFFFF  }
tec
execute0_lowered:
.L_overlay_start_1:
0x0: {  	(tag) =	ssettag $0x1  }
0x1: {  	s1 =	rddreg [dreg:$0x0]  }
0x2: {  	s0 =	rddreg [dreg:$0x1]  }
0x3: {  	s16 =	rddreg [dreg:$0x2]  }
0x4: {  	s10 =	rddreg [dreg:$0x3]  }
0x5: {  	s3 =	rddreg [dreg:$0x4];
	s5 =	srdreg.scid;
	s4 =	simm.s32 $0x0  }
0x6: {  	s2 =	stileid.u32;
	s18 =	simm.s32 $0x3;
	s19 =	simm.s32 $0x7D  }
0x7: {  	s20 =	simm.s32 $0x2800;
	s21 =	simm.s32 $0x80;
	s22 =	simm.s32 $0x6800  }
0x8: {  	s7 =	sand.u32 $0x1, s5;
	[smem:$0x7FF] =	sst s4;
	s26 =	smul.u32 $0x2700, s2  }
0x9: {  	s28 =	smul.u32 $0x4E000, s2;
	p3 =	seq.s32 s2, $0xF;
	s5 =	simm.s32 $0x28  }
0xa: {  	s9 =	smul.u32 $0x50, s2;
	p2 =	sne.s32 s2, $0xF;
	s30 =	sadd.s32 $0x2B700, s10  }
0xb: {  	s6 =	ssub.s32 $0x2, s7;
	_ =	strace $0x80000047;
	s29 =	smul.u32 $0x500, s7  }
0xc: {  	s5 =	simm.s32 @!p3 $0x27;
	p0 =	seq.s32 s7, $0x0;
	p6 =	seq.s32 s7, $0x1  }
0xd: {  	s7 =	sadd.s32 $0x124800, s3;
	[dreg:$0x6] =	wrdreg s30;
	s8 =	sshrl.u32 s6, $0x1  }
0xe: {  	s11 =	sadd.s32 s26, s10;
	p1 =	por !p0, !p2;
	p4 =	por !p0, !p3  }
0xf: {  	p2 =	por !p2, !p6;
	s10 =	sadd.s32 $0x52900, s10;
	s12 =	ssub.s32 s6, s8  }
0x10: {  	s6 =	sshrl.u32 s28, $0x2;
	s13 =	sadd.s32 s9, s29;
	p0 =	por !p1, !p1  }
0x11: {  	p1 =	por !p4, !p4;
	s31 =	sadd.s32 $0x6E00, s11;
	p2 =	por !p2, !p2  }
0x12: {  	s11 =	sadd.s32 $0x2E000, s11;
	s6 =	sadd.s32 s6, s3;
	s8 =	simm.s32 @!p1 $0x0  }
.Ltmp0:
0x13: {  	[dreg:$0x7] =	wrdreg s31;
	s15 =	sshll.u32 s13, $0x4;
	(pc) =	sbr.rel .LBB2_1-.Ltmp0, $4  }
0x14: {  	s12 =	smax.u32 s12, $0x1;
	s8 =	simm.s32 @p1 $0x1;
	s13 =	sadd.s32 s0, s15  }
0x15: {  	s14 =	sadd.s32 s16, s15;
	s17 =	sadd.s32 $0x280, s15;
	p1 =	por !p3, !p6  }
0x16: {  	[smem:$0x7FD] =	sst s8;
	s15 =	sadd.s32 s0, s17;
	p1 =	por !p1, !p1  }
0x17: {  	v0 =	vimm.f32 $0.0e+00;
	s16 =	sadd.s32 s16, s17;
	s17 =	simm.s32 $0xA800;
	p3 =	por !p1, p2  }
.LBB2_13:
0x18: {  	s0 =	sshrl.u32 s7, $0x3;
	s8 =	rddreg [dreg:$0x6];
	s9 =	simm.s32 $0x1FC3  }
0x19: {  	[hbm:s8], [sflag:s9] =	dma.local [spmem:s0], $0x2800  }
0x1a: {  	_ =	swait.ge [sflag:s18], $0x2800  }
0x1b: {  	[sflag:s18] =	ssyncset.done $0x0  }
0x1c: {  	[sflag:s18] =	ssyncadd.s32 $0xFFFFD800  }
.LBB2_14:
0x1d: {  	s4 =	sadd.s32 $0x1, s4  }
0x1e: {  	p1 =	sne.s32 s4, s12  }
.Ltmp1:
0x1f: {  	_ = 	snop;
	(pc) =	sbr.rel @!p1 .LBB2_15-.Ltmp1, $1  }
0x20: {  	_ =	sdelay $0x3  }
.LBB2_1:
0x21: {  	s24 =	simm.s32 $0x0;
	s25 =	simm.s32 $0x200  }
.LBB2_2:
0x22: {  	p1 =	sne.s32 s25, $0x1E00;
	[tilespmem:s24+$0xA870] =	vst v0  }
0x23: {  	[tilespmem:s24+$0xA800] =	vst v0  }
0x24: {  	[tilespmem:s24+$0xA810] =	vst v0  }
.Ltmp2:
0x25: {  	[tilespmem:s24+$0xA820] =	vst v0;
	(pc) =	sbr.rel @p1 .LBB2_2-.Ltmp2, $4  }
0x26: {  	[tilespmem:s24+$0xA830] =	vst v0  }
0x27: {  	[tilespmem:s24+$0xA840] =	vst v0  }
0x28: {  	[tilespmem:s24+$0xA850] =	vst v0  }
0x29: {  	[tilespmem:s24+$0xA860] =	vst v0;
	s24 =	sshra.s32 s25, $0x2;
	s25 =	sadd.s32 $0x200, s25  }
0x2a: {  	[tilespmem:s24+$0xA870] =	vst v0  }
0x2b: {  	[tilespmem:s24+$0xA800] =	vst v0  }
0x2c: {  	[tilespmem:s24+$0xA810] =	vst v0  }
0x2d: {  	[tilespmem:s24+$0xA820] =	vst v0  }
0x2e: {  	[tilespmem:s24+$0xA830] =	vst v0  }
0x2f: {  	[tilespmem:s24+$0xA840] =	vst v0;
	p1 =	sne.s32 s5, $0x1  }
.Ltmp3:
0x30: {  	[tilespmem:s24+$0xA850] =	vst v0;
	(pc) =	sbr.rel @!p1 .LBB2_5-.Ltmp3, $4  }
0x31: {  	[tilespmem:s24+$0xA860] =	vst v0  }
0x32: {  	[spmem:s6] =	stream.linear.scatter [tilespmem:s17], [sflag:$0x3], $0x800, $0x38;
	[tilespmem:$0x1E880] =	vst v63  }
0x33: {  	_ =	swait.ge [sflag:s18], $0x800  }
0x34: {  	s24 =	sadd.s32 $0xFFFFFFFF, s5;
	s25 =	smov.u32 s6;
	[sflag:s18] =	ssyncset.done $0x0  }
.LBB2_4:
0x35: {  	p1 =	sne.s32 s24, $0x1;
	[sflag:s18] =	ssyncadd.s32 $0xFFFFF800;
	s25 =	sadd.s32 $0x800, s25  }
.Ltmp4:
0x36: {  	s24 =	sadd.s32 $0xFFFFFFFF, s24;
	(pc) =	sbr.rel @p1 .LBB2_4-.Ltmp4, $4  }
0x37: {  	_ = 	snop  }
0x38: {  	[spmem:s25] =	stream.linear.scatter [tilespmem:s17], [sflag:$0x3], $0x800, $0x38;
	[tilespmem:$0x1E880] =	vst v63  }
0x39: {  	_ =	swait.ge [sflag:s18], $0x800  }
0x3a: {  	[sflag:s18] =	ssyncset.done $0x0  }
.LBB2_5:
0x3b: {  	[sflag:s18] =	ssyncadd.s32 $0xFFFFF800  }
0x3c: {  	s0 =	simm.s32 $0x0;
	[bflag:$0x0] =	sbarrier.arrive $0xFFFF  }
0x3d: {  	[tilespmem:s0], [sflag:$0x3] =	stream.linear.gather [hbm4b:s13+s0], $0x1400, $0x38;
	[tilespmem:$0x1E880] =	vst v63  }
0x3e: {  	_ =	swait.ge [sflag:s18], $0x1400  }
0x3f: {  	[sflag:s18] =	ssyncset.done $0x0  }
0x40: {  	s31 =	simm.s32 $0x1400;
	[sflag:s18] =	ssyncadd.s32 $0xFFFFEC00  }
0x41: {  	[tilespmem:s31], [sflag:$0x3] =	stream.linear.gather [hbm4b:s14+s0], $0x1400, $0x38;
	[tilespmem:$0x1E880] =	vst v63  }
0x42: {  	_ =	swait.ge [sflag:s18], $0x1400  }
0x43: {  	[sflag:s18] =	ssyncset.done $0x0  }
0x44: {  	[sflag:s18] =	ssyncadd.s32 $0xFFFFEC00  }
0x45: {  	[tilespmem:s20], [sflag:$0x1] =	stream.indirect.gather [hbm4b:s1+s19], $0x80, s0, s19, $0xb8;
	[tilespmem:$0x1E880] =	vst v63  }
0x46: {  	s0 =	sand.u32 $0x1, s0  }
0x47: {  	p1 =	seq.s32 s0, $0x1  }
0x48: {  	[tilespmem:s22], [sflag:$0x2] =	stream.indirect.gather [hbm4b:s1+s19], $0x80, s21, s19, $0xb8;
	[tilespmem:$0x1E880] =	vst v63  }
0x49: {  	s0 =	simm.s32 @p1 $0x2;
	p4 =	por p1, p1  }
0x4a: {  	s28 =	simm.s32 $0x100;
	s24 =	simm.s32 $0x1;
	_ =	swait.ge @p4 [sflag:s0], $0x3E80  }
0x4b: {  	s26 =	simm.s32 @p4 $0x3;
	s25 =	simm.s32 @p4 $0x6800;
	[sflag:s0] =	ssyncset.done @p4 $0x0  }
0x4c: {  	p1 =	por @p4 $0x0, $0x0;
	[sflag:s0] =	ssyncadd.s32 @p4 $0xFFFFC180;
	s0 =	simm.s32 @p4 $0x7D  }
0x4d: {  	[spmem:s3] =	stream.indirect.scatter.add.f32 @p4 [tilespmem:s25], [sflag:$0x3], $0x80, s31, s0, $0xb8;
	[tilespmem:$0x1E880] =	vst v63  }
0x4e: {  	s29 =	simm.s32 $0x2;
	p1 =	por p1, !p4;
	_ =	swait.ge @p4 [sflag:s26], $0x3E80  }
0x4f: {  	s23 =	simm.s32 @!p4 $0x2800;
	s30 =	simm.s32 @!p1 $0x6800;
	[sflag:s26] =	ssyncset.done @p4 $0x0  }
0x50: {  	s0 =	simm.s32 @!p4 $0x1;
	[sflag:s26] =	ssyncadd.s32 @p4 $0xFFFFC180;
	s26 =	simm.s32 @!p1 $0x7D  }
0x51: {  	[tilespmem:s30], [sflag:$0x2] =	stream.indirect.gather @!p1 [hbm4b:s1+s26], $0x80, s28, s26, $0xb8;
	[tilespmem:$0x1E880] =	vst v63  }
0x52: {  	s25 =	simm.s32 $0x1480;
	s26 =	simm.s32 $0x180;
	_ =	swait.ge @!p4 [sflag:s0], $0x3E80  }
0x53: {  	s30 =	simm.s32 @!p4 $0x3;
	p1 =	por @!p4 $0x0, $0x0;
	[sflag:s0] =	ssyncset.done @!p4 $0x0  }
0x54: {  	p6 =	por p1, p4;
	[sflag:s0] =	ssyncadd.s32 @!p4 $0xFFFFC180;
	s0 =	simm.s32 @!p4 $0x7D  }
0x55: {  	[spmem:s3] =	stream.indirect.scatter.add.f32 @!p4 [tilespmem:s23], [sflag:$0x3], $0x80, s31, s0, $0xb8;
	[tilespmem:$0x1E880] =	vst v63  }
0x56: {  	s23 =	sand.u32 $0x1, s24;
	s31 =	simm.s32 @!p6 $0x2800;
	_ =	swait.ge @!p4 [sflag:s30], $0x3E80  }
0x57: {  	s0 =	simm.s32 @!p6 $0x7D;
	p1 =	seq.s32 s23, $0x1;
	[sflag:s30] =	ssyncset.done @!p4 $0x0  }
.LBB2_6:
0x58: {  	s23 =	simm.s32 @p1 $0x2  }
0x59: {  	[sflag:s30] =	ssyncadd.s32 @!p4 $0xFFFFC180;
	s8 =	smov.u32 s24;
	s24 =	smov.u32 s29  }
0x5a: {  	s29 =	sadd.s32 $0x1, s29;
	s9 =	smov.u32 s25;
	p4 =	por p1, p1  }
0x5b: {  	[tilespmem:s31], [sflag:$0x1] =	stream.indirect.gather @!p6 [hbm4b:s1+s0], $0x80, s28, s0, $0xb8;
	[tilespmem:$0x1E880] =	vst v63  }
0x5c: {  	p5 =	sne.s32 s29, $0x28;
	s28 =	smov.u32 s26;
	_ =	swait.ge @p4 [sflag:s23], $0x3E80  }
0x5d: {  	s25 =	sadd.s32 $0x80, s25;
	s0 =	simm.s32 @p4 $0x3;
	[sflag:s23] =	ssyncset.done @p4 $0x0  }
0x5e: {  	s30 =	simm.s32 @p4 $0x6800;
	[sflag:s23] =	ssyncadd.s32 @p4 $0xFFFFC180;
	s23 =	simm.s32 @p4 $0x7D  }
0x5f: {  	[spmem:s3] =	stream.indirect.scatter.add.f32 @p4 [tilespmem:s30], [sflag:$0x3], $0x80, s9, s23, $0xb8;
	[tilespmem:$0x1E880] =	vst v63  }
0x60: {  	p1 =	sgt.u32 @p4 s8, $0x25;
	s26 =	sadd.s32 $0x80, s26;
	_ =	swait.ge @p4 [sflag:s0], $0x3E80  }
0x61: {  	p1 =	por p1, !p4;
	s23 =	simm.s32 @!p4 $0x1;
	[sflag:s0] =	ssyncset.done @p4 $0x0  }
0x62: {  	s30 =	simm.s32 @!p1 $0x6800;
	[sflag:s0] =	ssyncadd.s32 @p4 $0xFFFFC180;
	s0 =	simm.s32 @!p1 $0x7D  }
0x63: {  	[tilespmem:s30], [sflag:$0x2] =	stream.indirect.gather @!p1 [hbm4b:s1+s0], $0x80, s28, s0, $0xb8;
	[tilespmem:$0x1E880] =	vst v63  }
0x64: {  	s0 =	simm.s32 @!p4 $0x2800;
	s30 =	simm.s32 @!p4 $0x3;
	_ =	swait.ge @!p4 [sflag:s23], $0x3E80  }
.Ltmp5:
0x65: {  	p1 =	sgt.u32 @!p4 s8, $0x25;
	[sflag:s23] =	ssyncset.done @!p4 $0x0;
	(pc) =	sbr.rel @p5 .LBB2_6-.Ltmp5, $4  }
0x66: {  	s8 =	simm.s32 @!p4 $0x7D;
	p6 =	por p1, p4;
	[sflag:s23] =	ssyncadd.s32 @!p4 $0xFFFFC180  }
0x67: {  	[spmem:s3] =	stream.indirect.scatter.add.f32 @!p4 [tilespmem:s0], [sflag:$0x3], $0x80, s9, s8, $0xb8;
	[tilespmem:$0x1E880] =	vst v63  }
0x68: {  	s31 =	simm.s32 @!p6 $0x2800;
	s0 =	sand.u32 $0x1, s24;
	_ =	swait.ge @!p4 [sflag:s30], $0x3E80  }
0x69: {  	p1 =	seq.s32 s0, $0x1;
	s0 =	simm.s32 @!p6 $0x7D;
	[sflag:s30] =	ssyncset.done @!p4 $0x0  }
0x6a: {  	s8 =	simm.s32 @p1 $0x2;
	[sflag:s30] =	ssyncadd.s32 @!p4 $0xFFFFC180;
	p4 =	por p1, p1  }
0x6b: {  	[tilespmem:s31], [sflag:$0x1] =	stream.indirect.gather @!p6 [hbm4b:s1+s0], $0x80, s28, s0, $0xb8;
	[tilespmem:$0x1E880] =	vst v63  }
0x6c: {  	_ =	swait.ge @p4 [sflag:s8], $0x3E80  }
0x6d: {  	s0 =	simm.s32 @p4 $0x3;
	[sflag:s8] =	ssyncset.done @p4 $0x0  }
0x6e: {  	s9 =	simm.s32 @p4 $0x6800;
	[sflag:s8] =	ssyncadd.s32 @p4 $0xFFFFC180;
	s8 =	simm.s32 @p4 $0x7D  }
0x6f: {  	[spmem:s3] =	stream.indirect.scatter.add.f32 @p4 [tilespmem:s9], [sflag:$0x3], $0x80, s25, s8, $0xb8;
	[tilespmem:$0x1E880] =	vst v63  }
0x70: {  	p1 =	sgt.u32 @p4 s24, $0x25;
	_ =	swait.ge @p4 [sflag:s0], $0x3E80  }
0x71: {  	p1 =	por p1, !p4;
	s8 =	simm.s32 @!p4 $0x1;
	[sflag:s0] =	ssyncset.done @p4 $0x0  }
0x72: {  	s9 =	simm.s32 @!p1 $0x6800;
	[sflag:s0] =	ssyncadd.s32 @p4 $0xFFFFC180;
	s0 =	simm.s32 @!p1 $0x7D  }
0x73: {  	[tilespmem:s9], [sflag:$0x2] =	stream.indirect.gather @!p1 [hbm4b:s1+s0], $0x80, s26, s0, $0xb8;
	[tilespmem:$0x1E880] =	vst v63  }
0x74: {  	_ =	swait.ge @!p4 [sflag:s8], $0x3E80  }
0x75: {  	s0 =	simm.s32 @!p4 $0x2800;
	[sflag:s8] =	ssyncset.done @!p4 $0x0  }
0x76: {  	s9 =	simm.s32 @!p4 $0x3;
	[sflag:s8] =	ssyncadd.s32 @!p4 $0xFFFFC180;
	s8 =	simm.s32 @!p4 $0x7D  }
0x77: {  	[spmem:s3] =	stream.indirect.scatter.add.f32 @!p4 [tilespmem:s0], [sflag:$0x3], $0x80, s25, s8, $0xb8;
	[tilespmem:$0x1E880] =	vst v63  }
0x78: {  	p1 =	sgt.u32 @!p4 s24, $0x25;
	_ =	swait.ge @!p4 [sflag:s9], $0x3E80  }
0x79: {  	p1 =	por p1, p4;
	[sflag:s9] =	ssyncset.done @!p4 $0x0  }
0x7a: {  	s0 =	simm.s32 @!p1 $0x2800;
	s8 =	simm.s32 @!p1 $0x7D;
	[sflag:s9] =	ssyncadd.s32 @!p4 $0xFFFFC180  }
0x7b: {  	[tilespmem:s0], [sflag:$0x1] =	stream.indirect.gather @!p1 [hbm4b:s1+s8], $0x80, s26, s8, $0xb8;
	[tilespmem:$0x1E880] =	vst v63  }
0x7c: {  	s9 =	simm.s32 $0x0  }
0x7d: {  	[tilespmem:s9], [sflag:$0x3] =	stream.linear.gather [hbm4b:s15+s9], $0x1400, $0x38;
	[tilespmem:$0x1E880] =	vst v63  }
0x7e: {  	_ =	swait.ge [sflag:s18], $0x1400  }
0x7f: {  	[sflag:s18] =	ssyncset.done $0x0  }
0x80: {  	s8 =	simm.s32 $0x1400;
	[sflag:s18] =	ssyncadd.s32 $0xFFFFEC00  }
0x81: {  	[tilespmem:s8], [sflag:$0x3] =	stream.linear.gather [hbm4b:s16+s9], $0x1400, $0x38;
	[tilespmem:$0x1E880] =	vst v63  }
0x82: {  	_ =	swait.ge [sflag:s18], $0x1400  }
0x83: {  	s0 =	sand.u32 $0x1, s9;
	[sflag:s18] =	ssyncset.done $0x0  }
0x84: {  	p1 =	seq.s32 s0, $0x1;
	[sflag:s18] =	ssyncadd.s32 $0xFFFFEC00  }
0x85: {  	[tilespmem:s20], [sflag:$0x1] =	stream.indirect.gather [hbm4b:s1+s19], $0x80, s9, s19, $0xb8;
	[tilespmem:$0x1E880] =	vst v63  }
0x86: {  	s0 =	simm.s32 @p1 $0x2;
	p4 =	por p1, p1  }
0x87: {  	[tilespmem:s22], [sflag:$0x2] =	stream.indirect.gather [hbm4b:s1+s19], $0x80, s21, s19, $0xb8;
	[tilespmem:$0x1E880] =	vst v63  }
0x88: {  	s29 =	simm.s32 $0x2;
	s28 =	simm.s32 $0x100;
	_ =	swait.ge @p4 [sflag:s0], $0x3E80  }
0x89: {  	s24 =	simm.s32 $0x1;
	s23 =	simm.s32 @p4 $0x6800;
	[sflag:s0] =	ssyncset.done @p4 $0x0  }
0x8a: {  	s9 =	simm.s32 @p4 $0x3;
	[sflag:s0] =	ssyncadd.s32 @p4 $0xFFFFC180;
	s0 =	simm.s32 @p4 $0x7D  }
0x8b: {  	[spmem:s3] =	stream.indirect.scatter.add.f32 @p4 [tilespmem:s23], [sflag:$0x3], $0x80, s8, s0, $0xb8;
	[tilespmem:$0x1E880] =	vst v63  }
0x8c: {  	s25 =	simm.s32 $0x1480;
	p1 =	por @p4 $0x0, $0x0;
	_ =	swait.ge @p4 [sflag:s9], $0x3E80  }
0x8d: {  	p1 =	por p1, !p4;
	s0 =	simm.s32 @!p4 $0x1;
	[sflag:s9] =	ssyncset.done @p4 $0x0  }
0x8e: {  	s23 =	simm.s32 @!p1 $0x6800;
	[sflag:s9] =	ssyncadd.s32 @p4 $0xFFFFC180;
	s9 =	simm.s32 @!p1 $0x7D  }
0x8f: {  	[tilespmem:s23], [sflag:$0x2] =	stream.indirect.gather @!p1 [hbm4b:s1+s9], $0x80, s28, s9, $0xb8;
	[tilespmem:$0x1E880] =	vst v63  }
0x90: {  	s26 =	simm.s32 $0x180;
	s30 =	simm.s32 @!p4 $0x3;
	_ =	swait.ge @!p4 [sflag:s0], $0x3E80  }
0x91: {  	s9 =	simm.s32 @!p4 $0x2800;
	p1 =	por @!p4 $0x0, $0x0;
	[sflag:s0] =	ssyncset.done @!p4 $0x0  }
0x92: {  	s23 =	sand.u32 $0x1, s24;
	[sflag:s0] =	ssyncadd.s32 @!p4 $0xFFFFC180;
	s0 =	simm.s32 @!p4 $0x7D  }
0x93: {  	[spmem:s3] =	stream.indirect.scatter.add.f32 @!p4 [tilespmem:s9], [sflag:$0x3], $0x80, s8, s0, $0xb8;
	[tilespmem:$0x1E880] =	vst v63  }
0x94: {  	p6 =	por p1, p4;
	p1 =	seq.s32 s23, $0x1;
	_ =	swait.ge @!p4 [sflag:s30], $0x3E80  }
0x95: {  	s31 =	simm.s32 @!p6 $0x2800;
	s0 =	simm.s32 @!p6 $0x7D;
	[sflag:s30] =	ssyncset.done @!p4 $0x0  }
.LBB2_8:
0x96: {  	s8 =	simm.s32 @p1 $0x2  }
0x97: {  	[sflag:s30] =	ssyncadd.s32 @!p4 $0xFFFFC180;
	s9 =	smov.u32 s24;
	s24 =	smov.u32 s29  }
0x98: {  	s29 =	sadd.s32 $0x1, s29;
	s23 =	smov.u32 s25;
	p4 =	por p1, p1  }
0x99: {  	[tilespmem:s31], [sflag:$0x1] =	stream.indirect.gather @!p6 [hbm4b:s1+s0], $0x80, s28, s0, $0xb8;
	[tilespmem:$0x1E880] =	vst v63  }
0x9a: {  	p5 =	sne.s32 s29, $0x28;
	s28 =	smov.u32 s26;
	_ =	swait.ge @p4 [sflag:s8], $0x3E80  }
0x9b: {  	s25 =	sadd.s32 $0x80, s25;
	s0 =	simm.s32 @p4 $0x3;
	[sflag:s8] =	ssyncset.done @p4 $0x0  }
0x9c: {  	s30 =	simm.s32 @p4 $0x6800;
	[sflag:s8] =	ssyncadd.s32 @p4 $0xFFFFC180;
	s8 =	simm.s32 @p4 $0x7D  }
0x9d: {  	[spmem:s3] =	stream.indirect.scatter.add.f32 @p4 [tilespmem:s30], [sflag:$0x3], $0x80, s23, s8, $0xb8;
	[tilespmem:$0x1E880] =	vst v63  }
0x9e: {  	p1 =	sgt.u32 @p4 s9, $0x25;
	s26 =	sadd.s32 $0x80, s26;
	_ =	swait.ge @p4 [sflag:s0], $0x3E80  }
0x9f: {  	p1 =	por p1, !p4;
	s8 =	simm.s32 @!p4 $0x1;
	[sflag:s0] =	ssyncset.done @p4 $0x0  }
0xa0: {  	s30 =	simm.s32 @!p1 $0x6800;
	[sflag:s0] =	ssyncadd.s32 @p4 $0xFFFFC180;
	s0 =	simm.s32 @!p1 $0x7D  }
0xa1: {  	[tilespmem:s30], [sflag:$0x2] =	stream.indirect.gather @!p1 [hbm4b:s1+s0], $0x80, s28, s0, $0xb8;
	[tilespmem:$0x1E880] =	vst v63  }
0xa2: {  	s0 =	simm.s32 @!p4 $0x2800;
	s30 =	simm.s32 @!p4 $0x3;
	_ =	swait.ge @!p4 [sflag:s8], $0x3E80  }
.Ltmp6:
0xa3: {  	p1 =	sgt.u32 @!p4 s9, $0x25;
	[sflag:s8] =	ssyncset.done @!p4 $0x0;
	(pc) =	sbr.rel @p5 .LBB2_8-.Ltmp6, $4  }
0xa4: {  	p6 =	por p1, p4;
	[sflag:s8] =	ssyncadd.s32 @!p4 $0xFFFFC180;
	s8 =	simm.s32 @!p4 $0x7D  }
0xa5: {  	[spmem:s3] =	stream.indirect.scatter.add.f32 @!p4 [tilespmem:s0], [sflag:$0x3], $0x80, s23, s8, $0xb8;
	[tilespmem:$0x1E880] =	vst v63  }
0xa6: {  	s31 =	simm.s32 @!p6 $0x2800;
	s0 =	sand.u32 $0x1, s24;
	_ =	swait.ge @!p4 [sflag:s30], $0x3E80  }
0xa7: {  	p1 =	seq.s32 s0, $0x1;
	s0 =	simm.s32 @!p6 $0x7D;
	[sflag:s30] =	ssyncset.done @!p4 $0x0  }
0xa8: {  	s8 =	simm.s32 @p1 $0x2;
	[sflag:s30] =	ssyncadd.s32 @!p4 $0xFFFFC180;
	p4 =	por p1, p1  }
0xa9: {  	[tilespmem:s31], [sflag:$0x1] =	stream.indirect.gather @!p6 [hbm4b:s1+s0], $0x80, s28, s0, $0xb8;
	[tilespmem:$0x1E880] =	vst v63  }
0xaa: {  	_ =	swait.ge @p4 [sflag:s8], $0x3E80  }
0xab: {  	s0 =	simm.s32 @p4 $0x3;
	[sflag:s8] =	ssyncset.done @p4 $0x0  }
0xac: {  	s9 =	simm.s32 @p4 $0x6800;
	[sflag:s8] =	ssyncadd.s32 @p4 $0xFFFFC180;
	s8 =	simm.s32 @p4 $0x7D  }
0xad: {  	[spmem:s3] =	stream.indirect.scatter.add.f32 @p4 [tilespmem:s9], [sflag:$0x3], $0x80, s25, s8, $0xb8;
	[tilespmem:$0x1E880] =	vst v63  }
0xae: {  	p1 =	sgt.u32 @p4 s24, $0x25;
	_ =	swait.ge @p4 [sflag:s0], $0x3E80  }
0xaf: {  	p1 =	por p1, !p4;
	s8 =	simm.s32 @!p4 $0x1;
	[sflag:s0] =	ssyncset.done @p4 $0x0  }
0xb0: {  	s9 =	simm.s32 @!p1 $0x6800;
	[sflag:s0] =	ssyncadd.s32 @p4 $0xFFFFC180;
	s0 =	simm.s32 @!p1 $0x7D  }
0xb1: {  	[tilespmem:s9], [sflag:$0x2] =	stream.indirect.gather @!p1 [hbm4b:s1+s0], $0x80, s26, s0, $0xb8;
	[tilespmem:$0x1E880] =	vst v63  }
0xb2: {  	_ =	swait.ge @!p4 [sflag:s8], $0x3E80  }
0xb3: {  	s0 =	simm.s32 @!p4 $0x2800;
	[sflag:s8] =	ssyncset.done @!p4 $0x0  }
0xb4: {  	s9 =	simm.s32 @!p4 $0x3;
	[sflag:s8] =	ssyncadd.s32 @!p4 $0xFFFFC180;
	s8 =	simm.s32 @!p4 $0x7D  }
0xb5: {  	[spmem:s3] =	stream.indirect.scatter.add.f32 @!p4 [tilespmem:s0], [sflag:$0x3], $0x80, s25, s8, $0xb8;
	[tilespmem:$0x1E880] =	vst v63  }
0xb6: {  	p1 =	sgt.u32 @!p4 s24, $0x25;
	_ =	swait.ge @!p4 [sflag:s9], $0x3E80  }
.Ltmp7:
0xb7: {  	p1 =	por p1, p4;
	[sflag:s9] =	ssyncset.done @!p4 $0x0;
	(pc) =	sbr.rel @!p0 .LBB2_12-.Ltmp7, $3  }
0xb8: {  	s0 =	simm.s32 @!p1 $0x2800;
	s8 =	simm.s32 @!p1 $0x7D;
	[sflag:s9] =	ssyncadd.s32 @!p4 $0xFFFFC180  }
0xb9: {  	[tilespmem:s0], [sflag:$0x1] =	stream.indirect.gather @!p1 [hbm4b:s1+s8], $0x80, s26, s8, $0xb8;
	[tilespmem:$0x1E880] =	vst v63  }
0xba: {  	[bflag:$0x0] =	sbarrier.arrive $0xFFFF;
	_ =	sdelay $0x1  }
0xbb: {  	s0 =	sshll.u32 s2, $0x6;
	s8 =	sshrl.u32 s6, $0x3  }
.Ltmp8:
0xbc: {  	s9 =	rddreg [dreg:$0x7];
	s0 =	sor.u32 $0x1C03, s0;
	(pc) =	sbr.rel .LBB2_11-.Ltmp8, $4  }
0xbd: {  	[hbm:s9], [sflag:s0] =	dma.local [spmem:s8], $0x2700  }
0xbe: {  	_ =	swait.ge [sflag:s18], $0x2700  }
0xbf: {  	[sflag:s18] =	ssyncset.done $0x0  }
0xc0: {  	[sflag:s18] =	ssyncadd.s32 $0xFFFFD900  }
.LBB2_12:
0xc1: {  	s0 =	sld [smem:$0x7FD];
	_ =	sdelay $0x2  }
0xc2: {  	p1 =	seq.s32 s0, $0x1  }
.Ltmp9:
0xc3: {  	_ = 	snop;
	(pc) =	sbr.rel @p1 .LBB2_13-.Ltmp9, $1  }
0xc4: {  	_ =	sdelay $0x3  }
.LBB2_11:
0xc5: {  	s0 =	sshrl.u32 @!p3 s7, $0x3;
	s8 =	simm.s32 @!p3 $0x1FC3  }
0xc6: {  	[hbm:s10], [sflag:s8] =	dma.local @!p3 [spmem:s0], $0x2800  }
0xc7: {  	s0 =	simm.s32 @!p3 $0x3  }
0xc8: {  	_ =	swait.ge @!p3 [sflag:s0], $0x2800  }
0xc9: {  	s8 =	sshll.u32 @p2 s2, $0x6;
	[sflag:s0] =	ssyncset.done @!p3 $0x0  }
0xca: {  	[sflag:s0] =	ssyncadd.s32 @!p3 $0xFFFFD800;
	s0 =	sor.u32 @p2 $0x1C03, s8;
	s8 =	sshrl.u32 @p2 s6, $0x3  }
0xcb: {  	[hbm:s11], [sflag:s0] =	dma.local @p2 [spmem:s8], $0x2700  }
.Ltmp10:
0xcc: {  	_ = 	snop;
	(pc) =	sbr.rel .LBB2_14-.Ltmp10, $4  }
0xcd: {  	s0 =	simm.s32 @p2 $0x3  }
0xce: {  	_ =	swait.ge @p2 [sflag:s0], $0x2700  }
0xcf: {  	[sflag:s0] =	ssyncset.done @p2 $0x0  }
0xd0: {  	[sflag:s0] =	ssyncadd.s32 @p2 $0xFFFFD900  }
.LBB2_15:
0xd1: {  	_ =	sfence.sel $0x180000  }
0xd2: {  	[bflag:$0x0] =	sbarrier.arrive $0xFFFF  }
0xd3: {  	_ =	strace $0x90000047  }
0xd4: {  	[bflag:$0x2] =	sbarrier.arrive $0xFFFF  }
0xd5: {  	p0 =	sne.s32 s2, $0x0;
	s0 =	rddreg [dreg:$0x5]  }
0xd6: {  	s0 =	sadd.s32 @!p0 $0x100000, s0  }
0xd7: {  	[sflag:s0] =	ssyncadd.tile.s32 @!p0 $0x1;
	_ =	shalt  }
.Lfunc_end2:
_tile_overlayer_lowered:
.L_overlay_start_2:
0xd8: {  	(tag) =	ssettag $0x2  }
0xd9: {  	s0 =	rddreg [dreg:$0x0];
	s2 =	stileid.u32  }
0xda: {  	s1 =	rddreg [dreg:$0x1];
	p0 =	sne.s32 s2, $0x0  }
0xdb: {  	s3 =	rddreg [dreg:$0x2];
	[bflag:$0x3] =	sbarrier.arrive $0xFFFF;
	s2 =	simm.s32 @!p0 $0x1C03  }
0xdc: {  	[timem:s3], [sflag:s2] =	dma.local @!p0 [hbm:s0], s1  }
0xdd: {  	s0 =	simm.s32 @!p0 $0x3  }
0xde: {  	_ =	swait.ge @!p0 [sflag:s0], s1  }
0xdf: {  	s1 =	ssub.s32 @!p0 $0x0, s1;
	[sflag:s0] =	ssyncset.done @!p0 $0x0  }
0xe0: {  	[sflag:s0] =	ssyncadd.s32 @!p0 s1  }
0xe1: {  	[bflag:$0x3] =	sbarrier.arrive $0xFFFF  }
0xe2: {  	_ =	shalt  }

// kernel: kernel.13.cloned.1.call-start
scs
__scs_entry_jumppad:
0x0: {  	(pc) =	sbr.rel $0x88, $3  }
0x1: {  	(tag) =	ssettag $0x0;
	lr =	simm.s32 $0x1  }
0x2: {  	[smem:$0x3F86] =	sst lr;
	_ =	strace $0xD0000000  }
0x3: {  	_ = 	snop  }
0x4: {  	_ = 	snop  }
0x5: {  	_ = 	snop  }
0x6: {  	_ = 	snop  }
0x7: {  	_ = 	snop  }
__scs_overlays_trampoline_lowered:
0x8: {  	[smem:$0x3F95] =	sst s0  }
0x9: {  	[smem:$0x3F96] =	sst s1  }
0xa: {  	[smem:$0x3F97] =	sst s2  }
0xb: {  	[smem:$0x3F98] =	sst s3  }
0xc: {  	[smem:$0x3F99] =	sst s4  }
0xd: {  	[smem:$0x3F9A] =	sst s5  }
0xe: {  	[smem:$0x3F9B] =	sst s6  }
0xf: {  	[smem:$0x3F9C] =	sst s7  }
0x10: {  	[smem:$0x3F9D] =	sst s8  }
0x11: {  	[smem:$0x3F9E] =	sst s9;
	s0 =	simm.s32 @!p0 $0x0  }
0x12: {  	s1 =	sld [smem:$0x3F84];
	s0 =	simm.s32 @p0 $0x1  }
0x13: {  	[smem:$0x3F9F] =	sst s0;
	s0 =	simm.s32 @!p1 $0x0  }
0x14: {  	s2 =	sld [smem:$0x3F83];
	s0 =	simm.s32 @p1 $0x1  }
0x15: {  	[smem:$0x3FA0] =	sst s0;
	s0 =	simm.s32 @!p2 $0x0  }
0x16: {  	s3 =	sld [smem:$0x3FDB];
	s0 =	simm.s32 @p2 $0x1  }
0x17: {  	s4 =	simm.s32 $0x1BF5;
	[smem:$0x3FA2] =	sst s0  }
0x18: {  	s0 =	sld [smem:$0x3F85];
	_ =	swait.ge [sflag:s4], $0x0  }
0x19: {  	s7 =	sld [smem:$0x3F86]  }
0x1a: {  	s8 =	sadd.s32 $0xFFFFE003, lr  }
0x1b: {  	s9 =	sadd.s32 $0xFFFFFEF7, lr;
	s5 =	simm.s32 $0xFFFFFFFF;
	p2 =	slt.u32 s8, $0xFFFFF086  }
0x1c: {  	p1 =	slt.u32 s9, $0xF7A;
	s5 =	simm.s32 @!p2 $0x0  }
0x1d: {  	s5 =	simm.s32 @p1 $0x1;
	p0 =	seq.s32 s7, s2  }
0x1e: {  	s7 =	smul.u32 @!p0 $0xF7A, s2;
	p2 =	seq.s32 @!p0 s5, $0x0  }
0x1f: {  	s9 =	smul.u32 $0xF7A, s1;
	s8 =	simm.s32 @!p0 $0x1BF5;
	p2 =	por !p2, p0  }
0x20: {  	[sflag:s8] =	ssyncset.s32 @!p0 $0xFFFFF086;
	s6 =	sadd.s32 @!p0 s3, s7;
	s7 =	simm.s32 @!p0 $0x108  }
0x21: {  	s3 =	sadd.s32 s3, s9;
	s6 =	sadd.s32 @!p0 $0x88, s6;
	s7 =	simm.s32 @p2 $0x1082  }
0x22: {  	[simem:s7], [sflag:s8] =	dma.local @!p0 [hbm:s6], $0xF7A  }
0x23: {  	s9 =	sor.u32 $0xD0000000, s2;
	s6 =	simm.s32 $0x108;
	_ =	swait.ge @!p0 [sflag:s8], $0x0  }
0x24: {  	s3 =	sadd.s32 $0x88, s3;
	s6 =	simm.s32 @!p1 $0x1082;
	[sflag:s4] =	ssyncset.s32 $0xFFFFF086  }
0x25: {  	[simem:s6], [sflag:s4] =	dma.local [hbm:s3], $0xF7A  }
0x26: {  	[smem:$0x3F86] =	sst s1;
	(tag) =	ssettag s2;
	_ =	strace s9  }
0x27: {  	s1 =	sld [smem:$0x3F96]  }
0x28: {  	s2 =	sld [smem:$0x3F97]  }
0x29: {  	s4 =	sld [smem:$0x3F99]  }
0x2a: {  	p0 =	seq.s32 s5, $0x0;
	s5 =	sld [smem:$0x3F9A]  }
0x2b: {  	s6 =	sld [smem:$0x3F9B]  }
0x2c: {  	s7 =	sld [smem:$0x3F9C]  }
0x2d: {  	s3 =	simm.s32 $0x108;
	s8 =	sld [smem:$0x3F9D]  }
0x2e: {  	s3 =	simm.s32 @!p0 $0x1082;
	s9 =	sld [smem:$0x3F9E]  }
0x2f: {  	lr =	sadd.s32 s0, s3;
	s0 =	sld [smem:$0x3F95]  }
0x30: {  	s3 =	sld [smem:$0x3F98]  }
0x31: {  	[smem:$0x3FA1] =	sst s10  }
0x32: {  	s10 =	sld [smem:$0x3F9F];
	_ =	sdelay $0x3  }
0x33: {  	p0 =	seq.s32 s10, $0x1;
	s10 =	sld [smem:$0x3FA1];
	_ =	sdelay $0x3  }
0x34: {  	[smem:$0x3FA1] =	sst s10  }
0x35: {  	s10 =	sld [smem:$0x3FA0];
	_ =	sdelay $0x3  }
0x36: {  	p1 =	seq.s32 s10, $0x1;
	s10 =	sld [smem:$0x3FA1];
	_ =	sdelay $0x3  }
0x37: {  	[smem:$0x3FA1] =	sst s10  }
0x38: {  	s10 =	sld [smem:$0x3FA2]  }
0x39: {  	_ = 	snop;
	(pc) =	sbr.ind lr, $3  }
0x3a: {  	_ = 	snop  }
0x3b: {  	_ = 	snop  }
0x3c: {  	p2 =	seq.s32 s10, $0x1;
	s10 =	sld [smem:$0x3FA1]  }
0x3d: {  	_ =	shalt  }
0x3e: {  	_ =	shalt  }
0x3f: {  	_ =	shalt  }
0x40: {  	_ =	shalt  }
0x41: {  	_ =	shalt  }
0x42: {  	_ =	shalt  }
0x43: {  	_ =	shalt  }
0x44: {  	_ =	shalt  }
0x45: {  	_ =	shalt  }
0x46: {  	_ =	shalt  }
0x47: {  	_ =	shalt  }
0x48: {  	_ =	shalt  }
0x49: {  	_ =	shalt  }
0x4a: {  	_ =	shalt  }
0x4b: {  	_ =	shalt  }
0x4c: {  	_ =	shalt  }
0x4d: {  	_ =	shalt  }
0x4e: {  	_ =	shalt  }
0x4f: {  	_ =	shalt  }
0x50: {  	_ =	shalt  }
0x51: {  	_ =	shalt  }
0x52: {  	_ =	shalt  }
0x53: {  	_ =	shalt  }
0x54: {  	_ =	shalt  }
0x55: {  	_ =	shalt  }
0x56: {  	_ =	shalt  }
0x57: {  	_ =	shalt  }
0x58: {  	_ =	shalt  }
0x59: {  	_ =	shalt  }
0x5a: {  	_ =	shalt  }
0x5b: {  	_ =	shalt  }
0x5c: {  	_ =	shalt  }
0x5d: {  	_ =	shalt  }
0x5e: {  	_ =	shalt  }
0x5f: {  	_ =	shalt  }
0x60: {  	_ =	shalt  }
0x61: {  	_ =	shalt  }
0x62: {  	_ =	shalt  }
0x63: {  	_ =	shalt  }
0x64: {  	_ =	shalt  }
0x65: {  	_ =	shalt  }
0x66: {  	_ =	shalt  }
0x67: {  	_ =	shalt  }
0x68: {  	_ =	shalt  }
0x69: {  	_ =	shalt  }
0x6a: {  	_ =	shalt  }
0x6b: {  	_ =	shalt  }
0x6c: {  	_ =	shalt  }
0x6d: {  	_ =	shalt  }
0x6e: {  	_ =	shalt  }
0x6f: {  	_ =	shalt  }
0x70: {  	_ =	shalt  }
0x71: {  	_ =	shalt  }
0x72: {  	_ =	shalt  }
0x73: {  	_ =	shalt  }
0x74: {  	_ =	shalt  }
0x75: {  	_ =	shalt  }
0x76: {  	_ =	shalt  }
0x77: {  	_ =	shalt  }
0x78: {  	_ =	shalt  }
0x79: {  	_ =	shalt  }
0x7a: {  	_ =	shalt  }
0x7b: {  	_ =	shalt  }
0x7c: {  	_ =	shalt  }
0x7d: {  	_ =	shalt  }
0x7e: {  	_ =	shalt  }
0x7f: {  	_ =	shalt  }
0x80: {  	_ =	shalt  }
0x81: {  	_ =	shalt  }
0x82: {  	_ =	shalt  }
0x83: {  	_ =	shalt  }
0x84: {  	_ =	shalt  }
0x85: {  	_ =	shalt  }
0x86: {  	_ =	shalt  }
0x87: {  	_ =	shalt  }
.Lfunc_end0:
.L_simem_size_0:
called_computation.1_lowered:
.L_overlay_start_0:
0x88: {  	s2 =	sld [smem:$0x3FD9]  }
0x89: {  	s3 =	sld [smem:$0x3FFE];
	_ =	sdelay $0x1  }
0x8a: {  	s1 =	srdreg.scid  }
0x8b: {  	s0 =	sand.u32 $0x1, s1  }
0x8c: {  	s14 =	sshll.u32 s0, $0xA;
	s2 =	sadd.s32 s3, s2  }
0x8d: {  	s2 =	sadd.s32 s2, s14  }
0x8e: {  	[smem:$0x3FAD] =	sst s2  }
0x8f: {  	_ = 	snop  }
0x90: {  	s2 =	sld [smem:$0x3FD0];
	_ =	sdelay $0x2  }
0x91: {  	s15 =	simm.s32 $0xA;
	s4 =	simm.s32 $0x10  }
0x92: {  	[smem:s4], [sflag:s15] =	dma.local [hbm:s2], $0x1  }
0x93: {  	_ =	swait.eq [sflag:s15], $0x1  }
0x94: {  	[sflag:s15] =	ssyncset.done $0x0  }
0x95: {  	s16 =	sld [smem:$0x10];
	[sflag:s15] =	ssyncadd.s32 $0xFFFFFFFF  }
0x96: {  	s17 =	sld [smem:$0x11];
	(tm) =	ssettm $0x1  }
0x97: {  	s18 =	sld [smem:$0x3FFB];
	_ =	sdelay $0x3  }
0x98: {  	_ =	strace s18  }
0x99: {  	s4 =	sld [smem:$0x3FFC];
	_ =	sdelay $0x3  }
0x9a: {  	_ =	strace s4  }
0x9b: {  	s4 =	sld [smem:$0x3FFD];
	_ =	sdelay $0x3  }
0x9c: {  	_ =	strace s4  }
0x9d: {  	_ =	strace $0x8FFFFFFF  }
0x9e: {  	s19 =	sld [smem:$0x3FDB];
	_ =	sdelay $0x1  }
0x9f: {  	s5 =	simm.s32 $_scs_section_size  }
0xa0: {  	s6 =	simm.s32 $_size__tile_overlayer_lowered;
	s7 =	simm.s32 $_tile_overlayer_lowered  }
0xa1: {  	s22 =	simm.s32 $0x1BFF;
	s21 =	sshll.u32 s7, $0x1;
	s4 =	sadd.s32 s5, s19  }
0xa2: {  	s8 =	simm.s32 $0x0;
	s20 =	sshll.u32 s6, $0x1;
	s6 =	sadd.s32 s21, s4  }
0xa3: {  	[timem:s8], [sflag:s22] =	dma.local [hbm:s6], s20  }
0xa4: {  	_ =	swait.ge [sflag:s22], s20  }
0xa5: {  	s5 =	ssub.s32 $0x0, s20;
	[sflag:s22] =	ssyncset.done $0x0  }
0xa6: {  	[sflag:s22] =	ssyncadd.s32 s5;
	_ =	sdelay $0x1  }
0xa7: {  	s23 =	simm.s32 $0x1B8B  }
0xa8: {  	_ =	swait.ge [sflag:s23], $0x1  }
0xa9: {  	[sflag:s23] =	ssyncset.done $0x0  }
0xaa: {  	s25 =	simm.s32 $0x1B8E;
	s24 =	sld [smem:$0x3FFE];
	[sflag:s23] =	ssyncadd.s32 $0xFFFFFFFF  }
0xab: {  	s26 =	simm.s32 $execute0_lowered;
	[smem:$0x3FD2] =	sst s25  }
0xac: {  	s6 =	sshll.u32 s26, $0x1;
	_ =	strace $0x80000049;
	[dreg:$0x1] =	wrdreg $0xFFFFFFFF  }
0xad: {  	s28 =	simm.s32 $_size_execute0_lowered;
	s4 =	sadd.s32 s4, s6;
	[dreg:$0x0] =	wrdreg $0x0  }
0xae: {  	s6 =	sshll.u32 s28, $0x1;
	[dreg:$0x2] =	wrdreg s4  }
0xaf: {  	[dreg:$0x3] =	wrdreg s6  }
0xb0: {  	[dreg:$0x4] =	wrdreg $0xC0  }
0xb1: {  	_ =	task [dreg:s8], $0x5FFFF  }
0xb2: {  	[dreg:$0x1] =	wrdreg $0xFFFFFFFF  }
0xb3: {  	[dreg:$0x0] =	wrdreg $0x60  }
0xb4: {  	[dreg:$0x2] =	wrdreg s24  }
0xb5: {  	[dreg:$0x3] =	wrdreg s17  }
0xb6: {  	[dreg:$0x4] =	wrdreg s16  }
0xb7: {  	[dreg:$0x5] =	wrdreg $0xB0000  }
0xb8: {  	[dreg:$0x6] =	wrdreg $0x9  }
0xb9: {  	_ =	task.clear_ibuf [dreg:s8], $0x7FFFF;
	_ =	strace $0x90000049  }
0xba: {  	s29 =	simm.s32 $0x9;
	_ =	strace $0x8000004B  }
0xbb: {  	_ =	swait.ge [sflag:s29], $0x1  }
0xbc: {  	[sflag:s29] =	ssyncadd.s32 $0xFFFFFFFF  }
0xbd: {  	_ =	strace $0x9000004B  }
0xbe: {  	_ =	sfence  }
0xbf: {  	s30 =	sld [smem:$0x0];
	_ =	sdelay $0x2  }
0xc0: {  	s31 =	sshll.u32 s1, $0xD;
	s1 =	sshrl.u32 s1, $0x2  }
0xc1: {  	s3 =	sand.u32 $0x4000, s31;
	s1 =	sadd.s32 s1, s30  }
0xc2: {  	s0 =	sor.u32 s3, s0;
	s1 =	sshll.u32 s1, $0x11  }
0xc3: {  	s0 =	sor.u32 s1, s0  }
0xc4: {  	s0 =	sadd.s32 $0x8F2B, s0  }
0xc5: {  	[sflag:s0] =	ssyncadd.remote.s32 $0x1  }
0xc6: {  	_ =	sfence.sel $0xFFFF  }
0xc7: {  	[dreg:$0x0] =	wrdreg $0xFFFFFFFF;
	(pc) =	sbr.abs _section_cstart, $3  }
0xc8: {  	[dreg:$0x1] =	wrdreg $0xFFFFFFFF  }
0xc9: {  	_ =	task.clear_ibuf [dreg:s8], $0x2FFFF;
	_ =	strace $0x9FFFFFFF  }
0xca: {  	(tm) =	ssettm $0x7FFFFFFF  }
0xcb: {  	_ =	shalt  }
tec
execute0_lowered:
.L_overlay_start_1:
0x0: {  	(tag) =	ssettag $0x1  }
0x1: {  	s0 =	rddreg [dreg:$0x0]  }
0x2: {  	s1 =	rddreg [dreg:$0x1]  }
0x3: {  	s2 =	rddreg [dreg:$0x2]  }
0x4: {  	s4 =	rddreg [dreg:$0x3];
	s5 =	simm.s32 $0x0  }
0x5: {  	s3 =	stileid.u32;
	s6 =	srdreg.scid;
	s19 =	simm.s32 $0xA800  }
0x6: {  	s20 =	simm.s32 $0x3;
	s21 =	simm.s32 $0x7D;
	s22 =	simm.s32 $0x2800  }
0x7: {  	s23 =	simm.s32 $0x80;
	s24 =	simm.s32 $0x6800;
	[smem:$0x7FF] =	sst s5  }
0x8: {  	s9 =	smul.u32 $0x2700, s3;
	s6 =	sand.u32 $0x1, s6;
	s7 =	sadd.s32 $0x6E00, s0  }
0x9: {  	s8 =	sadd.s32 $0x2E000, s0;
	s11 =	smul.u32 $0x4E000, s3;
	p0 =	seq.s32 s3, $0xF  }
0xa: {  	p2 =	sne.s32 s3, $0xF;
	s14 =	sadd.s32 $0x79B00, s0;
	s15 =	sadd.s32 $0xA0D00, s0  }
0xb: {  	_ =	strace $0x8000004A;
	s10 =	ssub.s32 $0x2, s6;
	p1 =	seq.s32 s6, $0x0  }
0xc: {  	p6 =	seq.s32 s6, $0x1;
	[dreg:$0x5] =	wrdreg s14;
	s18 =	smov.u32 s8  }
0xd: {  	s13 =	sadd.s32 s9, s0;
	s29 =	sshrl.u32 s10, $0x1;
	s9 =	simm.s32 $0x28  }
0xe: {  	s30 =	sshrl.u32 s11, $0x2;
	p3 =	por !p1, !p2;
	s11 =	smul.u32 $0xA0, s3  }
0xf: {  	p5 =	por !p1, !p0;
	p2 =	por !p2, !p6;
	s18 =	smov.u32 @p1 s7  }
0x10: {  	s17 =	ssub.s32 s10, s29;
	s9 =	simm.s32 @!p0 $0x27;
	s10 =	sadd.s32 s30, s4  }
0x11: {  	p3 =	por !p3, !p3;
	s31 =	sadd.s32 $0x55200, s13;
	p2 =	por !p2, !p2  }
0x12: {  	p0 =	por !p0, !p6;
	s12 =	simm.s32 @!p3 $0x0;
	[dreg:$0x6] =	wrdreg s31  }
0x13: {  	p0 =	por !p0, !p0;
	s0 =	simm.s32 @!p2 $0x0;
	s12 =	simm.s32 @p3 $0x1  }
.Ltmp0:
0x14: {  	p3 =	por !p5, !p5;
	s0 =	simm.s32 @p2 $0x1;
	(pc) =	sbr.rel .LBB2_1-.Ltmp0, $4  }
0x15: {  	p0 =	por !p0, p2;
	[smem:$0x7FA] =	sst s12;
	s12 =	simm.s32 @!p3 $0x0  }
0x16: {  	[smem:$0x7FC] =	sst s0;
	s0 =	simm.s32 @!p0 $0x0;
	s12 =	simm.s32 @p3 $0x1  }
0x17: {  	s16 =	sadd.s32 $0x7C400, s13;
	s0 =	simm.s32 @p0 $0x1;
	[smem:$0x7FB] =	sst s12  }
0x18: {  	v0 =	vimm.f32 $0.0e+00;
	s17 =	smax.u32 s17, $0x1;
	s12 =	sadd.s32 $0x124800, s4;
	[smem:$0x7FD] =	sst s0  }
.LBB2_13:
0x19: {  	s0 =	sshrl.u32 s12, $0x3;
	s13 =	rddreg [dreg:$0x5];
	s14 =	simm.s32 $0x1FC3  }
0x1a: {  	[hbm:s13], [sflag:s14] =	dma.local [spmem:s0], $0x2800  }
0x1b: {  	_ =	swait.ge [sflag:s20], $0x2800  }
0x1c: {  	[sflag:s20] =	ssyncset.done $0x0  }
0x1d: {  	[sflag:s20] =	ssyncadd.s32 $0xFFFFD800  }
.LBB2_14:
0x1e: {  	s5 =	sadd.s32 $0x1, s5  }
0x1f: {  	p0 =	sne.s32 s5, s17  }
.Ltmp1:
0x20: {  	_ = 	snop;
	(pc) =	sbr.rel @!p0 .LBB2_15-.Ltmp1, $1  }
0x21: {  	_ =	sdelay $0x3  }
.LBB2_1:
0x22: {  	s0 =	simm.s32 $0x0;
	s26 =	simm.s32 $0x200  }
.LBB2_2:
0x23: {  	p0 =	sne.s32 s26, $0x1E00;
	[tilespmem:s0+$0xA870] =	vst v0  }
0x24: {  	[tilespmem:s0+$0xA800] =	vst v0  }
0x25: {  	[tilespmem:s0+$0xA810] =	vst v0  }
.Ltmp2:
0x26: {  	[tilespmem:s0+$0xA820] =	vst v0;
	(pc) =	sbr.rel @p0 .LBB2_2-.Ltmp2, $4  }
0x27: {  	[tilespmem:s0+$0xA830] =	vst v0  }
0x28: {  	[tilespmem:s0+$0xA840] =	vst v0  }
0x29: {  	[tilespmem:s0+$0xA850] =	vst v0  }
0x2a: {  	[tilespmem:s0+$0xA860] =	vst v0;
	s0 =	sshra.s32 s26, $0x2;
	s26 =	sadd.s32 $0x200, s26  }
0x2b: {  	[tilespmem:s0+$0xA870] =	vst v0  }
0x2c: {  	[tilespmem:s0+$0xA800] =	vst v0  }
0x2d: {  	[tilespmem:s0+$0xA810] =	vst v0  }
0x2e: {  	[tilespmem:s0+$0xA820] =	vst v0  }
0x2f: {  	[tilespmem:s0+$0xA830] =	vst v0  }
0x30: {  	[tilespmem:s0+$0xA840] =	vst v0;
	p0 =	sne.s32 s9, $0x1  }
.Ltmp3:
0x31: {  	[tilespmem:s0+$0xA850] =	vst v0;
	(pc) =	sbr.rel @!p0 .LBB2_5-.Ltmp3, $4  }
0x32: {  	[tilespmem:s0+$0xA860] =	vst v0  }
0x33: {  	[spmem:s10] =	stream.linear.scatter [tilespmem:s19], [sflag:$0x3], $0x800, $0x38;
	[tilespmem:$0x1E880] =	vst v63  }
0x34: {  	_ =	swait.ge [sflag:s20], $0x800  }
0x35: {  	s0 =	sadd.s32 $0xFFFFFFFF, s9;
	s26 =	smov.u32 s10;
	[sflag:s20] =	ssyncset.done $0x0  }
.LBB2_4:
0x36: {  	p0 =	sne.s32 s0, $0x1;
	[sflag:s20] =	ssyncadd.s32 $0xFFFFF800;
	s26 =	sadd.s32 $0x800, s26  }
.Ltmp4:
0x37: {  	s0 =	sadd.s32 $0xFFFFFFFF, s0;
	(pc) =	sbr.rel @p0 .LBB2_4-.Ltmp4, $4  }
0x38: {  	_ = 	snop  }
0x39: {  	[spmem:s26] =	stream.linear.scatter [tilespmem:s19], [sflag:$0x3], $0x800, $0x38;
	[tilespmem:$0x1E880] =	vst v63  }
0x3a: {  	_ =	swait.ge [sflag:s20], $0x800  }
0x3b: {  	[sflag:s20] =	ssyncset.done $0x0  }
.LBB2_5:
0x3c: {  	[sflag:s20] =	ssyncadd.s32 $0xFFFFF800  }
0x3d: {  	s26 =	simm.s32 $0x0;
	s28 =	simm.s32 $0x0;
	[bflag:$0x0] =	sbarrier.arrive $0xFFFF  }
.LBB2_6:
0x3e: {  	s0 =	smul.u32 $0x28, s28;
	_ =	sdelay $0x1  }
0x3f: {  	s0 =	sadd.s32 s11, s0  }
0x40: {  	s0 =	sshll.u32 s0, $0x4  }
0x41: {  	s13 =	sadd.s32 s1, s0  }
0x42: {  	[tilespmem:s26], [sflag:$0x3] =	stream.linear.gather [hbm4b:s13+s26], $0x1400, $0x38;
	[tilespmem:$0x1E880] =	vst v63  }
0x43: {  	_ =	swait.ge [sflag:s20], $0x1400  }
0x44: {  	[sflag:s20] =	ssyncset.done $0x0  }
0x45: {  	s0 =	sadd.s32 s2, s0;
	s13 =	simm.s32 $0x1400;
	[sflag:s20] =	ssyncadd.s32 $0xFFFFEC00  }
0x46: {  	[tilespmem:s13], [sflag:$0x3] =	stream.linear.gather [hbm4b:s0+s26], $0x1400, $0x38;
	[tilespmem:$0x1E880] =	vst v63  }
0x47: {  	_ =	swait.ge [sflag:s20], $0x1400  }
0x48: {  	s25 =	sand.u32 $0x1, s26;
	[sflag:s20] =	ssyncset.done $0x0  }
0x49: {  	p4 =	seq.s32 s25, $0x1;
	[sflag:s20] =	ssyncadd.s32 $0xFFFFEC00  }
0x4a: {  	[tilespmem:s22], [sflag:$0x1] =	stream.indirect.gather [hbm4b:s18+s21], $0x80, s26, s21, $0xb8;
	[tilespmem:$0x1E880] =	vst v63  }
0x4b: {  	s29 =	simm.s32 $0x100;
	p0 =	por @p4 $0x0, $0x0;
	s0 =	simm.s32 @p4 $0x2  }
0x4c: {  	[tilespmem:s24], [sflag:$0x2] =	stream.indirect.gather [hbm4b:s18+s21], $0x80, s23, s21, $0xb8;
	[tilespmem:$0x1E880] =	vst v63  }
0x4d: {  	p5 =	por @!p4 $0x0, $0x0;
	s25 =	simm.s32 @p4 $0x3;
	_ =	swait.ge @p4 [sflag:s0], $0x3E80  }
0x4e: {  	s30 =	simm.s32 @p4 $0x6800;
	p1 =	por p0, !p4;
	[sflag:s0] =	ssyncset.done @p4 $0x0  }
0x4f: {  	p1 =	sne.s32 @!p1 s6, $0x0;
	[sflag:s0] =	ssyncadd.s32 @p4 $0xFFFFC180;
	s0 =	simm.s32 @p4 $0x7D  }
0x50: {  	[spmem:s4] =	stream.indirect.scatter.add.f32 @p4 [tilespmem:s30], [sflag:$0x3], $0x80, s13, s0, $0xb8;
	[tilespmem:$0x1E880] =	vst v63  }
0x51: {  	p6 =	por @p4 !p1, p0;
	p0 =	por @p4 p1, p0;
	_ =	swait.ge @p4 [sflag:s25], $0x3E80  }
0x52: {  	p1 =	por p6, !p4;
	p0 =	por p0, !p4;
	[sflag:s25] =	ssyncset.done @p4 $0x0  }
0x53: {  	s0 =	simm.s32 @!p1 $0x7D;
	[sflag:s25] =	ssyncadd.s32 @p4 $0xFFFFC180;
	s25 =	simm.s32 @!p1 $0x6800  }
0x54: {  	[tilespmem:s25], [sflag:$0x2] =	stream.indirect.gather @!p1 [hbm4b:s8+s0], $0x80, s29, s0, $0xb8;
	[tilespmem:$0x1E880] =	vst v63  }
0x55: {  	s30 =	simm.s32 @!p4 $0x1;
	s0 =	simm.s32 @!p0 $0x7D;
	s25 =	simm.s32 @!p0 $0x6800  }
0x56: {  	[tilespmem:s25], [sflag:$0x2] =	stream.indirect.gather @!p0 [hbm4b:s7+s0], $0x80, s29, s0, $0xb8;
	[tilespmem:$0x1E880] =	vst v63  }
0x57: {  	p0 =	por p5, p4;
	_ =	swait.ge @!p4 [sflag:s30], $0x3E80  }
0x58: {  	s0 =	simm.s32 @!p4 $0x3;
	s25 =	simm.s32 @!p4 $0x7D;
	[sflag:s30] =	ssyncset.done @!p4 $0x0  }
0x59: {  	p0 =	sne.s32 @!p0 s6, $0x0;
	[sflag:s30] =	ssyncadd.s32 @!p4 $0xFFFFC180;
	s30 =	simm.s32 @!p4 $0x2800  }
0x5a: {  	[spmem:s4] =	stream.indirect.scatter.add.f32 @!p4 [tilespmem:s30], [sflag:$0x3], $0x80, s13, s25, $0xb8;
	[tilespmem:$0x1E880] =	vst v63  }
0x5b: {  	p1 =	por @!p4 !p0, p5;
	_ =	swait.ge @!p4 [sflag:s0], $0x3E80  }
0x5c: {  	p0 =	por @!p4 p0, p5;
	p1 =	por p1, p4;
	[sflag:s0] =	ssyncset.done @!p4 $0x0  }
0x5d: {  	s13 =	simm.s32 @!p1 $0x2800;
	[sflag:s0] =	ssyncadd.s32 @!p4 $0xFFFFC180;
	s0 =	simm.s32 @!p1 $0x7D  }
0x5e: {  	[tilespmem:s13], [sflag:$0x1] =	stream.indirect.gather @!p1 [hbm4b:s8+s0], $0x80, s29, s0, $0xb8;
	[tilespmem:$0x1E880] =	vst v63  }
0x5f: {  	s31 =	simm.s32 $0x1480;
	s30 =	simm.s32 $0x1;
	p1 =	por p0, p4  }
0x60: {  	s0 =	simm.s32 $0x180;
	s25 =	simm.s32 @!p1 $0x7D;
	s13 =	simm.s32 @!p1 $0x2800  }
.LBB2_7:
0x61: {  	[tilespmem:s13], [sflag:$0x1] =	stream.indirect.gather @!p1 [hbm4b:s7+s25], $0x80, s29, s25, $0xb8;
	[tilespmem:$0x1E880] =	vst v63  }
0x62: {  	s13 =	sand.u32 $0x1, s30;
	s25 =	smov.u32 s30;
	s30 =	sadd.s32 $0x1, s30  }
0x63: {  	s29 =	smov.u32 s0;
	p5 =	seq.s32 s13, $0x1;
	p4 =	sne.s32 s30, $0x28  }
0x64: {  	p0 =	sgt.u32 @p5 s25, $0x25;
	s13 =	simm.s32 @p5 $0x2;
	p6 =	sgt.u32 @!p5 s25, $0x25  }
0x65: {  	p3 =	por p0, !p5;
	p1 =	por p6, p5;
	_ =	swait.ge @p5 [sflag:s13], $0x3E80  }
0x66: {  	s25 =	simm.s32 @p5 $0x3;
	p3 =	sne.s32 @!p3 s6, $0x0;
	[sflag:s13] =	ssyncset.done @p5 $0x0  }
0x67: {  	s14 =	simm.s32 @p5 $0x6800;
	[sflag:s13] =	ssyncadd.s32 @p5 $0xFFFFC180;
	s13 =	simm.s32 @p5 $0x7D  }
0x68: {  	[spmem:s4] =	stream.indirect.scatter.add.f32 @p5 [tilespmem:s14], [sflag:$0x3], $0x80, s31, s13, $0xb8;
	[tilespmem:$0x1E880] =	vst v63  }
0x69: {  	p2 =	por @p5 !p3, p0;
	p0 =	por @p5 p3, p0;
	_ =	swait.ge @p5 [sflag:s25], $0x3E80  }
0x6a: {  	p2 =	por p2, !p5;
	p0 =	por p0, !p5;
	[sflag:s25] =	ssyncset.done @p5 $0x0  }
0x6b: {  	s13 =	simm.s32 @!p2 $0x7D;
	s14 =	simm.s32 @!p2 $0x6800;
	[sflag:s25] =	ssyncadd.s32 @p5 $0xFFFFC180  }
0x6c: {  	[tilespmem:s14], [sflag:$0x2] =	stream.indirect.gather @!p2 [hbm4b:s8+s13], $0x80, s0, s13, $0xb8;
	[tilespmem:$0x1E880] =	vst v63  }
0x6d: {  	s25 =	simm.s32 @!p5 $0x1;
	s13 =	simm.s32 @!p0 $0x7D;
	s14 =	simm.s32 @!p0 $0x6800  }
0x6e: {  	[tilespmem:s14], [sflag:$0x2] =	stream.indirect.gather @!p0 [hbm4b:s7+s13], $0x80, s0, s13, $0xb8;
	[tilespmem:$0x1E880] =	vst v63  }
0x6f: {  	s13 =	simm.s32 @!p5 $0x3;
	p0 =	sne.s32 @!p1 s6, $0x0;
	_ =	swait.ge @!p5 [sflag:s25], $0x3E80  }
0x70: {  	p1 =	por @!p5 !p0, p6;
	p0 =	por @!p5 p0, p6;
	[sflag:s25] =	ssyncset.done @!p5 $0x0  }
0x71: {  	s14 =	simm.s32 @!p5 $0x7D;
	[sflag:s25] =	ssyncadd.s32 @!p5 $0xFFFFC180;
	s25 =	simm.s32 @!p5 $0x2800  }
0x72: {  	[spmem:s4] =	stream.indirect.scatter.add.f32 @!p5 [tilespmem:s25], [sflag:$0x3], $0x80, s31, s14, $0xb8;
	[tilespmem:$0x1E880] =	vst v63  }
.Ltmp5:
0x73: {  	p2 =	por p1, p5;
	_ =	swait.ge @!p5 [sflag:s13], $0x3E80;
	(pc) =	sbr.rel @p4 .LBB2_7-.Ltmp5, $4  }
0x74: {  	p1 =	por p0, p5;
	s31 =	sadd.s32 $0x80, s31;
	[sflag:s13] =	ssyncset.done @!p5 $0x0  }
0x75: {  	s14 =	simm.s32 @!p2 $0x2800;
	[sflag:s13] =	ssyncadd.s32 @!p5 $0xFFFFC180;
	s13 =	simm.s32 @!p2 $0x7D  }
0x76: {  	[tilespmem:s14], [sflag:$0x1] =	stream.indirect.gather @!p2 [hbm4b:s8+s13], $0x80, s0, s13, $0xb8;
	[tilespmem:$0x1E880] =	vst v63  }
0x77: {  	s25 =	simm.s32 @!p1 $0x7D;
	s13 =	simm.s32 @!p1 $0x2800;
	s0 =	sadd.s32 $0x80, s0  }
0x78: {  	s28 =	sadd.s32 $0x1, s28  }
0x79: {  	p0 =	sne.s32 s28, $0x4  }
.Ltmp6:
0x7a: {  	_ = 	snop;
	(pc) =	sbr.rel @p0 .LBB2_6-.Ltmp6, $2  }
0x7b: {  	_ =	sdelay $0x2  }
0x7c: {  	[tilespmem:s13], [sflag:$0x1] =	stream.indirect.gather @!p1 [hbm4b:s7+s25], $0x80, s29, s25, $0xb8;
	[tilespmem:$0x1E880] =	vst v63  }
0x7d: {  	[bflag:$0x0] =	sbarrier.arrive $0xFFFF  }
0x7e: {  	s0 =	sld [smem:$0x7FA];
	_ =	sdelay $0x2  }
0x7f: {  	p0 =	seq.s32 s0, $0x1  }
.Ltmp7:
0x80: {  	_ = 	snop;
	(pc) =	sbr.rel @!p0 .LBB2_12-.Ltmp7, $1  }
0x81: {  	_ =	sdelay $0x3  }
0x82: {  	s0 =	sshll.u32 s3, $0x6;
	s13 =	sshrl.u32 s10, $0x3  }
.Ltmp8:
0x83: {  	s14 =	rddreg [dreg:$0x6];
	s0 =	sor.u32 $0x1C03, s0;
	(pc) =	sbr.rel .LBB2_11-.Ltmp8, $4  }
0x84: {  	[hbm:s14], [sflag:s0] =	dma.local [spmem:s13], $0x2700  }
0x85: {  	_ =	swait.ge [sflag:s20], $0x2700  }
0x86: {  	[sflag:s20] =	ssyncset.done $0x0  }
0x87: {  	[sflag:s20] =	ssyncadd.s32 $0xFFFFD900  }
.LBB2_12:
0x88: {  	s0 =	sld [smem:$0x7FB];
	_ =	sdelay $0x2  }
0x89: {  	p0 =	seq.s32 s0, $0x1  }
.Ltmp9:
0x8a: {  	_ = 	snop;
	(pc) =	sbr.rel @p0 .LBB2_13-.Ltmp9, $1  }
0x8b: {  	_ =	sdelay $0x3  }
.LBB2_11:
0x8c: {  	s0 =	sld [smem:$0x7FD];
	_ =	sdelay $0x2  }
0x8d: {  	p1 =	seq.s32 s0, $0x1  }
0x8e: {  	s0 =	sshrl.u32 @!p1 s12, $0x3;
	s13 =	simm.s32 @!p1 $0x1FC3  }
0x8f: {  	[hbm:s15], [sflag:s13] =	dma.local @!p1 [spmem:s0], $0x2800  }
0x90: {  	s0 =	simm.s32 @!p1 $0x3  }
0x91: {  	_ =	swait.ge @!p1 [sflag:s0], $0x2800  }
0x92: {  	s31 =	sld [smem:$0x7FC];
	_ =	sdelay $0x2  }
0x93: {  	p0 =	seq.s32 s31, $0x1  }
0x94: {  	[sflag:s0] =	ssyncset.done @!p1 $0x0;
	s13 =	sshll.u32 @p0 s3, $0x6  }
0x95: {  	[sflag:s0] =	ssyncadd.s32 @!p1 $0xFFFFD800;
	s0 =	sor.u32 @p0 $0x1C03, s13;
	s13 =	sshrl.u32 @p0 s10, $0x3  }
0x96: {  	[hbm:s16], [sflag:s0] =	dma.local @p0 [spmem:s13], $0x2700  }
.Ltmp10:
0x97: {  	_ = 	snop;
	(pc) =	sbr.rel .LBB2_14-.Ltmp10, $4  }
0x98: {  	s0 =	simm.s32 @p0 $0x3  }
0x99: {  	_ =	swait.ge @p0 [sflag:s0], $0x2700  }
0x9a: {  	[sflag:s0] =	ssyncset.done @p0 $0x0  }
0x9b: {  	[sflag:s0] =	ssyncadd.s32 @p0 $0xFFFFD900  }
.LBB2_15:
0x9c: {  	_ =	sfence.sel $0x180000  }
0x9d: {  	[bflag:$0x0] =	sbarrier.arrive $0xFFFF  }
0x9e: {  	_ =	strace $0x9000004A  }
0x9f: {  	[bflag:$0x2] =	sbarrier.arrive $0xFFFF  }
0xa0: {  	p0 =	sne.s32 s3, $0x0;
	s0 =	rddreg [dreg:$0x4]  }
0xa1: {  	s0 =	sadd.s32 @!p0 $0x100000, s0  }
0xa2: {  	[sflag:s0] =	ssyncadd.tile.s32 @!p0 $0x1;
	_ =	shalt  }
.Lfunc_end2:
_tile_overlayer_lowered:
.L_overlay_start_2:
0xa3: {  	(tag) =	ssettag $0x2  }
0xa4: {  	s0 =	rddreg [dreg:$0x0];
	s2 =	stileid.u32  }
0xa5: {  	s1 =	rddreg [dreg:$0x1];
	p0 =	sne.s32 s2, $0x0  }
0xa6: {  	s3 =	rddreg [dreg:$0x2];
	[bflag:$0x3] =	sbarrier.arrive $0xFFFF;
	s2 =	simm.s32 @!p0 $0x1C03  }
0xa7: {  	[timem:s3], [sflag:s2] =	dma.local @!p0 [hbm:s0], s1  }
0xa8: {  	s0 =	simm.s32 @!p0 $0x3  }
0xa9: {  	_ =	swait.ge @!p0 [sflag:s0], s1  }
0xaa: {  	s1 =	ssub.s32 @!p0 $0x0, s1;
	[sflag:s0] =	ssyncset.done @!p0 $0x0  }
0xab: {  	[sflag:s0] =	ssyncadd.s32 @!p0 s1  }
0xac: {  	[bflag:$0x3] =	sbarrier.arrive $0xFFFF  }
0xad: {  	_ =	shalt  }

// kernel: kernel.16.cloned.1.call-start
scs
__scs_entry_jumppad:
0x0: {  	(pc) =	sbr.rel $0x88, $3  }
0x1: {  	(tag) =	ssettag $0x0;
	lr =	simm.s32 $0x1  }
0x2: {  	[smem:$0x3F86] =	sst lr;
	_ =	strace $0xD0000000  }
0x3: {  	_ = 	snop  }
0x4: {  	_ = 	snop  }
0x5: {  	_ = 	snop  }
0x6: {  	_ = 	snop  }
0x7: {  	_ = 	snop  }
__scs_overlays_trampoline_lowered:
0x8: {  	[smem:$0x3F95] =	sst s0  }
0x9: {  	[smem:$0x3F96] =	sst s1  }
0xa: {  	[smem:$0x3F97] =	sst s2  }
0xb: {  	[smem:$0x3F98] =	sst s3  }
0xc: {  	[smem:$0x3F99] =	sst s4  }
0xd: {  	[smem:$0x3F9A] =	sst s5  }
0xe: {  	[smem:$0x3F9B] =	sst s6  }
0xf: {  	[smem:$0x3F9C] =	sst s7  }
0x10: {  	[smem:$0x3F9D] =	sst s8  }
0x11: {  	[smem:$0x3F9E] =	sst s9;
	s0 =	simm.s32 @!p0 $0x0  }
0x12: {  	s1 =	sld [smem:$0x3F84];
	s0 =	simm.s32 @p0 $0x1  }
0x13: {  	[smem:$0x3F9F] =	sst s0;
	s0 =	simm.s32 @!p1 $0x0  }
0x14: {  	s2 =	sld [smem:$0x3F83];
	s0 =	simm.s32 @p1 $0x1  }
0x15: {  	[smem:$0x3FA0] =	sst s0;
	s0 =	simm.s32 @!p2 $0x0  }
0x16: {  	s3 =	sld [smem:$0x3FDB];
	s0 =	simm.s32 @p2 $0x1  }
0x17: {  	s4 =	simm.s32 $0x1BF5;
	[smem:$0x3FA2] =	sst s0  }
0x18: {  	s0 =	sld [smem:$0x3F85];
	_ =	swait.ge [sflag:s4], $0x0  }
0x19: {  	s7 =	sld [smem:$0x3F86]  }
0x1a: {  	s8 =	sadd.s32 $0xFFFFE003, lr  }
0x1b: {  	s9 =	sadd.s32 $0xFFFFFEF7, lr;
	s5 =	simm.s32 $0xFFFFFFFF;
	p2 =	slt.u32 s8, $0xFFFFF086  }
0x1c: {  	p1 =	slt.u32 s9, $0xF7A;
	s5 =	simm.s32 @!p2 $0x0  }
0x1d: {  	s5 =	simm.s32 @p1 $0x1;
	p0 =	seq.s32 s7, s2  }
0x1e: {  	s7 =	smul.u32 @!p0 $0xF7A, s2;
	p2 =	seq.s32 @!p0 s5, $0x0  }
0x1f: {  	s9 =	smul.u32 $0xF7A, s1;
	s8 =	simm.s32 @!p0 $0x1BF5;
	p2 =	por !p2, p0  }
0x20: {  	[sflag:s8] =	ssyncset.s32 @!p0 $0xFFFFF086;
	s6 =	sadd.s32 @!p0 s3, s7;
	s7 =	simm.s32 @!p0 $0x108  }
0x21: {  	s3 =	sadd.s32 s3, s9;
	s6 =	sadd.s32 @!p0 $0x88, s6;
	s7 =	simm.s32 @p2 $0x1082  }
0x22: {  	[simem:s7], [sflag:s8] =	dma.local @!p0 [hbm:s6], $0xF7A  }
0x23: {  	s9 =	sor.u32 $0xD0000000, s2;
	s6 =	simm.s32 $0x108;
	_ =	swait.ge @!p0 [sflag:s8], $0x0  }
0x24: {  	s3 =	sadd.s32 $0x88, s3;
	s6 =	simm.s32 @!p1 $0x1082;
	[sflag:s4] =	ssyncset.s32 $0xFFFFF086  }
0x25: {  	[simem:s6], [sflag:s4] =	dma.local [hbm:s3], $0xF7A  }
0x26: {  	[smem:$0x3F86] =	sst s1;
	(tag) =	ssettag s2;
	_ =	strace s9  }
0x27: {  	s1 =	sld [smem:$0x3F96]  }
0x28: {  	s2 =	sld [smem:$0x3F97]  }
0x29: {  	s4 =	sld [smem:$0x3F99]  }
0x2a: {  	p0 =	seq.s32 s5, $0x0;
	s5 =	sld [smem:$0x3F9A]  }
0x2b: {  	s6 =	sld [smem:$0x3F9B]  }
0x2c: {  	s7 =	sld [smem:$0x3F9C]  }
0x2d: {  	s3 =	simm.s32 $0x108;
	s8 =	sld [smem:$0x3F9D]  }
0x2e: {  	s3 =	simm.s32 @!p0 $0x1082;
	s9 =	sld [smem:$0x3F9E]  }
0x2f: {  	lr =	sadd.s32 s0, s3;
	s0 =	sld [smem:$0x3F95]  }
0x30: {  	s3 =	sld [smem:$0x3F98]  }
0x31: {  	[smem:$0x3FA1] =	sst s10  }
0x32: {  	s10 =	sld [smem:$0x3F9F];
	_ =	sdelay $0x3  }
0x33: {  	p0 =	seq.s32 s10, $0x1;
	s10 =	sld [smem:$0x3FA1];
	_ =	sdelay $0x3  }
0x34: {  	[smem:$0x3FA1] =	sst s10  }
0x35: {  	s10 =	sld [smem:$0x3FA0];
	_ =	sdelay $0x3  }
0x36: {  	p1 =	seq.s32 s10, $0x1;
	s10 =	sld [smem:$0x3FA1];
	_ =	sdelay $0x3  }
0x37: {  	[smem:$0x3FA1] =	sst s10  }
0x38: {  	s10 =	sld [smem:$0x3FA2]  }
0x39: {  	_ = 	snop;
	(pc) =	sbr.ind lr, $3  }
0x3a: {  	_ = 	snop  }
0x3b: {  	_ = 	snop  }
0x3c: {  	p2 =	seq.s32 s10, $0x1;
	s10 =	sld [smem:$0x3FA1]  }
0x3d: {  	_ =	shalt  }
0x3e: {  	_ =	shalt  }
0x3f: {  	_ =	shalt  }
0x40: {  	_ =	shalt  }
0x41: {  	_ =	shalt  }
0x42: {  	_ =	shalt  }
0x43: {  	_ =	shalt  }
0x44: {  	_ =	shalt  }
0x45: {  	_ =	shalt  }
0x46: {  	_ =	shalt  }
0x47: {  	_ =	shalt  }
0x48: {  	_ =	shalt  }
0x49: {  	_ =	shalt  }
0x4a: {  	_ =	shalt  }
0x4b: {  	_ =	shalt  }
0x4c: {  	_ =	shalt  }
0x4d: {  	_ =	shalt  }
0x4e: {  	_ =	shalt  }
0x4f: {  	_ =	shalt  }
0x50: {  	_ =	shalt  }
0x51: {  	_ =	shalt  }
0x52: {  	_ =	shalt  }
0x53: {  	_ =	shalt  }
0x54: {  	_ =	shalt  }
0x55: {  	_ =	shalt  }
0x56: {  	_ =	shalt  }
0x57: {  	_ =	shalt  }
0x58: {  	_ =	shalt  }
0x59: {  	_ =	shalt  }
0x5a: {  	_ =	shalt  }
0x5b: {  	_ =	shalt  }
0x5c: {  	_ =	shalt  }
0x5d: {  	_ =	shalt  }
0x5e: {  	_ =	shalt  }
0x5f: {  	_ =	shalt  }
0x60: {  	_ =	shalt  }
0x61: {  	_ =	shalt  }
0x62: {  	_ =	shalt  }
0x63: {  	_ =	shalt  }
0x64: {  	_ =	shalt  }
0x65: {  	_ =	shalt  }
0x66: {  	_ =	shalt  }
0x67: {  	_ =	shalt  }
0x68: {  	_ =	shalt  }
0x69: {  	_ =	shalt  }
0x6a: {  	_ =	shalt  }
0x6b: {  	_ =	shalt  }
0x6c: {  	_ =	shalt  }
0x6d: {  	_ =	shalt  }
0x6e: {  	_ =	shalt  }
0x6f: {  	_ =	shalt  }
0x70: {  	_ =	shalt  }
0x71: {  	_ =	shalt  }
0x72: {  	_ =	shalt  }
0x73: {  	_ =	shalt  }
0x74: {  	_ =	shalt  }
0x75: {  	_ =	shalt  }
0x76: {  	_ =	shalt  }
0x77: {  	_ =	shalt  }
0x78: {  	_ =	shalt  }
0x79: {  	_ =	shalt  }
0x7a: {  	_ =	shalt  }
0x7b: {  	_ =	shalt  }
0x7c: {  	_ =	shalt  }
0x7d: {  	_ =	shalt  }
0x7e: {  	_ =	shalt  }
0x7f: {  	_ =	shalt  }
0x80: {  	_ =	shalt  }
0x81: {  	_ =	shalt  }
0x82: {  	_ =	shalt  }
0x83: {  	_ =	shalt  }
0x84: {  	_ =	shalt  }
0x85: {  	_ =	shalt  }
0x86: {  	_ =	shalt  }
0x87: {  	_ =	shalt  }
.Lfunc_end0:
.L_simem_size_0:
called_computation.2_lowered:
.L_overlay_start_0:
0x88: {  	s2 =	sld [smem:$0x3FD9]  }
0x89: {  	s3 =	sld [smem:$0x3FFE];
	_ =	sdelay $0x1  }
0x8a: {  	s1 =	srdreg.scid  }
0x8b: {  	s0 =	sand.u32 $0x1, s1  }
0x8c: {  	s14 =	sshll.u32 s0, $0xA;
	s2 =	sadd.s32 s3, s2  }
0x8d: {  	s2 =	sadd.s32 s2, s14  }
0x8e: {  	[smem:$0x3FAD] =	sst s2  }
0x8f: {  	_ = 	snop  }
0x90: {  	s2 =	sld [smem:$0x3FD0];
	_ =	sdelay $0x2  }
0x91: {  	s15 =	simm.s32 $0xA;
	s4 =	simm.s32 $0x10  }
0x92: {  	[smem:s4], [sflag:s15] =	dma.local [hbm:s2], $0x1  }
0x93: {  	_ =	swait.eq [sflag:s15], $0x1  }
0x94: {  	[sflag:s15] =	ssyncset.done $0x0  }
0x95: {  	s16 =	sld [smem:$0x10];
	[sflag:s15] =	ssyncadd.s32 $0xFFFFFFFF  }
0x96: {  	s17 =	sld [smem:$0x11];
	(tm) =	ssettm $0x1  }
0x97: {  	s18 =	sld [smem:$0x3FFB];
	_ =	sdelay $0x3  }
0x98: {  	_ =	strace s18  }
0x99: {  	s4 =	sld [smem:$0x3FFC];
	_ =	sdelay $0x3  }
0x9a: {  	_ =	strace s4  }
0x9b: {  	s4 =	sld [smem:$0x3FFD];
	_ =	sdelay $0x3  }
0x9c: {  	_ =	strace s4  }
0x9d: {  	_ =	strace $0x8FFFFFFF  }
0x9e: {  	s19 =	sld [smem:$0x3FDB];
	_ =	sdelay $0x1  }
0x9f: {  	s5 =	simm.s32 $_scs_section_size  }
0xa0: {  	s6 =	simm.s32 $_size__tile_overlayer_lowered;
	s7 =	simm.s32 $_tile_overlayer_lowered  }
0xa1: {  	s22 =	simm.s32 $0x1BFF;
	s21 =	sshll.u32 s7, $0x1;
	s4 =	sadd.s32 s5, s19  }
0xa2: {  	s8 =	simm.s32 $0x0;
	s20 =	sshll.u32 s6, $0x1;
	s6 =	sadd.s32 s21, s4  }
0xa3: {  	[timem:s8], [sflag:s22] =	dma.local [hbm:s6], s20  }
0xa4: {  	_ =	swait.ge [sflag:s22], s20  }
0xa5: {  	s5 =	ssub.s32 $0x0, s20;
	[sflag:s22] =	ssyncset.done $0x0  }
0xa6: {  	[sflag:s22] =	ssyncadd.s32 s5;
	_ =	sdelay $0x1  }
0xa7: {  	s23 =	simm.s32 $0x1B8B  }
0xa8: {  	_ =	swait.ge [sflag:s23], $0x1  }
0xa9: {  	[sflag:s23] =	ssyncset.done $0x0  }
0xaa: {  	s25 =	simm.s32 $0x1B8E;
	s24 =	sld [smem:$0x3FFE];
	[sflag:s23] =	ssyncadd.s32 $0xFFFFFFFF  }
0xab: {  	s26 =	simm.s32 $execute0_lowered;
	[smem:$0x3FD2] =	sst s25  }
0xac: {  	s6 =	sshll.u32 s26, $0x1;
	_ =	strace $0x8000004C;
	[dreg:$0x1] =	wrdreg $0xFFFFFFFF  }
0xad: {  	s28 =	simm.s32 $_size_execute0_lowered;
	s4 =	sadd.s32 s4, s6;
	[dreg:$0x0] =	wrdreg $0x0  }
0xae: {  	s6 =	sshll.u32 s28, $0x1;
	[dreg:$0x2] =	wrdreg s4  }
0xaf: {  	[dreg:$0x3] =	wrdreg s6  }
0xb0: {  	[dreg:$0x4] =	wrdreg $0xC0  }
0xb1: {  	_ =	task [dreg:s8], $0x5FFFF  }
0xb2: {  	[dreg:$0x1] =	wrdreg $0xFFFFFFFF  }
0xb3: {  	[dreg:$0x0] =	wrdreg $0x60  }
0xb4: {  	[dreg:$0x2] =	wrdreg s24  }
0xb5: {  	[dreg:$0x3] =	wrdreg s17  }
0xb6: {  	[dreg:$0x4] =	wrdreg s16  }
0xb7: {  	[dreg:$0x5] =	wrdreg $0xB0000  }
0xb8: {  	[dreg:$0x6] =	wrdreg $0x9  }
0xb9: {  	_ =	task.clear_ibuf [dreg:s8], $0x7FFFF;
	_ =	strace $0x9000004C  }
0xba: {  	s29 =	simm.s32 $0x9;
	_ =	strace $0x8000004E  }
0xbb: {  	_ =	swait.ge [sflag:s29], $0x1  }
0xbc: {  	[sflag:s29] =	ssyncadd.s32 $0xFFFFFFFF  }
0xbd: {  	_ =	strace $0x9000004E  }
0xbe: {  	_ =	sfence  }
0xbf: {  	s30 =	sld [smem:$0x0];
	_ =	sdelay $0x2  }
0xc0: {  	s31 =	sshll.u32 s1, $0xD;
	s1 =	sshrl.u32 s1, $0x2  }
0xc1: {  	s3 =	sand.u32 $0x4000, s31;
	s1 =	sadd.s32 s1, s30  }
0xc2: {  	s0 =	sor.u32 s3, s0;
	s1 =	sshll.u32 s1, $0x11  }
0xc3: {  	s0 =	sor.u32 s1, s0  }
0xc4: {  	s0 =	sadd.s32 $0x8F2B, s0  }
0xc5: {  	[sflag:s0] =	ssyncadd.remote.s32 $0x1  }
0xc6: {  	_ =	sfence.sel $0xFFFF  }
0xc7: {  	[dreg:$0x0] =	wrdreg $0xFFFFFFFF;
	(pc) =	sbr.abs _section_cstart, $3  }
0xc8: {  	[dreg:$0x1] =	wrdreg $0xFFFFFFFF  }
0xc9: {  	_ =	task.clear_ibuf [dreg:s8], $0x2FFFF;
	_ =	strace $0x9FFFFFFF  }
0xca: {  	(tm) =	ssettm $0x7FFFFFFF  }
0xcb: {  	_ =	shalt  }
tec
execute0_lowered:
.L_overlay_start_1:
0x0: {  	(tag) =	ssettag $0x1  }
0x1: {  	s0 =	rddreg [dreg:$0x0]  }
0x2: {  	s1 =	rddreg [dreg:$0x1]  }
0x3: {  	s2 =	rddreg [dreg:$0x2]  }
0x4: {  	s4 =	rddreg [dreg:$0x3];
	s5 =	simm.s32 $0x0  }
0x5: {  	s3 =	stileid.u32;
	s6 =	srdreg.scid;
	s19 =	simm.s32 $0xA800  }
0x6: {  	s20 =	simm.s32 $0x3;
	s21 =	simm.s32 $0x7D;
	s22 =	simm.s32 $0x2800  }
0x7: {  	s23 =	simm.s32 $0x80;
	s24 =	simm.s32 $0x6800;
	[smem:$0x7FF] =	sst s5  }
0x8: {  	s9 =	smul.u32 $0x2700, s3;
	s6 =	sand.u32 $0x1, s6;
	s7 =	sadd.s32 $0x6E00, s0  }
0x9: {  	s8 =	sadd.s32 $0x2E000, s0;
	s11 =	smul.u32 $0x4E000, s3;
	p0 =	seq.s32 s3, $0xF  }
0xa: {  	p2 =	sne.s32 s3, $0xF;
	s14 =	sadd.s32 $0x79B00, s0;
	s15 =	sadd.s32 $0xA0D00, s0  }
0xb: {  	_ =	strace $0x8000004D;
	s10 =	ssub.s32 $0x2, s6;
	p1 =	seq.s32 s6, $0x0  }
0xc: {  	p6 =	seq.s32 s6, $0x1;
	[dreg:$0x5] =	wrdreg s14;
	s18 =	smov.u32 s8  }
0xd: {  	s13 =	sadd.s32 s9, s0;
	s29 =	sshrl.u32 s10, $0x1;
	s9 =	simm.s32 $0x28  }
0xe: {  	s30 =	sshrl.u32 s11, $0x2;
	p3 =	por !p1, !p2;
	s11 =	smul.u32 $0xA0, s3  }
0xf: {  	p5 =	por !p1, !p0;
	p2 =	por !p2, !p6;
	s18 =	smov.u32 @p1 s7  }
0x10: {  	s17 =	ssub.s32 s10, s29;
	s9 =	simm.s32 @!p0 $0x27;
	s10 =	sadd.s32 s30, s4  }
0x11: {  	p3 =	por !p3, !p3;
	s31 =	sadd.s32 $0x55200, s13;
	p2 =	por !p2, !p2  }
0x12: {  	p0 =	por !p0, !p6;
	s12 =	simm.s32 @!p3 $0x0;
	[dreg:$0x6] =	wrdreg s31  }
0x13: {  	p0 =	por !p0, !p0;
	s0 =	simm.s32 @!p2 $0x0;
	s12 =	simm.s32 @p3 $0x1  }
.Ltmp0:
0x14: {  	p3 =	por !p5, !p5;
	s0 =	simm.s32 @p2 $0x1;
	(pc) =	sbr.rel .LBB2_1-.Ltmp0, $4  }
0x15: {  	p0 =	por !p0, p2;
	[smem:$0x7FA] =	sst s12;
	s12 =	simm.s32 @!p3 $0x0  }
0x16: {  	[smem:$0x7FC] =	sst s0;
	s0 =	simm.s32 @!p0 $0x0;
	s12 =	simm.s32 @p3 $0x1  }
0x17: {  	s16 =	sadd.s32 $0x7C400, s13;
	s0 =	simm.s32 @p0 $0x1;
	[smem:$0x7FB] =	sst s12  }
0x18: {  	v0 =	vimm.f32 $0.0e+00;
	s17 =	smax.u32 s17, $0x1;
	s12 =	sadd.s32 $0x124800, s4;
	[smem:$0x7FD] =	sst s0  }
.LBB2_13:
0x19: {  	s0 =	sshrl.u32 s12, $0x3;
	s13 =	rddreg [dreg:$0x5];
	s14 =	simm.s32 $0x1FC3  }
0x1a: {  	[hbm:s13], [sflag:s14] =	dma.local [spmem:s0], $0x2800  }
0x1b: {  	_ =	swait.ge [sflag:s20], $0x2800  }
0x1c: {  	[sflag:s20] =	ssyncset.done $0x0  }
0x1d: {  	[sflag:s20] =	ssyncadd.s32 $0xFFFFD800  }
.LBB2_14:
0x1e: {  	s5 =	sadd.s32 $0x1, s5  }
0x1f: {  	p0 =	sne.s32 s5, s17  }
.Ltmp1:
0x20: {  	_ = 	snop;
	(pc) =	sbr.rel @!p0 .LBB2_15-.Ltmp1, $1  }
0x21: {  	_ =	sdelay $0x3  }
.LBB2_1:
0x22: {  	s0 =	simm.s32 $0x0;
	s26 =	simm.s32 $0x200  }
.LBB2_2:
0x23: {  	p0 =	sne.s32 s26, $0x1E00;
	[tilespmem:s0+$0xA870] =	vst v0  }
0x24: {  	[tilespmem:s0+$0xA800] =	vst v0  }
0x25: {  	[tilespmem:s0+$0xA810] =	vst v0  }
.Ltmp2:
0x26: {  	[tilespmem:s0+$0xA820] =	vst v0;
	(pc) =	sbr.rel @p0 .LBB2_2-.Ltmp2, $4  }
0x27: {  	[tilespmem:s0+$0xA830] =	vst v0  }
0x28: {  	[tilespmem:s0+$0xA840] =	vst v0  }
0x29: {  	[tilespmem:s0+$0xA850] =	vst v0  }
0x2a: {  	[tilespmem:s0+$0xA860] =	vst v0;
	s0 =	sshra.s32 s26, $0x2;
	s26 =	sadd.s32 $0x200, s26  }
0x2b: {  	[tilespmem:s0+$0xA870] =	vst v0  }
0x2c: {  	[tilespmem:s0+$0xA800] =	vst v0  }
0x2d: {  	[tilespmem:s0+$0xA810] =	vst v0  }
0x2e: {  	[tilespmem:s0+$0xA820] =	vst v0  }
0x2f: {  	[tilespmem:s0+$0xA830] =	vst v0  }
0x30: {  	[tilespmem:s0+$0xA840] =	vst v0;
	p0 =	sne.s32 s9, $0x1  }
.Ltmp3:
0x31: {  	[tilespmem:s0+$0xA850] =	vst v0;
	(pc) =	sbr.rel @!p0 .LBB2_5-.Ltmp3, $4  }
0x32: {  	[tilespmem:s0+$0xA860] =	vst v0  }
0x33: {  	[spmem:s10] =	stream.linear.scatter [tilespmem:s19], [sflag:$0x3], $0x800, $0x38;
	[tilespmem:$0x1E880] =	vst v63  }
0x34: {  	_ =	swait.ge [sflag:s20], $0x800  }
0x35: {  	s0 =	sadd.s32 $0xFFFFFFFF, s9;
	s26 =	smov.u32 s10;
	[sflag:s20] =	ssyncset.done $0x0  }
.LBB2_4:
0x36: {  	p0 =	sne.s32 s0, $0x1;
	[sflag:s20] =	ssyncadd.s32 $0xFFFFF800;
	s26 =	sadd.s32 $0x800, s26  }
.Ltmp4:
0x37: {  	s0 =	sadd.s32 $0xFFFFFFFF, s0;
	(pc) =	sbr.rel @p0 .LBB2_4-.Ltmp4, $4  }
0x38: {  	_ = 	snop  }
0x39: {  	[spmem:s26] =	stream.linear.scatter [tilespmem:s19], [sflag:$0x3], $0x800, $0x38;
	[tilespmem:$0x1E880] =	vst v63  }
0x3a: {  	_ =	swait.ge [sflag:s20], $0x800  }
0x3b: {  	[sflag:s20] =	ssyncset.done $0x0  }
.LBB2_5:
0x3c: {  	[sflag:s20] =	ssyncadd.s32 $0xFFFFF800  }
0x3d: {  	s26 =	simm.s32 $0x0;
	s28 =	simm.s32 $0x0;
	[bflag:$0x0] =	sbarrier.arrive $0xFFFF  }
.LBB2_6:
0x3e: {  	s0 =	smul.u32 $0x28, s28;
	_ =	sdelay $0x1  }
0x3f: {  	s0 =	sadd.s32 s11, s0  }
0x40: {  	s0 =	sshll.u32 s0, $0x4  }
0x41: {  	s13 =	sadd.s32 s1, s0  }
0x42: {  	[tilespmem:s26], [sflag:$0x3] =	stream.linear.gather [hbm4b:s13+s26], $0x1400, $0x38;
	[tilespmem:$0x1E880] =	vst v63  }
0x43: {  	_ =	swait.ge [sflag:s20], $0x1400  }
0x44: {  	[sflag:s20] =	ssyncset.done $0x0  }
0x45: {  	s0 =	sadd.s32 s2, s0;
	s13 =	simm.s32 $0x1400;
	[sflag:s20] =	ssyncadd.s32 $0xFFFFEC00  }
0x46: {  	[tilespmem:s13], [sflag:$0x3] =	stream.linear.gather [hbm4b:s0+s26], $0x1400, $0x38;
	[tilespmem:$0x1E880] =	vst v63  }
0x47: {  	_ =	swait.ge [sflag:s20], $0x1400  }
0x48: {  	s25 =	sand.u32 $0x1, s26;
	[sflag:s20] =	ssyncset.done $0x0  }
0x49: {  	p4 =	seq.s32 s25, $0x1;
	[sflag:s20] =	ssyncadd.s32 $0xFFFFEC00  }
0x4a: {  	[tilespmem:s22], [sflag:$0x1] =	stream.indirect.gather [hbm4b:s18+s21], $0x80, s26, s21, $0xb8;
	[tilespmem:$0x1E880] =	vst v63  }
0x4b: {  	s29 =	simm.s32 $0x100;
	p0 =	por @p4 $0x0, $0x0;
	s0 =	simm.s32 @p4 $0x2  }
0x4c: {  	[tilespmem:s24], [sflag:$0x2] =	stream.indirect.gather [hbm4b:s18+s21], $0x80, s23, s21, $0xb8;
	[tilespmem:$0x1E880] =	vst v63  }
0x4d: {  	p5 =	por @!p4 $0x0, $0x0;
	s25 =	simm.s32 @p4 $0x3;
	_ =	swait.ge @p4 [sflag:s0], $0x3E80  }
0x4e: {  	s30 =	simm.s32 @p4 $0x6800;
	p1 =	por p0, !p4;
	[sflag:s0] =	ssyncset.done @p4 $0x0  }
0x4f: {  	p1 =	sne.s32 @!p1 s6, $0x0;
	[sflag:s0] =	ssyncadd.s32 @p4 $0xFFFFC180;
	s0 =	simm.s32 @p4 $0x7D  }
0x50: {  	[spmem:s4] =	stream.indirect.scatter.add.f32 @p4 [tilespmem:s30], [sflag:$0x3], $0x80, s13, s0, $0xb8;
	[tilespmem:$0x1E880] =	vst v63  }
0x51: {  	p6 =	por @p4 !p1, p0;
	p0 =	por @p4 p1, p0;
	_ =	swait.ge @p4 [sflag:s25], $0x3E80  }
0x52: {  	p1 =	por p6, !p4;
	p0 =	por p0, !p4;
	[sflag:s25] =	ssyncset.done @p4 $0x0  }
0x53: {  	s0 =	simm.s32 @!p1 $0x7D;
	[sflag:s25] =	ssyncadd.s32 @p4 $0xFFFFC180;
	s25 =	simm.s32 @!p1 $0x6800  }
0x54: {  	[tilespmem:s25], [sflag:$0x2] =	stream.indirect.gather @!p1 [hbm4b:s8+s0], $0x80, s29, s0, $0xb8;
	[tilespmem:$0x1E880] =	vst v63  }
0x55: {  	s30 =	simm.s32 @!p4 $0x1;
	s0 =	simm.s32 @!p0 $0x7D;
	s25 =	simm.s32 @!p0 $0x6800  }
0x56: {  	[tilespmem:s25], [sflag:$0x2] =	stream.indirect.gather @!p0 [hbm4b:s7+s0], $0x80, s29, s0, $0xb8;
	[tilespmem:$0x1E880] =	vst v63  }
0x57: {  	p0 =	por p5, p4;
	_ =	swait.ge @!p4 [sflag:s30], $0x3E80  }
0x58: {  	s0 =	simm.s32 @!p4 $0x3;
	s25 =	simm.s32 @!p4 $0x7D;
	[sflag:s30] =	ssyncset.done @!p4 $0x0  }
0x59: {  	p0 =	sne.s32 @!p0 s6, $0x0;
	[sflag:s30] =	ssyncadd.s32 @!p4 $0xFFFFC180;
	s30 =	simm.s32 @!p4 $0x2800  }
0x5a: {  	[spmem:s4] =	stream.indirect.scatter.add.f32 @!p4 [tilespmem:s30], [sflag:$0x3], $0x80, s13, s25, $0xb8;
	[tilespmem:$0x1E880] =	vst v63  }
0x5b: {  	p1 =	por @!p4 !p0, p5;
	_ =	swait.ge @!p4 [sflag:s0], $0x3E80  }
0x5c: {  	p0 =	por @!p4 p0, p5;
	p1 =	por p1, p4;
	[sflag:s0] =	ssyncset.done @!p4 $0x0  }
0x5d: {  	s13 =	simm.s32 @!p1 $0x2800;
	[sflag:s0] =	ssyncadd.s32 @!p4 $0xFFFFC180;
	s0 =	simm.s32 @!p1 $0x7D  }
0x5e: {  	[tilespmem:s13], [sflag:$0x1] =	stream.indirect.gather @!p1 [hbm4b:s8+s0], $0x80, s29, s0, $0xb8;
	[tilespmem:$0x1E880] =	vst v63  }
0x5f: {  	s31 =	simm.s32 $0x1480;
	s30 =	simm.s32 $0x1;
	p1 =	por p0, p4  }
0x60: {  	s0 =	simm.s32 $0x180;
	s25 =	simm.s32 @!p1 $0x7D;
	s13 =	simm.s32 @!p1 $0x2800  }
.LBB2_7:
0x61: {  	[tilespmem:s13], [sflag:$0x1] =	stream.indirect.gather @!p1 [hbm4b:s7+s25], $0x80, s29, s25, $0xb8;
	[tilespmem:$0x1E880] =	vst v63  }
0x62: {  	s13 =	sand.u32 $0x1, s30;
	s25 =	smov.u32 s30;
	s30 =	sadd.s32 $0x1, s30  }
0x63: {  	s29 =	smov.u32 s0;
	p5 =	seq.s32 s13, $0x1;
	p4 =	sne.s32 s30, $0x28  }
0x64: {  	p0 =	sgt.u32 @p5 s25, $0x25;
	s13 =	simm.s32 @p5 $0x2;
	p6 =	sgt.u32 @!p5 s25, $0x25  }
0x65: {  	p3 =	por p0, !p5;
	p1 =	por p6, p5;
	_ =	swait.ge @p5 [sflag:s13], $0x3E80  }
0x66: {  	s25 =	simm.s32 @p5 $0x3;
	p3 =	sne.s32 @!p3 s6, $0x0;
	[sflag:s13] =	ssyncset.done @p5 $0x0  }
0x67: {  	s14 =	simm.s32 @p5 $0x6800;
	[sflag:s13] =	ssyncadd.s32 @p5 $0xFFFFC180;
	s13 =	simm.s32 @p5 $0x7D  }
0x68: {  	[spmem:s4] =	stream.indirect.scatter.add.f32 @p5 [tilespmem:s14], [sflag:$0x3], $0x80, s31, s13, $0xb8;
	[tilespmem:$0x1E880] =	vst v63  }
0x69: {  	p2 =	por @p5 !p3, p0;
	p0 =	por @p5 p3, p0;
	_ =	swait.ge @p5 [sflag:s25], $0x3E80  }
0x6a: {  	p2 =	por p2, !p5;
	p0 =	por p0, !p5;
	[sflag:s25] =	ssyncset.done @p5 $0x0  }
0x6b: {  	s13 =	simm.s32 @!p2 $0x7D;
	s14 =	simm.s32 @!p2 $0x6800;
	[sflag:s25] =	ssyncadd.s32 @p5 $0xFFFFC180  }
0x6c: {  	[tilespmem:s14], [sflag:$0x2] =	stream.indirect.gather @!p2 [hbm4b:s8+s13], $0x80, s0, s13, $0xb8;
	[tilespmem:$0x1E880] =	vst v63  }
0x6d: {  	s25 =	simm.s32 @!p5 $0x1;
	s13 =	simm.s32 @!p0 $0x7D;
	s14 =	simm.s32 @!p0 $0x6800  }
0x6e: {  	[tilespmem:s14], [sflag:$0x2] =	stream.indirect.gather @!p0 [hbm4b:s7+s13], $0x80, s0, s13, $0xb8;
	[tilespmem:$0x1E880] =	vst v63  }
0x6f: {  	s13 =	simm.s32 @!p5 $0x3;
	p0 =	sne.s32 @!p1 s6, $0x0;
	_ =	swait.ge @!p5 [sflag:s25], $0x3E80  }
0x70: {  	p1 =	por @!p5 !p0, p6;
	p0 =	por @!p5 p0, p6;
	[sflag:s25] =	ssyncset.done @!p5 $0x0  }
0x71: {  	s14 =	simm.s32 @!p5 $0x7D;
	[sflag:s25] =	ssyncadd.s32 @!p5 $0xFFFFC180;
	s25 =	simm.s32 @!p5 $0x2800  }
0x72: {  	[spmem:s4] =	stream.indirect.scatter.add.f32 @!p5 [tilespmem:s25], [sflag:$0x3], $0x80, s31, s14, $0xb8;
	[tilespmem:$0x1E880] =	vst v63  }
.Ltmp5:
0x73: {  	p2 =	por p1, p5;
	_ =	swait.ge @!p5 [sflag:s13], $0x3E80;
	(pc) =	sbr.rel @p4 .LBB2_7-.Ltmp5, $4  }
0x74: {  	p1 =	por p0, p5;
	s31 =	sadd.s32 $0x80, s31;
	[sflag:s13] =	ssyncset.done @!p5 $0x0  }
0x75: {  	s14 =	simm.s32 @!p2 $0x2800;
	[sflag:s13] =	ssyncadd.s32 @!p5 $0xFFFFC180;
	s13 =	simm.s32 @!p2 $0x7D  }
0x76: {  	[tilespmem:s14], [sflag:$0x1] =	stream.indirect.gather @!p2 [hbm4b:s8+s13], $0x80, s0, s13, $0xb8;
	[tilespmem:$0x1E880] =	vst v63  }
0x77: {  	s25 =	simm.s32 @!p1 $0x7D;
	s13 =	simm.s32 @!p1 $0x2800;
	s0 =	sadd.s32 $0x80, s0  }
0x78: {  	s28 =	sadd.s32 $0x1, s28  }
0x79: {  	p0 =	sne.s32 s28, $0x4  }
.Ltmp6:
0x7a: {  	_ = 	snop;
	(pc) =	sbr.rel @p0 .LBB2_6-.Ltmp6, $2  }
0x7b: {  	_ =	sdelay $0x2  }
0x7c: {  	[tilespmem:s13], [sflag:$0x1] =	stream.indirect.gather @!p1 [hbm4b:s7+s25], $0x80, s29, s25, $0xb8;
	[tilespmem:$0x1E880] =	vst v63  }
0x7d: {  	[bflag:$0x0] =	sbarrier.arrive $0xFFFF  }
0x7e: {  	s0 =	sld [smem:$0x7FA];
	_ =	sdelay $0x2  }
0x7f: {  	p0 =	seq.s32 s0, $0x1  }
.Ltmp7:
0x80: {  	_ = 	snop;
	(pc) =	sbr.rel @!p0 .LBB2_12-.Ltmp7, $1  }
0x81: {  	_ =	sdelay $0x3  }
0x82: {  	s0 =	sshll.u32 s3, $0x6;
	s13 =	sshrl.u32 s10, $0x3  }
.Ltmp8:
0x83: {  	s14 =	rddreg [dreg:$0x6];
	s0 =	sor.u32 $0x1C03, s0;
	(pc) =	sbr.rel .LBB2_11-.Ltmp8, $4  }
0x84: {  	[hbm:s14], [sflag:s0] =	dma.local [spmem:s13], $0x2700  }
0x85: {  	_ =	swait.ge [sflag:s20], $0x2700  }
0x86: {  	[sflag:s20] =	ssyncset.done $0x0  }
0x87: {  	[sflag:s20] =	ssyncadd.s32 $0xFFFFD900  }
.LBB2_12:
0x88: {  	s0 =	sld [smem:$0x7FB];
	_ =	sdelay $0x2  }
0x89: {  	p0 =	seq.s32 s0, $0x1  }
.Ltmp9:
0x8a: {  	_ = 	snop;
	(pc) =	sbr.rel @p0 .LBB2_13-.Ltmp9, $1  }
0x8b: {  	_ =	sdelay $0x3  }
.LBB2_11:
0x8c: {  	s0 =	sld [smem:$0x7FD];
	_ =	sdelay $0x2  }
0x8d: {  	p1 =	seq.s32 s0, $0x1  }
0x8e: {  	s0 =	sshrl.u32 @!p1 s12, $0x3;
	s13 =	simm.s32 @!p1 $0x1FC3  }
0x8f: {  	[hbm:s15], [sflag:s13] =	dma.local @!p1 [spmem:s0], $0x2800  }
0x90: {  	s0 =	simm.s32 @!p1 $0x3  }
0x91: {  	_ =	swait.ge @!p1 [sflag:s0], $0x2800  }
0x92: {  	s31 =	sld [smem:$0x7FC];
	_ =	sdelay $0x2  }
0x93: {  	p0 =	seq.s32 s31, $0x1  }
0x94: {  	[sflag:s0] =	ssyncset.done @!p1 $0x0;
	s13 =	sshll.u32 @p0 s3, $0x6  }
0x95: {  	[sflag:s0] =	ssyncadd.s32 @!p1 $0xFFFFD800;
	s0 =	sor.u32 @p0 $0x1C03, s13;
	s13 =	sshrl.u32 @p0 s10, $0x3  }
0x96: {  	[hbm:s16], [sflag:s0] =	dma.local @p0 [spmem:s13], $0x2700  }
.Ltmp10:
0x97: {  	_ = 	snop;
	(pc) =	sbr.rel .LBB2_14-.Ltmp10, $4  }
0x98: {  	s0 =	simm.s32 @p0 $0x3  }
0x99: {  	_ =	swait.ge @p0 [sflag:s0], $0x2700  }
0x9a: {  	[sflag:s0] =	ssyncset.done @p0 $0x0  }
0x9b: {  	[sflag:s0] =	ssyncadd.s32 @p0 $0xFFFFD900  }
.LBB2_15:
0x9c: {  	_ =	sfence.sel $0x180000  }
0x9d: {  	[bflag:$0x0] =	sbarrier.arrive $0xFFFF  }
0x9e: {  	_ =	strace $0x9000004D  }
0x9f: {  	[bflag:$0x2] =	sbarrier.arrive $0xFFFF  }
0xa0: {  	p0 =	sne.s32 s3, $0x0;
	s0 =	rddreg [dreg:$0x4]  }
0xa1: {  	s0 =	sadd.s32 @!p0 $0x100000, s0  }
0xa2: {  	[sflag:s0] =	ssyncadd.tile.s32 @!p0 $0x1;
	_ =	shalt  }
.Lfunc_end2:
_tile_overlayer_lowered:
.L_overlay_start_2:
0xa3: {  	(tag) =	ssettag $0x2  }
0xa4: {  	s0 =	rddreg [dreg:$0x0];
	s2 =	stileid.u32  }
0xa5: {  	s1 =	rddreg [dreg:$0x1];
	p0 =	sne.s32 s2, $0x0  }
0xa6: {  	s3 =	rddreg [dreg:$0x2];
	[bflag:$0x3] =	sbarrier.arrive $0xFFFF;
	s2 =	simm.s32 @!p0 $0x1C03  }
0xa7: {  	[timem:s3], [sflag:s2] =	dma.local @!p0 [hbm:s0], s1  }
0xa8: {  	s0 =	simm.s32 @!p0 $0x3  }
0xa9: {  	_ =	swait.ge @!p0 [sflag:s0], s1  }
0xaa: {  	s1 =	ssub.s32 @!p0 $0x0, s1;
	[sflag:s0] =	ssyncset.done @!p0 $0x0  }
0xab: {  	[sflag:s0] =	ssyncadd.s32 @!p0 s1  }
0xac: {  	[bflag:$0x3] =	sbarrier.arrive $0xFFFF  }
0xad: {  	_ =	shalt  }

// kernel: kernel.19.cloned.1.call-start
scs
__scs_entry_jumppad:
0x0: {  	(pc) =	sbr.rel $0x88, $3  }
0x1: {  	(tag) =	ssettag $0x0;
	lr =	simm.s32 $0x1  }
0x2: {  	[smem:$0x3F86] =	sst lr;
	_ =	strace $0xD0000000  }
0x3: {  	_ = 	snop  }
0x4: {  	_ = 	snop  }
0x5: {  	_ = 	snop  }
0x6: {  	_ = 	snop  }
0x7: {  	_ = 	snop  }
__scs_overlays_trampoline_lowered:
0x8: {  	[smem:$0x3F95] =	sst s0  }
0x9: {  	[smem:$0x3F96] =	sst s1  }
0xa: {  	[smem:$0x3F97] =	sst s2  }
0xb: {  	[smem:$0x3F98] =	sst s3  }
0xc: {  	[smem:$0x3F99] =	sst s4  }
0xd: {  	[smem:$0x3F9A] =	sst s5  }
0xe: {  	[smem:$0x3F9B] =	sst s6  }
0xf: {  	[smem:$0x3F9C] =	sst s7  }
0x10: {  	[smem:$0x3F9D] =	sst s8  }
0x11: {  	[smem:$0x3F9E] =	sst s9;
	s0 =	simm.s32 @!p0 $0x0  }
0x12: {  	s1 =	sld [smem:$0x3F84];
	s0 =	simm.s32 @p0 $0x1  }
0x13: {  	[smem:$0x3F9F] =	sst s0;
	s0 =	simm.s32 @!p1 $0x0  }
0x14: {  	s2 =	sld [smem:$0x3F83];
	s0 =	simm.s32 @p1 $0x1  }
0x15: {  	[smem:$0x3FA0] =	sst s0;
	s0 =	simm.s32 @!p2 $0x0  }
0x16: {  	s3 =	sld [smem:$0x3FDB];
	s0 =	simm.s32 @p2 $0x1  }
0x17: {  	s4 =	simm.s32 $0x1BF5;
	[smem:$0x3FA2] =	sst s0  }
0x18: {  	s0 =	sld [smem:$0x3F85];
	_ =	swait.ge [sflag:s4], $0x0  }
0x19: {  	s7 =	sld [smem:$0x3F86]  }
0x1a: {  	s8 =	sadd.s32 $0xFFFFE003, lr  }
0x1b: {  	s9 =	sadd.s32 $0xFFFFFEF7, lr;
	s5 =	simm.s32 $0xFFFFFFFF;
	p2 =	slt.u32 s8, $0xFFFFF086  }
0x1c: {  	p1 =	slt.u32 s9, $0xF7A;
	s5 =	simm.s32 @!p2 $0x0  }
0x1d: {  	s5 =	simm.s32 @p1 $0x1;
	p0 =	seq.s32 s7, s2  }
0x1e: {  	s7 =	smul.u32 @!p0 $0xF7A, s2;
	p2 =	seq.s32 @!p0 s5, $0x0  }
0x1f: {  	s9 =	smul.u32 $0xF7A, s1;
	s8 =	simm.s32 @!p0 $0x1BF5;
	p2 =	por !p2, p0  }
0x20: {  	[sflag:s8] =	ssyncset.s32 @!p0 $0xFFFFF086;
	s6 =	sadd.s32 @!p0 s3, s7;
	s7 =	simm.s32 @!p0 $0x108  }
0x21: {  	s3 =	sadd.s32 s3, s9;
	s6 =	sadd.s32 @!p0 $0x88, s6;
	s7 =	simm.s32 @p2 $0x1082  }
0x22: {  	[simem:s7], [sflag:s8] =	dma.local @!p0 [hbm:s6], $0xF7A  }
0x23: {  	s9 =	sor.u32 $0xD0000000, s2;
	s6 =	simm.s32 $0x108;
	_ =	swait.ge @!p0 [sflag:s8], $0x0  }
0x24: {  	s3 =	sadd.s32 $0x88, s3;
	s6 =	simm.s32 @!p1 $0x1082;
	[sflag:s4] =	ssyncset.s32 $0xFFFFF086  }
0x25: {  	[simem:s6], [sflag:s4] =	dma.local [hbm:s3], $0xF7A  }
0x26: {  	[smem:$0x3F86] =	sst s1;
	(tag) =	ssettag s2;
	_ =	strace s9  }
0x27: {  	s1 =	sld [smem:$0x3F96]  }
0x28: {  	s2 =	sld [smem:$0x3F97]  }
0x29: {  	s4 =	sld [smem:$0x3F99]  }
0x2a: {  	p0 =	seq.s32 s5, $0x0;
	s5 =	sld [smem:$0x3F9A]  }
0x2b: {  	s6 =	sld [smem:$0x3F9B]  }
0x2c: {  	s7 =	sld [smem:$0x3F9C]  }
0x2d: {  	s3 =	simm.s32 $0x108;
	s8 =	sld [smem:$0x3F9D]  }
0x2e: {  	s3 =	simm.s32 @!p0 $0x1082;
	s9 =	sld [smem:$0x3F9E]  }
0x2f: {  	lr =	sadd.s32 s0, s3;
	s0 =	sld [smem:$0x3F95]  }
0x30: {  	s3 =	sld [smem:$0x3F98]  }
0x31: {  	[smem:$0x3FA1] =	sst s10  }
0x32: {  	s10 =	sld [smem:$0x3F9F];
	_ =	sdelay $0x3  }
0x33: {  	p0 =	seq.s32 s10, $0x1;
	s10 =	sld [smem:$0x3FA1];
	_ =	sdelay $0x3  }
0x34: {  	[smem:$0x3FA1] =	sst s10  }
0x35: {  	s10 =	sld [smem:$0x3FA0];
	_ =	sdelay $0x3  }
0x36: {  	p1 =	seq.s32 s10, $0x1;
	s10 =	sld [smem:$0x3FA1];
	_ =	sdelay $0x3  }
0x37: {  	[smem:$0x3FA1] =	sst s10  }
0x38: {  	s10 =	sld [smem:$0x3FA2]  }
0x39: {  	_ = 	snop;
	(pc) =	sbr.ind lr, $3  }
0x3a: {  	_ = 	snop  }
0x3b: {  	_ = 	snop  }
0x3c: {  	p2 =	seq.s32 s10, $0x1;
	s10 =	sld [smem:$0x3FA1]  }
0x3d: {  	_ =	shalt  }
0x3e: {  	_ =	shalt  }
0x3f: {  	_ =	shalt  }
0x40: {  	_ =	shalt  }
0x41: {  	_ =	shalt  }
0x42: {  	_ =	shalt  }
0x43: {  	_ =	shalt  }
0x44: {  	_ =	shalt  }
0x45: {  	_ =	shalt  }
0x46: {  	_ =	shalt  }
0x47: {  	_ =	shalt  }
0x48: {  	_ =	shalt  }
0x49: {  	_ =	shalt  }
0x4a: {  	_ =	shalt  }
0x4b: {  	_ =	shalt  }
0x4c: {  	_ =	shalt  }
0x4d: {  	_ =	shalt  }
0x4e: {  	_ =	shalt  }
0x4f: {  	_ =	shalt  }
0x50: {  	_ =	shalt  }
0x51: {  	_ =	shalt  }
0x52: {  	_ =	shalt  }
0x53: {  	_ =	shalt  }
0x54: {  	_ =	shalt  }
0x55: {  	_ =	shalt  }
0x56: {  	_ =	shalt  }
0x57: {  	_ =	shalt  }
0x58: {  	_ =	shalt  }
0x59: {  	_ =	shalt  }
0x5a: {  	_ =	shalt  }
0x5b: {  	_ =	shalt  }
0x5c: {  	_ =	shalt  }
0x5d: {  	_ =	shalt  }
0x5e: {  	_ =	shalt  }
0x5f: {  	_ =	shalt  }
0x60: {  	_ =	shalt  }
0x61: {  	_ =	shalt  }
0x62: {  	_ =	shalt  }
0x63: {  	_ =	shalt  }
0x64: {  	_ =	shalt  }
0x65: {  	_ =	shalt  }
0x66: {  	_ =	shalt  }
0x67: {  	_ =	shalt  }
0x68: {  	_ =	shalt  }
0x69: {  	_ =	shalt  }
0x6a: {  	_ =	shalt  }
0x6b: {  	_ =	shalt  }
0x6c: {  	_ =	shalt  }
0x6d: {  	_ =	shalt  }
0x6e: {  	_ =	shalt  }
0x6f: {  	_ =	shalt  }
0x70: {  	_ =	shalt  }
0x71: {  	_ =	shalt  }
0x72: {  	_ =	shalt  }
0x73: {  	_ =	shalt  }
0x74: {  	_ =	shalt  }
0x75: {  	_ =	shalt  }
0x76: {  	_ =	shalt  }
0x77: {  	_ =	shalt  }
0x78: {  	_ =	shalt  }
0x79: {  	_ =	shalt  }
0x7a: {  	_ =	shalt  }
0x7b: {  	_ =	shalt  }
0x7c: {  	_ =	shalt  }
0x7d: {  	_ =	shalt  }
0x7e: {  	_ =	shalt  }
0x7f: {  	_ =	shalt  }
0x80: {  	_ =	shalt  }
0x81: {  	_ =	shalt  }
0x82: {  	_ =	shalt  }
0x83: {  	_ =	shalt  }
0x84: {  	_ =	shalt  }
0x85: {  	_ =	shalt  }
0x86: {  	_ =	shalt  }
0x87: {  	_ =	shalt  }
.Lfunc_end0:
.L_simem_size_0:
called_computation.3_lowered:
.L_overlay_start_0:
0x88: {  	s2 =	sld [smem:$0x3FD9]  }
0x89: {  	s3 =	sld [smem:$0x3FFE];
	_ =	sdelay $0x1  }
0x8a: {  	s1 =	srdreg.scid  }
0x8b: {  	s0 =	sand.u32 $0x1, s1  }
0x8c: {  	s14 =	sshll.u32 s0, $0xA;
	s2 =	sadd.s32 s3, s2  }
0x8d: {  	s2 =	sadd.s32 s2, s14  }
0x8e: {  	[smem:$0x3FAD] =	sst s2  }
0x8f: {  	_ = 	snop  }
0x90: {  	s2 =	sld [smem:$0x3FD0];
	_ =	sdelay $0x2  }
0x91: {  	s15 =	simm.s32 $0xA;
	s4 =	simm.s32 $0x10  }
0x92: {  	[smem:s4], [sflag:s15] =	dma.local [hbm:s2], $0x1  }
0x93: {  	_ =	swait.eq [sflag:s15], $0x1  }
0x94: {  	[sflag:s15] =	ssyncset.done $0x0  }
0x95: {  	s16 =	sld [smem:$0x10];
	[sflag:s15] =	ssyncadd.s32 $0xFFFFFFFF  }
0x96: {  	s17 =	sld [smem:$0x11];
	(tm) =	ssettm $0x1  }
0x97: {  	s18 =	sld [smem:$0x3FFB];
	_ =	sdelay $0x3  }
0x98: {  	_ =	strace s18  }
0x99: {  	s4 =	sld [smem:$0x3FFC];
	_ =	sdelay $0x3  }
0x9a: {  	_ =	strace s4  }
0x9b: {  	s4 =	sld [smem:$0x3FFD];
	_ =	sdelay $0x3  }
0x9c: {  	_ =	strace s4  }
0x9d: {  	_ =	strace $0x8FFFFFFF  }
0x9e: {  	s19 =	sld [smem:$0x3FDB];
	_ =	sdelay $0x1  }
0x9f: {  	s5 =	simm.s32 $_scs_section_size  }
0xa0: {  	s6 =	simm.s32 $_size__tile_overlayer_lowered;
	s7 =	simm.s32 $_tile_overlayer_lowered  }
0xa1: {  	s22 =	simm.s32 $0x1BFF;
	s21 =	sshll.u32 s7, $0x1;
	s4 =	sadd.s32 s5, s19  }
0xa2: {  	s8 =	simm.s32 $0x0;
	s20 =	sshll.u32 s6, $0x1;
	s6 =	sadd.s32 s21, s4  }
0xa3: {  	[timem:s8], [sflag:s22] =	dma.local [hbm:s6], s20  }
0xa4: {  	_ =	swait.ge [sflag:s22], s20  }
0xa5: {  	s5 =	ssub.s32 $0x0, s20;
	[sflag:s22] =	ssyncset.done $0x0  }
0xa6: {  	[sflag:s22] =	ssyncadd.s32 s5;
	_ =	sdelay $0x1  }
0xa7: {  	s23 =	simm.s32 $0x1B8B  }
0xa8: {  	_ =	swait.ge [sflag:s23], $0x1  }
0xa9: {  	[sflag:s23] =	ssyncset.done $0x0  }
0xaa: {  	s25 =	simm.s32 $0x1B8E;
	s24 =	sld [smem:$0x3FFE];
	[sflag:s23] =	ssyncadd.s32 $0xFFFFFFFF  }
0xab: {  	s26 =	simm.s32 $execute0_lowered;
	[smem:$0x3FD2] =	sst s25  }
0xac: {  	s6 =	sshll.u32 s26, $0x1;
	_ =	strace $0x8000004F;
	[dreg:$0x1] =	wrdreg $0xFFFFFFFF  }
0xad: {  	s28 =	simm.s32 $_size_execute0_lowered;
	s4 =	sadd.s32 s4, s6;
	[dreg:$0x0] =	wrdreg $0x0  }
0xae: {  	s6 =	sshll.u32 s28, $0x1;
	[dreg:$0x2] =	wrdreg s4  }
0xaf: {  	[dreg:$0x3] =	wrdreg s6  }
0xb0: {  	[dreg:$0x4] =	wrdreg $0xC0  }
0xb1: {  	_ =	task [dreg:s8], $0x5FFFF  }
0xb2: {  	[dreg:$0x1] =	wrdreg $0xFFFFFFFF  }
0xb3: {  	[dreg:$0x0] =	wrdreg $0x60  }
0xb4: {  	[dreg:$0x2] =	wrdreg s24  }
0xb5: {  	[dreg:$0x3] =	wrdreg s17  }
0xb6: {  	[dreg:$0x4] =	wrdreg s16  }
0xb7: {  	[dreg:$0x5] =	wrdreg $0xB0000  }
0xb8: {  	[dreg:$0x6] =	wrdreg $0x9  }
0xb9: {  	_ =	task.clear_ibuf [dreg:s8], $0x7FFFF;
	_ =	strace $0x9000004F  }
0xba: {  	s29 =	simm.s32 $0x9;
	_ =	strace $0x80000051  }
0xbb: {  	_ =	swait.ge [sflag:s29], $0x1  }
0xbc: {  	[sflag:s29] =	ssyncadd.s32 $0xFFFFFFFF  }
0xbd: {  	_ =	strace $0x90000051  }
0xbe: {  	_ =	sfence  }
0xbf: {  	s30 =	sld [smem:$0x0];
	_ =	sdelay $0x2  }
0xc0: {  	s31 =	sshll.u32 s1, $0xD;
	s1 =	sshrl.u32 s1, $0x2  }
0xc1: {  	s3 =	sand.u32 $0x4000, s31;
	s1 =	sadd.s32 s1, s30  }
0xc2: {  	s0 =	sor.u32 s3, s0;
	s1 =	sshll.u32 s1, $0x11  }
0xc3: {  	s0 =	sor.u32 s1, s0  }
0xc4: {  	s0 =	sadd.s32 $0x8F2B, s0  }
0xc5: {  	[sflag:s0] =	ssyncadd.remote.s32 $0x1  }
0xc6: {  	_ =	sfence.sel $0xFFFF  }
0xc7: {  	[dreg:$0x0] =	wrdreg $0xFFFFFFFF;
	(pc) =	sbr.abs _section_cstart, $3  }
0xc8: {  	[dreg:$0x1] =	wrdreg $0xFFFFFFFF  }
0xc9: {  	_ =	task.clear_ibuf [dreg:s8], $0x2FFFF;
	_ =	strace $0x9FFFFFFF  }
0xca: {  	(tm) =	ssettm $0x7FFFFFFF  }
0xcb: {  	_ =	shalt  }
tec
execute0_lowered:
.L_overlay_start_1:
0x0: {  	(tag) =	ssettag $0x1  }
0x1: {  	s0 =	rddreg [dreg:$0x0]  }
0x2: {  	s1 =	rddreg [dreg:$0x1]  }
0x3: {  	s2 =	rddreg [dreg:$0x2]  }
0x4: {  	s4 =	rddreg [dreg:$0x3];
	s5 =	simm.s32 $0x0  }
0x5: {  	s3 =	stileid.u32;
	s6 =	srdreg.scid;
	s19 =	simm.s32 $0xA800  }
0x6: {  	s20 =	simm.s32 $0x3;
	s21 =	simm.s32 $0x7D;
	s22 =	simm.s32 $0x2800  }
0x7: {  	s23 =	simm.s32 $0x80;
	s24 =	simm.s32 $0x6800;
	[smem:$0x7FF] =	sst s5  }
0x8: {  	s9 =	smul.u32 $0x2700, s3;
	s6 =	sand.u32 $0x1, s6;
	s7 =	sadd.s32 $0x6E00, s0  }
0x9: {  	s8 =	sadd.s32 $0x2E000, s0;
	s11 =	smul.u32 $0x4E000, s3;
	p0 =	seq.s32 s3, $0xF  }
0xa: {  	p2 =	sne.s32 s3, $0xF;
	s14 =	sadd.s32 $0x79B00, s0;
	s15 =	sadd.s32 $0xA0D00, s0  }
0xb: {  	_ =	strace $0x80000050;
	s10 =	ssub.s32 $0x2, s6;
	p1 =	seq.s32 s6, $0x0  }
0xc: {  	p6 =	seq.s32 s6, $0x1;
	[dreg:$0x5] =	wrdreg s14;
	s18 =	smov.u32 s8  }
0xd: {  	s13 =	sadd.s32 s9, s0;
	s29 =	sshrl.u32 s10, $0x1;
	s9 =	simm.s32 $0x28  }
0xe: {  	s30 =	sshrl.u32 s11, $0x2;
	p3 =	por !p1, !p2;
	s11 =	smul.u32 $0xA0, s3  }
0xf: {  	p5 =	por !p1, !p0;
	p2 =	por !p2, !p6;
	s18 =	smov.u32 @p1 s7  }
0x10: {  	s17 =	ssub.s32 s10, s29;
	s9 =	simm.s32 @!p0 $0x27;
	s10 =	sadd.s32 s30, s4  }
0x11: {  	p3 =	por !p3, !p3;
	s31 =	sadd.s32 $0x55200, s13;
	p2 =	por !p2, !p2  }
0x12: {  	p0 =	por !p0, !p6;
	s12 =	simm.s32 @!p3 $0x0;
	[dreg:$0x6] =	wrdreg s31  }
0x13: {  	p0 =	por !p0, !p0;
	s0 =	simm.s32 @!p2 $0x0;
	s12 =	simm.s32 @p3 $0x1  }
.Ltmp0:
0x14: {  	p3 =	por !p5, !p5;
	s0 =	simm.s32 @p2 $0x1;
	(pc) =	sbr.rel .LBB2_1-.Ltmp0, $4  }
0x15: {  	p0 =	por !p0, p2;
	[smem:$0x7FA] =	sst s12;
	s12 =	simm.s32 @!p3 $0x0  }
0x16: {  	[smem:$0x7FC] =	sst s0;
	s0 =	simm.s32 @!p0 $0x0;
	s12 =	simm.s32 @p3 $0x1  }
0x17: {  	s16 =	sadd.s32 $0x7C400, s13;
	s0 =	simm.s32 @p0 $0x1;
	[smem:$0x7FB] =	sst s12  }
0x18: {  	v0 =	vimm.f32 $0.0e+00;
	s17 =	smax.u32 s17, $0x1;
	s12 =	sadd.s32 $0x124800, s4;
	[smem:$0x7FD] =	sst s0  }
.LBB2_13:
0x19: {  	s0 =	sshrl.u32 s12, $0x3;
	s13 =	rddreg [dreg:$0x5];
	s14 =	simm.s32 $0x1FC3  }
0x1a: {  	[hbm:s13], [sflag:s14] =	dma.local [spmem:s0], $0x2800  }
0x1b: {  	_ =	swait.ge [sflag:s20], $0x2800  }
0x1c: {  	[sflag:s20] =	ssyncset.done $0x0  }
0x1d: {  	[sflag:s20] =	ssyncadd.s32 $0xFFFFD800  }
.LBB2_14:
0x1e: {  	s5 =	sadd.s32 $0x1, s5  }
0x1f: {  	p0 =	sne.s32 s5, s17  }
.Ltmp1:
0x20: {  	_ = 	snop;
	(pc) =	sbr.rel @!p0 .LBB2_15-.Ltmp1, $1  }
0x21: {  	_ =	sdelay $0x3  }
.LBB2_1:
0x22: {  	s0 =	simm.s32 $0x0;
	s26 =	simm.s32 $0x200  }
.LBB2_2:
0x23: {  	p0 =	sne.s32 s26, $0x1E00;
	[tilespmem:s0+$0xA870] =	vst v0  }
0x24: {  	[tilespmem:s0+$0xA800] =	vst v0  }
0x25: {  	[tilespmem:s0+$0xA810] =	vst v0  }
.Ltmp2:
0x26: {  	[tilespmem:s0+$0xA820] =	vst v0;
	(pc) =	sbr.rel @p0 .LBB2_2-.Ltmp2, $4  }
0x27: {  	[tilespmem:s0+$0xA830] =	vst v0  }
0x28: {  	[tilespmem:s0+$0xA840] =	vst v0  }
0x29: {  	[tilespmem:s0+$0xA850] =	vst v0  }
0x2a: {  	[tilespmem:s0+$0xA860] =	vst v0;
	s0 =	sshra.s32 s26, $0x2;
	s26 =	sadd.s32 $0x200, s26  }
0x2b: {  	[tilespmem:s0+$0xA870] =	vst v0  }
0x2c: {  	[tilespmem:s0+$0xA800] =	vst v0  }
0x2d: {  	[tilespmem:s0+$0xA810] =	vst v0  }
0x2e: {  	[tilespmem:s0+$0xA820] =	vst v0  }
0x2f: {  	[tilespmem:s0+$0xA830] =	vst v0  }
0x30: {  	[tilespmem:s0+$0xA840] =	vst v0;
	p0 =	sne.s32 s9, $0x1  }
.Ltmp3:
0x31: {  	[tilespmem:s0+$0xA850] =	vst v0;
	(pc) =	sbr.rel @!p0 .LBB2_5-.Ltmp3, $4  }
0x32: {  	[tilespmem:s0+$0xA860] =	vst v0  }
0x33: {  	[spmem:s10] =	stream.linear.scatter [tilespmem:s19], [sflag:$0x3], $0x800, $0x38;
	[tilespmem:$0x1E880] =	vst v63  }
0x34: {  	_ =	swait.ge [sflag:s20], $0x800  }
0x35: {  	s0 =	sadd.s32 $0xFFFFFFFF, s9;
	s26 =	smov.u32 s10;
	[sflag:s20] =	ssyncset.done $0x0  }
.LBB2_4:
0x36: {  	p0 =	sne.s32 s0, $0x1;
	[sflag:s20] =	ssyncadd.s32 $0xFFFFF800;
	s26 =	sadd.s32 $0x800, s26  }
.Ltmp4:
0x37: {  	s0 =	sadd.s32 $0xFFFFFFFF, s0;
	(pc) =	sbr.rel @p0 .LBB2_4-.Ltmp4, $4  }
0x38: {  	_ = 	snop  }
0x39: {  	[spmem:s26] =	stream.linear.scatter [tilespmem:s19], [sflag:$0x3], $0x800, $0x38;
	[tilespmem:$0x1E880] =	vst v63  }
0x3a: {  	_ =	swait.ge [sflag:s20], $0x800  }
0x3b: {  	[sflag:s20] =	ssyncset.done $0x0  }
.LBB2_5:
0x3c: {  	[sflag:s20] =	ssyncadd.s32 $0xFFFFF800  }
0x3d: {  	s26 =	simm.s32 $0x0;
	s28 =	simm.s32 $0x0;
	[bflag:$0x0] =	sbarrier.arrive $0xFFFF  }
.LBB2_6:
0x3e: {  	s0 =	smul.u32 $0x28, s28;
	_ =	sdelay $0x1  }
0x3f: {  	s0 =	sadd.s32 s11, s0  }
0x40: {  	s0 =	sshll.u32 s0, $0x4  }
0x41: {  	s13 =	sadd.s32 s1, s0  }
0x42: {  	[tilespmem:s26], [sflag:$0x3] =	stream.linear.gather [hbm4b:s13+s26], $0x1400, $0x38;
	[tilespmem:$0x1E880] =	vst v63  }
0x43: {  	_ =	swait.ge [sflag:s20], $0x1400  }
0x44: {  	[sflag:s20] =	ssyncset.done $0x0  }
0x45: {  	s0 =	sadd.s32 s2, s0;
	s13 =	simm.s32 $0x1400;
	[sflag:s20] =	ssyncadd.s32 $0xFFFFEC00  }
0x46: {  	[tilespmem:s13], [sflag:$0x3] =	stream.linear.gather [hbm4b:s0+s26], $0x1400, $0x38;
	[tilespmem:$0x1E880] =	vst v63  }
0x47: {  	_ =	swait.ge [sflag:s20], $0x1400  }
0x48: {  	s25 =	sand.u32 $0x1, s26;
	[sflag:s20] =	ssyncset.done $0x0  }
0x49: {  	p4 =	seq.s32 s25, $0x1;
	[sflag:s20] =	ssyncadd.s32 $0xFFFFEC00  }
0x4a: {  	[tilespmem:s22], [sflag:$0x1] =	stream.indirect.gather [hbm4b:s18+s21], $0x80, s26, s21, $0xb8;
	[tilespmem:$0x1E880] =	vst v63  }
0x4b: {  	s29 =	simm.s32 $0x100;
	p0 =	por @p4 $0x0, $0x0;
	s0 =	simm.s32 @p4 $0x2  }
0x4c: {  	[tilespmem:s24], [sflag:$0x2] =	stream.indirect.gather [hbm4b:s18+s21], $0x80, s23, s21, $0xb8;
	[tilespmem:$0x1E880] =	vst v63  }
0x4d: {  	p5 =	por @!p4 $0x0, $0x0;
	s25 =	simm.s32 @p4 $0x3;
	_ =	swait.ge @p4 [sflag:s0], $0x3E80  }
0x4e: {  	s30 =	simm.s32 @p4 $0x6800;
	p1 =	por p0, !p4;
	[sflag:s0] =	ssyncset.done @p4 $0x0  }
0x4f: {  	p1 =	sne.s32 @!p1 s6, $0x0;
	[sflag:s0] =	ssyncadd.s32 @p4 $0xFFFFC180;
	s0 =	simm.s32 @p4 $0x7D  }
0x50: {  	[spmem:s4] =	stream.indirect.scatter.add.f32 @p4 [tilespmem:s30], [sflag:$0x3], $0x80, s13, s0, $0xb8;
	[tilespmem:$0x1E880] =	vst v63  }
0x51: {  	p6 =	por @p4 !p1, p0;
	p0 =	por @p4 p1, p0;
	_ =	swait.ge @p4 [sflag:s25], $0x3E80  }
0x52: {  	p1 =	por p6, !p4;
	p0 =	por p0, !p4;
	[sflag:s25] =	ssyncset.done @p4 $0x0  }
0x53: {  	s0 =	simm.s32 @!p1 $0x7D;
	[sflag:s25] =	ssyncadd.s32 @p4 $0xFFFFC180;
	s25 =	simm.s32 @!p1 $0x6800  }
0x54: {  	[tilespmem:s25], [sflag:$0x2] =	stream.indirect.gather @!p1 [hbm4b:s8+s0], $0x80, s29, s0, $0xb8;
	[tilespmem:$0x1E880] =	vst v63  }
0x55: {  	s30 =	simm.s32 @!p4 $0x1;
	s0 =	simm.s32 @!p0 $0x7D;
	s25 =	simm.s32 @!p0 $0x6800  }
0x56: {  	[tilespmem:s25], [sflag:$0x2] =	stream.indirect.gather @!p0 [hbm4b:s7+s0], $0x80, s29, s0, $0xb8;
	[tilespmem:$0x1E880] =	vst v63  }
0x57: {  	p0 =	por p5, p4;
	_ =	swait.ge @!p4 [sflag:s30], $0x3E80  }
0x58: {  	s0 =	simm.s32 @!p4 $0x3;
	s25 =	simm.s32 @!p4 $0x7D;
	[sflag:s30] =	ssyncset.done @!p4 $0x0  }
0x59: {  	p0 =	sne.s32 @!p0 s6, $0x0;
	[sflag:s30] =	ssyncadd.s32 @!p4 $0xFFFFC180;
	s30 =	simm.s32 @!p4 $0x2800  }
0x5a: {  	[spmem:s4] =	stream.indirect.scatter.add.f32 @!p4 [tilespmem:s30], [sflag:$0x3], $0x80, s13, s25, $0xb8;
	[tilespmem:$0x1E880] =	vst v63  }
0x5b: {  	p1 =	por @!p4 !p0, p5;
	_ =	swait.ge @!p4 [sflag:s0], $0x3E80  }
0x5c: {  	p0 =	por @!p4 p0, p5;
	p1 =	por p1, p4;
	[sflag:s0] =	ssyncset.done @!p4 $0x0  }
0x5d: {  	s13 =	simm.s32 @!p1 $0x2800;
	[sflag:s0] =	ssyncadd.s32 @!p4 $0xFFFFC180;
	s0 =	simm.s32 @!p1 $0x7D  }
0x5e: {  	[tilespmem:s13], [sflag:$0x1] =	stream.indirect.gather @!p1 [hbm4b:s8+s0], $0x80, s29, s0, $0xb8;
	[tilespmem:$0x1E880] =	vst v63  }
0x5f: {  	s31 =	simm.s32 $0x1480;
	s30 =	simm.s32 $0x1;
	p1 =	por p0, p4  }
0x60: {  	s0 =	simm.s32 $0x180;
	s25 =	simm.s32 @!p1 $0x7D;
	s13 =	simm.s32 @!p1 $0x2800  }
.LBB2_7:
0x61: {  	[tilespmem:s13], [sflag:$0x1] =	stream.indirect.gather @!p1 [hbm4b:s7+s25], $0x80, s29, s25, $0xb8;
	[tilespmem:$0x1E880] =	vst v63  }
0x62: {  	s13 =	sand.u32 $0x1, s30;
	s25 =	smov.u32 s30;
	s30 =	sadd.s32 $0x1, s30  }
0x63: {  	s29 =	smov.u32 s0;
	p5 =	seq.s32 s13, $0x1;
	p4 =	sne.s32 s30, $0x28  }
0x64: {  	p0 =	sgt.u32 @p5 s25, $0x25;
	s13 =	simm.s32 @p5 $0x2;
	p6 =	sgt.u32 @!p5 s25, $0x25  }
0x65: {  	p3 =	por p0, !p5;
	p1 =	por p6, p5;
	_ =	swait.ge @p5 [sflag:s13], $0x3E80  }
0x66: {  	s25 =	simm.s32 @p5 $0x3;
	p3 =	sne.s32 @!p3 s6, $0x0;
	[sflag:s13] =	ssyncset.done @p5 $0x0  }
0x67: {  	s14 =	simm.s32 @p5 $0x6800;
	[sflag:s13] =	ssyncadd.s32 @p5 $0xFFFFC180;
	s13 =	simm.s32 @p5 $0x7D  }
0x68: {  	[spmem:s4] =	stream.indirect.scatter.add.f32 @p5 [tilespmem:s14], [sflag:$0x3], $0x80, s31, s13, $0xb8;
	[tilespmem:$0x1E880] =	vst v63  }
0x69: {  	p2 =	por @p5 !p3, p0;
	p0 =	por @p5 p3, p0;
	_ =	swait.ge @p5 [sflag:s25], $0x3E80  }
0x6a: {  	p2 =	por p2, !p5;
	p0 =	por p0, !p5;
	[sflag:s25] =	ssyncset.done @p5 $0x0  }
0x6b: {  	s13 =	simm.s32 @!p2 $0x7D;
	s14 =	simm.s32 @!p2 $0x6800;
	[sflag:s25] =	ssyncadd.s32 @p5 $0xFFFFC180  }
0x6c: {  	[tilespmem:s14], [sflag:$0x2] =	stream.indirect.gather @!p2 [hbm4b:s8+s13], $0x80, s0, s13, $0xb8;
	[tilespmem:$0x1E880] =	vst v63  }
0x6d: {  	s25 =	simm.s32 @!p5 $0x1;
	s13 =	simm.s32 @!p0 $0x7D;
	s14 =	simm.s32 @!p0 $0x6800  }
0x6e: {  	[tilespmem:s14], [sflag:$0x2] =	stream.indirect.gather @!p0 [hbm4b:s7+s13], $0x80, s0, s13, $0xb8;
	[tilespmem:$0x1E880] =	vst v63  }
0x6f: {  	s13 =	simm.s32 @!p5 $0x3;
	p0 =	sne.s32 @!p1 s6, $0x0;
	_ =	swait.ge @!p5 [sflag:s25], $0x3E80  }
0x70: {  	p1 =	por @!p5 !p0, p6;
	p0 =	por @!p5 p0, p6;
	[sflag:s25] =	ssyncset.done @!p5 $0x0  }
0x71: {  	s14 =	simm.s32 @!p5 $0x7D;
	[sflag:s25] =	ssyncadd.s32 @!p5 $0xFFFFC180;
	s25 =	simm.s32 @!p5 $0x2800  }
0x72: {  	[spmem:s4] =	stream.indirect.scatter.add.f32 @!p5 [tilespmem:s25], [sflag:$0x3], $0x80, s31, s14, $0xb8;
	[tilespmem:$0x1E880] =	vst v63  }
.Ltmp5:
0x73: {  	p2 =	por p1, p5;
	_ =	swait.ge @!p5 [sflag:s13], $0x3E80;
	(pc) =	sbr.rel @p4 .LBB2_7-.Ltmp5, $4  }
0x74: {  	p1 =	por p0, p5;
	s31 =	sadd.s32 $0x80, s31;
	[sflag:s13] =	ssyncset.done @!p5 $0x0  }
0x75: {  	s14 =	simm.s32 @!p2 $0x2800;
	[sflag:s13] =	ssyncadd.s32 @!p5 $0xFFFFC180;
	s13 =	simm.s32 @!p2 $0x7D  }
0x76: {  	[tilespmem:s14], [sflag:$0x1] =	stream.indirect.gather @!p2 [hbm4b:s8+s13], $0x80, s0, s13, $0xb8;
	[tilespmem:$0x1E880] =	vst v63  }
0x77: {  	s25 =	simm.s32 @!p1 $0x7D;
	s13 =	simm.s32 @!p1 $0x2800;
	s0 =	sadd.s32 $0x80, s0  }
0x78: {  	s28 =	sadd.s32 $0x1, s28  }
0x79: {  	p0 =	sne.s32 s28, $0x4  }
.Ltmp6:
0x7a: {  	_ = 	snop;
	(pc) =	sbr.rel @p0 .LBB2_6-.Ltmp6, $2  }
0x7b: {  	_ =	sdelay $0x2  }
0x7c: {  	[tilespmem:s13], [sflag:$0x1] =	stream.indirect.gather @!p1 [hbm4b:s7+s25], $0x80, s29, s25, $0xb8;
	[tilespmem:$0x1E880] =	vst v63  }
0x7d: {  	[bflag:$0x0] =	sbarrier.arrive $0xFFFF  }
0x7e: {  	s0 =	sld [smem:$0x7FA];
	_ =	sdelay $0x2  }
0x7f: {  	p0 =	seq.s32 s0, $0x1  }
.Ltmp7:
0x80: {  	_ = 	snop;
	(pc) =	sbr.rel @!p0 .LBB2_12-.Ltmp7, $1  }
0x81: {  	_ =	sdelay $0x3  }
0x82: {  	s0 =	sshll.u32 s3, $0x6;
	s13 =	sshrl.u32 s10, $0x3  }
.Ltmp8:
0x83: {  	s14 =	rddreg [dreg:$0x6];
	s0 =	sor.u32 $0x1C03, s0;
	(pc) =	sbr.rel .LBB2_11-.Ltmp8, $4  }
0x84: {  	[hbm:s14], [sflag:s0] =	dma.local [spmem:s13], $0x2700  }
0x85: {  	_ =	swait.ge [sflag:s20], $0x2700  }
0x86: {  	[sflag:s20] =	ssyncset.done $0x0  }
0x87: {  	[sflag:s20] =	ssyncadd.s32 $0xFFFFD900  }
.LBB2_12:
0x88: {  	s0 =	sld [smem:$0x7FB];
	_ =	sdelay $0x2  }
0x89: {  	p0 =	seq.s32 s0, $0x1  }
.Ltmp9:
0x8a: {  	_ = 	snop;
	(pc) =	sbr.rel @p0 .LBB2_13-.Ltmp9, $1  }
0x8b: {  	_ =	sdelay $0x3  }
.LBB2_11:
0x8c: {  	s0 =	sld [smem:$0x7FD];
	_ =	sdelay $0x2  }
0x8d: {  	p1 =	seq.s32 s0, $0x1  }
0x8e: {  	s0 =	sshrl.u32 @!p1 s12, $0x3;
	s13 =	simm.s32 @!p1 $0x1FC3  }
0x8f: {  	[hbm:s15], [sflag:s13] =	dma.local @!p1 [spmem:s0], $0x2800  }
0x90: {  	s0 =	simm.s32 @!p1 $0x3  }
0x91: {  	_ =	swait.ge @!p1 [sflag:s0], $0x2800  }
0x92: {  	s31 =	sld [smem:$0x7FC];
	_ =	sdelay $0x2  }
0x93: {  	p0 =	seq.s32 s31, $0x1  }
0x94: {  	[sflag:s0] =	ssyncset.done @!p1 $0x0;
	s13 =	sshll.u32 @p0 s3, $0x6  }
0x95: {  	[sflag:s0] =	ssyncadd.s32 @!p1 $0xFFFFD800;
	s0 =	sor.u32 @p0 $0x1C03, s13;
	s13 =	sshrl.u32 @p0 s10, $0x3  }
0x96: {  	[hbm:s16], [sflag:s0] =	dma.local @p0 [spmem:s13], $0x2700  }
.Ltmp10:
0x97: {  	_ = 	snop;
	(pc) =	sbr.rel .LBB2_14-.Ltmp10, $4  }
0x98: {  	s0 =	simm.s32 @p0 $0x3  }
0x99: {  	_ =	swait.ge @p0 [sflag:s0], $0x2700  }
0x9a: {  	[sflag:s0] =	ssyncset.done @p0 $0x0  }
0x9b: {  	[sflag:s0] =	ssyncadd.s32 @p0 $0xFFFFD900  }
.LBB2_15:
0x9c: {  	_ =	sfence.sel $0x180000  }
0x9d: {  	[bflag:$0x0] =	sbarrier.arrive $0xFFFF  }
0x9e: {  	_ =	strace $0x90000050  }
0x9f: {  	[bflag:$0x2] =	sbarrier.arrive $0xFFFF  }
0xa0: {  	p0 =	sne.s32 s3, $0x0;
	s0 =	rddreg [dreg:$0x4]  }
0xa1: {  	s0 =	sadd.s32 @!p0 $0x100000, s0  }
0xa2: {  	[sflag:s0] =	ssyncadd.tile.s32 @!p0 $0x1;
	_ =	shalt  }
.Lfunc_end2:
_tile_overlayer_lowered:
.L_overlay_start_2:
0xa3: {  	(tag) =	ssettag $0x2  }
0xa4: {  	s0 =	rddreg [dreg:$0x0];
	s2 =	stileid.u32  }
0xa5: {  	s1 =	rddreg [dreg:$0x1];
	p0 =	sne.s32 s2, $0x0  }
0xa6: {  	s3 =	rddreg [dreg:$0x2];
	[bflag:$0x3] =	sbarrier.arrive $0xFFFF;
	s2 =	simm.s32 @!p0 $0x1C03  }
0xa7: {  	[timem:s3], [sflag:s2] =	dma.local @!p0 [hbm:s0], s1  }
0xa8: {  	s0 =	simm.s32 @!p0 $0x3  }
0xa9: {  	_ =	swait.ge @!p0 [sflag:s0], s1  }
0xaa: {  	s1 =	ssub.s32 @!p0 $0x0, s1;
	[sflag:s0] =	ssyncset.done @!p0 $0x0  }
0xab: {  	[sflag:s0] =	ssyncadd.s32 @!p0 s1  }
0xac: {  	[bflag:$0x3] =	sbarrier.arrive $0xFFFF  }
0xad: {  	_ =	shalt  }

</sc_bundles>
